<compile_context>
chip_gen: v7x
topology: tpu7x:2x2x1
jax: 0.10.2.dev20260603
libtpu: 0.0.44.dev20260713+nightly
codegen_flags: <defaults>
</compile_context>

<pallas_src>
import jax
import jax.numpy as jnp
from jax import lax
from jax.experimental import pallas as pl
from jax.experimental.pallas import tpu as pltpu
from jax.experimental.pallas import tpu_sc as plsc

_N = 10000
_NP = 10240
_E = 160000
_D = 256
_H = 128
_NT = 16
_EPT = _E // _NT
_C = 80
_NCHUNK = _EPT // _C
_RPT = _NP // _NT
_BM = 1000


def _make_segsum(with_deg):
  mesh = plsc.VectorSubcoreMesh(core_axis_name="c", subcore_axis_name="s")
  if with_deg:
    out_type = [jax.ShapeDtypeStruct((_N, _H), jnp.float32)]
  else:
    out_type = [jax.ShapeDtypeStruct((2 * _N, _H), jnp.float32)]
  scratch = [
      pltpu.VMEM((2, _C), jnp.int32),
      pltpu.VMEM((2, _C), jnp.int32),
      pltpu.VMEM((2, _C, _H), jnp.float32),
      pltpu.VMEM_SHARED((_NP, _H), jnp.float32),
      pltpu.SemaphoreType.DMA,
  ]

  def body(src2_hbm, dst_hbm, z_s, zeros_hbm, agg_s,
           src_v, dst_v, rows_v, acc_s, sem):
    cid = lax.axis_index("c")
    tid = lax.axis_index("s")
    rbase = tid * _RPT

    pltpu.sync_copy(zeros_hbm, rows_v.at[0])

    def zero_blk(k, carry):
      pltpu.sync_copy(rows_v.at[0], acc_s.at[pl.ds(rbase + k * _C, _C)])
      return carry

    lax.fori_loop(0, _RPT // _C, zero_blk, 0)
    plsc.subcore_barrier()

    ebase = tid * _EPT
    sbase = cid * _E + ebase
    if with_deg:
      pltpu.sync_copy(z_s, rows_v.at[0])
      pltpu.async_copy(dst_hbm.at[pl.ds(ebase, _C)], dst_v.at[0], sem)

      def pair(g, carry):
        for b in (0, 1):
          i = 2 * g + b
          nb = 1 - b
          pltpu.make_async_copy(dst_hbm.at[pl.ds(ebase + i * _C, _C)],
                                dst_v.at[b], sem).wait()
          pltpu.async_copy(dst_hbm.at[pl.ds(ebase + (i + 1) * _C, _C)],
                           dst_v.at[nb], sem)
          pltpu.sync_copy(rows_v.at[0], acc_s.at[dst_v.at[b]], add=True)
        return carry

      lax.fori_loop(0, (_NCHUNK - 1) // 2, pair, 0)
      last = _NCHUNK - 1
      pltpu.make_async_copy(dst_hbm.at[pl.ds(ebase + last * _C, _C)],
                            dst_v.at[last % 2], sem).wait()
      pltpu.sync_copy(rows_v.at[0], acc_s.at[dst_v.at[last % 2]], add=True)
    else:
      pltpu.sync_copy(src2_hbm.at[pl.ds(sbase, _C)], src_v.at[0])
      pltpu.sync_copy(dst_hbm.at[pl.ds(ebase, _C)], dst_v.at[0])
      pltpu.async_copy(z_s.at[src_v.at[0]], rows_v.at[0], sem)

      def pair(g, carry):
        for b in (0, 1):
          i = 2 * g + b
          nb = 1 - b
          pltpu.sync_copy(src2_hbm.at[pl.ds(sbase + (i + 1) * _C, _C)],
                          src_v.at[nb])
          pltpu.sync_copy(dst_hbm.at[pl.ds(ebase + (i + 1) * _C, _C)],
                          dst_v.at[nb])
          pltpu.make_async_copy(z_s.at[src_v.at[b]], rows_v.at[b],
                                sem).wait()
          pltpu.async_copy(z_s.at[src_v.at[nb]], rows_v.at[nb], sem)
          pltpu.sync_copy(rows_v.at[b], acc_s.at[dst_v.at[b]], add=True)
        return carry

      lax.fori_loop(0, (_NCHUNK - 1) // 2, pair, 0)
      last = _NCHUNK - 1
      pltpu.make_async_copy(z_s.at[src_v.at[last % 2]],
                            rows_v.at[last % 2], sem).wait()
      pltpu.sync_copy(rows_v.at[last % 2], acc_s.at[dst_v.at[last % 2]],
                      add=True)
    plsc.subcore_barrier()

    nch = jnp.where(tid == _NT - 1, (_N - (_NT - 1) * _RPT) // _C,
                    _RPT // _C)

    def out_blk(k, carry):
      r = rbase + k * _C
      pltpu.sync_copy(acc_s.at[pl.ds(r, _C)], rows_v.at[0])
      if with_deg:
        @pl.when(cid == 0)
        def _():
          pltpu.sync_copy(rows_v.at[0], agg_s.at[pl.ds(r, _C)])
      else:
        pltpu.sync_copy(rows_v.at[0], agg_s.at[pl.ds(cid * _N + r, _C)])
      return carry

    lax.fori_loop(0, nch, out_blk, 0)

  return pl.kernel(body, out_type=out_type, mesh=mesh, scratch_types=scratch)


_segsum_deg = _make_segsum(True)
_segsum = _make_segsum(False)


def _matmul_z(x, Wn):
  def body(x_ref, w_ref, z_ref):
    z_ref[...] = jnp.dot(x_ref[...], w_ref[...],
                         preferred_element_type=jnp.float32)

  nb = _N // _BM
  return pl.pallas_call(
      body,
      grid=(nb, 2),
      in_specs=[pl.BlockSpec((_BM, _D), lambda i, j: (i, 0)),
                pl.BlockSpec((_D, _H), lambda i, j: (0, j))],
      out_specs=pl.BlockSpec((_BM, _H), lambda i, j: (j * nb + i, 0)),
      out_shape=jax.ShapeDtypeStruct((2 * _N, _H), jnp.float32),
  )(x, Wn)


def _combine(x, agg_s, deg, Ws, b2d, *, relu):
  nb = _N // _BM

  def body(x_ref, aa_ref, ab_ref, deg_ref, ws_ref, b_ref, h_ref):
    h = jnp.dot(x_ref[...], ws_ref[...], preferred_element_type=jnp.float32)
    inv = 1.0 / jnp.maximum(deg_ref[...][:, :1], 1.0)
    agg = jnp.concatenate([aa_ref[...], ab_ref[...]], axis=1)
    h = h + b_ref[...] + inv * agg
    if relu:
      h = jnp.maximum(h, 0.0)
    h_ref[...] = h

  return pl.pallas_call(
      body,
      grid=(nb,),
      in_specs=[pl.BlockSpec((_BM, _D), lambda i: (i, 0)),
                pl.BlockSpec((_BM, _H), lambda i: (i, 0)),
                pl.BlockSpec((_BM, _H), lambda i: (nb + i, 0)),
                pl.BlockSpec((_BM, _H), lambda i: (i, 0)),
                pl.BlockSpec((_D, _D), lambda i: (0, 0)),
                pl.BlockSpec((1, _D), lambda i: (0, 0))],
      out_specs=pl.BlockSpec((_BM, _D), lambda i: (i, 0)),
      out_shape=jax.ShapeDtypeStruct((_N, _D), jnp.float32),
  )(x, agg_s, agg_s, deg, Ws, b2d)


def kernel(x, edge_index, Ws0, Wn0, b0, Ws1, Wn1, b1, Ws2, Wn2, b2):
  src = edge_index[0]
  dst = edge_index[1]
  src2 = jnp.concatenate([src, src + _N])
  zeros_big = jnp.zeros((_C, _H), jnp.float32)
  ones_big = jnp.ones((_C, _H), jnp.float32)

  z0 = _matmul_z(x, Wn0)
  deg, = _segsum_deg(src2, dst, ones_big, zeros_big)
  agg0, = _segsum(src2, dst, z0, zeros_big)
  h1 = _combine(x, agg0, deg, Ws0, b0.reshape(1, _D), relu=True)
  z1 = _matmul_z(h1, Wn1)
  agg1, = _segsum(src2, dst, z1, zeros_big)
  h2 = _combine(h1, agg1, deg, Ws1, b1.reshape(1, _D), relu=True)
  z2 = _matmul_z(h2, Wn2)
  agg2, = _segsum(src2, dst, z2, zeros_big)
  h3 = _combine(h2, agg2, deg, Ws2, b2.reshape(1, _D), relu=False)
  return h3

# --- scband reference (transcript-rebuilt; emitter-appended) ---
"""Pipeline reference for scband-auto-link-ppr-26061861552919 (READ-ONLY COPY).

The authoritative reference and input builder live on the scoring server;
editing this copy changes nothing except your own understanding.
"""

import jax, jax.numpy as jnp
import numpy as np

N = 10000
E = 160000
D_IN = 256
D_H = 256


def _sage_layer(x, src, dst, Ws, Wn, b):
    # GraphSAGE mean aggregation: h_i = x_i @ Ws + mean_{j in N(i)} x_j @ Wn + b
    msgs = x[src]
    agg = jax.ops.segment_sum(msgs, dst, num_segments=N)
    deg = jax.ops.segment_sum(jnp.ones((src.shape[0],), x.dtype), dst, num_segments=N)
    mean = agg / jnp.clip(deg, 1.0)[:, None]
    return x @ Ws + mean @ Wn + b


def setup_inputs(seed: int = 0):
    key = jax.random.key(seed)
    ks = jax.random.split(key, 16)
    x = jax.random.normal(ks[0], (N, D_IN), dtype=jnp.float32)
    edge_index = jax.random.randint(ks[1], (2, E), 0, N, dtype=jnp.int32)
    dims = [(D_IN, D_H), (D_H, D_H), (D_H, D_H)]
    inp = {"x": x, "edge_index": edge_index}
    for i, (din, dout) in enumerate(dims):
        s = 1.0 / np.sqrt(din)
        inp[f"Ws{i}"] = jax.random.normal(ks[2 + 3 * i], (din, dout), dtype=jnp.float32) * s
        inp[f"Wn{i}"] = jax.random.normal(ks[3 + 3 * i], (din, dout), dtype=jnp.float32) * s
        inp[f"b{i}"] = jnp.zeros((dout,), dtype=jnp.float32)
    return inp


def reference(x, edge_index, Ws0, Wn0, b0, Ws1, Wn1, b1, Ws2, Wn2, b2):
    src = edge_index[0]
    dst = edge_index[1]
    h = _sage_layer(x, src, dst, Ws0, Wn0, b0)
    h = jax.nn.relu(h)  # dropout p=0.0 -> identity
    h = _sage_layer(h, src, dst, Ws1, Wn1, b1)
    h = jax.nn.relu(h)
    h = _sage_layer(h, src, dst, Ws2, Wn2, b2)
    return h

if __name__ == "__main__":
    import jax
    _d = setup_inputs()
    print(jax.jit(kernel)(*tuple(_d.values())))

</pallas_src>

<mosaic_0001>
#map = affine_map<(d0, d1) -> (0)>
#map1 = affine_map<(d0, d1) -> (0, 0)>
module attributes {stable_mosaic.version = 14 : i64} {
  func.func @body(%arg0: i32, %arg1: i32, %arg2: memref<320000xi32, #tpu.memory_space<hbm>>, %arg3: memref<160000xi32, #tpu.memory_space<hbm>>, %arg4: memref<20000x128xf32, #tpu.memory_space<hbm>>, %arg5: memref<80x128xf32, #tpu.memory_space<hbm>>, %arg6: memref<20000x128xf32, #tpu.memory_space<hbm>>, %arg7: memref<2x80xi32, #tpu.memory_space<vmem>>, %arg8: memref<2x80xi32, #tpu.memory_space<vmem>>, %arg9: memref<2x80x128xf32, #tpu.memory_space<vmem>>, %arg10: memref<10240x128xf32, #tpu.memory_space<vmem_shared>>, %arg11: memref<!tpu.dma_semaphore, #tpu.memory_space<semaphore_mem>>) attributes {dimension_semantics = [#tpu.dimension_semantics<core_parallel>, #tpu.dimension_semantics<subcore_parallel>], iteration_bounds = array<i64: 2, 16>, scalar_prefetch = 0 : i64, scratch_operands = 5 : i64, tpu.core_type = #tpu.core_type<sc_vector_subcore>, window_params = [{transform_indices = #map}, {transform_indices = #map}, {transform_indices = #map1}, {transform_indices = #map1}, {transform_indices = #map1}]} {
    %mul3A = arith.constant 640 : i32
    %mul3A_0 = arith.muli %arg1, %mul3A : i32
    %run_scoped3A = arith.constant 0 : i32
    "tpu.region"() ({
      %run_scoped3A_54 = tpu.sem_alloc : memref<!tpu.dma_semaphore, #tpu.memory_space<semaphore_mem>>
      %dma_start3A_55 = arith.constant 0 : i32
      %dma_start3A_56 = arith.constant 0 : i32
      %dma_start3A_57 = tpu.memref_slice %arg9[%run_scoped3A, %dma_start3A_55, %dma_start3A_56] : memref<2x80x128xf32, #tpu.memory_space<vmem>> -> memref<1x80x128xf32, #tpu.memory_space<vmem>>
      %dma_start3A_58 = tpu.memref_squeeze %dma_start3A_57 : memref<1x80x128xf32, #tpu.memory_space<vmem>> -> memref<80x128xf32, #tpu.memory_space<vmem>>
      %dma_start3A_59 = arith.constant 0 : i32
      %dma_start3A_60 = arith.constant 0 : i32
      %dma_start3A_61 = tpu.memref_slice %arg9[%run_scoped3A, %dma_start3A_59, %dma_start3A_60] : memref<2x80x128xf32, #tpu.memory_space<vmem>> -> memref<1x80x128xf32, #tpu.memory_space<vmem>>
      %dma_start3A_62 = tpu.memref_squeeze %dma_start3A_61 : memref<1x80x128xf32, #tpu.memory_space<vmem>> -> memref<80x128xf32, #tpu.memory_space<vmem>>
      tpu.enqueue_dma source(%arg5 : memref<80x128xf32, #tpu.memory_space<hbm>>) target(%dma_start3A_62 : memref<80x128xf32, #tpu.memory_space<vmem>>) target_semaphore(%run_scoped3A_54 : memref<!tpu.dma_semaphore, #tpu.memory_space<semaphore_mem>>)
      %dma_wait3A_63 = arith.constant 0 : i32
      %dma_wait3A_64 = arith.constant 0 : i32
      %dma_wait3A_65 = tpu.memref_slice %arg9[%run_scoped3A, %dma_wait3A_63, %dma_wait3A_64] : memref<2x80x128xf32, #tpu.memory_space<vmem>> -> memref<1x80x128xf32, #tpu.memory_space<vmem>>
      %dma_wait3A_66 = tpu.memref_squeeze %dma_wait3A_65 : memref<1x80x128xf32, #tpu.memory_space<vmem>> -> memref<80x128xf32, #tpu.memory_space<vmem>>
      %dma_wait3A_67 = arith.constant 0 : i32
      %dma_wait3A_68 = arith.constant 0 : i32
      %dma_wait3A_69 = tpu.memref_slice %arg9[%run_scoped3A, %dma_wait3A_67, %dma_wait3A_68] : memref<2x80x128xf32, #tpu.memory_space<vmem>> -> memref<1x80x128xf32, #tpu.memory_space<vmem>>
      %dma_wait3A_70 = tpu.memref_squeeze %dma_wait3A_69 : memref<1x80x128xf32, #tpu.memory_space<vmem>> -> memref<80x128xf32, #tpu.memory_space<vmem>>
      tpu.wait_dma2 semaphore(%run_scoped3A_54 : memref<!tpu.dma_semaphore, #tpu.memory_space<semaphore_mem>>) src(%arg5 : memref<80x128xf32, #tpu.memory_space<hbm>>) dst(%dma_wait3A_70 : memref<80x128xf32, #tpu.memory_space<vmem>>)
      tpu.yield
    }) : () -> ()
    %scan3A = arith.constant 0 : i32
    %scan3A_1 = arith.constant 0 : i32
    %scan3A_2 = arith.constant 8 : i32
    %scan3A_3 = arith.addi %scan3A_1, %scan3A_2 : i32
    %scan3A_4 = arith.constant 1 : i32
    scf.for %scan3A_54 = %scan3A_1 to %scan3A_3 step %scan3A_4  : i32 {
      %mul3A_55 = arith.constant 80 : i32
      %mul3A_56 = arith.muli %scan3A_54, %mul3A_55 : i32
      %add3A_57 = arith.addi %mul3A_0, %mul3A_56 : i32
      %run_scoped3A_58 = arith.constant 0 : i32
      "tpu.region"() ({
        %run_scoped3A_59 = tpu.sem_alloc : memref<!tpu.dma_semaphore, #tpu.memory_space<semaphore_mem>>
        %dma_start3A_60 = arith.constant 0 : i32
        %dma_start3A_61 = arith.constant 0 : i32
        %dma_start3A_62 = tpu.memref_slice %arg9[%run_scoped3A_58, %dma_start3A_60, %dma_start3A_61] : memref<2x80x128xf32, #tpu.memory_space<vmem>> -> memref<1x80x128xf32, #tpu.memory_space<vmem>>
        %dma_start3A_63 = tpu.memref_squeeze %dma_start3A_62 : memref<1x80x128xf32, #tpu.memory_space<vmem>> -> memref<80x128xf32, #tpu.memory_space<vmem>>
        %dma_start3A_64 = arith.constant 0 : i32
        %dma_start3A_65 = tpu.memref_slice %arg10[%add3A_57, %dma_start3A_64] : memref<10240x128xf32, #tpu.memory_space<vmem_shared>> -> memref<80x128xf32, #tpu.memory_space<vmem_shared>>
        %dma_start3A_66 = arith.constant 0 : i32
        %dma_start3A_67 = tpu.memref_slice %arg10[%add3A_57, %dma_start3A_66] : memref<10240x128xf32, #tpu.memory_space<vmem_shared>> -> memref<80x128xf32, #tpu.memory_space<vmem_shared>>
        %dma_start3A_68 = arith.constant 0 : i32
        %dma_start3A_69 = arith.constant 0 : i32
        %dma_start3A_70 = tpu.memref_slice %arg9[%run_scoped3A_58, %dma_start3A_68, %dma_start3A_69] : memref<2x80x128xf32, #tpu.memory_space<vmem>> -> memref<1x80x128xf32, #tpu.memory_space<vmem>>
        %dma_start3A_71 = tpu.memref_squeeze %dma_start3A_70 : memref<1x80x128xf32, #tpu.memory_space<vmem>> -> memref<80x128xf32, #tpu.memory_space<vmem>>
        tpu.enqueue_dma source(%dma_start3A_71 : memref<80x128xf32, #tpu.memory_space<vmem>>) target(%dma_start3A_67 : memref<80x128xf32, #tpu.memory_space<vmem_shared>>) target_semaphore(%run_scoped3A_59 : memref<!tpu.dma_semaphore, #tpu.memory_space<semaphore_mem>>)
        %dma_wait3A_72 = arith.constant 0 : i32
        %dma_wait3A_73 = arith.constant 0 : i32
        %dma_wait3A_74 = tpu.memref_slice %arg9[%run_scoped3A_58, %dma_wait3A_72, %dma_wait3A_73] : memref<2x80x128xf32, #tpu.memory_space<vmem>> -> memref<1x80x128xf32, #tpu.memory_space<vmem>>
        %dma_wait3A_75 = tpu.memref_squeeze %dma_wait3A_74 : memref<1x80x128xf32, #tpu.memory_space<vmem>> -> memref<80x128xf32, #tpu.memory_space<vmem>>
        %dma_wait3A_76 = arith.constant 0 : i32
        %dma_wait3A_77 = tpu.memref_slice %arg10[%add3A_57, %dma_wait3A_76] : memref<10240x128xf32, #tpu.memory_space<vmem_shared>> -> memref<80x128xf32, #tpu.memory_space<vmem_shared>>
        %dma_wait3A_78 = arith.constant 0 : i32
        %dma_wait3A_79 = tpu.memref_slice %arg10[%add3A_57, %dma_wait3A_78] : memref<10240x128xf32, #tpu.memory_space<vmem_shared>> -> memref<80x128xf32, #tpu.memory_space<vmem_shared>>
        %dma_wait3A_80 = arith.constant 0 : i32
        %dma_wait3A_81 = arith.constant 0 : i32
        %dma_wait3A_82 = tpu.memref_slice %arg9[%run_scoped3A_58, %dma_wait3A_80, %dma_wait3A_81] : memref<2x80x128xf32, #tpu.memory_space<vmem>> -> memref<1x80x128xf32, #tpu.memory_space<vmem>>
        %dma_wait3A_83 = tpu.memref_squeeze %dma_wait3A_82 : memref<1x80x128xf32, #tpu.memory_space<vmem>> -> memref<80x128xf32, #tpu.memory_space<vmem>>
        tpu.wait_dma2 semaphore(%run_scoped3A_59 : memref<!tpu.dma_semaphore, #tpu.memory_space<semaphore_mem>>) src(%dma_wait3A_83 : memref<80x128xf32, #tpu.memory_space<vmem>>) dst(%dma_wait3A_79 : memref<80x128xf32, #tpu.memory_space<vmem_shared>>)
        tpu.yield
      }) : () -> ()
    }
    %scan3A_5 = arith.constant 8 : i32
    %barrier3A = arith.constant 0 : index
    tpu.barrier barrier_id(%barrier3A)
    %mul3A_6 = arith.constant 10000 : i32
    %mul3A_7 = arith.muli %arg1, %mul3A_6 : i32
    %mul3A_8 = arith.constant 160000 : i32
    %mul3A_9 = arith.muli %arg0, %mul3A_8 : i32
    %add3A = arith.addi %mul3A_9, %mul3A_7 : i32
    %run_scoped3A_10 = arith.constant 0 : i32
    "tpu.region"() ({
      %run_scoped3A_54 = tpu.sem_alloc : memref<!tpu.dma_semaphore, #tpu.memory_space<semaphore_mem>>
      %dma_start3A_55 = arith.constant 0 : i32
      %dma_start3A_56 = tpu.memref_slice %arg7[%run_scoped3A_10, %dma_start3A_55] : memref<2x80xi32, #tpu.memory_space<vmem>> -> memref<1x80xi32, #tpu.memory_space<vmem>>
      %dma_start3A_57 = tpu.memref_squeeze %dma_start3A_56 : memref<1x80xi32, #tpu.memory_space<vmem>> -> memref<80xi32, #tpu.memory_space<vmem>>
      %dma_start3A_58 = tpu.memref_slice %arg2[%add3A] : memref<320000xi32, #tpu.memory_space<hbm>> -> memref<80xi32, #tpu.memory_space<hbm>>
      %dma_start3A_59 = arith.constant 0 : i32
      %dma_start3A_60 = tpu.memref_slice %arg7[%run_scoped3A_10, %dma_start3A_59] : memref<2x80xi32, #tpu.memory_space<vmem>> -> memref<1x80xi32, #tpu.memory_space<vmem>>
      %dma_start3A_61 = tpu.memref_squeeze %dma_start3A_60 : memref<1x80xi32, #tpu.memory_space<vmem>> -> memref<80xi32, #tpu.memory_space<vmem>>
      %dma_start3A_62 = tpu.memref_slice %arg2[%add3A] : memref<320000xi32, #tpu.memory_space<hbm>> -> memref<80xi32, #tpu.memory_space<hbm>>
      tpu.enqueue_dma source(%dma_start3A_62 : memref<80xi32, #tpu.memory_space<hbm>>) target(%dma_start3A_61 : memref<80xi32, #tpu.memory_space<vmem>>) target_semaphore(%run_scoped3A_54 : memref<!tpu.dma_semaphore, #tpu.memory_space<semaphore_mem>>)
      %dma_wait3A_63 = arith.constant 0 : i32
      %dma_wait3A_64 = tpu.memref_slice %arg7[%run_scoped3A_10, %dma_wait3A_63] : memref<2x80xi32, #tpu.memory_space<vmem>> -> memref<1x80xi32, #tpu.memory_space<vmem>>
      %dma_wait3A_65 = tpu.memref_squeeze %dma_wait3A_64 : memref<1x80xi32, #tpu.memory_space<vmem>> -> memref<80xi32, #tpu.memory_space<vmem>>
      %dma_wait3A_66 = tpu.memref_slice %arg2[%add3A] : memref<320000xi32, #tpu.memory_space<hbm>> -> memref<80xi32, #tpu.memory_space<hbm>>
      %dma_wait3A_67 = arith.constant 0 : i32
      %dma_wait3A_68 = tpu.memref_slice %arg7[%run_scoped3A_10, %dma_wait3A_67] : memref<2x80xi32, #tpu.memory_space<vmem>> -> memref<1x80xi32, #tpu.memory_space<vmem>>
      %dma_wait3A_69 = tpu.memref_squeeze %dma_wait3A_68 : memref<1x80xi32, #tpu.memory_space<vmem>> -> memref<80xi32, #tpu.memory_space<vmem>>
      %dma_wait3A_70 = tpu.memref_slice %arg2[%add3A] : memref<320000xi32, #tpu.memory_space<hbm>> -> memref<80xi32, #tpu.memory_space<hbm>>
      tpu.wait_dma2 semaphore(%run_scoped3A_54 : memref<!tpu.dma_semaphore, #tpu.memory_space<semaphore_mem>>) src(%dma_wait3A_70 : memref<80xi32, #tpu.memory_space<hbm>>) dst(%dma_wait3A_69 : memref<80xi32, #tpu.memory_space<vmem>>)
      tpu.yield
    }) : () -> ()
    %run_scoped3A_11 = arith.constant 0 : i32
    "tpu.region"() ({
      %run_scoped3A_54 = tpu.sem_alloc : memref<!tpu.dma_semaphore, #tpu.memory_space<semaphore_mem>>
      %dma_start3A_55 = arith.constant 0 : i32
      %dma_start3A_56 = tpu.memref_slice %arg8[%run_scoped3A_11, %dma_start3A_55] : memref<2x80xi32, #tpu.memory_space<vmem>> -> memref<1x80xi32, #tpu.memory_space<vmem>>
      %dma_start3A_57 = tpu.memref_squeeze %dma_start3A_56 : memref<1x80xi32, #tpu.memory_space<vmem>> -> memref<80xi32, #tpu.memory_space<vmem>>
      %dma_start3A_58 = tpu.memref_slice %arg3[%mul3A_7] : memref<160000xi32, #tpu.memory_space<hbm>> -> memref<80xi32, #tpu.memory_space<hbm>>
      %dma_start3A_59 = arith.constant 0 : i32
      %dma_start3A_60 = tpu.memref_slice %arg8[%run_scoped3A_11, %dma_start3A_59] : memref<2x80xi32, #tpu.memory_space<vmem>> -> memref<1x80xi32, #tpu.memory_space<vmem>>
      %dma_start3A_61 = tpu.memref_squeeze %dma_start3A_60 : memref<1x80xi32, #tpu.memory_space<vmem>> -> memref<80xi32, #tpu.memory_space<vmem>>
      %dma_start3A_62 = tpu.memref_slice %arg3[%mul3A_7] : memref<160000xi32, #tpu.memory_space<hbm>> -> memref<80xi32, #tpu.memory_space<hbm>>
      tpu.enqueue_dma source(%dma_start3A_62 : memref<80xi32, #tpu.memory_space<hbm>>) target(%dma_start3A_61 : memref<80xi32, #tpu.memory_space<vmem>>) target_semaphore(%run_scoped3A_54 : memref<!tpu.dma_semaphore, #tpu.memory_space<semaphore_mem>>)
      %dma_wait3A_63 = arith.constant 0 : i32
      %dma_wait3A_64 = tpu.memref_slice %arg8[%run_scoped3A_11, %dma_wait3A_63] : memref<2x80xi32, #tpu.memory_space<vmem>> -> memref<1x80xi32, #tpu.memory_space<vmem>>
      %dma_wait3A_65 = tpu.memref_squeeze %dma_wait3A_64 : memref<1x80xi32, #tpu.memory_space<vmem>> -> memref<80xi32, #tpu.memory_space<vmem>>
      %dma_wait3A_66 = tpu.memref_slice %arg3[%mul3A_7] : memref<160000xi32, #tpu.memory_space<hbm>> -> memref<80xi32, #tpu.memory_space<hbm>>
      %dma_wait3A_67 = arith.constant 0 : i32
      %dma_wait3A_68 = tpu.memref_slice %arg8[%run_scoped3A_11, %dma_wait3A_67] : memref<2x80xi32, #tpu.memory_space<vmem>> -> memref<1x80xi32, #tpu.memory_space<vmem>>
      %dma_wait3A_69 = tpu.memref_squeeze %dma_wait3A_68 : memref<1x80xi32, #tpu.memory_space<vmem>> -> memref<80xi32, #tpu.memory_space<vmem>>
      %dma_wait3A_70 = tpu.memref_slice %arg3[%mul3A_7] : memref<160000xi32, #tpu.memory_space<hbm>> -> memref<80xi32, #tpu.memory_space<hbm>>
      tpu.wait_dma2 semaphore(%run_scoped3A_54 : memref<!tpu.dma_semaphore, #tpu.memory_space<semaphore_mem>>) src(%dma_wait3A_70 : memref<80xi32, #tpu.memory_space<hbm>>) dst(%dma_wait3A_69 : memref<80xi32, #tpu.memory_space<vmem>>)
      tpu.yield
    }) : () -> ()
    %dma_start3A = arith.constant 0 : i32
    %dma_start3A_12 = arith.constant 0 : i32
    %dma_start3A_13 = arith.constant 0 : i32
    %dma_start3A_14 = arith.constant 0 : i32
    %dma_start3A_15 = tpu.memref_slice %arg9[%dma_start3A_12, %dma_start3A_13, %dma_start3A_14] : memref<2x80x128xf32, #tpu.memory_space<vmem>> -> memref<1x80x128xf32, #tpu.memory_space<vmem>>
    %dma_start3A_16 = tpu.memref_squeeze %dma_start3A_15 : memref<1x80x128xf32, #tpu.memory_space<vmem>> -> memref<80x128xf32, #tpu.memory_space<vmem>>
    %dma_start3A_17 = arith.constant 0 : i32
    %dma_start3A_18 = tpu.memref_slice %arg7[%dma_start3A, %dma_start3A_17] : memref<2x80xi32, #tpu.memory_space<vmem>> -> memref<1x80xi32, #tpu.memory_space<vmem>>
    %dma_start3A_19 = tpu.memref_squeeze %dma_start3A_18 : memref<1x80xi32, #tpu.memory_space<vmem>> -> memref<80xi32, #tpu.memory_space<vmem>>
    %dma_start3A_20 = arith.constant 0 : i32
    %dma_start3A_21 = arith.constant 0 : i32
    %dma_start3A_22 = tpu.memref_slice %arg4[%dma_start3A_20, %dma_start3A_21] : memref<20000x128xf32, #tpu.memory_space<hbm>> -> memref<20000x128xf32, #tpu.memory_space<hbm>>
    tpu.enqueue_indirect_dma source(%dma_start3A_22 : memref<20000x128xf32, #tpu.memory_space<hbm>>) target(%dma_start3A_16 : memref<80x128xf32, #tpu.memory_space<vmem>>) offsets(%dma_start3A_19 : memref<80xi32, #tpu.memory_space<vmem>>) semaphore(%arg11 : memref<!tpu.dma_semaphore, #tpu.memory_space<semaphore_mem>>)
    %scan3A_23 = arith.constant 0 : i32
    %scan3A_24 = arith.constant 0 : i32
    %scan3A_25 = arith.constant 62 : i32
    %scan3A_26 = arith.addi %scan3A_24, %scan3A_25 : i32
    %scan3A_27 = arith.constant 1 : i32
    scf.for %scan3A_54 = %scan3A_24 to %scan3A_26 step %scan3A_27  : i32 {
      %mul3A_55 = arith.constant 2 : i32
      %mul3A_56 = arith.muli %mul3A_55, %scan3A_54 : i32
      %add3A_57 = arith.constant 0 : i32
      %add3A_58 = arith.addi %mul3A_56, %add3A_57 : i32
      %add3A_59 = arith.constant 1 : i32
      %add3A_60 = arith.addi %add3A_58, %add3A_59 : i32
      %mul3A_61 = arith.constant 80 : i32
      %mul3A_62 = arith.muli %add3A_60, %mul3A_61 : i32
      %add3A_63 = arith.addi %add3A, %mul3A_62 : i32
      %run_scoped3A_64 = arith.constant 1 : i32
      "tpu.region"() ({
        %run_scoped3A_139 = tpu.sem_alloc : memref<!tpu.dma_semaphore, #tpu.memory_space<semaphore_mem>>
        %dma_start3A_140 = arith.constant 0 : i32
        %dma_start3A_141 = tpu.memref_slice %arg7[%run_scoped3A_64, %dma_start3A_140] : memref<2x80xi32, #tpu.memory_space<vmem>> -> memref<1x80xi32, #tpu.memory_space<vmem>>
        %dma_start3A_142 = tpu.memref_squeeze %dma_start3A_141 : memref<1x80xi32, #tpu.memory_space<vmem>> -> memref<80xi32, #tpu.memory_space<vmem>>
        %dma_start3A_143 = tpu.memref_slice %arg2[%add3A_63] : memref<320000xi32, #tpu.memory_space<hbm>> -> memref<80xi32, #tpu.memory_space<hbm>>
        %dma_start3A_144 = arith.constant 0 : i32
        %dma_start3A_145 = tpu.memref_slice %arg7[%run_scoped3A_64, %dma_start3A_144] : memref<2x80xi32, #tpu.memory_space<vmem>> -> memref<1x80xi32, #tpu.memory_space<vmem>>
        %dma_start3A_146 = tpu.memref_squeeze %dma_start3A_145 : memref<1x80xi32, #tpu.memory_space<vmem>> -> memref<80xi32, #tpu.memory_space<vmem>>
        %dma_start3A_147 = tpu.memref_slice %arg2[%add3A_63] : memref<320000xi32, #tpu.memory_space<hbm>> -> memref<80xi32, #tpu.memory_space<hbm>>
        tpu.enqueue_dma source(%dma_start3A_147 : memref<80xi32, #tpu.memory_space<hbm>>) target(%dma_start3A_146 : memref<80xi32, #tpu.memory_space<vmem>>) target_semaphore(%run_scoped3A_139 : memref<!tpu.dma_semaphore, #tpu.memory_space<semaphore_mem>>)
        %dma_wait3A_148 = arith.constant 0 : i32
        %dma_wait3A_149 = tpu.memref_slice %arg7[%run_scoped3A_64, %dma_wait3A_148] : memref<2x80xi32, #tpu.memory_space<vmem>> -> memref<1x80xi32, #tpu.memory_space<vmem>>
        %dma_wait3A_150 = tpu.memref_squeeze %dma_wait3A_149 : memref<1x80xi32, #tpu.memory_space<vmem>> -> memref<80xi32, #tpu.memory_space<vmem>>
        %dma_wait3A_151 = tpu.memref_slice %arg2[%add3A_63] : memref<320000xi32, #tpu.memory_space<hbm>> -> memref<80xi32, #tpu.memory_space<hbm>>
        %dma_wait3A_152 = arith.constant 0 : i32
        %dma_wait3A_153 = tpu.memref_slice %arg7[%run_scoped3A_64, %dma_wait3A_152] : memref<2x80xi32, #tpu.memory_space<vmem>> -> memref<1x80xi32, #tpu.memory_space<vmem>>
        %dma_wait3A_154 = tpu.memref_squeeze %dma_wait3A_153 : memref<1x80xi32, #tpu.memory_space<vmem>> -> memref<80xi32, #tpu.memory_space<vmem>>
        %dma_wait3A_155 = tpu.memref_slice %arg2[%add3A_63] : memref<320000xi32, #tpu.memory_space<hbm>> -> memref<80xi32, #tpu.memory_space<hbm>>
        tpu.wait_dma2 semaphore(%run_scoped3A_139 : memref<!tpu.dma_semaphore, #tpu.memory_space<semaphore_mem>>) src(%dma_wait3A_155 : memref<80xi32, #tpu.memory_space<hbm>>) dst(%dma_wait3A_154 : memref<80xi32, #tpu.memory_space<vmem>>)
        tpu.yield
      }) : () -> ()
      %add3A_65 = arith.constant 1 : i32
      %add3A_66 = arith.addi %add3A_58, %add3A_65 : i32
      %mul3A_67 = arith.constant 80 : i32
      %mul3A_68 = arith.muli %add3A_66, %mul3A_67 : i32
      %add3A_69 = arith.addi %mul3A_7, %mul3A_68 : i32
      %run_scoped3A_70 = arith.constant 1 : i32
      "tpu.region"() ({
        %run_scoped3A_139 = tpu.sem_alloc : memref<!tpu.dma_semaphore, #tpu.memory_space<semaphore_mem>>
        %dma_start3A_140 = arith.constant 0 : i32
        %dma_start3A_141 = tpu.memref_slice %arg8[%run_scoped3A_70, %dma_start3A_140] : memref<2x80xi32, #tpu.memory_space<vmem>> -> memref<1x80xi32, #tpu.memory_space<vmem>>
        %dma_start3A_142 = tpu.memref_squeeze %dma_start3A_141 : memref<1x80xi32, #tpu.memory_space<vmem>> -> memref<80xi32, #tpu.memory_space<vmem>>
        %dma_start3A_143 = tpu.memref_slice %arg3[%add3A_69] : memref<160000xi32, #tpu.memory_space<hbm>> -> memref<80xi32, #tpu.memory_space<hbm>>
        %dma_start3A_144 = arith.constant 0 : i32
        %dma_start3A_145 = tpu.memref_slice %arg8[%run_scoped3A_70, %dma_start3A_144] : memref<2x80xi32, #tpu.memory_space<vmem>> -> memref<1x80xi32, #tpu.memory_space<vmem>>
        %dma_start3A_146 = tpu.memref_squeeze %dma_start3A_145 : memref<1x80xi32, #tpu.memory_space<vmem>> -> memref<80xi32, #tpu.memory_space<vmem>>
        %dma_start3A_147 = tpu.memref_slice %arg3[%add3A_69] : memref<160000xi32, #tpu.memory_space<hbm>> -> memref<80xi32, #tpu.memory_space<hbm>>
        tpu.enqueue_dma source(%dma_start3A_147 : memref<80xi32, #tpu.memory_space<hbm>>) target(%dma_start3A_146 : memref<80xi32, #tpu.memory_space<vmem>>) target_semaphore(%run_scoped3A_139 : memref<!tpu.dma_semaphore, #tpu.memory_space<semaphore_mem>>)
        %dma_wait3A_148 = arith.constant 0 : i32
        %dma_wait3A_149 = tpu.memref_slice %arg8[%run_scoped3A_70, %dma_wait3A_148] : memref<2x80xi32, #tpu.memory_space<vmem>> -> memref<1x80xi32, #tpu.memory_space<vmem>>
        %dma_wait3A_150 = tpu.memref_squeeze %dma_wait3A_149 : memref<1x80xi32, #tpu.memory_space<vmem>> -> memref<80xi32, #tpu.memory_space<vmem>>
        %dma_wait3A_151 = tpu.memref_slice %arg3[%add3A_69] : memref<160000xi32, #tpu.memory_space<hbm>> -> memref<80xi32, #tpu.memory_space<hbm>>
        %dma_wait3A_152 = arith.constant 0 : i32
        %dma_wait3A_153 = tpu.memref_slice %arg8[%run_scoped3A_70, %dma_wait3A_152] : memref<2x80xi32, #tpu.memory_space<vmem>> -> memref<1x80xi32, #tpu.memory_space<vmem>>
        %dma_wait3A_154 = tpu.memref_squeeze %dma_wait3A_153 : memref<1x80xi32, #tpu.memory_space<vmem>> -> memref<80xi32, #tpu.memory_space<vmem>>
        %dma_wait3A_155 = tpu.memref_slice %arg3[%add3A_69] : memref<160000xi32, #tpu.memory_space<hbm>> -> memref<80xi32, #tpu.memory_space<hbm>>
        tpu.wait_dma2 semaphore(%run_scoped3A_139 : memref<!tpu.dma_semaphore, #tpu.memory_space<semaphore_mem>>) src(%dma_wait3A_155 : memref<80xi32, #tpu.memory_space<hbm>>) dst(%dma_wait3A_154 : memref<80xi32, #tpu.memory_space<vmem>>)
        tpu.yield
      }) : () -> ()
      %dma_wait3A_71 = arith.constant 0 : i32
      %dma_wait3A_72 = arith.constant 0 : i32
      %dma_wait3A_73 = arith.constant 0 : i32
      %dma_wait3A_74 = arith.constant 0 : i32
      %dma_wait3A_75 = tpu.memref_slice %arg9[%dma_wait3A_72, %dma_wait3A_73, %dma_wait3A_74] : memref<2x80x128xf32, #tpu.memory_space<vmem>> -> memref<1x80x128xf32, #tpu.memory_space<vmem>>
      %dma_wait3A_76 = tpu.memref_squeeze %dma_wait3A_75 : memref<1x80x128xf32, #tpu.memory_space<vmem>> -> memref<80x128xf32, #tpu.memory_space<vmem>>
      %dma_wait3A_77 = arith.constant 0 : i32
      %dma_wait3A_78 = tpu.memref_slice %arg7[%dma_wait3A_71, %dma_wait3A_77] : memref<2x80xi32, #tpu.memory_space<vmem>> -> memref<1x80xi32, #tpu.memory_space<vmem>>
      %dma_wait3A_79 = tpu.memref_squeeze %dma_wait3A_78 : memref<1x80xi32, #tpu.memory_space<vmem>> -> memref<80xi32, #tpu.memory_space<vmem>>
      %dma_wait3A_80 = arith.constant 0 : i32
      %dma_wait3A_81 = arith.constant 0 : i32
      %dma_wait3A_82 = tpu.memref_slice %arg4[%dma_wait3A_80, %dma_wait3A_81] : memref<20000x128xf32, #tpu.memory_space<hbm>> -> memref<20000x128xf32, #tpu.memory_space<hbm>>
      tpu.wait_indirect_dma semaphore(%arg11 : memref<!tpu.dma_semaphore, #tpu.memory_space<semaphore_mem>>) src(%dma_wait3A_82 : memref<20000x128xf32, #tpu.memory_space<hbm>>) dst(%dma_wait3A_76 : memref<80x128xf32, #tpu.memory_space<vmem>>)
      %dma_start3A_83 = arith.constant 1 : i32
      %dma_start3A_84 = arith.constant 1 : i32
      %dma_start3A_85 = arith.constant 0 : i32
      %dma_start3A_86 = arith.constant 0 : i32
      %dma_start3A_87 = tpu.memref_slice %arg9[%dma_start3A_84, %dma_start3A_85, %dma_start3A_86] : memref<2x80x128xf32, #tpu.memory_space<vmem>> -> memref<1x80x128xf32, #tpu.memory_space<vmem>>
      %dma_start3A_88 = tpu.memref_squeeze %dma_start3A_87 : memref<1x80x128xf32, #tpu.memory_space<vmem>> -> memref<80x128xf32, #tpu.memory_space<vmem>>
      %dma_start3A_89 = arith.constant 0 : i32
      %dma_start3A_90 = tpu.memref_slice %arg7[%dma_start3A_83, %dma_start3A_89] : memref<2x80xi32, #tpu.memory_space<vmem>> -> memref<1x80xi32, #tpu.memory_space<vmem>>
      %dma_start3A_91 = tpu.memref_squeeze %dma_start3A_90 : memref<1x80xi32, #tpu.memory_space<vmem>> -> memref<80xi32, #tpu.memory_space<vmem>>
      %dma_start3A_92 = arith.constant 0 : i32
      %dma_start3A_93 = arith.constant 0 : i32
      %dma_start3A_94 = tpu.memref_slice %arg4[%dma_start3A_92, %dma_start3A_93] : memref<20000x128xf32, #tpu.memory_space<hbm>> -> memref<20000x128xf32, #tpu.memory_space<hbm>>
      tpu.enqueue_indirect_dma source(%dma_start3A_94 : memref<20000x128xf32, #tpu.memory_space<hbm>>) target(%dma_start3A_88 : memref<80x128xf32, #tpu.memory_space<vmem>>) offsets(%dma_start3A_91 : memref<80xi32, #tpu.memory_space<vmem>>) semaphore(%arg11 : memref<!tpu.dma_semaphore, #tpu.memory_space<semaphore_mem>>)
      %run_scoped3A_95 = arith.constant 0 : i32
      %run_scoped3A_96 = arith.constant 0 : i32
      "tpu.region"() ({
        %run_scoped3A_139 = tpu.sem_alloc : memref<!tpu.dma_semaphore, #tpu.memory_space<semaphore_mem>>
        %dma_start3A_140 = arith.constant 0 : i32
        %dma_start3A_141 = arith.constant 0 : i32
        %dma_start3A_142 = tpu.memref_slice %arg9[%run_scoped3A_95, %dma_start3A_140, %dma_start3A_141] : memref<2x80x128xf32, #tpu.memory_space<vmem>> -> memref<1x80x128xf32, #tpu.memory_space<vmem>>
        %dma_start3A_143 = tpu.memref_squeeze %dma_start3A_142 : memref<1x80x128xf32, #tpu.memory_space<vmem>> -> memref<80x128xf32, #tpu.memory_space<vmem>>
        %dma_start3A_144 = arith.constant 0 : i32
        %dma_start3A_145 = tpu.memref_slice %arg8[%run_scoped3A_96, %dma_start3A_144] : memref<2x80xi32, #tpu.memory_space<vmem>> -> memref<1x80xi32, #tpu.memory_space<vmem>>
        %dma_start3A_146 = tpu.memref_squeeze %dma_start3A_145 : memref<1x80xi32, #tpu.memory_space<vmem>> -> memref<80xi32, #tpu.memory_space<vmem>>
        %dma_start3A_147 = arith.constant 0 : i32
        %dma_start3A_148 = arith.constant 0 : i32
        %dma_start3A_149 = tpu.memref_slice %arg10[%dma_start3A_147, %dma_start3A_148] : memref<10240x128xf32, #tpu.memory_space<vmem_shared>> -> memref<10240x128xf32, #tpu.memory_space<vmem_shared>>
        tpu.enqueue_indirect_dma source(%dma_start3A_143 : memref<80x128xf32, #tpu.memory_space<vmem>>) target(%dma_start3A_149 : memref<10240x128xf32, #tpu.memory_space<vmem_shared>>) offsets(%dma_start3A_146 : memref<80xi32, #tpu.memory_space<vmem>>) semaphore(%run_scoped3A_139 : memref<!tpu.dma_semaphore, #tpu.memory_space<semaphore_mem>>) {add = true}
        %dma_wait3A_150 = arith.constant 0 : i32
        %dma_wait3A_151 = arith.constant 0 : i32
        %dma_wait3A_152 = tpu.memref_slice %arg9[%run_scoped3A_95, %dma_wait3A_150, %dma_wait3A_151] : memref<2x80x128xf32, #tpu.memory_space<vmem>> -> memref<1x80x128xf32, #tpu.memory_space<vmem>>
        %dma_wait3A_153 = tpu.memref_squeeze %dma_wait3A_152 : memref<1x80x128xf32, #tpu.memory_space<vmem>> -> memref<80x128xf32, #tpu.memory_space<vmem>>
        %dma_wait3A_154 = arith.constant 0 : i32
        %dma_wait3A_155 = tpu.memref_slice %arg8[%run_scoped3A_96, %dma_wait3A_154] : memref<2x80xi32, #tpu.memory_space<vmem>> -> memref<1x80xi32, #tpu.memory_space<vmem>>
        %dma_wait3A_156 = tpu.memref_squeeze %dma_wait3A_155 : memref<1x80xi32, #tpu.memory_space<vmem>> -> memref<80xi32, #tpu.memory_space<vmem>>
        %dma_wait3A_157 = arith.constant 0 : i32
        %dma_wait3A_158 = arith.constant 0 : i32
        %dma_wait3A_159 = tpu.memref_slice %arg10[%dma_wait3A_157, %dma_wait3A_158] : memref<10240x128xf32, #tpu.memory_space<vmem_shared>> -> memref<10240x128xf32, #tpu.memory_space<vmem_shared>>
        tpu.wait_indirect_dma semaphore(%run_scoped3A_139 : memref<!tpu.dma_semaphore, #tpu.memory_space<semaphore_mem>>) src(%dma_wait3A_153 : memref<80x128xf32, #tpu.memory_space<vmem>>) dst(%dma_wait3A_159 : memref<10240x128xf32, #tpu.memory_space<vmem_shared>>)
        tpu.yield
      }) : () -> ()
      %mul3A_97 = arith.constant 2 : i32
      %mul3A_98 = arith.muli %mul3A_97, %scan3A_54 : i32
      %add3A_99 = arith.constant 1 : i32
      %add3A_100 = arith.addi %mul3A_98, %add3A_99 : i32
      %add3A_101 = arith.constant 1 : i32
      %add3A_102 = arith.addi %add3A_100, %add3A_101 : i32
      %mul3A_103 = arith.constant 80 : i32
      %mul3A_104 = arith.muli %add3A_102, %mul3A_103 : i32
      %add3A_105 = arith.addi %add3A, %mul3A_104 : i32
      %run_scoped3A_106 = arith.constant 0 : i32
      "tpu.region"() ({
        %run_scoped3A_139 = tpu.sem_alloc : memref<!tpu.dma_semaphore, #tpu.memory_space<semaphore_mem>>
        %dma_start3A_140 = arith.constant 0 : i32
        %dma_start3A_141 = tpu.memref_slice %arg7[%run_scoped3A_106, %dma_start3A_140] : memref<2x80xi32, #tpu.memory_space<vmem>> -> memref<1x80xi32, #tpu.memory_space<vmem>>
        %dma_start3A_142 = tpu.memref_squeeze %dma_start3A_141 : memref<1x80xi32, #tpu.memory_space<vmem>> -> memref<80xi32, #tpu.memory_space<vmem>>
        %dma_start3A_143 = tpu.memref_slice %arg2[%add3A_105] : memref<320000xi32, #tpu.memory_space<hbm>> -> memref<80xi32, #tpu.memory_space<hbm>>
        %dma_start3A_144 = arith.constant 0 : i32
        %dma_start3A_145 = tpu.memref_slice %arg7[%run_scoped3A_106, %dma_start3A_144] : memref<2x80xi32, #tpu.memory_space<vmem>> -> memref<1x80xi32, #tpu.memory_space<vmem>>
        %dma_start3A_146 = tpu.memref_squeeze %dma_start3A_145 : memref<1x80xi32, #tpu.memory_space<vmem>> -> memref<80xi32, #tpu.memory_space<vmem>>
        %dma_start3A_147 = tpu.memref_slice %arg2[%add3A_105] : memref<320000xi32, #tpu.memory_space<hbm>> -> memref<80xi32, #tpu.memory_space<hbm>>
        tpu.enqueue_dma source(%dma_start3A_147 : memref<80xi32, #tpu.memory_space<hbm>>) target(%dma_start3A_146 : memref<80xi32, #tpu.memory_space<vmem>>) target_semaphore(%run_scoped3A_139 : memref<!tpu.dma_semaphore, #tpu.memory_space<semaphore_mem>>)
        %dma_wait3A_148 = arith.constant 0 : i32
        %dma_wait3A_149 = tpu.memref_slice %arg7[%run_scoped3A_106, %dma_wait3A_148] : memref<2x80xi32, #tpu.memory_space<vmem>> -> memref<1x80xi32, #tpu.memory_space<vmem>>
        %dma_wait3A_150 = tpu.memref_squeeze %dma_wait3A_149 : memref<1x80xi32, #tpu.memory_space<vmem>> -> memref<80xi32, #tpu.memory_space<vmem>>
        %dma_wait3A_151 = tpu.memref_slice %arg2[%add3A_105] : memref<320000xi32, #tpu.memory_space<hbm>> -> memref<80xi32, #tpu.memory_space<hbm>>
        %dma_wait3A_152 = arith.constant 0 : i32
        %dma_wait3A_153 = tpu.memref_slice %arg7[%run_scoped3A_106, %dma_wait3A_152] : memref<2x80xi32, #tpu.memory_space<vmem>> -> memref<1x80xi32, #tpu.memory_space<vmem>>
        %dma_wait3A_154 = tpu.memref_squeeze %dma_wait3A_153 : memref<1x80xi32, #tpu.memory_space<vmem>> -> memref<80xi32, #tpu.memory_space<vmem>>
        %dma_wait3A_155 = tpu.memref_slice %arg2[%add3A_105] : memref<320000xi32, #tpu.memory_space<hbm>> -> memref<80xi32, #tpu.memory_space<hbm>>
        tpu.wait_dma2 semaphore(%run_scoped3A_139 : memref<!tpu.dma_semaphore, #tpu.memory_space<semaphore_mem>>) src(%dma_wait3A_155 : memref<80xi32, #tpu.memory_space<hbm>>) dst(%dma_wait3A_154 : memref<80xi32, #tpu.memory_space<vmem>>)
        tpu.yield
      }) : () -> ()
      %add3A_107 = arith.constant 1 : i32
      %add3A_108 = arith.addi %add3A_100, %add3A_107 : i32
      %mul3A_109 = arith.constant 80 : i32
      %mul3A_110 = arith.muli %add3A_108, %mul3A_109 : i32
      %add3A_111 = arith.addi %mul3A_7, %mul3A_110 : i32
      %run_scoped3A_112 = arith.constant 0 : i32
      "tpu.region"() ({
        %run_scoped3A_139 = tpu.sem_alloc : memref<!tpu.dma_semaphore, #tpu.memory_space<semaphore_mem>>
        %dma_start3A_140 = arith.constant 0 : i32
        %dma_start3A_141 = tpu.memref_slice %arg8[%run_scoped3A_112, %dma_start3A_140] : memref<2x80xi32, #tpu.memory_space<vmem>> -> memref<1x80xi32, #tpu.memory_space<vmem>>
        %dma_start3A_142 = tpu.memref_squeeze %dma_start3A_141 : memref<1x80xi32, #tpu.memory_space<vmem>> -> memref<80xi32, #tpu.memory_space<vmem>>
        %dma_start3A_143 = tpu.memref_slice %arg3[%add3A_111] : memref<160000xi32, #tpu.memory_space<hbm>> -> memref<80xi32, #tpu.memory_space<hbm>>
        %dma_start3A_144 = arith.constant 0 : i32
        %dma_start3A_145 = tpu.memref_slice %arg8[%run_scoped3A_112, %dma_start3A_144] : memref<2x80xi32, #tpu.memory_space<vmem>> -> memref<1x80xi32, #tpu.memory_space<vmem>>
        %dma_start3A_146 = tpu.memref_squeeze %dma_start3A_145 : memref<1x80xi32, #tpu.memory_space<vmem>> -> memref<80xi32, #tpu.memory_space<vmem>>
        %dma_start3A_147 = tpu.memref_slice %arg3[%add3A_111] : memref<160000xi32, #tpu.memory_space<hbm>> -> memref<80xi32, #tpu.memory_space<hbm>>
        tpu.enqueue_dma source(%dma_start3A_147 : memref<80xi32, #tpu.memory_space<hbm>>) target(%dma_start3A_146 : memref<80xi32, #tpu.memory_space<vmem>>) target_semaphore(%run_scoped3A_139 : memref<!tpu.dma_semaphore, #tpu.memory_space<semaphore_mem>>)
        %dma_wait3A_148 = arith.constant 0 : i32
        %dma_wait3A_149 = tpu.memref_slice %arg8[%run_scoped3A_112, %dma_wait3A_148] : memref<2x80xi32, #tpu.memory_space<vmem>> -> memref<1x80xi32, #tpu.memory_space<vmem>>
        %dma_wait3A_150 = tpu.memref_squeeze %dma_wait3A_149 : memref<1x80xi32, #tpu.memory_space<vmem>> -> memref<80xi32, #tpu.memory_space<vmem>>
        %dma_wait3A_151 = tpu.memref_slice %arg3[%add3A_111] : memref<160000xi32, #tpu.memory_space<hbm>> -> memref<80xi32, #tpu.memory_space<hbm>>
        %dma_wait3A_152 = arith.constant 0 : i32
        %dma_wait3A_153 = tpu.memref_slice %arg8[%run_scoped3A_112, %dma_wait3A_152] : memref<2x80xi32, #tpu.memory_space<vmem>> -> memref<1x80xi32, #tpu.memory_space<vmem>>
        %dma_wait3A_154 = tpu.memref_squeeze %dma_wait3A_153 : memref<1x80xi32, #tpu.memory_space<vmem>> -> memref<80xi32, #tpu.memory_space<vmem>>
        %dma_wait3A_155 = tpu.memref_slice %arg3[%add3A_111] : memref<160000xi32, #tpu.memory_space<hbm>> -> memref<80xi32, #tpu.memory_space<hbm>>
        tpu.wait_dma2 semaphore(%run_scoped3A_139 : memref<!tpu.dma_semaphore, #tpu.memory_space<semaphore_mem>>) src(%dma_wait3A_155 : memref<80xi32, #tpu.memory_space<hbm>>) dst(%dma_wait3A_154 : memref<80xi32, #tpu.memory_space<vmem>>)
        tpu.yield
      }) : () -> ()
      %dma_wait3A_113 = arith.constant 1 : i32
      %dma_wait3A_114 = arith.constant 1 : i32
      %dma_wait3A_115 = arith.constant 0 : i32
      %dma_wait3A_116 = arith.constant 0 : i32
      %dma_wait3A_117 = tpu.memref_slice %arg9[%dma_wait3A_114, %dma_wait3A_115, %dma_wait3A_116] : memref<2x80x128xf32, #tpu.memory_space<vmem>> -> memref<1x80x128xf32, #tpu.memory_space<vmem>>
      %dma_wait3A_118 = tpu.memref_squeeze %dma_wait3A_117 : memref<1x80x128xf32, #tpu.memory_space<vmem>> -> memref<80x128xf32, #tpu.memory_space<vmem>>
      %dma_wait3A_119 = arith.constant 0 : i32
      %dma_wait3A_120 = tpu.memref_slice %arg7[%dma_wait3A_113, %dma_wait3A_119] : memref<2x80xi32, #tpu.memory_space<vmem>> -> memref<1x80xi32, #tpu.memory_space<vmem>>
      %dma_wait3A_121 = tpu.memref_squeeze %dma_wait3A_120 : memref<1x80xi32, #tpu.memory_space<vmem>> -> memref<80xi32, #tpu.memory_space<vmem>>
      %dma_wait3A_122 = arith.constant 0 : i32
      %dma_wait3A_123 = arith.constant 0 : i32
      %dma_wait3A_124 = tpu.memref_slice %arg4[%dma_wait3A_122, %dma_wait3A_123] : memref<20000x128xf32, #tpu.memory_space<hbm>> -> memref<20000x128xf32, #tpu.memory_space<hbm>>
      tpu.wait_indirect_dma semaphore(%arg11 : memref<!tpu.dma_semaphore, #tpu.memory_space<semaphore_mem>>) src(%dma_wait3A_124 : memref<20000x128xf32, #tpu.memory_space<hbm>>) dst(%dma_wait3A_118 : memref<80x128xf32, #tpu.memory_space<vmem>>)
      %dma_start3A_125 = arith.constant 0 : i32
      %dma_start3A_126 = arith.constant 0 : i32
      %dma_start3A_127 = arith.constant 0 : i32
      %dma_start3A_128 = arith.constant 0 : i32
      %dma_start3A_129 = tpu.memref_slice %arg9[%dma_start3A_126, %dma_start3A_127, %dma_start3A_128] : memref<2x80x128xf32, #tpu.memory_space<vmem>> -> memref<1x80x128xf32, #tpu.memory_space<vmem>>
      %dma_start3A_130 = tpu.memref_squeeze %dma_start3A_129 : memref<1x80x128xf32, #tpu.memory_space<vmem>> -> memref<80x128xf32, #tpu.memory_space<vmem>>
      %dma_start3A_131 = arith.constant 0 : i32
      %dma_start3A_132 = tpu.memref_slice %arg7[%dma_start3A_125, %dma_start3A_131] : memref<2x80xi32, #tpu.memory_space<vmem>> -> memref<1x80xi32, #tpu.memory_space<vmem>>
      %dma_start3A_133 = tpu.memref_squeeze %dma_start3A_132 : memref<1x80xi32, #tpu.memory_space<vmem>> -> memref<80xi32, #tpu.memory_space<vmem>>
      %dma_start3A_134 = arith.constant 0 : i32
      %dma_start3A_135 = arith.constant 0 : i32
      %dma_start3A_136 = tpu.memref_slice %arg4[%dma_start3A_134, %dma_start3A_135] : memref<20000x128xf32, #tpu.memory_space<hbm>> -> memref<20000x128xf32, #tpu.memory_space<hbm>>
      tpu.enqueue_indirect_dma source(%dma_start3A_136 : memref<20000x128xf32, #tpu.memory_space<hbm>>) target(%dma_start3A_130 : memref<80x128xf32, #tpu.memory_space<vmem>>) offsets(%dma_start3A_133 : memref<80xi32, #tpu.memory_space<vmem>>) semaphore(%arg11 : memref<!tpu.dma_semaphore, #tpu.memory_space<semaphore_mem>>)
      %run_scoped3A_137 = arith.constant 1 : i32
      %run_scoped3A_138 = arith.constant 1 : i32
      "tpu.region"() ({
        %run_scoped3A_139 = tpu.sem_alloc : memref<!tpu.dma_semaphore, #tpu.memory_space<semaphore_mem>>
        %dma_start3A_140 = arith.constant 0 : i32
        %dma_start3A_141 = arith.constant 0 : i32
        %dma_start3A_142 = tpu.memref_slice %arg9[%run_scoped3A_137, %dma_start3A_140, %dma_start3A_141] : memref<2x80x128xf32, #tpu.memory_space<vmem>> -> memref<1x80x128xf32, #tpu.memory_space<vmem>>
        %dma_start3A_143 = tpu.memref_squeeze %dma_start3A_142 : memref<1x80x128xf32, #tpu.memory_space<vmem>> -> memref<80x128xf32, #tpu.memory_space<vmem>>
        %dma_start3A_144 = arith.constant 0 : i32
        %dma_start3A_145 = tpu.memref_slice %arg8[%run_scoped3A_138, %dma_start3A_144] : memref<2x80xi32, #tpu.memory_space<vmem>> -> memref<1x80xi32, #tpu.memory_space<vmem>>
        %dma_start3A_146 = tpu.memref_squeeze %dma_start3A_145 : memref<1x80xi32, #tpu.memory_space<vmem>> -> memref<80xi32, #tpu.memory_space<vmem>>
        %dma_start3A_147 = arith.constant 0 : i32
        %dma_start3A_148 = arith.constant 0 : i32
        %dma_start3A_149 = tpu.memref_slice %arg10[%dma_start3A_147, %dma_start3A_148] : memref<10240x128xf32, #tpu.memory_space<vmem_shared>> -> memref<10240x128xf32, #tpu.memory_space<vmem_shared>>
        tpu.enqueue_indirect_dma source(%dma_start3A_143 : memref<80x128xf32, #tpu.memory_space<vmem>>) target(%dma_start3A_149 : memref<10240x128xf32, #tpu.memory_space<vmem_shared>>) offsets(%dma_start3A_146 : memref<80xi32, #tpu.memory_space<vmem>>) semaphore(%run_scoped3A_139 : memref<!tpu.dma_semaphore, #tpu.memory_space<semaphore_mem>>) {add = true}
        %dma_wait3A_150 = arith.constant 0 : i32
        %dma_wait3A_151 = arith.constant 0 : i32
        %dma_wait3A_152 = tpu.memref_slice %arg9[%run_scoped3A_137, %dma_wait3A_150, %dma_wait3A_151] : memref<2x80x128xf32, #tpu.memory_space<vmem>> -> memref<1x80x128xf32, #tpu.memory_space<vmem>>
        %dma_wait3A_153 = tpu.memref_squeeze %dma_wait3A_152 : memref<1x80x128xf32, #tpu.memory_space<vmem>> -> memref<80x128xf32, #tpu.memory_space<vmem>>
        %dma_wait3A_154 = arith.constant 0 : i32
        %dma_wait3A_155 = tpu.memref_slice %arg8[%run_scoped3A_138, %dma_wait3A_154] : memref<2x80xi32, #tpu.memory_space<vmem>> -> memref<1x80xi32, #tpu.memory_space<vmem>>
        %dma_wait3A_156 = tpu.memref_squeeze %dma_wait3A_155 : memref<1x80xi32, #tpu.memory_space<vmem>> -> memref<80xi32, #tpu.memory_space<vmem>>
        %dma_wait3A_157 = arith.constant 0 : i32
        %dma_wait3A_158 = arith.constant 0 : i32
        %dma_wait3A_159 = tpu.memref_slice %arg10[%dma_wait3A_157, %dma_wait3A_158] : memref<10240x128xf32, #tpu.memory_space<vmem_shared>> -> memref<10240x128xf32, #tpu.memory_space<vmem_shared>>
        tpu.wait_indirect_dma semaphore(%run_scoped3A_139 : memref<!tpu.dma_semaphore, #tpu.memory_space<semaphore_mem>>) src(%dma_wait3A_153 : memref<80x128xf32, #tpu.memory_space<vmem>>) dst(%dma_wait3A_159 : memref<10240x128xf32, #tpu.memory_space<vmem_shared>>)
        tpu.yield
      }) : () -> ()
    }
    %scan3A_28 = arith.constant 62 : i32
    %dma_wait3A = arith.constant 0 : i32
    %dma_wait3A_29 = arith.constant 0 : i32
    %dma_wait3A_30 = arith.constant 0 : i32
    %dma_wait3A_31 = arith.constant 0 : i32
    %dma_wait3A_32 = tpu.memref_slice %arg9[%dma_wait3A_29, %dma_wait3A_30, %dma_wait3A_31] : memref<2x80x128xf32, #tpu.memory_space<vmem>> -> memref<1x80x128xf32, #tpu.memory_space<vmem>>
    %dma_wait3A_33 = tpu.memref_squeeze %dma_wait3A_32 : memref<1x80x128xf32, #tpu.memory_space<vmem>> -> memref<80x128xf32, #tpu.memory_space<vmem>>
    %dma_wait3A_34 = arith.constant 0 : i32
    %dma_wait3A_35 = tpu.memref_slice %arg7[%dma_wait3A, %dma_wait3A_34] : memref<2x80xi32, #tpu.memory_space<vmem>> -> memref<1x80xi32, #tpu.memory_space<vmem>>
    %dma_wait3A_36 = tpu.memref_squeeze %dma_wait3A_35 : memref<1x80xi32, #tpu.memory_space<vmem>> -> memref<80xi32, #tpu.memory_space<vmem>>
    %dma_wait3A_37 = arith.constant 0 : i32
    %dma_wait3A_38 = arith.constant 0 : i32
    %dma_wait3A_39 = tpu.memref_slice %arg4[%dma_wait3A_37, %dma_wait3A_38] : memref<20000x128xf32, #tpu.memory_space<hbm>> -> memref<20000x128xf32, #tpu.memory_space<hbm>>
    tpu.wait_indirect_dma semaphore(%arg11 : memref<!tpu.dma_semaphore, #tpu.memory_space<semaphore_mem>>) src(%dma_wait3A_39 : memref<20000x128xf32, #tpu.memory_space<hbm>>) dst(%dma_wait3A_33 : memref<80x128xf32, #tpu.memory_space<vmem>>)
    %run_scoped3A_40 = arith.constant 0 : i32
    %run_scoped3A_41 = arith.constant 0 : i32
    "tpu.region"() ({
      %run_scoped3A_54 = tpu.sem_alloc : memref<!tpu.dma_semaphore, #tpu.memory_space<semaphore_mem>>
      %dma_start3A_55 = arith.constant 0 : i32
      %dma_start3A_56 = arith.constant 0 : i32
      %dma_start3A_57 = tpu.memref_slice %arg9[%run_scoped3A_40, %dma_start3A_55, %dma_start3A_56] : memref<2x80x128xf32, #tpu.memory_space<vmem>> -> memref<1x80x128xf32, #tpu.memory_space<vmem>>
      %dma_start3A_58 = tpu.memref_squeeze %dma_start3A_57 : memref<1x80x128xf32, #tpu.memory_space<vmem>> -> memref<80x128xf32, #tpu.memory_space<vmem>>
      %dma_start3A_59 = arith.constant 0 : i32
      %dma_start3A_60 = tpu.memref_slice %arg8[%run_scoped3A_41, %dma_start3A_59] : memref<2x80xi32, #tpu.memory_space<vmem>> -> memref<1x80xi32, #tpu.memory_space<vmem>>
      %dma_start3A_61 = tpu.memref_squeeze %dma_start3A_60 : memref<1x80xi32, #tpu.memory_space<vmem>> -> memref<80xi32, #tpu.memory_space<vmem>>
      %dma_start3A_62 = arith.constant 0 : i32
      %dma_start3A_63 = arith.constant 0 : i32
      %dma_start3A_64 = tpu.memref_slice %arg10[%dma_start3A_62, %dma_start3A_63] : memref<10240x128xf32, #tpu.memory_space<vmem_shared>> -> memref<10240x128xf32, #tpu.memory_space<vmem_shared>>
      tpu.enqueue_indirect_dma source(%dma_start3A_58 : memref<80x128xf32, #tpu.memory_space<vmem>>) target(%dma_start3A_64 : memref<10240x128xf32, #tpu.memory_space<vmem_shared>>) offsets(%dma_start3A_61 : memref<80xi32, #tpu.memory_space<vmem>>) semaphore(%run_scoped3A_54 : memref<!tpu.dma_semaphore, #tpu.memory_space<semaphore_mem>>) {add = true}
      %dma_wait3A_65 = arith.constant 0 : i32
      %dma_wait3A_66 = arith.constant 0 : i32
      %dma_wait3A_67 = tpu.memref_slice %arg9[%run_scoped3A_40, %dma_wait3A_65, %dma_wait3A_66] : memref<2x80x128xf32, #tpu.memory_space<vmem>> -> memref<1x80x128xf32, #tpu.memory_space<vmem>>
      %dma_wait3A_68 = tpu.memref_squeeze %dma_wait3A_67 : memref<1x80x128xf32, #tpu.memory_space<vmem>> -> memref<80x128xf32, #tpu.memory_space<vmem>>
      %dma_wait3A_69 = arith.constant 0 : i32
      %dma_wait3A_70 = tpu.memref_slice %arg8[%run_scoped3A_41, %dma_wait3A_69] : memref<2x80xi32, #tpu.memory_space<vmem>> -> memref<1x80xi32, #tpu.memory_space<vmem>>
      %dma_wait3A_71 = tpu.memref_squeeze %dma_wait3A_70 : memref<1x80xi32, #tpu.memory_space<vmem>> -> memref<80xi32, #tpu.memory_space<vmem>>
      %dma_wait3A_72 = arith.constant 0 : i32
      %dma_wait3A_73 = arith.constant 0 : i32
      %dma_wait3A_74 = tpu.memref_slice %arg10[%dma_wait3A_72, %dma_wait3A_73] : memref<10240x128xf32, #tpu.memory_space<vmem_shared>> -> memref<10240x128xf32, #tpu.memory_space<vmem_shared>>
      tpu.wait_indirect_dma semaphore(%run_scoped3A_54 : memref<!tpu.dma_semaphore, #tpu.memory_space<semaphore_mem>>) src(%dma_wait3A_68 : memref<80x128xf32, #tpu.memory_space<vmem>>) dst(%dma_wait3A_74 : memref<10240x128xf32, #tpu.memory_space<vmem_shared>>)
      tpu.yield
    }) : () -> ()
    %barrier3A_42 = arith.constant 0 : index
    tpu.barrier barrier_id(%barrier3A_42)
    %eq3A = arith.constant 15 : i32
    %eq3A_43 = arith.cmpi eq, %arg1, %eq3A : i32
    %jit3A = arith.constant 5 : i32
    %jit3A_44 = arith.constant 8 : i32
    %select_n3A = arith.select %eq3A_43, %jit3A, %jit3A_44 : i32
    %while3A = arith.constant 0 : i32
    %while3A_45 = arith.constant 0 : i32
    %while3A_46 = arith.subi %select_n3A, %while3A_45 : i32
    %while3A_47 = arith.addi %while3A_45, %while3A_46 : i32
    %while3A_48 = arith.constant 1 : i32
    %while3A_49 = arith.divsi %while3A_46, %while3A_48 : i32
    %while3A_50 = arith.muli %while3A_49, %while3A_48 : i32
    %while3A_51 = arith.addi %while3A_45, %while3A_50 : i32
    %while3A_52 = arith.constant 1 : i32
    scf.for %while3A_54 = %while3A_45 to %while3A_51 step %while3A_52  : i32 {
      %mul3A_55 = arith.constant 80 : i32
      %mul3A_56 = arith.muli %while3A_54, %mul3A_55 : i32
      %add3A_57 = arith.addi %mul3A_0, %mul3A_56 : i32
      %run_scoped3A_58 = arith.constant 0 : i32
      "tpu.region"() ({
        %run_scoped3A_63 = tpu.sem_alloc : memref<!tpu.dma_semaphore, #tpu.memory_space<semaphore_mem>>
        %dma_start3A_64 = arith.constant 0 : i32
        %dma_start3A_65 = arith.constant 0 : i32
        %dma_start3A_66 = tpu.memref_slice %arg9[%run_scoped3A_58, %dma_start3A_64, %dma_start3A_65] : memref<2x80x128xf32, #tpu.memory_space<vmem>> -> memref<1x80x128xf32, #tpu.memory_space<vmem>>
        %dma_start3A_67 = tpu.memref_squeeze %dma_start3A_66 : memref<1x80x128xf32, #tpu.memory_space<vmem>> -> memref<80x128xf32, #tpu.memory_space<vmem>>
        %dma_start3A_68 = arith.constant 0 : i32
        %dma_start3A_69 = tpu.memref_slice %arg10[%add3A_57, %dma_start3A_68] : memref<10240x128xf32, #tpu.memory_space<vmem_shared>> -> memref<80x128xf32, #tpu.memory_space<vmem_shared>>
        %dma_start3A_70 = arith.constant 0 : i32
        %dma_start3A_71 = arith.constant 0 : i32
        %dma_start3A_72 = tpu.memref_slice %arg9[%run_scoped3A_58, %dma_start3A_70, %dma_start3A_71] : memref<2x80x128xf32, #tpu.memory_space<vmem>> -> memref<1x80x128xf32, #tpu.memory_space<vmem>>
        %dma_start3A_73 = tpu.memref_squeeze %dma_start3A_72 : memref<1x80x128xf32, #tpu.memory_space<vmem>> -> memref<80x128xf32, #tpu.memory_space<vmem>>
        %dma_start3A_74 = arith.constant 0 : i32
        %dma_start3A_75 = tpu.memref_slice %arg10[%add3A_57, %dma_start3A_74] : memref<10240x128xf32, #tpu.memory_space<vmem_shared>> -> memref<80x128xf32, #tpu.memory_space<vmem_shared>>
        tpu.enqueue_dma source(%dma_start3A_75 : memref<80x128xf32, #tpu.memory_space<vmem_shared>>) target(%dma_start3A_73 : memref<80x128xf32, #tpu.memory_space<vmem>>) target_semaphore(%run_scoped3A_63 : memref<!tpu.dma_semaphore, #tpu.memory_space<semaphore_mem>>)
        %dma_wait3A_76 = arith.constant 0 : i32
        %dma_wait3A_77 = arith.constant 0 : i32
        %dma_wait3A_78 = tpu.memref_slice %arg9[%run_scoped3A_58, %dma_wait3A_76, %dma_wait3A_77] : memref<2x80x128xf32, #tpu.memory_space<vmem>> -> memref<1x80x128xf32, #tpu.memory_space<vmem>>
        %dma_wait3A_79 = tpu.memref_squeeze %dma_wait3A_78 : memref<1x80x128xf32, #tpu.memory_space<vmem>> -> memref<80x128xf32, #tpu.memory_space<vmem>>
        %dma_wait3A_80 = arith.constant 0 : i32
        %dma_wait3A_81 = tpu.memref_slice %arg10[%add3A_57, %dma_wait3A_80] : memref<10240x128xf32, #tpu.memory_space<vmem_shared>> -> memref<80x128xf32, #tpu.memory_space<vmem_shared>>
        %dma_wait3A_82 = arith.constant 0 : i32
        %dma_wait3A_83 = arith.constant 0 : i32
        %dma_wait3A_84 = tpu.memref_slice %arg9[%run_scoped3A_58, %dma_wait3A_82, %dma_wait3A_83] : memref<2x80x128xf32, #tpu.memory_space<vmem>> -> memref<1x80x128xf32, #tpu.memory_space<vmem>>
        %dma_wait3A_85 = tpu.memref_squeeze %dma_wait3A_84 : memref<1x80x128xf32, #tpu.memory_space<vmem>> -> memref<80x128xf32, #tpu.memory_space<vmem>>
        %dma_wait3A_86 = arith.constant 0 : i32
        %dma_wait3A_87 = tpu.memref_slice %arg10[%add3A_57, %dma_wait3A_86] : memref<10240x128xf32, #tpu.memory_space<vmem_shared>> -> memref<80x128xf32, #tpu.memory_space<vmem_shared>>
        tpu.wait_dma2 semaphore(%run_scoped3A_63 : memref<!tpu.dma_semaphore, #tpu.memory_space<semaphore_mem>>) src(%dma_wait3A_87 : memref<80x128xf32, #tpu.memory_space<vmem_shared>>) dst(%dma_wait3A_85 : memref<80x128xf32, #tpu.memory_space<vmem>>)
        tpu.yield
      }) : () -> ()
      %mul3A_59 = arith.constant 10000 : i32
      %mul3A_60 = arith.muli %arg0, %mul3A_59 : i32
      %add3A_61 = arith.addi %mul3A_60, %add3A_57 : i32
      %run_scoped3A_62 = arith.constant 0 : i32
      "tpu.region"() ({
        %run_scoped3A_63 = tpu.sem_alloc : memref<!tpu.dma_semaphore, #tpu.memory_space<semaphore_mem>>
        %dma_start3A_64 = arith.constant 0 : i32
        %dma_start3A_65 = arith.constant 0 : i32
        %dma_start3A_66 = tpu.memref_slice %arg9[%run_scoped3A_62, %dma_start3A_64, %dma_start3A_65] : memref<2x80x128xf32, #tpu.memory_space<vmem>> -> memref<1x80x128xf32, #tpu.memory_space<vmem>>
        %dma_start3A_67 = tpu.memref_squeeze %dma_start3A_66 : memref<1x80x128xf32, #tpu.memory_space<vmem>> -> memref<80x128xf32, #tpu.memory_space<vmem>>
        %dma_start3A_68 = arith.constant 0 : i32
        %dma_start3A_69 = tpu.memref_slice %arg6[%add3A_61, %dma_start3A_68] : memref<20000x128xf32, #tpu.memory_space<hbm>> -> memref<80x128xf32, #tpu.memory_space<hbm>>
        %dma_start3A_70 = arith.constant 0 : i32
        %dma_start3A_71 = tpu.memref_slice %arg6[%add3A_61, %dma_start3A_70] : memref<20000x128xf32, #tpu.memory_space<hbm>> -> memref<80x128xf32, #tpu.memory_space<hbm>>
        %dma_start3A_72 = arith.constant 0 : i32
        %dma_start3A_73 = arith.constant 0 : i32
        %dma_start3A_74 = tpu.memref_slice %arg9[%run_scoped3A_62, %dma_start3A_72, %dma_start3A_73] : memref<2x80x128xf32, #tpu.memory_space<vmem>> -> memref<1x80x128xf32, #tpu.memory_space<vmem>>
        %dma_start3A_75 = tpu.memref_squeeze %dma_start3A_74 : memref<1x80x128xf32, #tpu.memory_space<vmem>> -> memref<80x128xf32, #tpu.memory_space<vmem>>
        tpu.enqueue_dma source(%dma_start3A_75 : memref<80x128xf32, #tpu.memory_space<vmem>>) target(%dma_start3A_71 : memref<80x128xf32, #tpu.memory_space<hbm>>) target_semaphore(%run_scoped3A_63 : memref<!tpu.dma_semaphore, #tpu.memory_space<semaphore_mem>>)
        %dma_wait3A_76 = arith.constant 0 : i32
        %dma_wait3A_77 = arith.constant 0 : i32
        %dma_wait3A_78 = tpu.memref_slice %arg9[%run_scoped3A_62, %dma_wait3A_76, %dma_wait3A_77] : memref<2x80x128xf32, #tpu.memory_space<vmem>> -> memref<1x80x128xf32, #tpu.memory_space<vmem>>
        %dma_wait3A_79 = tpu.memref_squeeze %dma_wait3A_78 : memref<1x80x128xf32, #tpu.memory_space<vmem>> -> memref<80x128xf32, #tpu.memory_space<vmem>>
        %dma_wait3A_80 = arith.constant 0 : i32
        %dma_wait3A_81 = tpu.memref_slice %arg6[%add3A_61, %dma_wait3A_80] : memref<20000x128xf32, #tpu.memory_space<hbm>> -> memref<80x128xf32, #tpu.memory_space<hbm>>
        %dma_wait3A_82 = arith.constant 0 : i32
        %dma_wait3A_83 = tpu.memref_slice %arg6[%add3A_61, %dma_wait3A_82] : memref<20000x128xf32, #tpu.memory_space<hbm>> -> memref<80x128xf32, #tpu.memory_space<hbm>>
        %dma_wait3A_84 = arith.constant 0 : i32
        %dma_wait3A_85 = arith.constant 0 : i32
        %dma_wait3A_86 = tpu.memref_slice %arg9[%run_scoped3A_62, %dma_wait3A_84, %dma_wait3A_85] : memref<2x80x128xf32, #tpu.memory_space<vmem>> -> memref<1x80x128xf32, #tpu.memory_space<vmem>>
        %dma_wait3A_87 = tpu.memref_squeeze %dma_wait3A_86 : memref<1x80x128xf32, #tpu.memory_space<vmem>> -> memref<80x128xf32, #tpu.memory_space<vmem>>
        tpu.wait_dma2 semaphore(%run_scoped3A_63 : memref<!tpu.dma_semaphore, #tpu.memory_space<semaphore_mem>>) src(%dma_wait3A_87 : memref<80x128xf32, #tpu.memory_space<vmem>>) dst(%dma_wait3A_83 : memref<80x128xf32, #tpu.memory_space<hbm>>)
        tpu.yield
      }) : () -> ()
    }
    %while3A_53 = arith.constant 1 : i32
    scf.for %while3A_54 = %while3A_51 to %while3A_47 step %while3A_53  : i32 {
      %mul3A_55 = arith.constant 80 : i32
      %mul3A_56 = arith.muli %while3A_54, %mul3A_55 : i32
      %add3A_57 = arith.addi %mul3A_0, %mul3A_56 : i32
      %run_scoped3A_58 = arith.constant 0 : i32
      "tpu.region"() ({
        %run_scoped3A_63 = tpu.sem_alloc : memref<!tpu.dma_semaphore, #tpu.memory_space<semaphore_mem>>
        %dma_start3A_64 = arith.constant 0 : i32
        %dma_start3A_65 = arith.constant 0 : i32
        %dma_start3A_66 = tpu.memref_slice %arg9[%run_scoped3A_58, %dma_start3A_64, %dma_start3A_65] : memref<2x80x128xf32, #tpu.memory_space<vmem>> -> memref<1x80x128xf32, #tpu.memory_space<vmem>>
        %dma_start3A_67 = tpu.memref_squeeze %dma_start3A_66 : memref<1x80x128xf32, #tpu.memory_space<vmem>> -> memref<80x128xf32, #tpu.memory_space<vmem>>
        %dma_start3A_68 = arith.constant 0 : i32
        %dma_start3A_69 = tpu.memref_slice %arg10[%add3A_57, %dma_start3A_68] : memref<10240x128xf32, #tpu.memory_space<vmem_shared>> -> memref<80x128xf32, #tpu.memory_space<vmem_shared>>
        %dma_start3A_70 = arith.constant 0 : i32
        %dma_start3A_71 = arith.constant 0 : i32
        %dma_start3A_72 = tpu.memref_slice %arg9[%run_scoped3A_58, %dma_start3A_70, %dma_start3A_71] : memref<2x80x128xf32, #tpu.memory_space<vmem>> -> memref<1x80x128xf32, #tpu.memory_space<vmem>>
        %dma_start3A_73 = tpu.memref_squeeze %dma_start3A_72 : memref<1x80x128xf32, #tpu.memory_space<vmem>> -> memref<80x128xf32, #tpu.memory_space<vmem>>
        %dma_start3A_74 = arith.constant 0 : i32
        %dma_start3A_75 = tpu.memref_slice %arg10[%add3A_57, %dma_start3A_74] : memref<10240x128xf32, #tpu.memory_space<vmem_shared>> -> memref<80x128xf32, #tpu.memory_space<vmem_shared>>
        tpu.enqueue_dma source(%dma_start3A_75 : memref<80x128xf32, #tpu.memory_space<vmem_shared>>) target(%dma_start3A_73 : memref<80x128xf32, #tpu.memory_space<vmem>>) target_semaphore(%run_scoped3A_63 : memref<!tpu.dma_semaphore, #tpu.memory_space<semaphore_mem>>)
        %dma_wait3A_76 = arith.constant 0 : i32
        %dma_wait3A_77 = arith.constant 0 : i32
        %dma_wait3A_78 = tpu.memref_slice %arg9[%run_scoped3A_58, %dma_wait3A_76, %dma_wait3A_77] : memref<2x80x128xf32, #tpu.memory_space<vmem>> -> memref<1x80x128xf32, #tpu.memory_space<vmem>>
        %dma_wait3A_79 = tpu.memref_squeeze %dma_wait3A_78 : memref<1x80x128xf32, #tpu.memory_space<vmem>> -> memref<80x128xf32, #tpu.memory_space<vmem>>
        %dma_wait3A_80 = arith.constant 0 : i32
        %dma_wait3A_81 = tpu.memref_slice %arg10[%add3A_57, %dma_wait3A_80] : memref<10240x128xf32, #tpu.memory_space<vmem_shared>> -> memref<80x128xf32, #tpu.memory_space<vmem_shared>>
        %dma_wait3A_82 = arith.constant 0 : i32
        %dma_wait3A_83 = arith.constant 0 : i32
        %dma_wait3A_84 = tpu.memref_slice %arg9[%run_scoped3A_58, %dma_wait3A_82, %dma_wait3A_83] : memref<2x80x128xf32, #tpu.memory_space<vmem>> -> memref<1x80x128xf32, #tpu.memory_space<vmem>>
        %dma_wait3A_85 = tpu.memref_squeeze %dma_wait3A_84 : memref<1x80x128xf32, #tpu.memory_space<vmem>> -> memref<80x128xf32, #tpu.memory_space<vmem>>
        %dma_wait3A_86 = arith.constant 0 : i32
        %dma_wait3A_87 = tpu.memref_slice %arg10[%add3A_57, %dma_wait3A_86] : memref<10240x128xf32, #tpu.memory_space<vmem_shared>> -> memref<80x128xf32, #tpu.memory_space<vmem_shared>>
        tpu.wait_dma2 semaphore(%run_scoped3A_63 : memref<!tpu.dma_semaphore, #tpu.memory_space<semaphore_mem>>) src(%dma_wait3A_87 : memref<80x128xf32, #tpu.memory_space<vmem_shared>>) dst(%dma_wait3A_85 : memref<80x128xf32, #tpu.memory_space<vmem>>)
        tpu.yield
      }) : () -> ()
      %mul3A_59 = arith.constant 10000 : i32
      %mul3A_60 = arith.muli %arg0, %mul3A_59 : i32
      %add3A_61 = arith.addi %mul3A_60, %add3A_57 : i32
      %run_scoped3A_62 = arith.constant 0 : i32
      "tpu.region"() ({
        %run_scoped3A_63 = tpu.sem_alloc : memref<!tpu.dma_semaphore, #tpu.memory_space<semaphore_mem>>
        %dma_start3A_64 = arith.constant 0 : i32
        %dma_start3A_65 = arith.constant 0 : i32
        %dma_start3A_66 = tpu.memref_slice %arg9[%run_scoped3A_62, %dma_start3A_64, %dma_start3A_65] : memref<2x80x128xf32, #tpu.memory_space<vmem>> -> memref<1x80x128xf32, #tpu.memory_space<vmem>>
        %dma_start3A_67 = tpu.memref_squeeze %dma_start3A_66 : memref<1x80x128xf32, #tpu.memory_space<vmem>> -> memref<80x128xf32, #tpu.memory_space<vmem>>
        %dma_start3A_68 = arith.constant 0 : i32
        %dma_start3A_69 = tpu.memref_slice %arg6[%add3A_61, %dma_start3A_68] : memref<20000x128xf32, #tpu.memory_space<hbm>> -> memref<80x128xf32, #tpu.memory_space<hbm>>
        %dma_start3A_70 = arith.constant 0 : i32
        %dma_start3A_71 = tpu.memref_slice %arg6[%add3A_61, %dma_start3A_70] : memref<20000x128xf32, #tpu.memory_space<hbm>> -> memref<80x128xf32, #tpu.memory_space<hbm>>
        %dma_start3A_72 = arith.constant 0 : i32
        %dma_start3A_73 = arith.constant 0 : i32
        %dma_start3A_74 = tpu.memref_slice %arg9[%run_scoped3A_62, %dma_start3A_72, %dma_start3A_73] : memref<2x80x128xf32, #tpu.memory_space<vmem>> -> memref<1x80x128xf32, #tpu.memory_space<vmem>>
        %dma_start3A_75 = tpu.memref_squeeze %dma_start3A_74 : memref<1x80x128xf32, #tpu.memory_space<vmem>> -> memref<80x128xf32, #tpu.memory_space<vmem>>
        tpu.enqueue_dma source(%dma_start3A_75 : memref<80x128xf32, #tpu.memory_space<vmem>>) target(%dma_start3A_71 : memref<80x128xf32, #tpu.memory_space<hbm>>) target_semaphore(%run_scoped3A_63 : memref<!tpu.dma_semaphore, #tpu.memory_space<semaphore_mem>>)
        %dma_wait3A_76 = arith.constant 0 : i32
        %dma_wait3A_77 = arith.constant 0 : i32
        %dma_wait3A_78 = tpu.memref_slice %arg9[%run_scoped3A_62, %dma_wait3A_76, %dma_wait3A_77] : memref<2x80x128xf32, #tpu.memory_space<vmem>> -> memref<1x80x128xf32, #tpu.memory_space<vmem>>
        %dma_wait3A_79 = tpu.memref_squeeze %dma_wait3A_78 : memref<1x80x128xf32, #tpu.memory_space<vmem>> -> memref<80x128xf32, #tpu.memory_space<vmem>>
        %dma_wait3A_80 = arith.constant 0 : i32
        %dma_wait3A_81 = tpu.memref_slice %arg6[%add3A_61, %dma_wait3A_80] : memref<20000x128xf32, #tpu.memory_space<hbm>> -> memref<80x128xf32, #tpu.memory_space<hbm>>
        %dma_wait3A_82 = arith.constant 0 : i32
        %dma_wait3A_83 = tpu.memref_slice %arg6[%add3A_61, %dma_wait3A_82] : memref<20000x128xf32, #tpu.memory_space<hbm>> -> memref<80x128xf32, #tpu.memory_space<hbm>>
        %dma_wait3A_84 = arith.constant 0 : i32
        %dma_wait3A_85 = arith.constant 0 : i32
        %dma_wait3A_86 = tpu.memref_slice %arg9[%run_scoped3A_62, %dma_wait3A_84, %dma_wait3A_85] : memref<2x80x128xf32, #tpu.memory_space<vmem>> -> memref<1x80x128xf32, #tpu.memory_space<vmem>>
        %dma_wait3A_87 = tpu.memref_squeeze %dma_wait3A_86 : memref<1x80x128xf32, #tpu.memory_space<vmem>> -> memref<80x128xf32, #tpu.memory_space<vmem>>
        tpu.wait_dma2 semaphore(%run_scoped3A_63 : memref<!tpu.dma_semaphore, #tpu.memory_space<semaphore_mem>>) src(%dma_wait3A_87 : memref<80x128xf32, #tpu.memory_space<vmem>>) dst(%dma_wait3A_83 : memref<80x128xf32, #tpu.memory_space<hbm>>)
        tpu.yield
      }) : () -> ()
    }
    return
  }
}

#map = affine_map<(d0, d1) -> (0)>
#map1 = affine_map<(d0, d1) -> (0, 0)>
module attributes {stable_mosaic.version = 14 : i64} {
  func.func @body(%arg0: i32, %arg1: i32, %arg2: memref<320000xi32, #tpu.memory_space<hbm>>, %arg3: memref<160000xi32, #tpu.memory_space<hbm>>, %arg4: memref<80x128xf32, #tpu.memory_space<hbm>>, %arg5: memref<80x128xf32, #tpu.memory_space<hbm>>, %arg6: memref<10000x128xf32, #tpu.memory_space<hbm>>, %arg7: memref<2x80xi32, #tpu.memory_space<vmem>>, %arg8: memref<2x80xi32, #tpu.memory_space<vmem>>, %arg9: memref<2x80x128xf32, #tpu.memory_space<vmem>>, %arg10: memref<10240x128xf32, #tpu.memory_space<vmem_shared>>, %arg11: memref<!tpu.dma_semaphore, #tpu.memory_space<semaphore_mem>>) attributes {dimension_semantics = [#tpu.dimension_semantics<core_parallel>, #tpu.dimension_semantics<subcore_parallel>], iteration_bounds = array<i64: 2, 16>, scalar_prefetch = 0 : i64, scratch_operands = 5 : i64, tpu.core_type = #tpu.core_type<sc_vector_subcore>, window_params = [{transform_indices = #map}, {transform_indices = #map}, {transform_indices = #map1}, {transform_indices = #map1}, {transform_indices = #map1}]} {
    %mul3A = arith.constant 640 : i32
    %mul3A_0 = arith.muli %arg1, %mul3A : i32
    %run_scoped3A = arith.constant 0 : i32
    "tpu.region"() ({
      %run_scoped3A_49 = tpu.sem_alloc : memref<!tpu.dma_semaphore, #tpu.memory_space<semaphore_mem>>
      %dma_start3A_50 = arith.constant 0 : i32
      %dma_start3A_51 = arith.constant 0 : i32
      %dma_start3A_52 = tpu.memref_slice %arg9[%run_scoped3A, %dma_start3A_50, %dma_start3A_51] : memref<2x80x128xf32, #tpu.memory_space<vmem>> -> memref<1x80x128xf32, #tpu.memory_space<vmem>>
      %dma_start3A_53 = tpu.memref_squeeze %dma_start3A_52 : memref<1x80x128xf32, #tpu.memory_space<vmem>> -> memref<80x128xf32, #tpu.memory_space<vmem>>
      %dma_start3A_54 = arith.constant 0 : i32
      %dma_start3A_55 = arith.constant 0 : i32
      %dma_start3A_56 = tpu.memref_slice %arg9[%run_scoped3A, %dma_start3A_54, %dma_start3A_55] : memref<2x80x128xf32, #tpu.memory_space<vmem>> -> memref<1x80x128xf32, #tpu.memory_space<vmem>>
      %dma_start3A_57 = tpu.memref_squeeze %dma_start3A_56 : memref<1x80x128xf32, #tpu.memory_space<vmem>> -> memref<80x128xf32, #tpu.memory_space<vmem>>
      tpu.enqueue_dma source(%arg5 : memref<80x128xf32, #tpu.memory_space<hbm>>) target(%dma_start3A_57 : memref<80x128xf32, #tpu.memory_space<vmem>>) target_semaphore(%run_scoped3A_49 : memref<!tpu.dma_semaphore, #tpu.memory_space<semaphore_mem>>)
      %dma_wait3A_58 = arith.constant 0 : i32
      %dma_wait3A_59 = arith.constant 0 : i32
      %dma_wait3A_60 = tpu.memref_slice %arg9[%run_scoped3A, %dma_wait3A_58, %dma_wait3A_59] : memref<2x80x128xf32, #tpu.memory_space<vmem>> -> memref<1x80x128xf32, #tpu.memory_space<vmem>>
      %dma_wait3A_61 = tpu.memref_squeeze %dma_wait3A_60 : memref<1x80x128xf32, #tpu.memory_space<vmem>> -> memref<80x128xf32, #tpu.memory_space<vmem>>
      %dma_wait3A_62 = arith.constant 0 : i32
      %dma_wait3A_63 = arith.constant 0 : i32
      %dma_wait3A_64 = tpu.memref_slice %arg9[%run_scoped3A, %dma_wait3A_62, %dma_wait3A_63] : memref<2x80x128xf32, #tpu.memory_space<vmem>> -> memref<1x80x128xf32, #tpu.memory_space<vmem>>
      %dma_wait3A_65 = tpu.memref_squeeze %dma_wait3A_64 : memref<1x80x128xf32, #tpu.memory_space<vmem>> -> memref<80x128xf32, #tpu.memory_space<vmem>>
      tpu.wait_dma2 semaphore(%run_scoped3A_49 : memref<!tpu.dma_semaphore, #tpu.memory_space<semaphore_mem>>) src(%arg5 : memref<80x128xf32, #tpu.memory_space<hbm>>) dst(%dma_wait3A_65 : memref<80x128xf32, #tpu.memory_space<vmem>>)
      tpu.yield
    }) : () -> ()
    %scan3A = arith.constant 0 : i32
    %scan3A_1 = arith.constant 0 : i32
    %scan3A_2 = arith.constant 8 : i32
    %scan3A_3 = arith.addi %scan3A_1, %scan3A_2 : i32
    %scan3A_4 = arith.constant 1 : i32
    scf.for %scan3A_49 = %scan3A_1 to %scan3A_3 step %scan3A_4  : i32 {
      %mul3A_50 = arith.constant 80 : i32
      %mul3A_51 = arith.muli %scan3A_49, %mul3A_50 : i32
      %add3A_52 = arith.addi %mul3A_0, %mul3A_51 : i32
      %run_scoped3A_53 = arith.constant 0 : i32
      "tpu.region"() ({
        %run_scoped3A_54 = tpu.sem_alloc : memref<!tpu.dma_semaphore, #tpu.memory_space<semaphore_mem>>
        %dma_start3A_55 = arith.constant 0 : i32
        %dma_start3A_56 = arith.constant 0 : i32
        %dma_start3A_57 = tpu.memref_slice %arg9[%run_scoped3A_53, %dma_start3A_55, %dma_start3A_56] : memref<2x80x128xf32, #tpu.memory_space<vmem>> -> memref<1x80x128xf32, #tpu.memory_space<vmem>>
        %dma_start3A_58 = tpu.memref_squeeze %dma_start3A_57 : memref<1x80x128xf32, #tpu.memory_space<vmem>> -> memref<80x128xf32, #tpu.memory_space<vmem>>
        %dma_start3A_59 = arith.constant 0 : i32
        %dma_start3A_60 = tpu.memref_slice %arg10[%add3A_52, %dma_start3A_59] : memref<10240x128xf32, #tpu.memory_space<vmem_shared>> -> memref<80x128xf32, #tpu.memory_space<vmem_shared>>
        %dma_start3A_61 = arith.constant 0 : i32
        %dma_start3A_62 = tpu.memref_slice %arg10[%add3A_52, %dma_start3A_61] : memref<10240x128xf32, #tpu.memory_space<vmem_shared>> -> memref<80x128xf32, #tpu.memory_space<vmem_shared>>
        %dma_start3A_63 = arith.constant 0 : i32
        %dma_start3A_64 = arith.constant 0 : i32
        %dma_start3A_65 = tpu.memref_slice %arg9[%run_scoped3A_53, %dma_start3A_63, %dma_start3A_64] : memref<2x80x128xf32, #tpu.memory_space<vmem>> -> memref<1x80x128xf32, #tpu.memory_space<vmem>>
        %dma_start3A_66 = tpu.memref_squeeze %dma_start3A_65 : memref<1x80x128xf32, #tpu.memory_space<vmem>> -> memref<80x128xf32, #tpu.memory_space<vmem>>
        tpu.enqueue_dma source(%dma_start3A_66 : memref<80x128xf32, #tpu.memory_space<vmem>>) target(%dma_start3A_62 : memref<80x128xf32, #tpu.memory_space<vmem_shared>>) target_semaphore(%run_scoped3A_54 : memref<!tpu.dma_semaphore, #tpu.memory_space<semaphore_mem>>)
        %dma_wait3A_67 = arith.constant 0 : i32
        %dma_wait3A_68 = arith.constant 0 : i32
        %dma_wait3A_69 = tpu.memref_slice %arg9[%run_scoped3A_53, %dma_wait3A_67, %dma_wait3A_68] : memref<2x80x128xf32, #tpu.memory_space<vmem>> -> memref<1x80x128xf32, #tpu.memory_space<vmem>>
        %dma_wait3A_70 = tpu.memref_squeeze %dma_wait3A_69 : memref<1x80x128xf32, #tpu.memory_space<vmem>> -> memref<80x128xf32, #tpu.memory_space<vmem>>
        %dma_wait3A_71 = arith.constant 0 : i32
        %dma_wait3A_72 = tpu.memref_slice %arg10[%add3A_52, %dma_wait3A_71] : memref<10240x128xf32, #tpu.memory_space<vmem_shared>> -> memref<80x128xf32, #tpu.memory_space<vmem_shared>>
        %dma_wait3A_73 = arith.constant 0 : i32
        %dma_wait3A_74 = tpu.memref_slice %arg10[%add3A_52, %dma_wait3A_73] : memref<10240x128xf32, #tpu.memory_space<vmem_shared>> -> memref<80x128xf32, #tpu.memory_space<vmem_shared>>
        %dma_wait3A_75 = arith.constant 0 : i32
        %dma_wait3A_76 = arith.constant 0 : i32
        %dma_wait3A_77 = tpu.memref_slice %arg9[%run_scoped3A_53, %dma_wait3A_75, %dma_wait3A_76] : memref<2x80x128xf32, #tpu.memory_space<vmem>> -> memref<1x80x128xf32, #tpu.memory_space<vmem>>
        %dma_wait3A_78 = tpu.memref_squeeze %dma_wait3A_77 : memref<1x80x128xf32, #tpu.memory_space<vmem>> -> memref<80x128xf32, #tpu.memory_space<vmem>>
        tpu.wait_dma2 semaphore(%run_scoped3A_54 : memref<!tpu.dma_semaphore, #tpu.memory_space<semaphore_mem>>) src(%dma_wait3A_78 : memref<80x128xf32, #tpu.memory_space<vmem>>) dst(%dma_wait3A_74 : memref<80x128xf32, #tpu.memory_space<vmem_shared>>)
        tpu.yield
      }) : () -> ()
    }
    %scan3A_5 = arith.constant 8 : i32
    %barrier3A = arith.constant 0 : index
    tpu.barrier barrier_id(%barrier3A)
    %mul3A_6 = arith.constant 10000 : i32
    %mul3A_7 = arith.muli %arg1, %mul3A_6 : i32
    %mul3A_8 = arith.constant 160000 : i32
    %mul3A_9 = arith.muli %arg0, %mul3A_8 : i32
    %add3A = arith.addi %mul3A_9, %mul3A_7 : i32
    %run_scoped3A_10 = arith.constant 0 : i32
    "tpu.region"() ({
      %run_scoped3A_49 = tpu.sem_alloc : memref<!tpu.dma_semaphore, #tpu.memory_space<semaphore_mem>>
      %dma_start3A_50 = arith.constant 0 : i32
      %dma_start3A_51 = arith.constant 0 : i32
      %dma_start3A_52 = tpu.memref_slice %arg9[%run_scoped3A_10, %dma_start3A_50, %dma_start3A_51] : memref<2x80x128xf32, #tpu.memory_space<vmem>> -> memref<1x80x128xf32, #tpu.memory_space<vmem>>
      %dma_start3A_53 = tpu.memref_squeeze %dma_start3A_52 : memref<1x80x128xf32, #tpu.memory_space<vmem>> -> memref<80x128xf32, #tpu.memory_space<vmem>>
      %dma_start3A_54 = arith.constant 0 : i32
      %dma_start3A_55 = arith.constant 0 : i32
      %dma_start3A_56 = tpu.memref_slice %arg9[%run_scoped3A_10, %dma_start3A_54, %dma_start3A_55] : memref<2x80x128xf32, #tpu.memory_space<vmem>> -> memref<1x80x128xf32, #tpu.memory_space<vmem>>
      %dma_start3A_57 = tpu.memref_squeeze %dma_start3A_56 : memref<1x80x128xf32, #tpu.memory_space<vmem>> -> memref<80x128xf32, #tpu.memory_space<vmem>>
      tpu.enqueue_dma source(%arg4 : memref<80x128xf32, #tpu.memory_space<hbm>>) target(%dma_start3A_57 : memref<80x128xf32, #tpu.memory_space<vmem>>) target_semaphore(%run_scoped3A_49 : memref<!tpu.dma_semaphore, #tpu.memory_space<semaphore_mem>>)
      %dma_wait3A_58 = arith.constant 0 : i32
      %dma_wait3A_59 = arith.constant 0 : i32
      %dma_wait3A_60 = tpu.memref_slice %arg9[%run_scoped3A_10, %dma_wait3A_58, %dma_wait3A_59] : memref<2x80x128xf32, #tpu.memory_space<vmem>> -> memref<1x80x128xf32, #tpu.memory_space<vmem>>
      %dma_wait3A_61 = tpu.memref_squeeze %dma_wait3A_60 : memref<1x80x128xf32, #tpu.memory_space<vmem>> -> memref<80x128xf32, #tpu.memory_space<vmem>>
      %dma_wait3A_62 = arith.constant 0 : i32
      %dma_wait3A_63 = arith.constant 0 : i32
      %dma_wait3A_64 = tpu.memref_slice %arg9[%run_scoped3A_10, %dma_wait3A_62, %dma_wait3A_63] : memref<2x80x128xf32, #tpu.memory_space<vmem>> -> memref<1x80x128xf32, #tpu.memory_space<vmem>>
      %dma_wait3A_65 = tpu.memref_squeeze %dma_wait3A_64 : memref<1x80x128xf32, #tpu.memory_space<vmem>> -> memref<80x128xf32, #tpu.memory_space<vmem>>
      tpu.wait_dma2 semaphore(%run_scoped3A_49 : memref<!tpu.dma_semaphore, #tpu.memory_space<semaphore_mem>>) src(%arg4 : memref<80x128xf32, #tpu.memory_space<hbm>>) dst(%dma_wait3A_65 : memref<80x128xf32, #tpu.memory_space<vmem>>)
      tpu.yield
    }) : () -> ()
    %dma_start3A = arith.constant 0 : i32
    %dma_start3A_11 = arith.constant 0 : i32
    %dma_start3A_12 = tpu.memref_slice %arg8[%dma_start3A, %dma_start3A_11] : memref<2x80xi32, #tpu.memory_space<vmem>> -> memref<1x80xi32, #tpu.memory_space<vmem>>
    %dma_start3A_13 = tpu.memref_squeeze %dma_start3A_12 : memref<1x80xi32, #tpu.memory_space<vmem>> -> memref<80xi32, #tpu.memory_space<vmem>>
    %dma_start3A_14 = tpu.memref_slice %arg3[%mul3A_7] : memref<160000xi32, #tpu.memory_space<hbm>> -> memref<80xi32, #tpu.memory_space<hbm>>
    %dma_start3A_15 = arith.constant 0 : i32
    %dma_start3A_16 = tpu.memref_slice %arg8[%dma_start3A, %dma_start3A_15] : memref<2x80xi32, #tpu.memory_space<vmem>> -> memref<1x80xi32, #tpu.memory_space<vmem>>
    %dma_start3A_17 = tpu.memref_squeeze %dma_start3A_16 : memref<1x80xi32, #tpu.memory_space<vmem>> -> memref<80xi32, #tpu.memory_space<vmem>>
    %dma_start3A_18 = tpu.memref_slice %arg3[%mul3A_7] : memref<160000xi32, #tpu.memory_space<hbm>> -> memref<80xi32, #tpu.memory_space<hbm>>
    tpu.enqueue_dma source(%dma_start3A_18 : memref<80xi32, #tpu.memory_space<hbm>>) target(%dma_start3A_17 : memref<80xi32, #tpu.memory_space<vmem>>) target_semaphore(%arg11 : memref<!tpu.dma_semaphore, #tpu.memory_space<semaphore_mem>>)
    %scan3A_19 = arith.constant 0 : i32
    %scan3A_20 = arith.constant 0 : i32
    %scan3A_21 = arith.constant 62 : i32
    %scan3A_22 = arith.addi %scan3A_20, %scan3A_21 : i32
    %scan3A_23 = arith.constant 1 : i32
    scf.for %scan3A_49 = %scan3A_20 to %scan3A_22 step %scan3A_23  : i32 {
      %mul3A_50 = arith.constant 2 : i32
      %mul3A_51 = arith.muli %mul3A_50, %scan3A_49 : i32
      %add3A_52 = arith.constant 0 : i32
      %add3A_53 = arith.addi %mul3A_51, %add3A_52 : i32
      %mul3A_54 = arith.constant 80 : i32
      %mul3A_55 = arith.muli %add3A_53, %mul3A_54 : i32
      %add3A_56 = arith.addi %mul3A_7, %mul3A_55 : i32
      %dma_wait3A_57 = arith.constant 0 : i32
      %dma_wait3A_58 = arith.constant 0 : i32
      %dma_wait3A_59 = tpu.memref_slice %arg8[%dma_wait3A_57, %dma_wait3A_58] : memref<2x80xi32, #tpu.memory_space<vmem>> -> memref<1x80xi32, #tpu.memory_space<vmem>>
      %dma_wait3A_60 = tpu.memref_squeeze %dma_wait3A_59 : memref<1x80xi32, #tpu.memory_space<vmem>> -> memref<80xi32, #tpu.memory_space<vmem>>
      %dma_wait3A_61 = tpu.memref_slice %arg3[%add3A_56] : memref<160000xi32, #tpu.memory_space<hbm>> -> memref<80xi32, #tpu.memory_space<hbm>>
      %dma_wait3A_62 = arith.constant 0 : i32
      %dma_wait3A_63 = tpu.memref_slice %arg8[%dma_wait3A_57, %dma_wait3A_62] : memref<2x80xi32, #tpu.memory_space<vmem>> -> memref<1x80xi32, #tpu.memory_space<vmem>>
      %dma_wait3A_64 = tpu.memref_squeeze %dma_wait3A_63 : memref<1x80xi32, #tpu.memory_space<vmem>> -> memref<80xi32, #tpu.memory_space<vmem>>
      %dma_wait3A_65 = tpu.memref_slice %arg3[%add3A_56] : memref<160000xi32, #tpu.memory_space<hbm>> -> memref<80xi32, #tpu.memory_space<hbm>>
      tpu.wait_dma2 semaphore(%arg11 : memref<!tpu.dma_semaphore, #tpu.memory_space<semaphore_mem>>) src(%dma_wait3A_65 : memref<80xi32, #tpu.memory_space<hbm>>) dst(%dma_wait3A_64 : memref<80xi32, #tpu.memory_space<vmem>>)
      %add3A_66 = arith.constant 1 : i32
      %add3A_67 = arith.addi %add3A_53, %add3A_66 : i32
      %mul3A_68 = arith.constant 80 : i32
      %mul3A_69 = arith.muli %add3A_67, %mul3A_68 : i32
      %add3A_70 = arith.addi %mul3A_7, %mul3A_69 : i32
      %dma_start3A_71 = arith.constant 1 : i32
      %dma_start3A_72 = arith.constant 0 : i32
      %dma_start3A_73 = tpu.memref_slice %arg8[%dma_start3A_71, %dma_start3A_72] : memref<2x80xi32, #tpu.memory_space<vmem>> -> memref<1x80xi32, #tpu.memory_space<vmem>>
      %dma_start3A_74 = tpu.memref_squeeze %dma_start3A_73 : memref<1x80xi32, #tpu.memory_space<vmem>> -> memref<80xi32, #tpu.memory_space<vmem>>
      %dma_start3A_75 = tpu.memref_slice %arg3[%add3A_70] : memref<160000xi32, #tpu.memory_space<hbm>> -> memref<80xi32, #tpu.memory_space<hbm>>
      %dma_start3A_76 = arith.constant 0 : i32
      %dma_start3A_77 = tpu.memref_slice %arg8[%dma_start3A_71, %dma_start3A_76] : memref<2x80xi32, #tpu.memory_space<vmem>> -> memref<1x80xi32, #tpu.memory_space<vmem>>
      %dma_start3A_78 = tpu.memref_squeeze %dma_start3A_77 : memref<1x80xi32, #tpu.memory_space<vmem>> -> memref<80xi32, #tpu.memory_space<vmem>>
      %dma_start3A_79 = tpu.memref_slice %arg3[%add3A_70] : memref<160000xi32, #tpu.memory_space<hbm>> -> memref<80xi32, #tpu.memory_space<hbm>>
      tpu.enqueue_dma source(%dma_start3A_79 : memref<80xi32, #tpu.memory_space<hbm>>) target(%dma_start3A_78 : memref<80xi32, #tpu.memory_space<vmem>>) target_semaphore(%arg11 : memref<!tpu.dma_semaphore, #tpu.memory_space<semaphore_mem>>)
      %run_scoped3A_80 = arith.constant 0 : i32
      %run_scoped3A_81 = arith.constant 0 : i32
      "tpu.region"() ({
        %run_scoped3A_114 = tpu.sem_alloc : memref<!tpu.dma_semaphore, #tpu.memory_space<semaphore_mem>>
        %dma_start3A_115 = arith.constant 0 : i32
        %dma_start3A_116 = arith.constant 0 : i32
        %dma_start3A_117 = tpu.memref_slice %arg9[%run_scoped3A_80, %dma_start3A_115, %dma_start3A_116] : memref<2x80x128xf32, #tpu.memory_space<vmem>> -> memref<1x80x128xf32, #tpu.memory_space<vmem>>
        %dma_start3A_118 = tpu.memref_squeeze %dma_start3A_117 : memref<1x80x128xf32, #tpu.memory_space<vmem>> -> memref<80x128xf32, #tpu.memory_space<vmem>>
        %dma_start3A_119 = arith.constant 0 : i32
        %dma_start3A_120 = tpu.memref_slice %arg8[%run_scoped3A_81, %dma_start3A_119] : memref<2x80xi32, #tpu.memory_space<vmem>> -> memref<1x80xi32, #tpu.memory_space<vmem>>
        %dma_start3A_121 = tpu.memref_squeeze %dma_start3A_120 : memref<1x80xi32, #tpu.memory_space<vmem>> -> memref<80xi32, #tpu.memory_space<vmem>>
        %dma_start3A_122 = arith.constant 0 : i32
        %dma_start3A_123 = arith.constant 0 : i32
        %dma_start3A_124 = tpu.memref_slice %arg10[%dma_start3A_122, %dma_start3A_123] : memref<10240x128xf32, #tpu.memory_space<vmem_shared>> -> memref<10240x128xf32, #tpu.memory_space<vmem_shared>>
        tpu.enqueue_indirect_dma source(%dma_start3A_118 : memref<80x128xf32, #tpu.memory_space<vmem>>) target(%dma_start3A_124 : memref<10240x128xf32, #tpu.memory_space<vmem_shared>>) offsets(%dma_start3A_121 : memref<80xi32, #tpu.memory_space<vmem>>) semaphore(%run_scoped3A_114 : memref<!tpu.dma_semaphore, #tpu.memory_space<semaphore_mem>>) {add = true}
        %dma_wait3A_125 = arith.constant 0 : i32
        %dma_wait3A_126 = arith.constant 0 : i32
        %dma_wait3A_127 = tpu.memref_slice %arg9[%run_scoped3A_80, %dma_wait3A_125, %dma_wait3A_126] : memref<2x80x128xf32, #tpu.memory_space<vmem>> -> memref<1x80x128xf32, #tpu.memory_space<vmem>>
        %dma_wait3A_128 = tpu.memref_squeeze %dma_wait3A_127 : memref<1x80x128xf32, #tpu.memory_space<vmem>> -> memref<80x128xf32, #tpu.memory_space<vmem>>
        %dma_wait3A_129 = arith.constant 0 : i32
        %dma_wait3A_130 = tpu.memref_slice %arg8[%run_scoped3A_81, %dma_wait3A_129] : memref<2x80xi32, #tpu.memory_space<vmem>> -> memref<1x80xi32, #tpu.memory_space<vmem>>
        %dma_wait3A_131 = tpu.memref_squeeze %dma_wait3A_130 : memref<1x80xi32, #tpu.memory_space<vmem>> -> memref<80xi32, #tpu.memory_space<vmem>>
        %dma_wait3A_132 = arith.constant 0 : i32
        %dma_wait3A_133 = arith.constant 0 : i32
        %dma_wait3A_134 = tpu.memref_slice %arg10[%dma_wait3A_132, %dma_wait3A_133] : memref<10240x128xf32, #tpu.memory_space<vmem_shared>> -> memref<10240x128xf32, #tpu.memory_space<vmem_shared>>
        tpu.wait_indirect_dma semaphore(%run_scoped3A_114 : memref<!tpu.dma_semaphore, #tpu.memory_space<semaphore_mem>>) src(%dma_wait3A_128 : memref<80x128xf32, #tpu.memory_space<vmem>>) dst(%dma_wait3A_134 : memref<10240x128xf32, #tpu.memory_space<vmem_shared>>)
        tpu.yield
      }) : () -> ()
      %mul3A_82 = arith.constant 2 : i32
      %mul3A_83 = arith.muli %mul3A_82, %scan3A_49 : i32
      %add3A_84 = arith.constant 1 : i32
      %add3A_85 = arith.addi %mul3A_83, %add3A_84 : i32
      %mul3A_86 = arith.constant 80 : i32
      %mul3A_87 = arith.muli %add3A_85, %mul3A_86 : i32
      %add3A_88 = arith.addi %mul3A_7, %mul3A_87 : i32
      %dma_wait3A_89 = arith.constant 1 : i32
      %dma_wait3A_90 = arith.constant 0 : i32
      %dma_wait3A_91 = tpu.memref_slice %arg8[%dma_wait3A_89, %dma_wait3A_90] : memref<2x80xi32, #tpu.memory_space<vmem>> -> memref<1x80xi32, #tpu.memory_space<vmem>>
      %dma_wait3A_92 = tpu.memref_squeeze %dma_wait3A_91 : memref<1x80xi32, #tpu.memory_space<vmem>> -> memref<80xi32, #tpu.memory_space<vmem>>
      %dma_wait3A_93 = tpu.memref_slice %arg3[%add3A_88] : memref<160000xi32, #tpu.memory_space<hbm>> -> memref<80xi32, #tpu.memory_space<hbm>>
      %dma_wait3A_94 = arith.constant 0 : i32
      %dma_wait3A_95 = tpu.memref_slice %arg8[%dma_wait3A_89, %dma_wait3A_94] : memref<2x80xi32, #tpu.memory_space<vmem>> -> memref<1x80xi32, #tpu.memory_space<vmem>>
      %dma_wait3A_96 = tpu.memref_squeeze %dma_wait3A_95 : memref<1x80xi32, #tpu.memory_space<vmem>> -> memref<80xi32, #tpu.memory_space<vmem>>
      %dma_wait3A_97 = tpu.memref_slice %arg3[%add3A_88] : memref<160000xi32, #tpu.memory_space<hbm>> -> memref<80xi32, #tpu.memory_space<hbm>>
      tpu.wait_dma2 semaphore(%arg11 : memref<!tpu.dma_semaphore, #tpu.memory_space<semaphore_mem>>) src(%dma_wait3A_97 : memref<80xi32, #tpu.memory_space<hbm>>) dst(%dma_wait3A_96 : memref<80xi32, #tpu.memory_space<vmem>>)
      %add3A_98 = arith.constant 1 : i32
      %add3A_99 = arith.addi %add3A_85, %add3A_98 : i32
      %mul3A_100 = arith.constant 80 : i32
      %mul3A_101 = arith.muli %add3A_99, %mul3A_100 : i32
      %add3A_102 = arith.addi %mul3A_7, %mul3A_101 : i32
      %dma_start3A_103 = arith.constant 0 : i32
      %dma_start3A_104 = arith.constant 0 : i32
      %dma_start3A_105 = tpu.memref_slice %arg8[%dma_start3A_103, %dma_start3A_104] : memref<2x80xi32, #tpu.memory_space<vmem>> -> memref<1x80xi32, #tpu.memory_space<vmem>>
      %dma_start3A_106 = tpu.memref_squeeze %dma_start3A_105 : memref<1x80xi32, #tpu.memory_space<vmem>> -> memref<80xi32, #tpu.memory_space<vmem>>
      %dma_start3A_107 = tpu.memref_slice %arg3[%add3A_102] : memref<160000xi32, #tpu.memory_space<hbm>> -> memref<80xi32, #tpu.memory_space<hbm>>
      %dma_start3A_108 = arith.constant 0 : i32
      %dma_start3A_109 = tpu.memref_slice %arg8[%dma_start3A_103, %dma_start3A_108] : memref<2x80xi32, #tpu.memory_space<vmem>> -> memref<1x80xi32, #tpu.memory_space<vmem>>
      %dma_start3A_110 = tpu.memref_squeeze %dma_start3A_109 : memref<1x80xi32, #tpu.memory_space<vmem>> -> memref<80xi32, #tpu.memory_space<vmem>>
      %dma_start3A_111 = tpu.memref_slice %arg3[%add3A_102] : memref<160000xi32, #tpu.memory_space<hbm>> -> memref<80xi32, #tpu.memory_space<hbm>>
      tpu.enqueue_dma source(%dma_start3A_111 : memref<80xi32, #tpu.memory_space<hbm>>) target(%dma_start3A_110 : memref<80xi32, #tpu.memory_space<vmem>>) target_semaphore(%arg11 : memref<!tpu.dma_semaphore, #tpu.memory_space<semaphore_mem>>)
      %run_scoped3A_112 = arith.constant 0 : i32
      %run_scoped3A_113 = arith.constant 1 : i32
      "tpu.region"() ({
        %run_scoped3A_114 = tpu.sem_alloc : memref<!tpu.dma_semaphore, #tpu.memory_space<semaphore_mem>>
        %dma_start3A_115 = arith.constant 0 : i32
        %dma_start3A_116 = arith.constant 0 : i32
        %dma_start3A_117 = tpu.memref_slice %arg9[%run_scoped3A_112, %dma_start3A_115, %dma_start3A_116] : memref<2x80x128xf32, #tpu.memory_space<vmem>> -> memref<1x80x128xf32, #tpu.memory_space<vmem>>
        %dma_start3A_118 = tpu.memref_squeeze %dma_start3A_117 : memref<1x80x128xf32, #tpu.memory_space<vmem>> -> memref<80x128xf32, #tpu.memory_space<vmem>>
        %dma_start3A_119 = arith.constant 0 : i32
        %dma_start3A_120 = tpu.memref_slice %arg8[%run_scoped3A_113, %dma_start3A_119] : memref<2x80xi32, #tpu.memory_space<vmem>> -> memref<1x80xi32, #tpu.memory_space<vmem>>
        %dma_start3A_121 = tpu.memref_squeeze %dma_start3A_120 : memref<1x80xi32, #tpu.memory_space<vmem>> -> memref<80xi32, #tpu.memory_space<vmem>>
        %dma_start3A_122 = arith.constant 0 : i32
        %dma_start3A_123 = arith.constant 0 : i32
        %dma_start3A_124 = tpu.memref_slice %arg10[%dma_start3A_122, %dma_start3A_123] : memref<10240x128xf32, #tpu.memory_space<vmem_shared>> -> memref<10240x128xf32, #tpu.memory_space<vmem_shared>>
        tpu.enqueue_indirect_dma source(%dma_start3A_118 : memref<80x128xf32, #tpu.memory_space<vmem>>) target(%dma_start3A_124 : memref<10240x128xf32, #tpu.memory_space<vmem_shared>>) offsets(%dma_start3A_121 : memref<80xi32, #tpu.memory_space<vmem>>) semaphore(%run_scoped3A_114 : memref<!tpu.dma_semaphore, #tpu.memory_space<semaphore_mem>>) {add = true}
        %dma_wait3A_125 = arith.constant 0 : i32
        %dma_wait3A_126 = arith.constant 0 : i32
        %dma_wait3A_127 = tpu.memref_slice %arg9[%run_scoped3A_112, %dma_wait3A_125, %dma_wait3A_126] : memref<2x80x128xf32, #tpu.memory_space<vmem>> -> memref<1x80x128xf32, #tpu.memory_space<vmem>>
        %dma_wait3A_128 = tpu.memref_squeeze %dma_wait3A_127 : memref<1x80x128xf32, #tpu.memory_space<vmem>> -> memref<80x128xf32, #tpu.memory_space<vmem>>
        %dma_wait3A_129 = arith.constant 0 : i32
        %dma_wait3A_130 = tpu.memref_slice %arg8[%run_scoped3A_113, %dma_wait3A_129] : memref<2x80xi32, #tpu.memory_space<vmem>> -> memref<1x80xi32, #tpu.memory_space<vmem>>
        %dma_wait3A_131 = tpu.memref_squeeze %dma_wait3A_130 : memref<1x80xi32, #tpu.memory_space<vmem>> -> memref<80xi32, #tpu.memory_space<vmem>>
        %dma_wait3A_132 = arith.constant 0 : i32
        %dma_wait3A_133 = arith.constant 0 : i32
        %dma_wait3A_134 = tpu.memref_slice %arg10[%dma_wait3A_132, %dma_wait3A_133] : memref<10240x128xf32, #tpu.memory_space<vmem_shared>> -> memref<10240x128xf32, #tpu.memory_space<vmem_shared>>
        tpu.wait_indirect_dma semaphore(%run_scoped3A_114 : memref<!tpu.dma_semaphore, #tpu.memory_space<semaphore_mem>>) src(%dma_wait3A_128 : memref<80x128xf32, #tpu.memory_space<vmem>>) dst(%dma_wait3A_134 : memref<10240x128xf32, #tpu.memory_space<vmem_shared>>)
        tpu.yield
      }) : () -> ()
    }
    %scan3A_24 = arith.constant 62 : i32
    %add3A_25 = arith.constant 9920 : i32
    %add3A_26 = arith.addi %mul3A_7, %add3A_25 : i32
    %dma_wait3A = arith.constant 0 : i32
    %dma_wait3A_27 = arith.constant 0 : i32
    %dma_wait3A_28 = tpu.memref_slice %arg8[%dma_wait3A, %dma_wait3A_27] : memref<2x80xi32, #tpu.memory_space<vmem>> -> memref<1x80xi32, #tpu.memory_space<vmem>>
    %dma_wait3A_29 = tpu.memref_squeeze %dma_wait3A_28 : memref<1x80xi32, #tpu.memory_space<vmem>> -> memref<80xi32, #tpu.memory_space<vmem>>
    %dma_wait3A_30 = tpu.memref_slice %arg3[%add3A_26] : memref<160000xi32, #tpu.memory_space<hbm>> -> memref<80xi32, #tpu.memory_space<hbm>>
    %dma_wait3A_31 = arith.constant 0 : i32
    %dma_wait3A_32 = tpu.memref_slice %arg8[%dma_wait3A, %dma_wait3A_31] : memref<2x80xi32, #tpu.memory_space<vmem>> -> memref<1x80xi32, #tpu.memory_space<vmem>>
    %dma_wait3A_33 = tpu.memref_squeeze %dma_wait3A_32 : memref<1x80xi32, #tpu.memory_space<vmem>> -> memref<80xi32, #tpu.memory_space<vmem>>
    %dma_wait3A_34 = tpu.memref_slice %arg3[%add3A_26] : memref<160000xi32, #tpu.memory_space<hbm>> -> memref<80xi32, #tpu.memory_space<hbm>>
    tpu.wait_dma2 semaphore(%arg11 : memref<!tpu.dma_semaphore, #tpu.memory_space<semaphore_mem>>) src(%dma_wait3A_34 : memref<80xi32, #tpu.memory_space<hbm>>) dst(%dma_wait3A_33 : memref<80xi32, #tpu.memory_space<vmem>>)
    %run_scoped3A_35 = arith.constant 0 : i32
    %run_scoped3A_36 = arith.constant 0 : i32
    "tpu.region"() ({
      %run_scoped3A_49 = tpu.sem_alloc : memref<!tpu.dma_semaphore, #tpu.memory_space<semaphore_mem>>
      %dma_start3A_50 = arith.constant 0 : i32
      %dma_start3A_51 = arith.constant 0 : i32
      %dma_start3A_52 = tpu.memref_slice %arg9[%run_scoped3A_35, %dma_start3A_50, %dma_start3A_51] : memref<2x80x128xf32, #tpu.memory_space<vmem>> -> memref<1x80x128xf32, #tpu.memory_space<vmem>>
      %dma_start3A_53 = tpu.memref_squeeze %dma_start3A_52 : memref<1x80x128xf32, #tpu.memory_space<vmem>> -> memref<80x128xf32, #tpu.memory_space<vmem>>
      %dma_start3A_54 = arith.constant 0 : i32
      %dma_start3A_55 = tpu.memref_slice %arg8[%run_scoped3A_36, %dma_start3A_54] : memref<2x80xi32, #tpu.memory_space<vmem>> -> memref<1x80xi32, #tpu.memory_space<vmem>>
      %dma_start3A_56 = tpu.memref_squeeze %dma_start3A_55 : memref<1x80xi32, #tpu.memory_space<vmem>> -> memref<80xi32, #tpu.memory_space<vmem>>
      %dma_start3A_57 = arith.constant 0 : i32
      %dma_start3A_58 = arith.constant 0 : i32
      %dma_start3A_59 = tpu.memref_slice %arg10[%dma_start3A_57, %dma_start3A_58] : memref<10240x128xf32, #tpu.memory_space<vmem_shared>> -> memref<10240x128xf32, #tpu.memory_space<vmem_shared>>
      tpu.enqueue_indirect_dma source(%dma_start3A_53 : memref<80x128xf32, #tpu.memory_space<vmem>>) target(%dma_start3A_59 : memref<10240x128xf32, #tpu.memory_space<vmem_shared>>) offsets(%dma_start3A_56 : memref<80xi32, #tpu.memory_space<vmem>>) semaphore(%run_scoped3A_49 : memref<!tpu.dma_semaphore, #tpu.memory_space<semaphore_mem>>) {add = true}
      %dma_wait3A_60 = arith.constant 0 : i32
      %dma_wait3A_61 = arith.constant 0 : i32
      %dma_wait3A_62 = tpu.memref_slice %arg9[%run_scoped3A_35, %dma_wait3A_60, %dma_wait3A_61] : memref<2x80x128xf32, #tpu.memory_space<vmem>> -> memref<1x80x128xf32, #tpu.memory_space<vmem>>
      %dma_wait3A_63 = tpu.memref_squeeze %dma_wait3A_62 : memref<1x80x128xf32, #tpu.memory_space<vmem>> -> memref<80x128xf32, #tpu.memory_space<vmem>>
      %dma_wait3A_64 = arith.constant 0 : i32
      %dma_wait3A_65 = tpu.memref_slice %arg8[%run_scoped3A_36, %dma_wait3A_64] : memref<2x80xi32, #tpu.memory_space<vmem>> -> memref<1x80xi32, #tpu.memory_space<vmem>>
      %dma_wait3A_66 = tpu.memref_squeeze %dma_wait3A_65 : memref<1x80xi32, #tpu.memory_space<vmem>> -> memref<80xi32, #tpu.memory_space<vmem>>
      %dma_wait3A_67 = arith.constant 0 : i32
      %dma_wait3A_68 = arith.constant 0 : i32
      %dma_wait3A_69 = tpu.memref_slice %arg10[%dma_wait3A_67, %dma_wait3A_68] : memref<10240x128xf32, #tpu.memory_space<vmem_shared>> -> memref<10240x128xf32, #tpu.memory_space<vmem_shared>>
      tpu.wait_indirect_dma semaphore(%run_scoped3A_49 : memref<!tpu.dma_semaphore, #tpu.memory_space<semaphore_mem>>) src(%dma_wait3A_63 : memref<80x128xf32, #tpu.memory_space<vmem>>) dst(%dma_wait3A_69 : memref<10240x128xf32, #tpu.memory_space<vmem_shared>>)
      tpu.yield
    }) : () -> ()
    %barrier3A_37 = arith.constant 0 : index
    tpu.barrier barrier_id(%barrier3A_37)
    %eq3A = arith.constant 15 : i32
    %eq3A_38 = arith.cmpi eq, %arg1, %eq3A : i32
    %jit3A = arith.constant 5 : i32
    %jit3A_39 = arith.constant 8 : i32
    %select_n3A = arith.select %eq3A_38, %jit3A, %jit3A_39 : i32
    %while3A = arith.constant 0 : i32
    %while3A_40 = arith.constant 0 : i32
    %while3A_41 = arith.subi %select_n3A, %while3A_40 : i32
    %while3A_42 = arith.addi %while3A_40, %while3A_41 : i32
    %while3A_43 = arith.constant 1 : i32
    %while3A_44 = arith.divsi %while3A_41, %while3A_43 : i32
    %while3A_45 = arith.muli %while3A_44, %while3A_43 : i32
    %while3A_46 = arith.addi %while3A_40, %while3A_45 : i32
    %while3A_47 = arith.constant 1 : i32
    scf.for %while3A_49 = %while3A_40 to %while3A_46 step %while3A_47  : i32 {
      %mul3A_50 = arith.constant 80 : i32
      %mul3A_51 = arith.muli %while3A_49, %mul3A_50 : i32
      %add3A_52 = arith.addi %mul3A_0, %mul3A_51 : i32
      %run_scoped3A_53 = arith.constant 0 : i32
      "tpu.region"() ({
        %run_scoped3A_57 = tpu.sem_alloc : memref<!tpu.dma_semaphore, #tpu.memory_space<semaphore_mem>>
        %dma_start3A_58 = arith.constant 0 : i32
        %dma_start3A_59 = arith.constant 0 : i32
        %dma_start3A_60 = tpu.memref_slice %arg9[%run_scoped3A_53, %dma_start3A_58, %dma_start3A_59] : memref<2x80x128xf32, #tpu.memory_space<vmem>> -> memref<1x80x128xf32, #tpu.memory_space<vmem>>
        %dma_start3A_61 = tpu.memref_squeeze %dma_start3A_60 : memref<1x80x128xf32, #tpu.memory_space<vmem>> -> memref<80x128xf32, #tpu.memory_space<vmem>>
        %dma_start3A_62 = arith.constant 0 : i32
        %dma_start3A_63 = tpu.memref_slice %arg10[%add3A_52, %dma_start3A_62] : memref<10240x128xf32, #tpu.memory_space<vmem_shared>> -> memref<80x128xf32, #tpu.memory_space<vmem_shared>>
        %dma_start3A_64 = arith.constant 0 : i32
        %dma_start3A_65 = arith.constant 0 : i32
        %dma_start3A_66 = tpu.memref_slice %arg9[%run_scoped3A_53, %dma_start3A_64, %dma_start3A_65] : memref<2x80x128xf32, #tpu.memory_space<vmem>> -> memref<1x80x128xf32, #tpu.memory_space<vmem>>
        %dma_start3A_67 = tpu.memref_squeeze %dma_start3A_66 : memref<1x80x128xf32, #tpu.memory_space<vmem>> -> memref<80x128xf32, #tpu.memory_space<vmem>>
        %dma_start3A_68 = arith.constant 0 : i32
        %dma_start3A_69 = tpu.memref_slice %arg10[%add3A_52, %dma_start3A_68] : memref<10240x128xf32, #tpu.memory_space<vmem_shared>> -> memref<80x128xf32, #tpu.memory_space<vmem_shared>>
        tpu.enqueue_dma source(%dma_start3A_69 : memref<80x128xf32, #tpu.memory_space<vmem_shared>>) target(%dma_start3A_67 : memref<80x128xf32, #tpu.memory_space<vmem>>) target_semaphore(%run_scoped3A_57 : memref<!tpu.dma_semaphore, #tpu.memory_space<semaphore_mem>>)
        %dma_wait3A_70 = arith.constant 0 : i32
        %dma_wait3A_71 = arith.constant 0 : i32
        %dma_wait3A_72 = tpu.memref_slice %arg9[%run_scoped3A_53, %dma_wait3A_70, %dma_wait3A_71] : memref<2x80x128xf32, #tpu.memory_space<vmem>> -> memref<1x80x128xf32, #tpu.memory_space<vmem>>
        %dma_wait3A_73 = tpu.memref_squeeze %dma_wait3A_72 : memref<1x80x128xf32, #tpu.memory_space<vmem>> -> memref<80x128xf32, #tpu.memory_space<vmem>>
        %dma_wait3A_74 = arith.constant 0 : i32
        %dma_wait3A_75 = tpu.memref_slice %arg10[%add3A_52, %dma_wait3A_74] : memref<10240x128xf32, #tpu.memory_space<vmem_shared>> -> memref<80x128xf32, #tpu.memory_space<vmem_shared>>
        %dma_wait3A_76 = arith.constant 0 : i32
        %dma_wait3A_77 = arith.constant 0 : i32
        %dma_wait3A_78 = tpu.memref_slice %arg9[%run_scoped3A_53, %dma_wait3A_76, %dma_wait3A_77] : memref<2x80x128xf32, #tpu.memory_space<vmem>> -> memref<1x80x128xf32, #tpu.memory_space<vmem>>
        %dma_wait3A_79 = tpu.memref_squeeze %dma_wait3A_78 : memref<1x80x128xf32, #tpu.memory_space<vmem>> -> memref<80x128xf32, #tpu.memory_space<vmem>>
        %dma_wait3A_80 = arith.constant 0 : i32
        %dma_wait3A_81 = tpu.memref_slice %arg10[%add3A_52, %dma_wait3A_80] : memref<10240x128xf32, #tpu.memory_space<vmem_shared>> -> memref<80x128xf32, #tpu.memory_space<vmem_shared>>
        tpu.wait_dma2 semaphore(%run_scoped3A_57 : memref<!tpu.dma_semaphore, #tpu.memory_space<semaphore_mem>>) src(%dma_wait3A_81 : memref<80x128xf32, #tpu.memory_space<vmem_shared>>) dst(%dma_wait3A_79 : memref<80x128xf32, #tpu.memory_space<vmem>>)
        tpu.yield
      }) : () -> ()
      %eq3A_54 = arith.constant 0 : i32
      %eq3A_55 = arith.cmpi eq, %arg0, %eq3A_54 : i32
      %convert_element_type3A = arith.extui %eq3A_55 : i1 to i32
      %cond3A = arith.constant 0 : i32
      %cond3A_56 = arith.cmpi ne, %convert_element_type3A, %cond3A : i32
      scf.if %cond3A_56 {
        %run_scoped3A_57 = arith.constant 0 : i32
        "tpu.region"() ({
          %run_scoped3A_58 = tpu.sem_alloc : memref<!tpu.dma_semaphore, #tpu.memory_space<semaphore_mem>>
          %dma_start3A_59 = arith.constant 0 : i32
          %dma_start3A_60 = arith.constant 0 : i32
          %dma_start3A_61 = tpu.memref_slice %arg9[%run_scoped3A_57, %dma_start3A_59, %dma_start3A_60] : memref<2x80x128xf32, #tpu.memory_space<vmem>> -> memref<1x80x128xf32, #tpu.memory_space<vmem>>
          %dma_start3A_62 = tpu.memref_squeeze %dma_start3A_61 : memref<1x80x128xf32, #tpu.memory_space<vmem>> -> memref<80x128xf32, #tpu.memory_space<vmem>>
          %dma_start3A_63 = arith.constant 0 : i32
          %dma_start3A_64 = tpu.memref_slice %arg6[%add3A_52, %dma_start3A_63] : memref<10000x128xf32, #tpu.memory_space<hbm>> -> memref<80x128xf32, #tpu.memory_space<hbm>>
          %dma_start3A_65 = arith.constant 0 : i32
          %dma_start3A_66 = tpu.memref_slice %arg6[%add3A_52, %dma_start3A_65] : memref<10000x128xf32, #tpu.memory_space<hbm>> -> memref<80x128xf32, #tpu.memory_space<hbm>>
          %dma_start3A_67 = arith.constant 0 : i32
          %dma_start3A_68 = arith.constant 0 : i32
          %dma_start3A_69 = tpu.memref_slice %arg9[%run_scoped3A_57, %dma_start3A_67, %dma_start3A_68] : memref<2x80x128xf32, #tpu.memory_space<vmem>> -> memref<1x80x128xf32, #tpu.memory_space<vmem>>
          %dma_start3A_70 = tpu.memref_squeeze %dma_start3A_69 : memref<1x80x128xf32, #tpu.memory_space<vmem>> -> memref<80x128xf32, #tpu.memory_space<vmem>>
          tpu.enqueue_dma source(%dma_start3A_70 : memref<80x128xf32, #tpu.memory_space<vmem>>) target(%dma_start3A_66 : memref<80x128xf32, #tpu.memory_space<hbm>>) target_semaphore(%run_scoped3A_58 : memref<!tpu.dma_semaphore, #tpu.memory_space<semaphore_mem>>)
          %dma_wait3A_71 = arith.constant 0 : i32
          %dma_wait3A_72 = arith.constant 0 : i32
          %dma_wait3A_73 = tpu.memref_slice %arg9[%run_scoped3A_57, %dma_wait3A_71, %dma_wait3A_72] : memref<2x80x128xf32, #tpu.memory_space<vmem>> -> memref<1x80x128xf32, #tpu.memory_space<vmem>>
          %dma_wait3A_74 = tpu.memref_squeeze %dma_wait3A_73 : memref<1x80x128xf32, #tpu.memory_space<vmem>> -> memref<80x128xf32, #tpu.memory_space<vmem>>
          %dma_wait3A_75 = arith.constant 0 : i32
          %dma_wait3A_76 = tpu.memref_slice %arg6[%add3A_52, %dma_wait3A_75] : memref<10000x128xf32, #tpu.memory_space<hbm>> -> memref<80x128xf32, #tpu.memory_space<hbm>>
          %dma_wait3A_77 = arith.constant 0 : i32
          %dma_wait3A_78 = tpu.memref_slice %arg6[%add3A_52, %dma_wait3A_77] : memref<10000x128xf32, #tpu.memory_space<hbm>> -> memref<80x128xf32, #tpu.memory_space<hbm>>
          %dma_wait3A_79 = arith.constant 0 : i32
          %dma_wait3A_80 = arith.constant 0 : i32
          %dma_wait3A_81 = tpu.memref_slice %arg9[%run_scoped3A_57, %dma_wait3A_79, %dma_wait3A_80] : memref<2x80x128xf32, #tpu.memory_space<vmem>> -> memref<1x80x128xf32, #tpu.memory_space<vmem>>
          %dma_wait3A_82 = tpu.memref_squeeze %dma_wait3A_81 : memref<1x80x128xf32, #tpu.memory_space<vmem>> -> memref<80x128xf32, #tpu.memory_space<vmem>>
          tpu.wait_dma2 semaphore(%run_scoped3A_58 : memref<!tpu.dma_semaphore, #tpu.memory_space<semaphore_mem>>) src(%dma_wait3A_82 : memref<80x128xf32, #tpu.memory_space<vmem>>) dst(%dma_wait3A_78 : memref<80x128xf32, #tpu.memory_space<hbm>>)
          tpu.yield
        }) : () -> ()
      } else {
      }
    }
    %while3A_48 = arith.constant 1 : i32
    scf.for %while3A_49 = %while3A_46 to %while3A_42 step %while3A_48  : i32 {
      %mul3A_50 = arith.constant 80 : i32
      %mul3A_51 = arith.muli %while3A_49, %mul3A_50 : i32
      %add3A_52 = arith.addi %mul3A_0, %mul3A_51 : i32
      %run_scoped3A_53 = arith.constant 0 : i32
      "tpu.region"() ({
        %run_scoped3A_57 = tpu.sem_alloc : memref<!tpu.dma_semaphore, #tpu.memory_space<semaphore_mem>>
        %dma_start3A_58 = arith.constant 0 : i32
        %dma_start3A_59 = arith.constant 0 : i32
        %dma_start3A_60 = tpu.memref_slice %arg9[%run_scoped3A_53, %dma_start3A_58, %dma_start3A_59] : memref<2x80x128xf32, #tpu.memory_space<vmem>> -> memref<1x80x128xf32, #tpu.memory_space<vmem>>
        %dma_start3A_61 = tpu.memref_squeeze %dma_start3A_60 : memref<1x80x128xf32, #tpu.memory_space<vmem>> -> memref<80x128xf32, #tpu.memory_space<vmem>>
        %dma_start3A_62 = arith.constant 0 : i32
        %dma_start3A_63 = tpu.memref_slice %arg10[%add3A_52, %dma_start3A_62] : memref<10240x128xf32, #tpu.memory_space<vmem_shared>> -> memref<80x128xf32, #tpu.memory_space<vmem_shared>>
        %dma_start3A_64 = arith.constant 0 : i32
        %dma_start3A_65 = arith.constant 0 : i32
        %dma_start3A_66 = tpu.memref_slice %arg9[%run_scoped3A_53, %dma_start3A_64, %dma_start3A_65] : memref<2x80x128xf32, #tpu.memory_space<vmem>> -> memref<1x80x128xf32, #tpu.memory_space<vmem>>
        %dma_start3A_67 = tpu.memref_squeeze %dma_start3A_66 : memref<1x80x128xf32, #tpu.memory_space<vmem>> -> memref<80x128xf32, #tpu.memory_space<vmem>>
        %dma_start3A_68 = arith.constant 0 : i32
        %dma_start3A_69 = tpu.memref_slice %arg10[%add3A_52, %dma_start3A_68] : memref<10240x128xf32, #tpu.memory_space<vmem_shared>> -> memref<80x128xf32, #tpu.memory_space<vmem_shared>>
        tpu.enqueue_dma source(%dma_start3A_69 : memref<80x128xf32, #tpu.memory_space<vmem_shared>>) target(%dma_start3A_67 : memref<80x128xf32, #tpu.memory_space<vmem>>) target_semaphore(%run_scoped3A_57 : memref<!tpu.dma_semaphore, #tpu.memory_space<semaphore_mem>>)
        %dma_wait3A_70 = arith.constant 0 : i32
        %dma_wait3A_71 = arith.constant 0 : i32
        %dma_wait3A_72 = tpu.memref_slice %arg9[%run_scoped3A_53, %dma_wait3A_70, %dma_wait3A_71] : memref<2x80x128xf32, #tpu.memory_space<vmem>> -> memref<1x80x128xf32, #tpu.memory_space<vmem>>
        %dma_wait3A_73 = tpu.memref_squeeze %dma_wait3A_72 : memref<1x80x128xf32, #tpu.memory_space<vmem>> -> memref<80x128xf32, #tpu.memory_space<vmem>>
        %dma_wait3A_74 = arith.constant 0 : i32
        %dma_wait3A_75 = tpu.memref_slice %arg10[%add3A_52, %dma_wait3A_74] : memref<10240x128xf32, #tpu.memory_space<vmem_shared>> -> memref<80x128xf32, #tpu.memory_space<vmem_shared>>
        %dma_wait3A_76 = arith.constant 0 : i32
        %dma_wait3A_77 = arith.constant 0 : i32
        %dma_wait3A_78 = tpu.memref_slice %arg9[%run_scoped3A_53, %dma_wait3A_76, %dma_wait3A_77] : memref<2x80x128xf32, #tpu.memory_space<vmem>> -> memref<1x80x128xf32, #tpu.memory_space<vmem>>
        %dma_wait3A_79 = tpu.memref_squeeze %dma_wait3A_78 : memref<1x80x128xf32, #tpu.memory_space<vmem>> -> memref<80x128xf32, #tpu.memory_space<vmem>>
        %dma_wait3A_80 = arith.constant 0 : i32
        %dma_wait3A_81 = tpu.memref_slice %arg10[%add3A_52, %dma_wait3A_80] : memref<10240x128xf32, #tpu.memory_space<vmem_shared>> -> memref<80x128xf32, #tpu.memory_space<vmem_shared>>
        tpu.wait_dma2 semaphore(%run_scoped3A_57 : memref<!tpu.dma_semaphore, #tpu.memory_space<semaphore_mem>>) src(%dma_wait3A_81 : memref<80x128xf32, #tpu.memory_space<vmem_shared>>) dst(%dma_wait3A_79 : memref<80x128xf32, #tpu.memory_space<vmem>>)
        tpu.yield
      }) : () -> ()
      %eq3A_54 = arith.constant 0 : i32
      %eq3A_55 = arith.cmpi eq, %arg0, %eq3A_54 : i32
      %convert_element_type3A = arith.extui %eq3A_55 : i1 to i32
      %cond3A = arith.constant 0 : i32
      %cond3A_56 = arith.cmpi ne, %convert_element_type3A, %cond3A : i32
      scf.if %cond3A_56 {
        %run_scoped3A_57 = arith.constant 0 : i32
        "tpu.region"() ({
          %run_scoped3A_58 = tpu.sem_alloc : memref<!tpu.dma_semaphore, #tpu.memory_space<semaphore_mem>>
          %dma_start3A_59 = arith.constant 0 : i32
          %dma_start3A_60 = arith.constant 0 : i32
          %dma_start3A_61 = tpu.memref_slice %arg9[%run_scoped3A_57, %dma_start3A_59, %dma_start3A_60] : memref<2x80x128xf32, #tpu.memory_space<vmem>> -> memref<1x80x128xf32, #tpu.memory_space<vmem>>
          %dma_start3A_62 = tpu.memref_squeeze %dma_start3A_61 : memref<1x80x128xf32, #tpu.memory_space<vmem>> -> memref<80x128xf32, #tpu.memory_space<vmem>>
          %dma_start3A_63 = arith.constant 0 : i32
          %dma_start3A_64 = tpu.memref_slice %arg6[%add3A_52, %dma_start3A_63] : memref<10000x128xf32, #tpu.memory_space<hbm>> -> memref<80x128xf32, #tpu.memory_space<hbm>>
          %dma_start3A_65 = arith.constant 0 : i32
          %dma_start3A_66 = tpu.memref_slice %arg6[%add3A_52, %dma_start3A_65] : memref<10000x128xf32, #tpu.memory_space<hbm>> -> memref<80x128xf32, #tpu.memory_space<hbm>>
          %dma_start3A_67 = arith.constant 0 : i32
          %dma_start3A_68 = arith.constant 0 : i32
          %dma_start3A_69 = tpu.memref_slice %arg9[%run_scoped3A_57, %dma_start3A_67, %dma_start3A_68] : memref<2x80x128xf32, #tpu.memory_space<vmem>> -> memref<1x80x128xf32, #tpu.memory_space<vmem>>
          %dma_start3A_70 = tpu.memref_squeeze %dma_start3A_69 : memref<1x80x128xf32, #tpu.memory_space<vmem>> -> memref<80x128xf32, #tpu.memory_space<vmem>>
          tpu.enqueue_dma source(%dma_start3A_70 : memref<80x128xf32, #tpu.memory_space<vmem>>) target(%dma_start3A_66 : memref<80x128xf32, #tpu.memory_space<hbm>>) target_semaphore(%run_scoped3A_58 : memref<!tpu.dma_semaphore, #tpu.memory_space<semaphore_mem>>)
          %dma_wait3A_71 = arith.constant 0 : i32
          %dma_wait3A_72 = arith.constant 0 : i32
          %dma_wait3A_73 = tpu.memref_slice %arg9[%run_scoped3A_57, %dma_wait3A_71, %dma_wait3A_72] : memref<2x80x128xf32, #tpu.memory_space<vmem>> -> memref<1x80x128xf32, #tpu.memory_space<vmem>>
          %dma_wait3A_74 = tpu.memref_squeeze %dma_wait3A_73 : memref<1x80x128xf32, #tpu.memory_space<vmem>> -> memref<80x128xf32, #tpu.memory_space<vmem>>
          %dma_wait3A_75 = arith.constant 0 : i32
          %dma_wait3A_76 = tpu.memref_slice %arg6[%add3A_52, %dma_wait3A_75] : memref<10000x128xf32, #tpu.memory_space<hbm>> -> memref<80x128xf32, #tpu.memory_space<hbm>>
          %dma_wait3A_77 = arith.constant 0 : i32
          %dma_wait3A_78 = tpu.memref_slice %arg6[%add3A_52, %dma_wait3A_77] : memref<10000x128xf32, #tpu.memory_space<hbm>> -> memref<80x128xf32, #tpu.memory_space<hbm>>
          %dma_wait3A_79 = arith.constant 0 : i32
          %dma_wait3A_80 = arith.constant 0 : i32
          %dma_wait3A_81 = tpu.memref_slice %arg9[%run_scoped3A_57, %dma_wait3A_79, %dma_wait3A_80] : memref<2x80x128xf32, #tpu.memory_space<vmem>> -> memref<1x80x128xf32, #tpu.memory_space<vmem>>
          %dma_wait3A_82 = tpu.memref_squeeze %dma_wait3A_81 : memref<1x80x128xf32, #tpu.memory_space<vmem>> -> memref<80x128xf32, #tpu.memory_space<vmem>>
          tpu.wait_dma2 semaphore(%run_scoped3A_58 : memref<!tpu.dma_semaphore, #tpu.memory_space<semaphore_mem>>) src(%dma_wait3A_82 : memref<80x128xf32, #tpu.memory_space<vmem>>) dst(%dma_wait3A_78 : memref<80x128xf32, #tpu.memory_space<hbm>>)
          tpu.yield
        }) : () -> ()
      } else {
      }
    }
    return
  }
}

#map = affine_map<(d0, d1) -> (0)>
#map1 = affine_map<(d0, d1) -> (0, 0)>
module attributes {stable_mosaic.version = 14 : i64} {
  func.func @body(%arg0: i32, %arg1: i32, %arg2: memref<320000xi32, #tpu.memory_space<hbm>>, %arg3: memref<160000xi32, #tpu.memory_space<hbm>>, %arg4: memref<20000x128xf32, #tpu.memory_space<hbm>>, %arg5: memref<80x128xf32, #tpu.memory_space<hbm>>, %arg6: memref<20000x128xf32, #tpu.memory_space<hbm>>, %arg7: memref<2x80xi32, #tpu.memory_space<vmem>>, %arg8: memref<2x80xi32, #tpu.memory_space<vmem>>, %arg9: memref<2x80x128xf32, #tpu.memory_space<vmem>>, %arg10: memref<10240x128xf32, #tpu.memory_space<vmem_shared>>, %arg11: memref<!tpu.dma_semaphore, #tpu.memory_space<semaphore_mem>>) attributes {dimension_semantics = [#tpu.dimension_semantics<core_parallel>, #tpu.dimension_semantics<subcore_parallel>], iteration_bounds = array<i64: 2, 16>, scalar_prefetch = 0 : i64, scratch_operands = 5 : i64, tpu.core_type = #tpu.core_type<sc_vector_subcore>, window_params = [{transform_indices = #map}, {transform_indices = #map}, {transform_indices = #map1}, {transform_indices = #map1}, {transform_indices = #map1}]} {
    %mul3A = arith.constant 640 : i32
    %mul3A_0 = arith.muli %arg1, %mul3A : i32
    %run_scoped3A = arith.constant 0 : i32
    "tpu.region"() ({
      %run_scoped3A_54 = tpu.sem_alloc : memref<!tpu.dma_semaphore, #tpu.memory_space<semaphore_mem>>
      %dma_start3A_55 = arith.constant 0 : i32
      %dma_start3A_56 = arith.constant 0 : i32
      %dma_start3A_57 = tpu.memref_slice %arg9[%run_scoped3A, %dma_start3A_55, %dma_start3A_56] : memref<2x80x128xf32, #tpu.memory_space<vmem>> -> memref<1x80x128xf32, #tpu.memory_space<vmem>>
      %dma_start3A_58 = tpu.memref_squeeze %dma_start3A_57 : memref<1x80x128xf32, #tpu.memory_space<vmem>> -> memref<80x128xf32, #tpu.memory_space<vmem>>
      %dma_start3A_59 = arith.constant 0 : i32
      %dma_start3A_60 = arith.constant 0 : i32
      %dma_start3A_61 = tpu.memref_slice %arg9[%run_scoped3A, %dma_start3A_59, %dma_start3A_60] : memref<2x80x128xf32, #tpu.memory_space<vmem>> -> memref<1x80x128xf32, #tpu.memory_space<vmem>>
      %dma_start3A_62 = tpu.memref_squeeze %dma_start3A_61 : memref<1x80x128xf32, #tpu.memory_space<vmem>> -> memref<80x128xf32, #tpu.memory_space<vmem>>
      tpu.enqueue_dma source(%arg5 : memref<80x128xf32, #tpu.memory_space<hbm>>) target(%dma_start3A_62 : memref<80x128xf32, #tpu.memory_space<vmem>>) target_semaphore(%run_scoped3A_54 : memref<!tpu.dma_semaphore, #tpu.memory_space<semaphore_mem>>)
      %dma_wait3A_63 = arith.constant 0 : i32
      %dma_wait3A_64 = arith.constant 0 : i32
      %dma_wait3A_65 = tpu.memref_slice %arg9[%run_scoped3A, %dma_wait3A_63, %dma_wait3A_64] : memref<2x80x128xf32, #tpu.memory_space<vmem>> -> memref<1x80x128xf32, #tpu.memory_space<vmem>>
      %dma_wait3A_66 = tpu.memref_squeeze %dma_wait3A_65 : memref<1x80x128xf32, #tpu.memory_space<vmem>> -> memref<80x128xf32, #tpu.memory_space<vmem>>
      %dma_wait3A_67 = arith.constant 0 : i32
      %dma_wait3A_68 = arith.constant 0 : i32
      %dma_wait3A_69 = tpu.memref_slice %arg9[%run_scoped3A, %dma_wait3A_67, %dma_wait3A_68] : memref<2x80x128xf32, #tpu.memory_space<vmem>> -> memref<1x80x128xf32, #tpu.memory_space<vmem>>
      %dma_wait3A_70 = tpu.memref_squeeze %dma_wait3A_69 : memref<1x80x128xf32, #tpu.memory_space<vmem>> -> memref<80x128xf32, #tpu.memory_space<vmem>>
      tpu.wait_dma2 semaphore(%run_scoped3A_54 : memref<!tpu.dma_semaphore, #tpu.memory_space<semaphore_mem>>) src(%arg5 : memref<80x128xf32, #tpu.memory_space<hbm>>) dst(%dma_wait3A_70 : memref<80x128xf32, #tpu.memory_space<vmem>>)
      tpu.yield
    }) : () -> ()
    %scan3A = arith.constant 0 : i32
    %scan3A_1 = arith.constant 0 : i32
    %scan3A_2 = arith.constant 8 : i32
    %scan3A_3 = arith.addi %scan3A_1, %scan3A_2 : i32
    %scan3A_4 = arith.constant 1 : i32
    scf.for %scan3A_54 = %scan3A_1 to %scan3A_3 step %scan3A_4  : i32 {
      %mul3A_55 = arith.constant 80 : i32
      %mul3A_56 = arith.muli %scan3A_54, %mul3A_55 : i32
      %add3A_57 = arith.addi %mul3A_0, %mul3A_56 : i32
      %run_scoped3A_58 = arith.constant 0 : i32
      "tpu.region"() ({
        %run_scoped3A_59 = tpu.sem_alloc : memref<!tpu.dma_semaphore, #tpu.memory_space<semaphore_mem>>
        %dma_start3A_60 = arith.constant 0 : i32
        %dma_start3A_61 = arith.constant 0 : i32
        %dma_start3A_62 = tpu.memref_slice %arg9[%run_scoped3A_58, %dma_start3A_60, %dma_start3A_61] : memref<2x80x128xf32, #tpu.memory_space<vmem>> -> memref<1x80x128xf32, #tpu.memory_space<vmem>>
        %dma_start3A_63 = tpu.memref_squeeze %dma_start3A_62 : memref<1x80x128xf32, #tpu.memory_space<vmem>> -> memref<80x128xf32, #tpu.memory_space<vmem>>
        %dma_start3A_64 = arith.constant 0 : i32
        %dma_start3A_65 = tpu.memref_slice %arg10[%add3A_57, %dma_start3A_64] : memref<10240x128xf32, #tpu.memory_space<vmem_shared>> -> memref<80x128xf32, #tpu.memory_space<vmem_shared>>
        %dma_start3A_66 = arith.constant 0 : i32
        %dma_start3A_67 = tpu.memref_slice %arg10[%add3A_57, %dma_start3A_66] : memref<10240x128xf32, #tpu.memory_space<vmem_shared>> -> memref<80x128xf32, #tpu.memory_space<vmem_shared>>
        %dma_start3A_68 = arith.constant 0 : i32
        %dma_start3A_69 = arith.constant 0 : i32
        %dma_start3A_70 = tpu.memref_slice %arg9[%run_scoped3A_58, %dma_start3A_68, %dma_start3A_69] : memref<2x80x128xf32, #tpu.memory_space<vmem>> -> memref<1x80x128xf32, #tpu.memory_space<vmem>>
        %dma_start3A_71 = tpu.memref_squeeze %dma_start3A_70 : memref<1x80x128xf32, #tpu.memory_space<vmem>> -> memref<80x128xf32, #tpu.memory_space<vmem>>
        tpu.enqueue_dma source(%dma_start3A_71 : memref<80x128xf32, #tpu.memory_space<vmem>>) target(%dma_start3A_67 : memref<80x128xf32, #tpu.memory_space<vmem_shared>>) target_semaphore(%run_scoped3A_59 : memref<!tpu.dma_semaphore, #tpu.memory_space<semaphore_mem>>)
        %dma_wait3A_72 = arith.constant 0 : i32
        %dma_wait3A_73 = arith.constant 0 : i32
        %dma_wait3A_74 = tpu.memref_slice %arg9[%run_scoped3A_58, %dma_wait3A_72, %dma_wait3A_73] : memref<2x80x128xf32, #tpu.memory_space<vmem>> -> memref<1x80x128xf32, #tpu.memory_space<vmem>>
        %dma_wait3A_75 = tpu.memref_squeeze %dma_wait3A_74 : memref<1x80x128xf32, #tpu.memory_space<vmem>> -> memref<80x128xf32, #tpu.memory_space<vmem>>
        %dma_wait3A_76 = arith.constant 0 : i32
        %dma_wait3A_77 = tpu.memref_slice %arg10[%add3A_57, %dma_wait3A_76] : memref<10240x128xf32, #tpu.memory_space<vmem_shared>> -> memref<80x128xf32, #tpu.memory_space<vmem_shared>>
        %dma_wait3A_78 = arith.constant 0 : i32
        %dma_wait3A_79 = tpu.memref_slice %arg10[%add3A_57, %dma_wait3A_78] : memref<10240x128xf32, #tpu.memory_space<vmem_shared>> -> memref<80x128xf32, #tpu.memory_space<vmem_shared>>
        %dma_wait3A_80 = arith.constant 0 : i32
        %dma_wait3A_81 = arith.constant 0 : i32
        %dma_wait3A_82 = tpu.memref_slice %arg9[%run_scoped3A_58, %dma_wait3A_80, %dma_wait3A_81] : memref<2x80x128xf32, #tpu.memory_space<vmem>> -> memref<1x80x128xf32, #tpu.memory_space<vmem>>
        %dma_wait3A_83 = tpu.memref_squeeze %dma_wait3A_82 : memref<1x80x128xf32, #tpu.memory_space<vmem>> -> memref<80x128xf32, #tpu.memory_space<vmem>>
        tpu.wait_dma2 semaphore(%run_scoped3A_59 : memref<!tpu.dma_semaphore, #tpu.memory_space<semaphore_mem>>) src(%dma_wait3A_83 : memref<80x128xf32, #tpu.memory_space<vmem>>) dst(%dma_wait3A_79 : memref<80x128xf32, #tpu.memory_space<vmem_shared>>)
        tpu.yield
      }) : () -> ()
    }
    %scan3A_5 = arith.constant 8 : i32
    %barrier3A = arith.constant 0 : index
    tpu.barrier barrier_id(%barrier3A)
    %mul3A_6 = arith.constant 10000 : i32
    %mul3A_7 = arith.muli %arg1, %mul3A_6 : i32
    %mul3A_8 = arith.constant 160000 : i32
    %mul3A_9 = arith.muli %arg0, %mul3A_8 : i32
    %add3A = arith.addi %mul3A_9, %mul3A_7 : i32
    %run_scoped3A_10 = arith.constant 0 : i32
    "tpu.region"() ({
      %run_scoped3A_54 = tpu.sem_alloc : memref<!tpu.dma_semaphore, #tpu.memory_space<semaphore_mem>>
      %dma_start3A_55 = arith.constant 0 : i32
      %dma_start3A_56 = tpu.memref_slice %arg7[%run_scoped3A_10, %dma_start3A_55] : memref<2x80xi32, #tpu.memory_space<vmem>> -> memref<1x80xi32, #tpu.memory_space<vmem>>
      %dma_start3A_57 = tpu.memref_squeeze %dma_start3A_56 : memref<1x80xi32, #tpu.memory_space<vmem>> -> memref<80xi32, #tpu.memory_space<vmem>>
      %dma_start3A_58 = tpu.memref_slice %arg2[%add3A] : memref<320000xi32, #tpu.memory_space<hbm>> -> memref<80xi32, #tpu.memory_space<hbm>>
      %dma_start3A_59 = arith.constant 0 : i32
      %dma_start3A_60 = tpu.memref_slice %arg7[%run_scoped3A_10, %dma_start3A_59] : memref<2x80xi32, #tpu.memory_space<vmem>> -> memref<1x80xi32, #tpu.memory_space<vmem>>
      %dma_start3A_61 = tpu.memref_squeeze %dma_start3A_60 : memref<1x80xi32, #tpu.memory_space<vmem>> -> memref<80xi32, #tpu.memory_space<vmem>>
      %dma_start3A_62 = tpu.memref_slice %arg2[%add3A] : memref<320000xi32, #tpu.memory_space<hbm>> -> memref<80xi32, #tpu.memory_space<hbm>>
      tpu.enqueue_dma source(%dma_start3A_62 : memref<80xi32, #tpu.memory_space<hbm>>) target(%dma_start3A_61 : memref<80xi32, #tpu.memory_space<vmem>>) target_semaphore(%run_scoped3A_54 : memref<!tpu.dma_semaphore, #tpu.memory_space<semaphore_mem>>)
      %dma_wait3A_63 = arith.constant 0 : i32
      %dma_wait3A_64 = tpu.memref_slice %arg7[%run_scoped3A_10, %dma_wait3A_63] : memref<2x80xi32, #tpu.memory_space<vmem>> -> memref<1x80xi32, #tpu.memory_space<vmem>>
      %dma_wait3A_65 = tpu.memref_squeeze %dma_wait3A_64 : memref<1x80xi32, #tpu.memory_space<vmem>> -> memref<80xi32, #tpu.memory_space<vmem>>
      %dma_wait3A_66 = tpu.memref_slice %arg2[%add3A] : memref<320000xi32, #tpu.memory_space<hbm>> -> memref<80xi32, #tpu.memory_space<hbm>>
      %dma_wait3A_67 = arith.constant 0 : i32
      %dma_wait3A_68 = tpu.memref_slice %arg7[%run_scoped3A_10, %dma_wait3A_67] : memref<2x80xi32, #tpu.memory_space<vmem>> -> memref<1x80xi32, #tpu.memory_space<vmem>>
      %dma_wait3A_69 = tpu.memref_squeeze %dma_wait3A_68 : memref<1x80xi32, #tpu.memory_space<vmem>> -> memref<80xi32, #tpu.memory_space<vmem>>
      %dma_wait3A_70 = tpu.memref_slice %arg2[%add3A] : memref<320000xi32, #tpu.memory_space<hbm>> -> memref<80xi32, #tpu.memory_space<hbm>>
      tpu.wait_dma2 semaphore(%run_scoped3A_54 : memref<!tpu.dma_semaphore, #tpu.memory_space<semaphore_mem>>) src(%dma_wait3A_70 : memref<80xi32, #tpu.memory_space<hbm>>) dst(%dma_wait3A_69 : memref<80xi32, #tpu.memory_space<vmem>>)
      tpu.yield
    }) : () -> ()
    %run_scoped3A_11 = arith.constant 0 : i32
    "tpu.region"() ({
      %run_scoped3A_54 = tpu.sem_alloc : memref<!tpu.dma_semaphore, #tpu.memory_space<semaphore_mem>>
      %dma_start3A_55 = arith.constant 0 : i32
      %dma_start3A_56 = tpu.memref_slice %arg8[%run_scoped3A_11, %dma_start3A_55] : memref<2x80xi32, #tpu.memory_space<vmem>> -> memref<1x80xi32, #tpu.memory_space<vmem>>
      %dma_start3A_57 = tpu.memref_squeeze %dma_start3A_56 : memref<1x80xi32, #tpu.memory_space<vmem>> -> memref<80xi32, #tpu.memory_space<vmem>>
      %dma_start3A_58 = tpu.memref_slice %arg3[%mul3A_7] : memref<160000xi32, #tpu.memory_space<hbm>> -> memref<80xi32, #tpu.memory_space<hbm>>
      %dma_start3A_59 = arith.constant 0 : i32
      %dma_start3A_60 = tpu.memref_slice %arg8[%run_scoped3A_11, %dma_start3A_59] : memref<2x80xi32, #tpu.memory_space<vmem>> -> memref<1x80xi32, #tpu.memory_space<vmem>>
      %dma_start3A_61 = tpu.memref_squeeze %dma_start3A_60 : memref<1x80xi32, #tpu.memory_space<vmem>> -> memref<80xi32, #tpu.memory_space<vmem>>
      %dma_start3A_62 = tpu.memref_slice %arg3[%mul3A_7] : memref<160000xi32, #tpu.memory_space<hbm>> -> memref<80xi32, #tpu.memory_space<hbm>>
      tpu.enqueue_dma source(%dma_start3A_62 : memref<80xi32, #tpu.memory_space<hbm>>) target(%dma_start3A_61 : memref<80xi32, #tpu.memory_space<vmem>>) target_semaphore(%run_scoped3A_54 : memref<!tpu.dma_semaphore, #tpu.memory_space<semaphore_mem>>)
      %dma_wait3A_63 = arith.constant 0 : i32
      %dma_wait3A_64 = tpu.memref_slice %arg8[%run_scoped3A_11, %dma_wait3A_63] : memref<2x80xi32, #tpu.memory_space<vmem>> -> memref<1x80xi32, #tpu.memory_space<vmem>>
      %dma_wait3A_65 = tpu.memref_squeeze %dma_wait3A_64 : memref<1x80xi32, #tpu.memory_space<vmem>> -> memref<80xi32, #tpu.memory_space<vmem>>
      %dma_wait3A_66 = tpu.memref_slice %arg3[%mul3A_7] : memref<160000xi32, #tpu.memory_space<hbm>> -> memref<80xi32, #tpu.memory_space<hbm>>
      %dma_wait3A_67 = arith.constant 0 : i32
      %dma_wait3A_68 = tpu.memref_slice %arg8[%run_scoped3A_11, %dma_wait3A_67] : memref<2x80xi32, #tpu.memory_space<vmem>> -> memref<1x80xi32, #tpu.memory_space<vmem>>
      %dma_wait3A_69 = tpu.memref_squeeze %dma_wait3A_68 : memref<1x80xi32, #tpu.memory_space<vmem>> -> memref<80xi32, #tpu.memory_space<vmem>>
      %dma_wait3A_70 = tpu.memref_slice %arg3[%mul3A_7] : memref<160000xi32, #tpu.memory_space<hbm>> -> memref<80xi32, #tpu.memory_space<hbm>>
      tpu.wait_dma2 semaphore(%run_scoped3A_54 : memref<!tpu.dma_semaphore, #tpu.memory_space<semaphore_mem>>) src(%dma_wait3A_70 : memref<80xi32, #tpu.memory_space<hbm>>) dst(%dma_wait3A_69 : memref<80xi32, #tpu.memory_space<vmem>>)
      tpu.yield
    }) : () -> ()
    %dma_start3A = arith.constant 0 : i32
    %dma_start3A_12 = arith.constant 0 : i32
    %dma_start3A_13 = arith.constant 0 : i32
    %dma_start3A_14 = arith.constant 0 : i32
    %dma_start3A_15 = tpu.memref_slice %arg9[%dma_start3A_12, %dma_start3A_13, %dma_start3A_14] : memref<2x80x128xf32, #tpu.memory_space<vmem>> -> memref<1x80x128xf32, #tpu.memory_space<vmem>>
    %dma_start3A_16 = tpu.memref_squeeze %dma_start3A_15 : memref<1x80x128xf32, #tpu.memory_space<vmem>> -> memref<80x128xf32, #tpu.memory_space<vmem>>
    %dma_start3A_17 = arith.constant 0 : i32
    %dma_start3A_18 = tpu.memref_slice %arg7[%dma_start3A, %dma_start3A_17] : memref<2x80xi32, #tpu.memory_space<vmem>> -> memref<1x80xi32, #tpu.memory_space<vmem>>
    %dma_start3A_19 = tpu.memref_squeeze %dma_start3A_18 : memref<1x80xi32, #tpu.memory_space<vmem>> -> memref<80xi32, #tpu.memory_space<vmem>>
    %dma_start3A_20 = arith.constant 0 : i32
    %dma_start3A_21 = arith.constant 0 : i32
    %dma_start3A_22 = tpu.memref_slice %arg4[%dma_start3A_20, %dma_start3A_21] : memref<20000x128xf32, #tpu.memory_space<hbm>> -> memref<20000x128xf32, #tpu.memory_space<hbm>>
    tpu.enqueue_indirect_dma source(%dma_start3A_22 : memref<20000x128xf32, #tpu.memory_space<hbm>>) target(%dma_start3A_16 : memref<80x128xf32, #tpu.memory_space<vmem>>) offsets(%dma_start3A_19 : memref<80xi32, #tpu.memory_space<vmem>>) semaphore(%arg11 : memref<!tpu.dma_semaphore, #tpu.memory_space<semaphore_mem>>)
    %scan3A_23 = arith.constant 0 : i32
    %scan3A_24 = arith.constant 0 : i32
    %scan3A_25 = arith.constant 62 : i32
    %scan3A_26 = arith.addi %scan3A_24, %scan3A_25 : i32
    %scan3A_27 = arith.constant 1 : i32
    scf.for %scan3A_54 = %scan3A_24 to %scan3A_26 step %scan3A_27  : i32 {
      %mul3A_55 = arith.constant 2 : i32
      %mul3A_56 = arith.muli %mul3A_55, %scan3A_54 : i32
      %add3A_57 = arith.constant 0 : i32
      %add3A_58 = arith.addi %mul3A_56, %add3A_57 : i32
      %add3A_59 = arith.constant 1 : i32
      %add3A_60 = arith.addi %add3A_58, %add3A_59 : i32
      %mul3A_61 = arith.constant 80 : i32
      %mul3A_62 = arith.muli %add3A_60, %mul3A_61 : i32
      %add3A_63 = arith.addi %add3A, %mul3A_62 : i32
      %run_scoped3A_64 = arith.constant 1 : i32
      "tpu.region"() ({
        %run_scoped3A_139 = tpu.sem_alloc : memref<!tpu.dma_semaphore, #tpu.memory_space<semaphore_mem>>
        %dma_start3A_140 = arith.constant 0 : i32
        %dma_start3A_141 = tpu.memref_slice %arg7[%run_scoped3A_64, %dma_start3A_140] : memref<2x80xi32, #tpu.memory_space<vmem>> -> memref<1x80xi32, #tpu.memory_space<vmem>>
        %dma_start3A_142 = tpu.memref_squeeze %dma_start3A_141 : memref<1x80xi32, #tpu.memory_space<vmem>> -> memref<80xi32, #tpu.memory_space<vmem>>
        %dma_start3A_143 = tpu.memref_slice %arg2[%add3A_63] : memref<320000xi32, #tpu.memory_space<hbm>> -> memref<80xi32, #tpu.memory_space<hbm>>
        %dma_start3A_144 = arith.constant 0 : i32
        %dma_start3A_145 = tpu.memref_slice %arg7[%run_scoped3A_64, %dma_start3A_144] : memref<2x80xi32, #tpu.memory_space<vmem>> -> memref<1x80xi32, #tpu.memory_space<vmem>>
        %dma_start3A_146 = tpu.memref_squeeze %dma_start3A_145 : memref<1x80xi32, #tpu.memory_space<vmem>> -> memref<80xi32, #tpu.memory_space<vmem>>
        %dma_start3A_147 = tpu.memref_slice %arg2[%add3A_63] : memref<320000xi32, #tpu.memory_space<hbm>> -> memref<80xi32, #tpu.memory_space<hbm>>
        tpu.enqueue_dma source(%dma_start3A_147 : memref<80xi32, #tpu.memory_space<hbm>>) target(%dma_start3A_146 : memref<80xi32, #tpu.memory_space<vmem>>) target_semaphore(%run_scoped3A_139 : memref<!tpu.dma_semaphore, #tpu.memory_space<semaphore_mem>>)
        %dma_wait3A_148 = arith.constant 0 : i32
        %dma_wait3A_149 = tpu.memref_slice %arg7[%run_scoped3A_64, %dma_wait3A_148] : memref<2x80xi32, #tpu.memory_space<vmem>> -> memref<1x80xi32, #tpu.memory_space<vmem>>
        %dma_wait3A_150 = tpu.memref_squeeze %dma_wait3A_149 : memref<1x80xi32, #tpu.memory_space<vmem>> -> memref<80xi32, #tpu.memory_space<vmem>>
        %dma_wait3A_151 = tpu.memref_slice %arg2[%add3A_63] : memref<320000xi32, #tpu.memory_space<hbm>> -> memref<80xi32, #tpu.memory_space<hbm>>
        %dma_wait3A_152 = arith.constant 0 : i32
        %dma_wait3A_153 = tpu.memref_slice %arg7[%run_scoped3A_64, %dma_wait3A_152] : memref<2x80xi32, #tpu.memory_space<vmem>> -> memref<1x80xi32, #tpu.memory_space<vmem>>
        %dma_wait3A_154 = tpu.memref_squeeze %dma_wait3A_153 : memref<1x80xi32, #tpu.memory_space<vmem>> -> memref<80xi32, #tpu.memory_space<vmem>>
        %dma_wait3A_155 = tpu.memref_slice %arg2[%add3A_63] : memref<320000xi32, #tpu.memory_space<hbm>> -> memref<80xi32, #tpu.memory_space<hbm>>
        tpu.wait_dma2 semaphore(%run_scoped3A_139 : memref<!tpu.dma_semaphore, #tpu.memory_space<semaphore_mem>>) src(%dma_wait3A_155 : memref<80xi32, #tpu.memory_space<hbm>>) dst(%dma_wait3A_154 : memref<80xi32, #tpu.memory_space<vmem>>)
        tpu.yield
      }) : () -> ()
      %add3A_65 = arith.constant 1 : i32
      %add3A_66 = arith.addi %add3A_58, %add3A_65 : i32
      %mul3A_67 = arith.constant 80 : i32
      %mul3A_68 = arith.muli %add3A_66, %mul3A_67 : i32
      %add3A_69 = arith.addi %mul3A_7, %mul3A_68 : i32
      %run_scoped3A_70 = arith.constant 1 : i32
      "tpu.region"() ({
        %run_scoped3A_139 = tpu.sem_alloc : memref<!tpu.dma_semaphore, #tpu.memory_space<semaphore_mem>>
        %dma_start3A_140 = arith.constant 0 : i32
        %dma_start3A_141 = tpu.memref_slice %arg8[%run_scoped3A_70, %dma_start3A_140] : memref<2x80xi32, #tpu.memory_space<vmem>> -> memref<1x80xi32, #tpu.memory_space<vmem>>
        %dma_start3A_142 = tpu.memref_squeeze %dma_start3A_141 : memref<1x80xi32, #tpu.memory_space<vmem>> -> memref<80xi32, #tpu.memory_space<vmem>>
        %dma_start3A_143 = tpu.memref_slice %arg3[%add3A_69] : memref<160000xi32, #tpu.memory_space<hbm>> -> memref<80xi32, #tpu.memory_space<hbm>>
        %dma_start3A_144 = arith.constant 0 : i32
        %dma_start3A_145 = tpu.memref_slice %arg8[%run_scoped3A_70, %dma_start3A_144] : memref<2x80xi32, #tpu.memory_space<vmem>> -> memref<1x80xi32, #tpu.memory_space<vmem>>
        %dma_start3A_146 = tpu.memref_squeeze %dma_start3A_145 : memref<1x80xi32, #tpu.memory_space<vmem>> -> memref<80xi32, #tpu.memory_space<vmem>>
        %dma_start3A_147 = tpu.memref_slice %arg3[%add3A_69] : memref<160000xi32, #tpu.memory_space<hbm>> -> memref<80xi32, #tpu.memory_space<hbm>>
        tpu.enqueue_dma source(%dma_start3A_147 : memref<80xi32, #tpu.memory_space<hbm>>) target(%dma_start3A_146 : memref<80xi32, #tpu.memory_space<vmem>>) target_semaphore(%run_scoped3A_139 : memref<!tpu.dma_semaphore, #tpu.memory_space<semaphore_mem>>)
        %dma_wait3A_148 = arith.constant 0 : i32
        %dma_wait3A_149 = tpu.memref_slice %arg8[%run_scoped3A_70, %dma_wait3A_148] : memref<2x80xi32, #tpu.memory_space<vmem>> -> memref<1x80xi32, #tpu.memory_space<vmem>>
        %dma_wait3A_150 = tpu.memref_squeeze %dma_wait3A_149 : memref<1x80xi32, #tpu.memory_space<vmem>> -> memref<80xi32, #tpu.memory_space<vmem>>
        %dma_wait3A_151 = tpu.memref_slice %arg3[%add3A_69] : memref<160000xi32, #tpu.memory_space<hbm>> -> memref<80xi32, #tpu.memory_space<hbm>>
        %dma_wait3A_152 = arith.constant 0 : i32
        %dma_wait3A_153 = tpu.memref_slice %arg8[%run_scoped3A_70, %dma_wait3A_152] : memref<2x80xi32, #tpu.memory_space<vmem>> -> memref<1x80xi32, #tpu.memory_space<vmem>>
        %dma_wait3A_154 = tpu.memref_squeeze %dma_wait3A_153 : memref<1x80xi32, #tpu.memory_space<vmem>> -> memref<80xi32, #tpu.memory_space<vmem>>
        %dma_wait3A_155 = tpu.memref_slice %arg3[%add3A_69] : memref<160000xi32, #tpu.memory_space<hbm>> -> memref<80xi32, #tpu.memory_space<hbm>>
        tpu.wait_dma2 semaphore(%run_scoped3A_139 : memref<!tpu.dma_semaphore, #tpu.memory_space<semaphore_mem>>) src(%dma_wait3A_155 : memref<80xi32, #tpu.memory_space<hbm>>) dst(%dma_wait3A_154 : memref<80xi32, #tpu.memory_space<vmem>>)
        tpu.yield
      }) : () -> ()
      %dma_wait3A_71 = arith.constant 0 : i32
      %dma_wait3A_72 = arith.constant 0 : i32
      %dma_wait3A_73 = arith.constant 0 : i32
      %dma_wait3A_74 = arith.constant 0 : i32
      %dma_wait3A_75 = tpu.memref_slice %arg9[%dma_wait3A_72, %dma_wait3A_73, %dma_wait3A_74] : memref<2x80x128xf32, #tpu.memory_space<vmem>> -> memref<1x80x128xf32, #tpu.memory_space<vmem>>
      %dma_wait3A_76 = tpu.memref_squeeze %dma_wait3A_75 : memref<1x80x128xf32, #tpu.memory_space<vmem>> -> memref<80x128xf32, #tpu.memory_space<vmem>>
      %dma_wait3A_77 = arith.constant 0 : i32
      %dma_wait3A_78 = tpu.memref_slice %arg7[%dma_wait3A_71, %dma_wait3A_77] : memref<2x80xi32, #tpu.memory_space<vmem>> -> memref<1x80xi32, #tpu.memory_space<vmem>>
      %dma_wait3A_79 = tpu.memref_squeeze %dma_wait3A_78 : memref<1x80xi32, #tpu.memory_space<vmem>> -> memref<80xi32, #tpu.memory_space<vmem>>
      %dma_wait3A_80 = arith.constant 0 : i32
      %dma_wait3A_81 = arith.constant 0 : i32
      %dma_wait3A_82 = tpu.memref_slice %arg4[%dma_wait3A_80, %dma_wait3A_81] : memref<20000x128xf32, #tpu.memory_space<hbm>> -> memref<20000x128xf32, #tpu.memory_space<hbm>>
      tpu.wait_indirect_dma semaphore(%arg11 : memref<!tpu.dma_semaphore, #tpu.memory_space<semaphore_mem>>) src(%dma_wait3A_82 : memref<20000x128xf32, #tpu.memory_space<hbm>>) dst(%dma_wait3A_76 : memref<80x128xf32, #tpu.memory_space<vmem>>)
      %dma_start3A_83 = arith.constant 1 : i32
      %dma_start3A_84 = arith.constant 1 : i32
      %dma_start3A_85 = arith.constant 0 : i32
      %dma_start3A_86 = arith.constant 0 : i32
      %dma_start3A_87 = tpu.memref_slice %arg9[%dma_start3A_84, %dma_start3A_85, %dma_start3A_86] : memref<2x80x128xf32, #tpu.memory_space<vmem>> -> memref<1x80x128xf32, #tpu.memory_space<vmem>>
      %dma_start3A_88 = tpu.memref_squeeze %dma_start3A_87 : memref<1x80x128xf32, #tpu.memory_space<vmem>> -> memref<80x128xf32, #tpu.memory_space<vmem>>
      %dma_start3A_89 = arith.constant 0 : i32
      %dma_start3A_90 = tpu.memref_slice %arg7[%dma_start3A_83, %dma_start3A_89] : memref<2x80xi32, #tpu.memory_space<vmem>> -> memref<1x80xi32, #tpu.memory_space<vmem>>
      %dma_start3A_91 = tpu.memref_squeeze %dma_start3A_90 : memref<1x80xi32, #tpu.memory_space<vmem>> -> memref<80xi32, #tpu.memory_space<vmem>>
      %dma_start3A_92 = arith.constant 0 : i32
      %dma_start3A_93 = arith.constant 0 : i32
      %dma_start3A_94 = tpu.memref_slice %arg4[%dma_start3A_92, %dma_start3A_93] : memref<20000x128xf32, #tpu.memory_space<hbm>> -> memref<20000x128xf32, #tpu.memory_space<hbm>>
      tpu.enqueue_indirect_dma source(%dma_start3A_94 : memref<20000x128xf32, #tpu.memory_space<hbm>>) target(%dma_start3A_88 : memref<80x128xf32, #tpu.memory_space<vmem>>) offsets(%dma_start3A_91 : memref<80xi32, #tpu.memory_space<vmem>>) semaphore(%arg11 : memref<!tpu.dma_semaphore, #tpu.memory_space<semaphore_mem>>)
      %run_scoped3A_95 = arith.constant 0 : i32
      %run_scoped3A_96 = arith.constant 0 : i32
      "tpu.region"() ({
        %run_scoped3A_139 = tpu.sem_alloc : memref<!tpu.dma_semaphore, #tpu.memory_space<semaphore_mem>>
        %dma_start3A_140 = arith.constant 0 : i32
        %dma_start3A_141 = arith.constant 0 : i32
        %dma_start3A_142 = tpu.memref_slice %arg9[%run_scoped3A_95, %dma_start3A_140, %dma_start3A_141] : memref<2x80x128xf32, #tpu.memory_space<vmem>> -> memref<1x80x128xf32, #tpu.memory_space<vmem>>
        %dma_start3A_143 = tpu.memref_squeeze %dma_start3A_142 : memref<1x80x128xf32, #tpu.memory_space<vmem>> -> memref<80x128xf32, #tpu.memory_space<vmem>>
        %dma_start3A_144 = arith.constant 0 : i32
        %dma_start3A_145 = tpu.memref_slice %arg8[%run_scoped3A_96, %dma_start3A_144] : memref<2x80xi32, #tpu.memory_space<vmem>> -> memref<1x80xi32, #tpu.memory_space<vmem>>
        %dma_start3A_146 = tpu.memref_squeeze %dma_start3A_145 : memref<1x80xi32, #tpu.memory_space<vmem>> -> memref<80xi32, #tpu.memory_space<vmem>>
        %dma_start3A_147 = arith.constant 0 : i32
        %dma_start3A_148 = arith.constant 0 : i32
        %dma_start3A_149 = tpu.memref_slice %arg10[%dma_start3A_147, %dma_start3A_148] : memref<10240x128xf32, #tpu.memory_space<vmem_shared>> -> memref<10240x128xf32, #tpu.memory_space<vmem_shared>>
        tpu.enqueue_indirect_dma source(%dma_start3A_143 : memref<80x128xf32, #tpu.memory_space<vmem>>) target(%dma_start3A_149 : memref<10240x128xf32, #tpu.memory_space<vmem_shared>>) offsets(%dma_start3A_146 : memref<80xi32, #tpu.memory_space<vmem>>) semaphore(%run_scoped3A_139 : memref<!tpu.dma_semaphore, #tpu.memory_space<semaphore_mem>>) {add = true}
        %dma_wait3A_150 = arith.constant 0 : i32
        %dma_wait3A_151 = arith.constant 0 : i32
        %dma_wait3A_152 = tpu.memref_slice %arg9[%run_scoped3A_95, %dma_wait3A_150, %dma_wait3A_151] : memref<2x80x128xf32, #tpu.memory_space<vmem>> -> memref<1x80x128xf32, #tpu.memory_space<vmem>>
        %dma_wait3A_153 = tpu.memref_squeeze %dma_wait3A_152 : memref<1x80x128xf32, #tpu.memory_space<vmem>> -> memref<80x128xf32, #tpu.memory_space<vmem>>
        %dma_wait3A_154 = arith.constant 0 : i32
        %dma_wait3A_155 = tpu.memref_slice %arg8[%run_scoped3A_96, %dma_wait3A_154] : memref<2x80xi32, #tpu.memory_space<vmem>> -> memref<1x80xi32, #tpu.memory_space<vmem>>
        %dma_wait3A_156 = tpu.memref_squeeze %dma_wait3A_155 : memref<1x80xi32, #tpu.memory_space<vmem>> -> memref<80xi32, #tpu.memory_space<vmem>>
        %dma_wait3A_157 = arith.constant 0 : i32
        %dma_wait3A_158 = arith.constant 0 : i32
        %dma_wait3A_159 = tpu.memref_slice %arg10[%dma_wait3A_157, %dma_wait3A_158] : memref<10240x128xf32, #tpu.memory_space<vmem_shared>> -> memref<10240x128xf32, #tpu.memory_space<vmem_shared>>
        tpu.wait_indirect_dma semaphore(%run_scoped3A_139 : memref<!tpu.dma_semaphore, #tpu.memory_space<semaphore_mem>>) src(%dma_wait3A_153 : memref<80x128xf32, #tpu.memory_space<vmem>>) dst(%dma_wait3A_159 : memref<10240x128xf32, #tpu.memory_space<vmem_shared>>)
        tpu.yield
      }) : () -> ()
      %mul3A_97 = arith.constant 2 : i32
      %mul3A_98 = arith.muli %mul3A_97, %scan3A_54 : i32
      %add3A_99 = arith.constant 1 : i32
      %add3A_100 = arith.addi %mul3A_98, %add3A_99 : i32
      %add3A_101 = arith.constant 1 : i32
      %add3A_102 = arith.addi %add3A_100, %add3A_101 : i32
      %mul3A_103 = arith.constant 80 : i32
      %mul3A_104 = arith.muli %add3A_102, %mul3A_103 : i32
      %add3A_105 = arith.addi %add3A, %mul3A_104 : i32
      %run_scoped3A_106 = arith.constant 0 : i32
      "tpu.region"() ({
        %run_scoped3A_139 = tpu.sem_alloc : memref<!tpu.dma_semaphore, #tpu.memory_space<semaphore_mem>>
        %dma_start3A_140 = arith.constant 0 : i32
        %dma_start3A_141 = tpu.memref_slice %arg7[%run_scoped3A_106, %dma_start3A_140] : memref<2x80xi32, #tpu.memory_space<vmem>> -> memref<1x80xi32, #tpu.memory_space<vmem>>
        %dma_start3A_142 = tpu.memref_squeeze %dma_start3A_141 : memref<1x80xi32, #tpu.memory_space<vmem>> -> memref<80xi32, #tpu.memory_space<vmem>>
        %dma_start3A_143 = tpu.memref_slice %arg2[%add3A_105] : memref<320000xi32, #tpu.memory_space<hbm>> -> memref<80xi32, #tpu.memory_space<hbm>>
        %dma_start3A_144 = arith.constant 0 : i32
        %dma_start3A_145 = tpu.memref_slice %arg7[%run_scoped3A_106, %dma_start3A_144] : memref<2x80xi32, #tpu.memory_space<vmem>> -> memref<1x80xi32, #tpu.memory_space<vmem>>
        %dma_start3A_146 = tpu.memref_squeeze %dma_start3A_145 : memref<1x80xi32, #tpu.memory_space<vmem>> -> memref<80xi32, #tpu.memory_space<vmem>>
        %dma_start3A_147 = tpu.memref_slice %arg2[%add3A_105] : memref<320000xi32, #tpu.memory_space<hbm>> -> memref<80xi32, #tpu.memory_space<hbm>>
        tpu.enqueue_dma source(%dma_start3A_147 : memref<80xi32, #tpu.memory_space<hbm>>) target(%dma_start3A_146 : memref<80xi32, #tpu.memory_space<vmem>>) target_semaphore(%run_scoped3A_139 : memref<!tpu.dma_semaphore, #tpu.memory_space<semaphore_mem>>)
        %dma_wait3A_148 = arith.constant 0 : i32
        %dma_wait3A_149 = tpu.memref_slice %arg7[%run_scoped3A_106, %dma_wait3A_148] : memref<2x80xi32, #tpu.memory_space<vmem>> -> memref<1x80xi32, #tpu.memory_space<vmem>>
        %dma_wait3A_150 = tpu.memref_squeeze %dma_wait3A_149 : memref<1x80xi32, #tpu.memory_space<vmem>> -> memref<80xi32, #tpu.memory_space<vmem>>
        %dma_wait3A_151 = tpu.memref_slice %arg2[%add3A_105] : memref<320000xi32, #tpu.memory_space<hbm>> -> memref<80xi32, #tpu.memory_space<hbm>>
        %dma_wait3A_152 = arith.constant 0 : i32
        %dma_wait3A_153 = tpu.memref_slice %arg7[%run_scoped3A_106, %dma_wait3A_152] : memref<2x80xi32, #tpu.memory_space<vmem>> -> memref<1x80xi32, #tpu.memory_space<vmem>>
        %dma_wait3A_154 = tpu.memref_squeeze %dma_wait3A_153 : memref<1x80xi32, #tpu.memory_space<vmem>> -> memref<80xi32, #tpu.memory_space<vmem>>
        %dma_wait3A_155 = tpu.memref_slice %arg2[%add3A_105] : memref<320000xi32, #tpu.memory_space<hbm>> -> memref<80xi32, #tpu.memory_space<hbm>>
        tpu.wait_dma2 semaphore(%run_scoped3A_139 : memref<!tpu.dma_semaphore, #tpu.memory_space<semaphore_mem>>) src(%dma_wait3A_155 : memref<80xi32, #tpu.memory_space<hbm>>) dst(%dma_wait3A_154 : memref<80xi32, #tpu.memory_space<vmem>>)
        tpu.yield
      }) : () -> ()
      %add3A_107 = arith.constant 1 : i32
      %add3A_108 = arith.addi %add3A_100, %add3A_107 : i32
      %mul3A_109 = arith.constant 80 : i32
      %mul3A_110 = arith.muli %add3A_108, %mul3A_109 : i32
      %add3A_111 = arith.addi %mul3A_7, %mul3A_110 : i32
      %run_scoped3A_112 = arith.constant 0 : i32
      "tpu.region"() ({
        %run_scoped3A_139 = tpu.sem_alloc : memref<!tpu.dma_semaphore, #tpu.memory_space<semaphore_mem>>
        %dma_start3A_140 = arith.constant 0 : i32
        %dma_start3A_141 = tpu.memref_slice %arg8[%run_scoped3A_112, %dma_start3A_140] : memref<2x80xi32, #tpu.memory_space<vmem>> -> memref<1x80xi32, #tpu.memory_space<vmem>>
        %dma_start3A_142 = tpu.memref_squeeze %dma_start3A_141 : memref<1x80xi32, #tpu.memory_space<vmem>> -> memref<80xi32, #tpu.memory_space<vmem>>
        %dma_start3A_143 = tpu.memref_slice %arg3[%add3A_111] : memref<160000xi32, #tpu.memory_space<hbm>> -> memref<80xi32, #tpu.memory_space<hbm>>
        %dma_start3A_144 = arith.constant 0 : i32
        %dma_start3A_145 = tpu.memref_slice %arg8[%run_scoped3A_112, %dma_start3A_144] : memref<2x80xi32, #tpu.memory_space<vmem>> -> memref<1x80xi32, #tpu.memory_space<vmem>>
        %dma_start3A_146 = tpu.memref_squeeze %dma_start3A_145 : memref<1x80xi32, #tpu.memory_space<vmem>> -> memref<80xi32, #tpu.memory_space<vmem>>
        %dma_start3A_147 = tpu.memref_slice %arg3[%add3A_111] : memref<160000xi32, #tpu.memory_space<hbm>> -> memref<80xi32, #tpu.memory_space<hbm>>
        tpu.enqueue_dma source(%dma_start3A_147 : memref<80xi32, #tpu.memory_space<hbm>>) target(%dma_start3A_146 : memref<80xi32, #tpu.memory_space<vmem>>) target_semaphore(%run_scoped3A_139 : memref<!tpu.dma_semaphore, #tpu.memory_space<semaphore_mem>>)
        %dma_wait3A_148 = arith.constant 0 : i32
        %dma_wait3A_149 = tpu.memref_slice %arg8[%run_scoped3A_112, %dma_wait3A_148] : memref<2x80xi32, #tpu.memory_space<vmem>> -> memref<1x80xi32, #tpu.memory_space<vmem>>
        %dma_wait3A_150 = tpu.memref_squeeze %dma_wait3A_149 : memref<1x80xi32, #tpu.memory_space<vmem>> -> memref<80xi32, #tpu.memory_space<vmem>>
        %dma_wait3A_151 = tpu.memref_slice %arg3[%add3A_111] : memref<160000xi32, #tpu.memory_space<hbm>> -> memref<80xi32, #tpu.memory_space<hbm>>
        %dma_wait3A_152 = arith.constant 0 : i32
        %dma_wait3A_153 = tpu.memref_slice %arg8[%run_scoped3A_112, %dma_wait3A_152] : memref<2x80xi32, #tpu.memory_space<vmem>> -> memref<1x80xi32, #tpu.memory_space<vmem>>
        %dma_wait3A_154 = tpu.memref_squeeze %dma_wait3A_153 : memref<1x80xi32, #tpu.memory_space<vmem>> -> memref<80xi32, #tpu.memory_space<vmem>>
        %dma_wait3A_155 = tpu.memref_slice %arg3[%add3A_111] : memref<160000xi32, #tpu.memory_space<hbm>> -> memref<80xi32, #tpu.memory_space<hbm>>
        tpu.wait_dma2 semaphore(%run_scoped3A_139 : memref<!tpu.dma_semaphore, #tpu.memory_space<semaphore_mem>>) src(%dma_wait3A_155 : memref<80xi32, #tpu.memory_space<hbm>>) dst(%dma_wait3A_154 : memref<80xi32, #tpu.memory_space<vmem>>)
        tpu.yield
      }) : () -> ()
      %dma_wait3A_113 = arith.constant 1 : i32
      %dma_wait3A_114 = arith.constant 1 : i32
      %dma_wait3A_115 = arith.constant 0 : i32
      %dma_wait3A_116 = arith.constant 0 : i32
      %dma_wait3A_117 = tpu.memref_slice %arg9[%dma_wait3A_114, %dma_wait3A_115, %dma_wait3A_116] : memref<2x80x128xf32, #tpu.memory_space<vmem>> -> memref<1x80x128xf32, #tpu.memory_space<vmem>>
      %dma_wait3A_118 = tpu.memref_squeeze %dma_wait3A_117 : memref<1x80x128xf32, #tpu.memory_space<vmem>> -> memref<80x128xf32, #tpu.memory_space<vmem>>
      %dma_wait3A_119 = arith.constant 0 : i32
      %dma_wait3A_120 = tpu.memref_slice %arg7[%dma_wait3A_113, %dma_wait3A_119] : memref<2x80xi32, #tpu.memory_space<vmem>> -> memref<1x80xi32, #tpu.memory_space<vmem>>
      %dma_wait3A_121 = tpu.memref_squeeze %dma_wait3A_120 : memref<1x80xi32, #tpu.memory_space<vmem>> -> memref<80xi32, #tpu.memory_space<vmem>>
      %dma_wait3A_122 = arith.constant 0 : i32
      %dma_wait3A_123 = arith.constant 0 : i32
      %dma_wait3A_124 = tpu.memref_slice %arg4[%dma_wait3A_122, %dma_wait3A_123] : memref<20000x128xf32, #tpu.memory_space<hbm>> -> memref<20000x128xf32, #tpu.memory_space<hbm>>
      tpu.wait_indirect_dma semaphore(%arg11 : memref<!tpu.dma_semaphore, #tpu.memory_space<semaphore_mem>>) src(%dma_wait3A_124 : memref<20000x128xf32, #tpu.memory_space<hbm>>) dst(%dma_wait3A_118 : memref<80x128xf32, #tpu.memory_space<vmem>>)
      %dma_start3A_125 = arith.constant 0 : i32
      %dma_start3A_126 = arith.constant 0 : i32
      %dma_start3A_127 = arith.constant 0 : i32
      %dma_start3A_128 = arith.constant 0 : i32
      %dma_start3A_129 = tpu.memref_slice %arg9[%dma_start3A_126, %dma_start3A_127, %dma_start3A_128] : memref<2x80x128xf32, #tpu.memory_space<vmem>> -> memref<1x80x128xf32, #tpu.memory_space<vmem>>
      %dma_start3A_130 = tpu.memref_squeeze %dma_start3A_129 : memref<1x80x128xf32, #tpu.memory_space<vmem>> -> memref<80x128xf32, #tpu.memory_space<vmem>>
      %dma_start3A_131 = arith.constant 0 : i32
      %dma_start3A_132 = tpu.memref_slice %arg7[%dma_start3A_125, %dma_start3A_131] : memref<2x80xi32, #tpu.memory_space<vmem>> -> memref<1x80xi32, #tpu.memory_space<vmem>>
      %dma_start3A_133 = tpu.memref_squeeze %dma_start3A_132 : memref<1x80xi32, #tpu.memory_space<vmem>> -> memref<80xi32, #tpu.memory_space<vmem>>
      %dma_start3A_134 = arith.constant 0 : i32
      %dma_start3A_135 = arith.constant 0 : i32
      %dma_start3A_136 = tpu.memref_slice %arg4[%dma_start3A_134, %dma_start3A_135] : memref<20000x128xf32, #tpu.memory_space<hbm>> -> memref<20000x128xf32, #tpu.memory_space<hbm>>
      tpu.enqueue_indirect_dma source(%dma_start3A_136 : memref<20000x128xf32, #tpu.memory_space<hbm>>) target(%dma_start3A_130 : memref<80x128xf32, #tpu.memory_space<vmem>>) offsets(%dma_start3A_133 : memref<80xi32, #tpu.memory_space<vmem>>) semaphore(%arg11 : memref<!tpu.dma_semaphore, #tpu.memory_space<semaphore_mem>>)
      %run_scoped3A_137 = arith.constant 1 : i32
      %run_scoped3A_138 = arith.constant 1 : i32
      "tpu.region"() ({
        %run_scoped3A_139 = tpu.sem_alloc : memref<!tpu.dma_semaphore, #tpu.memory_space<semaphore_mem>>
        %dma_start3A_140 = arith.constant 0 : i32
        %dma_start3A_141 = arith.constant 0 : i32
        %dma_start3A_142 = tpu.memref_slice %arg9[%run_scoped3A_137, %dma_start3A_140, %dma_start3A_141] : memref<2x80x128xf32, #tpu.memory_space<vmem>> -> memref<1x80x128xf32, #tpu.memory_space<vmem>>
        %dma_start3A_143 = tpu.memref_squeeze %dma_start3A_142 : memref<1x80x128xf32, #tpu.memory_space<vmem>> -> memref<80x128xf32, #tpu.memory_space<vmem>>
        %dma_start3A_144 = arith.constant 0 : i32
        %dma_start3A_145 = tpu.memref_slice %arg8[%run_scoped3A_138, %dma_start3A_144] : memref<2x80xi32, #tpu.memory_space<vmem>> -> memref<1x80xi32, #tpu.memory_space<vmem>>
        %dma_start3A_146 = tpu.memref_squeeze %dma_start3A_145 : memref<1x80xi32, #tpu.memory_space<vmem>> -> memref<80xi32, #tpu.memory_space<vmem>>
        %dma_start3A_147 = arith.constant 0 : i32
        %dma_start3A_148 = arith.constant 0 : i32
        %dma_start3A_149 = tpu.memref_slice %arg10[%dma_start3A_147, %dma_start3A_148] : memref<10240x128xf32, #tpu.memory_space<vmem_shared>> -> memref<10240x128xf32, #tpu.memory_space<vmem_shared>>
        tpu.enqueue_indirect_dma source(%dma_start3A_143 : memref<80x128xf32, #tpu.memory_space<vmem>>) target(%dma_start3A_149 : memref<10240x128xf32, #tpu.memory_space<vmem_shared>>) offsets(%dma_start3A_146 : memref<80xi32, #tpu.memory_space<vmem>>) semaphore(%run_scoped3A_139 : memref<!tpu.dma_semaphore, #tpu.memory_space<semaphore_mem>>) {add = true}
        %dma_wait3A_150 = arith.constant 0 : i32
        %dma_wait3A_151 = arith.constant 0 : i32
        %dma_wait3A_152 = tpu.memref_slice %arg9[%run_scoped3A_137, %dma_wait3A_150, %dma_wait3A_151] : memref<2x80x128xf32, #tpu.memory_space<vmem>> -> memref<1x80x128xf32, #tpu.memory_space<vmem>>
        %dma_wait3A_153 = tpu.memref_squeeze %dma_wait3A_152 : memref<1x80x128xf32, #tpu.memory_space<vmem>> -> memref<80x128xf32, #tpu.memory_space<vmem>>
        %dma_wait3A_154 = arith.constant 0 : i32
        %dma_wait3A_155 = tpu.memref_slice %arg8[%run_scoped3A_138, %dma_wait3A_154] : memref<2x80xi32, #tpu.memory_space<vmem>> -> memref<1x80xi32, #tpu.memory_space<vmem>>
        %dma_wait3A_156 = tpu.memref_squeeze %dma_wait3A_155 : memref<1x80xi32, #tpu.memory_space<vmem>> -> memref<80xi32, #tpu.memory_space<vmem>>
        %dma_wait3A_157 = arith.constant 0 : i32
        %dma_wait3A_158 = arith.constant 0 : i32
        %dma_wait3A_159 = tpu.memref_slice %arg10[%dma_wait3A_157, %dma_wait3A_158] : memref<10240x128xf32, #tpu.memory_space<vmem_shared>> -> memref<10240x128xf32, #tpu.memory_space<vmem_shared>>
        tpu.wait_indirect_dma semaphore(%run_scoped3A_139 : memref<!tpu.dma_semaphore, #tpu.memory_space<semaphore_mem>>) src(%dma_wait3A_153 : memref<80x128xf32, #tpu.memory_space<vmem>>) dst(%dma_wait3A_159 : memref<10240x128xf32, #tpu.memory_space<vmem_shared>>)
        tpu.yield
      }) : () -> ()
    }
    %scan3A_28 = arith.constant 62 : i32
    %dma_wait3A = arith.constant 0 : i32
    %dma_wait3A_29 = arith.constant 0 : i32
    %dma_wait3A_30 = arith.constant 0 : i32
    %dma_wait3A_31 = arith.constant 0 : i32
    %dma_wait3A_32 = tpu.memref_slice %arg9[%dma_wait3A_29, %dma_wait3A_30, %dma_wait3A_31] : memref<2x80x128xf32, #tpu.memory_space<vmem>> -> memref<1x80x128xf32, #tpu.memory_space<vmem>>
    %dma_wait3A_33 = tpu.memref_squeeze %dma_wait3A_32 : memref<1x80x128xf32, #tpu.memory_space<vmem>> -> memref<80x128xf32, #tpu.memory_space<vmem>>
    %dma_wait3A_34 = arith.constant 0 : i32
    %dma_wait3A_35 = tpu.memref_slice %arg7[%dma_wait3A, %dma_wait3A_34] : memref<2x80xi32, #tpu.memory_space<vmem>> -> memref<1x80xi32, #tpu.memory_space<vmem>>
    %dma_wait3A_36 = tpu.memref_squeeze %dma_wait3A_35 : memref<1x80xi32, #tpu.memory_space<vmem>> -> memref<80xi32, #tpu.memory_space<vmem>>
    %dma_wait3A_37 = arith.constant 0 : i32
    %dma_wait3A_38 = arith.constant 0 : i32
    %dma_wait3A_39 = tpu.memref_slice %arg4[%dma_wait3A_37, %dma_wait3A_38] : memref<20000x128xf32, #tpu.memory_space<hbm>> -> memref<20000x128xf32, #tpu.memory_space<hbm>>
    tpu.wait_indirect_dma semaphore(%arg11 : memref<!tpu.dma_semaphore, #tpu.memory_space<semaphore_mem>>) src(%dma_wait3A_39 : memref<20000x128xf32, #tpu.memory_space<hbm>>) dst(%dma_wait3A_33 : memref<80x128xf32, #tpu.memory_space<vmem>>)
    %run_scoped3A_40 = arith.constant 0 : i32
    %run_scoped3A_41 = arith.constant 0 : i32
    "tpu.region"() ({
      %run_scoped3A_54 = tpu.sem_alloc : memref<!tpu.dma_semaphore, #tpu.memory_space<semaphore_mem>>
      %dma_start3A_55 = arith.constant 0 : i32
      %dma_start3A_56 = arith.constant 0 : i32
      %dma_start3A_57 = tpu.memref_slice %arg9[%run_scoped3A_40, %dma_start3A_55, %dma_start3A_56] : memref<2x80x128xf32, #tpu.memory_space<vmem>> -> memref<1x80x128xf32, #tpu.memory_space<vmem>>
      %dma_start3A_58 = tpu.memref_squeeze %dma_start3A_57 : memref<1x80x128xf32, #tpu.memory_space<vmem>> -> memref<80x128xf32, #tpu.memory_space<vmem>>
      %dma_start3A_59 = arith.constant 0 : i32
      %dma_start3A_60 = tpu.memref_slice %arg8[%run_scoped3A_41, %dma_start3A_59] : memref<2x80xi32, #tpu.memory_space<vmem>> -> memref<1x80xi32, #tpu.memory_space<vmem>>
      %dma_start3A_61 = tpu.memref_squeeze %dma_start3A_60 : memref<1x80xi32, #tpu.memory_space<vmem>> -> memref<80xi32, #tpu.memory_space<vmem>>
      %dma_start3A_62 = arith.constant 0 : i32
      %dma_start3A_63 = arith.constant 0 : i32
      %dma_start3A_64 = tpu.memref_slice %arg10[%dma_start3A_62, %dma_start3A_63] : memref<10240x128xf32, #tpu.memory_space<vmem_shared>> -> memref<10240x128xf32, #tpu.memory_space<vmem_shared>>
      tpu.enqueue_indirect_dma source(%dma_start3A_58 : memref<80x128xf32, #tpu.memory_space<vmem>>) target(%dma_start3A_64 : memref<10240x128xf32, #tpu.memory_space<vmem_shared>>) offsets(%dma_start3A_61 : memref<80xi32, #tpu.memory_space<vmem>>) semaphore(%run_scoped3A_54 : memref<!tpu.dma_semaphore, #tpu.memory_space<semaphore_mem>>) {add = true}
      %dma_wait3A_65 = arith.constant 0 : i32
      %dma_wait3A_66 = arith.constant 0 : i32
      %dma_wait3A_67 = tpu.memref_slice %arg9[%run_scoped3A_40, %dma_wait3A_65, %dma_wait3A_66] : memref<2x80x128xf32, #tpu.memory_space<vmem>> -> memref<1x80x128xf32, #tpu.memory_space<vmem>>
      %dma_wait3A_68 = tpu.memref_squeeze %dma_wait3A_67 : memref<1x80x128xf32, #tpu.memory_space<vmem>> -> memref<80x128xf32, #tpu.memory_space<vmem>>
      %dma_wait3A_69 = arith.constant 0 : i32
      %dma_wait3A_70 = tpu.memref_slice %arg8[%run_scoped3A_41, %dma_wait3A_69] : memref<2x80xi32, #tpu.memory_space<vmem>> -> memref<1x80xi32, #tpu.memory_space<vmem>>
      %dma_wait3A_71 = tpu.memref_squeeze %dma_wait3A_70 : memref<1x80xi32, #tpu.memory_space<vmem>> -> memref<80xi32, #tpu.memory_space<vmem>>
      %dma_wait3A_72 = arith.constant 0 : i32
      %dma_wait3A_73 = arith.constant 0 : i32
      %dma_wait3A_74 = tpu.memref_slice %arg10[%dma_wait3A_72, %dma_wait3A_73] : memref<10240x128xf32, #tpu.memory_space<vmem_shared>> -> memref<10240x128xf32, #tpu.memory_space<vmem_shared>>
      tpu.wait_indirect_dma semaphore(%run_scoped3A_54 : memref<!tpu.dma_semaphore, #tpu.memory_space<semaphore_mem>>) src(%dma_wait3A_68 : memref<80x128xf32, #tpu.memory_space<vmem>>) dst(%dma_wait3A_74 : memref<10240x128xf32, #tpu.memory_space<vmem_shared>>)
      tpu.yield
    }) : () -> ()
    %barrier3A_42 = arith.constant 0 : index
    tpu.barrier barrier_id(%barrier3A_42)
    %eq3A = arith.constant 15 : i32
    %eq3A_43 = arith.cmpi eq, %arg1, %eq3A : i32
    %jit3A = arith.constant 5 : i32
    %jit3A_44 = arith.constant 8 : i32
    %select_n3A = arith.select %eq3A_43, %jit3A, %jit3A_44 : i32
    %while3A = arith.constant 0 : i32
    %while3A_45 = arith.constant 0 : i32
    %while3A_46 = arith.subi %select_n3A, %while3A_45 : i32
    %while3A_47 = arith.addi %while3A_45, %while3A_46 : i32
    %while3A_48 = arith.constant 1 : i32
    %while3A_49 = arith.divsi %while3A_46, %while3A_48 : i32
    %while3A_50 = arith.muli %while3A_49, %while3A_48 : i32
    %while3A_51 = arith.addi %while3A_45, %while3A_50 : i32
    %while3A_52 = arith.constant 1 : i32
    scf.for %while3A_54 = %while3A_45 to %while3A_51 step %while3A_52  : i32 {
      %mul3A_55 = arith.constant 80 : i32
      %mul3A_56 = arith.muli %while3A_54, %mul3A_55 : i32
      %add3A_57 = arith.addi %mul3A_0, %mul3A_56 : i32
      %run_scoped3A_58 = arith.constant 0 : i32
      "tpu.region"() ({
        %run_scoped3A_63 = tpu.sem_alloc : memref<!tpu.dma_semaphore, #tpu.memory_space<semaphore_mem>>
        %dma_start3A_64 = arith.constant 0 : i32
        %dma_start3A_65 = arith.constant 0 : i32
        %dma_start3A_66 = tpu.memref_slice %arg9[%run_scoped3A_58, %dma_start3A_64, %dma_start3A_65] : memref<2x80x128xf32, #tpu.memory_space<vmem>> -> memref<1x80x128xf32, #tpu.memory_space<vmem>>
        %dma_start3A_67 = tpu.memref_squeeze %dma_start3A_66 : memref<1x80x128xf32, #tpu.memory_space<vmem>> -> memref<80x128xf32, #tpu.memory_space<vmem>>
        %dma_start3A_68 = arith.constant 0 : i32
        %dma_start3A_69 = tpu.memref_slice %arg10[%add3A_57, %dma_start3A_68] : memref<10240x128xf32, #tpu.memory_space<vmem_shared>> -> memref<80x128xf32, #tpu.memory_space<vmem_shared>>
        %dma_start3A_70 = arith.constant 0 : i32
        %dma_start3A_71 = arith.constant 0 : i32
        %dma_start3A_72 = tpu.memref_slice %arg9[%run_scoped3A_58, %dma_start3A_70, %dma_start3A_71] : memref<2x80x128xf32, #tpu.memory_space<vmem>> -> memref<1x80x128xf32, #tpu.memory_space<vmem>>
        %dma_start3A_73 = tpu.memref_squeeze %dma_start3A_72 : memref<1x80x128xf32, #tpu.memory_space<vmem>> -> memref<80x128xf32, #tpu.memory_space<vmem>>
        %dma_start3A_74 = arith.constant 0 : i32
        %dma_start3A_75 = tpu.memref_slice %arg10[%add3A_57, %dma_start3A_74] : memref<10240x128xf32, #tpu.memory_space<vmem_shared>> -> memref<80x128xf32, #tpu.memory_space<vmem_shared>>
        tpu.enqueue_dma source(%dma_start3A_75 : memref<80x128xf32, #tpu.memory_space<vmem_shared>>) target(%dma_start3A_73 : memref<80x128xf32, #tpu.memory_space<vmem>>) target_semaphore(%run_scoped3A_63 : memref<!tpu.dma_semaphore, #tpu.memory_space<semaphore_mem>>)
        %dma_wait3A_76 = arith.constant 0 : i32
        %dma_wait3A_77 = arith.constant 0 : i32
        %dma_wait3A_78 = tpu.memref_slice %arg9[%run_scoped3A_58, %dma_wait3A_76, %dma_wait3A_77] : memref<2x80x128xf32, #tpu.memory_space<vmem>> -> memref<1x80x128xf32, #tpu.memory_space<vmem>>
        %dma_wait3A_79 = tpu.memref_squeeze %dma_wait3A_78 : memref<1x80x128xf32, #tpu.memory_space<vmem>> -> memref<80x128xf32, #tpu.memory_space<vmem>>
        %dma_wait3A_80 = arith.constant 0 : i32
        %dma_wait3A_81 = tpu.memref_slice %arg10[%add3A_57, %dma_wait3A_80] : memref<10240x128xf32, #tpu.memory_space<vmem_shared>> -> memref<80x128xf32, #tpu.memory_space<vmem_shared>>
        %dma_wait3A_82 = arith.constant 0 : i32
        %dma_wait3A_83 = arith.constant 0 : i32
        %dma_wait3A_84 = tpu.memref_slice %arg9[%run_scoped3A_58, %dma_wait3A_82, %dma_wait3A_83] : memref<2x80x128xf32, #tpu.memory_space<vmem>> -> memref<1x80x128xf32, #tpu.memory_space<vmem>>
        %dma_wait3A_85 = tpu.memref_squeeze %dma_wait3A_84 : memref<1x80x128xf32, #tpu.memory_space<vmem>> -> memref<80x128xf32, #tpu.memory_space<vmem>>
        %dma_wait3A_86 = arith.constant 0 : i32
        %dma_wait3A_87 = tpu.memref_slice %arg10[%add3A_57, %dma_wait3A_86] : memref<10240x128xf32, #tpu.memory_space<vmem_shared>> -> memref<80x128xf32, #tpu.memory_space<vmem_shared>>
        tpu.wait_dma2 semaphore(%run_scoped3A_63 : memref<!tpu.dma_semaphore, #tpu.memory_space<semaphore_mem>>) src(%dma_wait3A_87 : memref<80x128xf32, #tpu.memory_space<vmem_shared>>) dst(%dma_wait3A_85 : memref<80x128xf32, #tpu.memory_space<vmem>>)
        tpu.yield
      }) : () -> ()
      %mul3A_59 = arith.constant 10000 : i32
      %mul3A_60 = arith.muli %arg0, %mul3A_59 : i32
      %add3A_61 = arith.addi %mul3A_60, %add3A_57 : i32
      %run_scoped3A_62 = arith.constant 0 : i32
      "tpu.region"() ({
        %run_scoped3A_63 = tpu.sem_alloc : memref<!tpu.dma_semaphore, #tpu.memory_space<semaphore_mem>>
        %dma_start3A_64 = arith.constant 0 : i32
        %dma_start3A_65 = arith.constant 0 : i32
        %dma_start3A_66 = tpu.memref_slice %arg9[%run_scoped3A_62, %dma_start3A_64, %dma_start3A_65] : memref<2x80x128xf32, #tpu.memory_space<vmem>> -> memref<1x80x128xf32, #tpu.memory_space<vmem>>
        %dma_start3A_67 = tpu.memref_squeeze %dma_start3A_66 : memref<1x80x128xf32, #tpu.memory_space<vmem>> -> memref<80x128xf32, #tpu.memory_space<vmem>>
        %dma_start3A_68 = arith.constant 0 : i32
        %dma_start3A_69 = tpu.memref_slice %arg6[%add3A_61, %dma_start3A_68] : memref<20000x128xf32, #tpu.memory_space<hbm>> -> memref<80x128xf32, #tpu.memory_space<hbm>>
        %dma_start3A_70 = arith.constant 0 : i32
        %dma_start3A_71 = tpu.memref_slice %arg6[%add3A_61, %dma_start3A_70] : memref<20000x128xf32, #tpu.memory_space<hbm>> -> memref<80x128xf32, #tpu.memory_space<hbm>>
        %dma_start3A_72 = arith.constant 0 : i32
        %dma_start3A_73 = arith.constant 0 : i32
        %dma_start3A_74 = tpu.memref_slice %arg9[%run_scoped3A_62, %dma_start3A_72, %dma_start3A_73] : memref<2x80x128xf32, #tpu.memory_space<vmem>> -> memref<1x80x128xf32, #tpu.memory_space<vmem>>
        %dma_start3A_75 = tpu.memref_squeeze %dma_start3A_74 : memref<1x80x128xf32, #tpu.memory_space<vmem>> -> memref<80x128xf32, #tpu.memory_space<vmem>>
        tpu.enqueue_dma source(%dma_start3A_75 : memref<80x128xf32, #tpu.memory_space<vmem>>) target(%dma_start3A_71 : memref<80x128xf32, #tpu.memory_space<hbm>>) target_semaphore(%run_scoped3A_63 : memref<!tpu.dma_semaphore, #tpu.memory_space<semaphore_mem>>)
        %dma_wait3A_76 = arith.constant 0 : i32
        %dma_wait3A_77 = arith.constant 0 : i32
        %dma_wait3A_78 = tpu.memref_slice %arg9[%run_scoped3A_62, %dma_wait3A_76, %dma_wait3A_77] : memref<2x80x128xf32, #tpu.memory_space<vmem>> -> memref<1x80x128xf32, #tpu.memory_space<vmem>>
        %dma_wait3A_79 = tpu.memref_squeeze %dma_wait3A_78 : memref<1x80x128xf32, #tpu.memory_space<vmem>> -> memref<80x128xf32, #tpu.memory_space<vmem>>
        %dma_wait3A_80 = arith.constant 0 : i32
        %dma_wait3A_81 = tpu.memref_slice %arg6[%add3A_61, %dma_wait3A_80] : memref<20000x128xf32, #tpu.memory_space<hbm>> -> memref<80x128xf32, #tpu.memory_space<hbm>>
        %dma_wait3A_82 = arith.constant 0 : i32
        %dma_wait3A_83 = tpu.memref_slice %arg6[%add3A_61, %dma_wait3A_82] : memref<20000x128xf32, #tpu.memory_space<hbm>> -> memref<80x128xf32, #tpu.memory_space<hbm>>
        %dma_wait3A_84 = arith.constant 0 : i32
        %dma_wait3A_85 = arith.constant 0 : i32
        %dma_wait3A_86 = tpu.memref_slice %arg9[%run_scoped3A_62, %dma_wait3A_84, %dma_wait3A_85] : memref<2x80x128xf32, #tpu.memory_space<vmem>> -> memref<1x80x128xf32, #tpu.memory_space<vmem>>
        %dma_wait3A_87 = tpu.memref_squeeze %dma_wait3A_86 : memref<1x80x128xf32, #tpu.memory_space<vmem>> -> memref<80x128xf32, #tpu.memory_space<vmem>>
        tpu.wait_dma2 semaphore(%run_scoped3A_63 : memref<!tpu.dma_semaphore, #tpu.memory_space<semaphore_mem>>) src(%dma_wait3A_87 : memref<80x128xf32, #tpu.memory_space<vmem>>) dst(%dma_wait3A_83 : memref<80x128xf32, #tpu.memory_space<hbm>>)
        tpu.yield
      }) : () -> ()
    }
    %while3A_53 = arith.constant 1 : i32
    scf.for %while3A_54 = %while3A_51 to %while3A_47 step %while3A_53  : i32 {
      %mul3A_55 = arith.constant 80 : i32
      %mul3A_56 = arith.muli %while3A_54, %mul3A_55 : i32
      %add3A_57 = arith.addi %mul3A_0, %mul3A_56 : i32
      %run_scoped3A_58 = arith.constant 0 : i32
      "tpu.region"() ({
        %run_scoped3A_63 = tpu.sem_alloc : memref<!tpu.dma_semaphore, #tpu.memory_space<semaphore_mem>>
        %dma_start3A_64 = arith.constant 0 : i32
        %dma_start3A_65 = arith.constant 0 : i32
        %dma_start3A_66 = tpu.memref_slice %arg9[%run_scoped3A_58, %dma_start3A_64, %dma_start3A_65] : memref<2x80x128xf32, #tpu.memory_space<vmem>> -> memref<1x80x128xf32, #tpu.memory_space<vmem>>
        %dma_start3A_67 = tpu.memref_squeeze %dma_start3A_66 : memref<1x80x128xf32, #tpu.memory_space<vmem>> -> memref<80x128xf32, #tpu.memory_space<vmem>>
        %dma_start3A_68 = arith.constant 0 : i32
        %dma_start3A_69 = tpu.memref_slice %arg10[%add3A_57, %dma_start3A_68] : memref<10240x128xf32, #tpu.memory_space<vmem_shared>> -> memref<80x128xf32, #tpu.memory_space<vmem_shared>>
        %dma_start3A_70 = arith.constant 0 : i32
        %dma_start3A_71 = arith.constant 0 : i32
        %dma_start3A_72 = tpu.memref_slice %arg9[%run_scoped3A_58, %dma_start3A_70, %dma_start3A_71] : memref<2x80x128xf32, #tpu.memory_space<vmem>> -> memref<1x80x128xf32, #tpu.memory_space<vmem>>
        %dma_start3A_73 = tpu.memref_squeeze %dma_start3A_72 : memref<1x80x128xf32, #tpu.memory_space<vmem>> -> memref<80x128xf32, #tpu.memory_space<vmem>>
        %dma_start3A_74 = arith.constant 0 : i32
        %dma_start3A_75 = tpu.memref_slice %arg10[%add3A_57, %dma_start3A_74] : memref<10240x128xf32, #tpu.memory_space<vmem_shared>> -> memref<80x128xf32, #tpu.memory_space<vmem_shared>>
        tpu.enqueue_dma source(%dma_start3A_75 : memref<80x128xf32, #tpu.memory_space<vmem_shared>>) target(%dma_start3A_73 : memref<80x128xf32, #tpu.memory_space<vmem>>) target_semaphore(%run_scoped3A_63 : memref<!tpu.dma_semaphore, #tpu.memory_space<semaphore_mem>>)
        %dma_wait3A_76 = arith.constant 0 : i32
        %dma_wait3A_77 = arith.constant 0 : i32
        %dma_wait3A_78 = tpu.memref_slice %arg9[%run_scoped3A_58, %dma_wait3A_76, %dma_wait3A_77] : memref<2x80x128xf32, #tpu.memory_space<vmem>> -> memref<1x80x128xf32, #tpu.memory_space<vmem>>
        %dma_wait3A_79 = tpu.memref_squeeze %dma_wait3A_78 : memref<1x80x128xf32, #tpu.memory_space<vmem>> -> memref<80x128xf32, #tpu.memory_space<vmem>>
        %dma_wait3A_80 = arith.constant 0 : i32
        %dma_wait3A_81 = tpu.memref_slice %arg10[%add3A_57, %dma_wait3A_80] : memref<10240x128xf32, #tpu.memory_space<vmem_shared>> -> memref<80x128xf32, #tpu.memory_space<vmem_shared>>
        %dma_wait3A_82 = arith.constant 0 : i32
        %dma_wait3A_83 = arith.constant 0 : i32
        %dma_wait3A_84 = tpu.memref_slice %arg9[%run_scoped3A_58, %dma_wait3A_82, %dma_wait3A_83] : memref<2x80x128xf32, #tpu.memory_space<vmem>> -> memref<1x80x128xf32, #tpu.memory_space<vmem>>
        %dma_wait3A_85 = tpu.memref_squeeze %dma_wait3A_84 : memref<1x80x128xf32, #tpu.memory_space<vmem>> -> memref<80x128xf32, #tpu.memory_space<vmem>>
        %dma_wait3A_86 = arith.constant 0 : i32
        %dma_wait3A_87 = tpu.memref_slice %arg10[%add3A_57, %dma_wait3A_86] : memref<10240x128xf32, #tpu.memory_space<vmem_shared>> -> memref<80x128xf32, #tpu.memory_space<vmem_shared>>
        tpu.wait_dma2 semaphore(%run_scoped3A_63 : memref<!tpu.dma_semaphore, #tpu.memory_space<semaphore_mem>>) src(%dma_wait3A_87 : memref<80x128xf32, #tpu.memory_space<vmem_shared>>) dst(%dma_wait3A_85 : memref<80x128xf32, #tpu.memory_space<vmem>>)
        tpu.yield
      }) : () -> ()
      %mul3A_59 = arith.constant 10000 : i32
      %mul3A_60 = arith.muli %arg0, %mul3A_59 : i32
      %add3A_61 = arith.addi %mul3A_60, %add3A_57 : i32
      %run_scoped3A_62 = arith.constant 0 : i32
      "tpu.region"() ({
        %run_scoped3A_63 = tpu.sem_alloc : memref<!tpu.dma_semaphore, #tpu.memory_space<semaphore_mem>>
        %dma_start3A_64 = arith.constant 0 : i32
        %dma_start3A_65 = arith.constant 0 : i32
        %dma_start3A_66 = tpu.memref_slice %arg9[%run_scoped3A_62, %dma_start3A_64, %dma_start3A_65] : memref<2x80x128xf32, #tpu.memory_space<vmem>> -> memref<1x80x128xf32, #tpu.memory_space<vmem>>
        %dma_start3A_67 = tpu.memref_squeeze %dma_start3A_66 : memref<1x80x128xf32, #tpu.memory_space<vmem>> -> memref<80x128xf32, #tpu.memory_space<vmem>>
        %dma_start3A_68 = arith.constant 0 : i32
        %dma_start3A_69 = tpu.memref_slice %arg6[%add3A_61, %dma_start3A_68] : memref<20000x128xf32, #tpu.memory_space<hbm>> -> memref<80x128xf32, #tpu.memory_space<hbm>>
        %dma_start3A_70 = arith.constant 0 : i32
        %dma_start3A_71 = tpu.memref_slice %arg6[%add3A_61, %dma_start3A_70] : memref<20000x128xf32, #tpu.memory_space<hbm>> -> memref<80x128xf32, #tpu.memory_space<hbm>>
        %dma_start3A_72 = arith.constant 0 : i32
        %dma_start3A_73 = arith.constant 0 : i32
        %dma_start3A_74 = tpu.memref_slice %arg9[%run_scoped3A_62, %dma_start3A_72, %dma_start3A_73] : memref<2x80x128xf32, #tpu.memory_space<vmem>> -> memref<1x80x128xf32, #tpu.memory_space<vmem>>
        %dma_start3A_75 = tpu.memref_squeeze %dma_start3A_74 : memref<1x80x128xf32, #tpu.memory_space<vmem>> -> memref<80x128xf32, #tpu.memory_space<vmem>>
        tpu.enqueue_dma source(%dma_start3A_75 : memref<80x128xf32, #tpu.memory_space<vmem>>) target(%dma_start3A_71 : memref<80x128xf32, #tpu.memory_space<hbm>>) target_semaphore(%run_scoped3A_63 : memref<!tpu.dma_semaphore, #tpu.memory_space<semaphore_mem>>)
        %dma_wait3A_76 = arith.constant 0 : i32
        %dma_wait3A_77 = arith.constant 0 : i32
        %dma_wait3A_78 = tpu.memref_slice %arg9[%run_scoped3A_62, %dma_wait3A_76, %dma_wait3A_77] : memref<2x80x128xf32, #tpu.memory_space<vmem>> -> memref<1x80x128xf32, #tpu.memory_space<vmem>>
        %dma_wait3A_79 = tpu.memref_squeeze %dma_wait3A_78 : memref<1x80x128xf32, #tpu.memory_space<vmem>> -> memref<80x128xf32, #tpu.memory_space<vmem>>
        %dma_wait3A_80 = arith.constant 0 : i32
        %dma_wait3A_81 = tpu.memref_slice %arg6[%add3A_61, %dma_wait3A_80] : memref<20000x128xf32, #tpu.memory_space<hbm>> -> memref<80x128xf32, #tpu.memory_space<hbm>>
        %dma_wait3A_82 = arith.constant 0 : i32
        %dma_wait3A_83 = tpu.memref_slice %arg6[%add3A_61, %dma_wait3A_82] : memref<20000x128xf32, #tpu.memory_space<hbm>> -> memref<80x128xf32, #tpu.memory_space<hbm>>
        %dma_wait3A_84 = arith.constant 0 : i32
        %dma_wait3A_85 = arith.constant 0 : i32
        %dma_wait3A_86 = tpu.memref_slice %arg9[%run_scoped3A_62, %dma_wait3A_84, %dma_wait3A_85] : memref<2x80x128xf32, #tpu.memory_space<vmem>> -> memref<1x80x128xf32, #tpu.memory_space<vmem>>
        %dma_wait3A_87 = tpu.memref_squeeze %dma_wait3A_86 : memref<1x80x128xf32, #tpu.memory_space<vmem>> -> memref<80x128xf32, #tpu.memory_space<vmem>>
        tpu.wait_dma2 semaphore(%run_scoped3A_63 : memref<!tpu.dma_semaphore, #tpu.memory_space<semaphore_mem>>) src(%dma_wait3A_87 : memref<80x128xf32, #tpu.memory_space<vmem>>) dst(%dma_wait3A_83 : memref<80x128xf32, #tpu.memory_space<hbm>>)
        tpu.yield
      }) : () -> ()
    }
    return
  }
}

#map = affine_map<(d0, d1) -> (0)>
#map1 = affine_map<(d0, d1) -> (0, 0)>
module attributes {stable_mosaic.version = 14 : i64} {
  func.func @body(%arg0: i32, %arg1: i32, %arg2: memref<320000xi32, #tpu.memory_space<hbm>>, %arg3: memref<160000xi32, #tpu.memory_space<hbm>>, %arg4: memref<20000x128xf32, #tpu.memory_space<hbm>>, %arg5: memref<80x128xf32, #tpu.memory_space<hbm>>, %arg6: memref<20000x128xf32, #tpu.memory_space<hbm>>, %arg7: memref<2x80xi32, #tpu.memory_space<vmem>>, %arg8: memref<2x80xi32, #tpu.memory_space<vmem>>, %arg9: memref<2x80x128xf32, #tpu.memory_space<vmem>>, %arg10: memref<10240x128xf32, #tpu.memory_space<vmem_shared>>, %arg11: memref<!tpu.dma_semaphore, #tpu.memory_space<semaphore_mem>>) attributes {dimension_semantics = [#tpu.dimension_semantics<core_parallel>, #tpu.dimension_semantics<subcore_parallel>], iteration_bounds = array<i64: 2, 16>, scalar_prefetch = 0 : i64, scratch_operands = 5 : i64, tpu.core_type = #tpu.core_type<sc_vector_subcore>, window_params = [{transform_indices = #map}, {transform_indices = #map}, {transform_indices = #map1}, {transform_indices = #map1}, {transform_indices = #map1}]} {
    %mul3A = arith.constant 640 : i32
    %mul3A_0 = arith.muli %arg1, %mul3A : i32
    %run_scoped3A = arith.constant 0 : i32
    "tpu.region"() ({
      %run_scoped3A_54 = tpu.sem_alloc : memref<!tpu.dma_semaphore, #tpu.memory_space<semaphore_mem>>
      %dma_start3A_55 = arith.constant 0 : i32
      %dma_start3A_56 = arith.constant 0 : i32
      %dma_start3A_57 = tpu.memref_slice %arg9[%run_scoped3A, %dma_start3A_55, %dma_start3A_56] : memref<2x80x128xf32, #tpu.memory_space<vmem>> -> memref<1x80x128xf32, #tpu.memory_space<vmem>>
      %dma_start3A_58 = tpu.memref_squeeze %dma_start3A_57 : memref<1x80x128xf32, #tpu.memory_space<vmem>> -> memref<80x128xf32, #tpu.memory_space<vmem>>
      %dma_start3A_59 = arith.constant 0 : i32
      %dma_start3A_60 = arith.constant 0 : i32
      %dma_start3A_61 = tpu.memref_slice %arg9[%run_scoped3A, %dma_start3A_59, %dma_start3A_60] : memref<2x80x128xf32, #tpu.memory_space<vmem>> -> memref<1x80x128xf32, #tpu.memory_space<vmem>>
      %dma_start3A_62 = tpu.memref_squeeze %dma_start3A_61 : memref<1x80x128xf32, #tpu.memory_space<vmem>> -> memref<80x128xf32, #tpu.memory_space<vmem>>
      tpu.enqueue_dma source(%arg5 : memref<80x128xf32, #tpu.memory_space<hbm>>) target(%dma_start3A_62 : memref<80x128xf32, #tpu.memory_space<vmem>>) target_semaphore(%run_scoped3A_54 : memref<!tpu.dma_semaphore, #tpu.memory_space<semaphore_mem>>)
      %dma_wait3A_63 = arith.constant 0 : i32
      %dma_wait3A_64 = arith.constant 0 : i32
      %dma_wait3A_65 = tpu.memref_slice %arg9[%run_scoped3A, %dma_wait3A_63, %dma_wait3A_64] : memref<2x80x128xf32, #tpu.memory_space<vmem>> -> memref<1x80x128xf32, #tpu.memory_space<vmem>>
      %dma_wait3A_66 = tpu.memref_squeeze %dma_wait3A_65 : memref<1x80x128xf32, #tpu.memory_space<vmem>> -> memref<80x128xf32, #tpu.memory_space<vmem>>
      %dma_wait3A_67 = arith.constant 0 : i32
      %dma_wait3A_68 = arith.constant 0 : i32
      %dma_wait3A_69 = tpu.memref_slice %arg9[%run_scoped3A, %dma_wait3A_67, %dma_wait3A_68] : memref<2x80x128xf32, #tpu.memory_space<vmem>> -> memref<1x80x128xf32, #tpu.memory_space<vmem>>
      %dma_wait3A_70 = tpu.memref_squeeze %dma_wait3A_69 : memref<1x80x128xf32, #tpu.memory_space<vmem>> -> memref<80x128xf32, #tpu.memory_space<vmem>>
      tpu.wait_dma2 semaphore(%run_scoped3A_54 : memref<!tpu.dma_semaphore, #tpu.memory_space<semaphore_mem>>) src(%arg5 : memref<80x128xf32, #tpu.memory_space<hbm>>) dst(%dma_wait3A_70 : memref<80x128xf32, #tpu.memory_space<vmem>>)
      tpu.yield
    }) : () -> ()
    %scan3A = arith.constant 0 : i32
    %scan3A_1 = arith.constant 0 : i32
    %scan3A_2 = arith.constant 8 : i32
    %scan3A_3 = arith.addi %scan3A_1, %scan3A_2 : i32
    %scan3A_4 = arith.constant 1 : i32
    scf.for %scan3A_54 = %scan3A_1 to %scan3A_3 step %scan3A_4  : i32 {
      %mul3A_55 = arith.constant 80 : i32
      %mul3A_56 = arith.muli %scan3A_54, %mul3A_55 : i32
      %add3A_57 = arith.addi %mul3A_0, %mul3A_56 : i32
      %run_scoped3A_58 = arith.constant 0 : i32
      "tpu.region"() ({
        %run_scoped3A_59 = tpu.sem_alloc : memref<!tpu.dma_semaphore, #tpu.memory_space<semaphore_mem>>
        %dma_start3A_60 = arith.constant 0 : i32
        %dma_start3A_61 = arith.constant 0 : i32
        %dma_start3A_62 = tpu.memref_slice %arg9[%run_scoped3A_58, %dma_start3A_60, %dma_start3A_61] : memref<2x80x128xf32, #tpu.memory_space<vmem>> -> memref<1x80x128xf32, #tpu.memory_space<vmem>>
        %dma_start3A_63 = tpu.memref_squeeze %dma_start3A_62 : memref<1x80x128xf32, #tpu.memory_space<vmem>> -> memref<80x128xf32, #tpu.memory_space<vmem>>
        %dma_start3A_64 = arith.constant 0 : i32
        %dma_start3A_65 = tpu.memref_slice %arg10[%add3A_57, %dma_start3A_64] : memref<10240x128xf32, #tpu.memory_space<vmem_shared>> -> memref<80x128xf32, #tpu.memory_space<vmem_shared>>
        %dma_start3A_66 = arith.constant 0 : i32
        %dma_start3A_67 = tpu.memref_slice %arg10[%add3A_57, %dma_start3A_66] : memref<10240x128xf32, #tpu.memory_space<vmem_shared>> -> memref<80x128xf32, #tpu.memory_space<vmem_shared>>
        %dma_start3A_68 = arith.constant 0 : i32
        %dma_start3A_69 = arith.constant 0 : i32
        %dma_start3A_70 = tpu.memref_slice %arg9[%run_scoped3A_58, %dma_start3A_68, %dma_start3A_69] : memref<2x80x128xf32, #tpu.memory_space<vmem>> -> memref<1x80x128xf32, #tpu.memory_space<vmem>>
        %dma_start3A_71 = tpu.memref_squeeze %dma_start3A_70 : memref<1x80x128xf32, #tpu.memory_space<vmem>> -> memref<80x128xf32, #tpu.memory_space<vmem>>
        tpu.enqueue_dma source(%dma_start3A_71 : memref<80x128xf32, #tpu.memory_space<vmem>>) target(%dma_start3A_67 : memref<80x128xf32, #tpu.memory_space<vmem_shared>>) target_semaphore(%run_scoped3A_59 : memref<!tpu.dma_semaphore, #tpu.memory_space<semaphore_mem>>)
        %dma_wait3A_72 = arith.constant 0 : i32
        %dma_wait3A_73 = arith.constant 0 : i32
        %dma_wait3A_74 = tpu.memref_slice %arg9[%run_scoped3A_58, %dma_wait3A_72, %dma_wait3A_73] : memref<2x80x128xf32, #tpu.memory_space<vmem>> -> memref<1x80x128xf32, #tpu.memory_space<vmem>>
        %dma_wait3A_75 = tpu.memref_squeeze %dma_wait3A_74 : memref<1x80x128xf32, #tpu.memory_space<vmem>> -> memref<80x128xf32, #tpu.memory_space<vmem>>
        %dma_wait3A_76 = arith.constant 0 : i32
        %dma_wait3A_77 = tpu.memref_slice %arg10[%add3A_57, %dma_wait3A_76] : memref<10240x128xf32, #tpu.memory_space<vmem_shared>> -> memref<80x128xf32, #tpu.memory_space<vmem_shared>>
        %dma_wait3A_78 = arith.constant 0 : i32
        %dma_wait3A_79 = tpu.memref_slice %arg10[%add3A_57, %dma_wait3A_78] : memref<10240x128xf32, #tpu.memory_space<vmem_shared>> -> memref<80x128xf32, #tpu.memory_space<vmem_shared>>
        %dma_wait3A_80 = arith.constant 0 : i32
        %dma_wait3A_81 = arith.constant 0 : i32
        %dma_wait3A_82 = tpu.memref_slice %arg9[%run_scoped3A_58, %dma_wait3A_80, %dma_wait3A_81] : memref<2x80x128xf32, #tpu.memory_space<vmem>> -> memref<1x80x128xf32, #tpu.memory_space<vmem>>
        %dma_wait3A_83 = tpu.memref_squeeze %dma_wait3A_82 : memref<1x80x128xf32, #tpu.memory_space<vmem>> -> memref<80x128xf32, #tpu.memory_space<vmem>>
        tpu.wait_dma2 semaphore(%run_scoped3A_59 : memref<!tpu.dma_semaphore, #tpu.memory_space<semaphore_mem>>) src(%dma_wait3A_83 : memref<80x128xf32, #tpu.memory_space<vmem>>) dst(%dma_wait3A_79 : memref<80x128xf32, #tpu.memory_space<vmem_shared>>)
        tpu.yield
      }) : () -> ()
    }
    %scan3A_5 = arith.constant 8 : i32
    %barrier3A = arith.constant 0 : index
    tpu.barrier barrier_id(%barrier3A)
    %mul3A_6 = arith.constant 10000 : i32
    %mul3A_7 = arith.muli %arg1, %mul3A_6 : i32
    %mul3A_8 = arith.constant 160000 : i32
    %mul3A_9 = arith.muli %arg0, %mul3A_8 : i32
    %add3A = arith.addi %mul3A_9, %mul3A_7 : i32
    %run_scoped3A_10 = arith.constant 0 : i32
    "tpu.region"() ({
      %run_scoped3A_54 = tpu.sem_alloc : memref<!tpu.dma_semaphore, #tpu.memory_space<semaphore_mem>>
      %dma_start3A_55 = arith.constant 0 : i32
      %dma_start3A_56 = tpu.memref_slice %arg7[%run_scoped3A_10, %dma_start3A_55] : memref<2x80xi32, #tpu.memory_space<vmem>> -> memref<1x80xi32, #tpu.memory_space<vmem>>
      %dma_start3A_57 = tpu.memref_squeeze %dma_start3A_56 : memref<1x80xi32, #tpu.memory_space<vmem>> -> memref<80xi32, #tpu.memory_space<vmem>>
      %dma_start3A_58 = tpu.memref_slice %arg2[%add3A] : memref<320000xi32, #tpu.memory_space<hbm>> -> memref<80xi32, #tpu.memory_space<hbm>>
      %dma_start3A_59 = arith.constant 0 : i32
      %dma_start3A_60 = tpu.memref_slice %arg7[%run_scoped3A_10, %dma_start3A_59] : memref<2x80xi32, #tpu.memory_space<vmem>> -> memref<1x80xi32, #tpu.memory_space<vmem>>
      %dma_start3A_61 = tpu.memref_squeeze %dma_start3A_60 : memref<1x80xi32, #tpu.memory_space<vmem>> -> memref<80xi32, #tpu.memory_space<vmem>>
      %dma_start3A_62 = tpu.memref_slice %arg2[%add3A] : memref<320000xi32, #tpu.memory_space<hbm>> -> memref<80xi32, #tpu.memory_space<hbm>>
      tpu.enqueue_dma source(%dma_start3A_62 : memref<80xi32, #tpu.memory_space<hbm>>) target(%dma_start3A_61 : memref<80xi32, #tpu.memory_space<vmem>>) target_semaphore(%run_scoped3A_54 : memref<!tpu.dma_semaphore, #tpu.memory_space<semaphore_mem>>)
      %dma_wait3A_63 = arith.constant 0 : i32
      %dma_wait3A_64 = tpu.memref_slice %arg7[%run_scoped3A_10, %dma_wait3A_63] : memref<2x80xi32, #tpu.memory_space<vmem>> -> memref<1x80xi32, #tpu.memory_space<vmem>>
      %dma_wait3A_65 = tpu.memref_squeeze %dma_wait3A_64 : memref<1x80xi32, #tpu.memory_space<vmem>> -> memref<80xi32, #tpu.memory_space<vmem>>
      %dma_wait3A_66 = tpu.memref_slice %arg2[%add3A] : memref<320000xi32, #tpu.memory_space<hbm>> -> memref<80xi32, #tpu.memory_space<hbm>>
      %dma_wait3A_67 = arith.constant 0 : i32
      %dma_wait3A_68 = tpu.memref_slice %arg7[%run_scoped3A_10, %dma_wait3A_67] : memref<2x80xi32, #tpu.memory_space<vmem>> -> memref<1x80xi32, #tpu.memory_space<vmem>>
      %dma_wait3A_69 = tpu.memref_squeeze %dma_wait3A_68 : memref<1x80xi32, #tpu.memory_space<vmem>> -> memref<80xi32, #tpu.memory_space<vmem>>
      %dma_wait3A_70 = tpu.memref_slice %arg2[%add3A] : memref<320000xi32, #tpu.memory_space<hbm>> -> memref<80xi32, #tpu.memory_space<hbm>>
      tpu.wait_dma2 semaphore(%run_scoped3A_54 : memref<!tpu.dma_semaphore, #tpu.memory_space<semaphore_mem>>) src(%dma_wait3A_70 : memref<80xi32, #tpu.memory_space<hbm>>) dst(%dma_wait3A_69 : memref<80xi32, #tpu.memory_space<vmem>>)
      tpu.yield
    }) : () -> ()
    %run_scoped3A_11 = arith.constant 0 : i32
    "tpu.region"() ({
      %run_scoped3A_54 = tpu.sem_alloc : memref<!tpu.dma_semaphore, #tpu.memory_space<semaphore_mem>>
      %dma_start3A_55 = arith.constant 0 : i32
      %dma_start3A_56 = tpu.memref_slice %arg8[%run_scoped3A_11, %dma_start3A_55] : memref<2x80xi32, #tpu.memory_space<vmem>> -> memref<1x80xi32, #tpu.memory_space<vmem>>
      %dma_start3A_57 = tpu.memref_squeeze %dma_start3A_56 : memref<1x80xi32, #tpu.memory_space<vmem>> -> memref<80xi32, #tpu.memory_space<vmem>>
      %dma_start3A_58 = tpu.memref_slice %arg3[%mul3A_7] : memref<160000xi32, #tpu.memory_space<hbm>> -> memref<80xi32, #tpu.memory_space<hbm>>
      %dma_start3A_59 = arith.constant 0 : i32
      %dma_start3A_60 = tpu.memref_slice %arg8[%run_scoped3A_11, %dma_start3A_59] : memref<2x80xi32, #tpu.memory_space<vmem>> -> memref<1x80xi32, #tpu.memory_space<vmem>>
      %dma_start3A_61 = tpu.memref_squeeze %dma_start3A_60 : memref<1x80xi32, #tpu.memory_space<vmem>> -> memref<80xi32, #tpu.memory_space<vmem>>
      %dma_start3A_62 = tpu.memref_slice %arg3[%mul3A_7] : memref<160000xi32, #tpu.memory_space<hbm>> -> memref<80xi32, #tpu.memory_space<hbm>>
      tpu.enqueue_dma source(%dma_start3A_62 : memref<80xi32, #tpu.memory_space<hbm>>) target(%dma_start3A_61 : memref<80xi32, #tpu.memory_space<vmem>>) target_semaphore(%run_scoped3A_54 : memref<!tpu.dma_semaphore, #tpu.memory_space<semaphore_mem>>)
      %dma_wait3A_63 = arith.constant 0 : i32
      %dma_wait3A_64 = tpu.memref_slice %arg8[%run_scoped3A_11, %dma_wait3A_63] : memref<2x80xi32, #tpu.memory_space<vmem>> -> memref<1x80xi32, #tpu.memory_space<vmem>>
      %dma_wait3A_65 = tpu.memref_squeeze %dma_wait3A_64 : memref<1x80xi32, #tpu.memory_space<vmem>> -> memref<80xi32, #tpu.memory_space<vmem>>
      %dma_wait3A_66 = tpu.memref_slice %arg3[%mul3A_7] : memref<160000xi32, #tpu.memory_space<hbm>> -> memref<80xi32, #tpu.memory_space<hbm>>
      %dma_wait3A_67 = arith.constant 0 : i32
      %dma_wait3A_68 = tpu.memref_slice %arg8[%run_scoped3A_11, %dma_wait3A_67] : memref<2x80xi32, #tpu.memory_space<vmem>> -> memref<1x80xi32, #tpu.memory_space<vmem>>
      %dma_wait3A_69 = tpu.memref_squeeze %dma_wait3A_68 : memref<1x80xi32, #tpu.memory_space<vmem>> -> memref<80xi32, #tpu.memory_space<vmem>>
      %dma_wait3A_70 = tpu.memref_slice %arg3[%mul3A_7] : memref<160000xi32, #tpu.memory_space<hbm>> -> memref<80xi32, #tpu.memory_space<hbm>>
      tpu.wait_dma2 semaphore(%run_scoped3A_54 : memref<!tpu.dma_semaphore, #tpu.memory_space<semaphore_mem>>) src(%dma_wait3A_70 : memref<80xi32, #tpu.memory_space<hbm>>) dst(%dma_wait3A_69 : memref<80xi32, #tpu.memory_space<vmem>>)
      tpu.yield
    }) : () -> ()
    %dma_start3A = arith.constant 0 : i32
    %dma_start3A_12 = arith.constant 0 : i32
    %dma_start3A_13 = arith.constant 0 : i32
    %dma_start3A_14 = arith.constant 0 : i32
    %dma_start3A_15 = tpu.memref_slice %arg9[%dma_start3A_12, %dma_start3A_13, %dma_start3A_14] : memref<2x80x128xf32, #tpu.memory_space<vmem>> -> memref<1x80x128xf32, #tpu.memory_space<vmem>>
    %dma_start3A_16 = tpu.memref_squeeze %dma_start3A_15 : memref<1x80x128xf32, #tpu.memory_space<vmem>> -> memref<80x128xf32, #tpu.memory_space<vmem>>
    %dma_start3A_17 = arith.constant 0 : i32
    %dma_start3A_18 = tpu.memref_slice %arg7[%dma_start3A, %dma_start3A_17] : memref<2x80xi32, #tpu.memory_space<vmem>> -> memref<1x80xi32, #tpu.memory_space<vmem>>
    %dma_start3A_19 = tpu.memref_squeeze %dma_start3A_18 : memref<1x80xi32, #tpu.memory_space<vmem>> -> memref<80xi32, #tpu.memory_space<vmem>>
    %dma_start3A_20 = arith.constant 0 : i32
    %dma_start3A_21 = arith.constant 0 : i32
    %dma_start3A_22 = tpu.memref_slice %arg4[%dma_start3A_20, %dma_start3A_21] : memref<20000x128xf32, #tpu.memory_space<hbm>> -> memref<20000x128xf32, #tpu.memory_space<hbm>>
    tpu.enqueue_indirect_dma source(%dma_start3A_22 : memref<20000x128xf32, #tpu.memory_space<hbm>>) target(%dma_start3A_16 : memref<80x128xf32, #tpu.memory_space<vmem>>) offsets(%dma_start3A_19 : memref<80xi32, #tpu.memory_space<vmem>>) semaphore(%arg11 : memref<!tpu.dma_semaphore, #tpu.memory_space<semaphore_mem>>)
    %scan3A_23 = arith.constant 0 : i32
    %scan3A_24 = arith.constant 0 : i32
    %scan3A_25 = arith.constant 62 : i32
    %scan3A_26 = arith.addi %scan3A_24, %scan3A_25 : i32
    %scan3A_27 = arith.constant 1 : i32
    scf.for %scan3A_54 = %scan3A_24 to %scan3A_26 step %scan3A_27  : i32 {
      %mul3A_55 = arith.constant 2 : i32
      %mul3A_56 = arith.muli %mul3A_55, %scan3A_54 : i32
      %add3A_57 = arith.constant 0 : i32
      %add3A_58 = arith.addi %mul3A_56, %add3A_57 : i32
      %add3A_59 = arith.constant 1 : i32
      %add3A_60 = arith.addi %add3A_58, %add3A_59 : i32
      %mul3A_61 = arith.constant 80 : i32
      %mul3A_62 = arith.muli %add3A_60, %mul3A_61 : i32
      %add3A_63 = arith.addi %add3A, %mul3A_62 : i32
      %run_scoped3A_64 = arith.constant 1 : i32
      "tpu.region"() ({
        %run_scoped3A_139 = tpu.sem_alloc : memref<!tpu.dma_semaphore, #tpu.memory_space<semaphore_mem>>
        %dma_start3A_140 = arith.constant 0 : i32
        %dma_start3A_141 = tpu.memref_slice %arg7[%run_scoped3A_64, %dma_start3A_140] : memref<2x80xi32, #tpu.memory_space<vmem>> -> memref<1x80xi32, #tpu.memory_space<vmem>>
        %dma_start3A_142 = tpu.memref_squeeze %dma_start3A_141 : memref<1x80xi32, #tpu.memory_space<vmem>> -> memref<80xi32, #tpu.memory_space<vmem>>
        %dma_start3A_143 = tpu.memref_slice %arg2[%add3A_63] : memref<320000xi32, #tpu.memory_space<hbm>> -> memref<80xi32, #tpu.memory_space<hbm>>
        %dma_start3A_144 = arith.constant 0 : i32
        %dma_start3A_145 = tpu.memref_slice %arg7[%run_scoped3A_64, %dma_start3A_144] : memref<2x80xi32, #tpu.memory_space<vmem>> -> memref<1x80xi32, #tpu.memory_space<vmem>>
        %dma_start3A_146 = tpu.memref_squeeze %dma_start3A_145 : memref<1x80xi32, #tpu.memory_space<vmem>> -> memref<80xi32, #tpu.memory_space<vmem>>
        %dma_start3A_147 = tpu.memref_slice %arg2[%add3A_63] : memref<320000xi32, #tpu.memory_space<hbm>> -> memref<80xi32, #tpu.memory_space<hbm>>
        tpu.enqueue_dma source(%dma_start3A_147 : memref<80xi32, #tpu.memory_space<hbm>>) target(%dma_start3A_146 : memref<80xi32, #tpu.memory_space<vmem>>) target_semaphore(%run_scoped3A_139 : memref<!tpu.dma_semaphore, #tpu.memory_space<semaphore_mem>>)
        %dma_wait3A_148 = arith.constant 0 : i32
        %dma_wait3A_149 = tpu.memref_slice %arg7[%run_scoped3A_64, %dma_wait3A_148] : memref<2x80xi32, #tpu.memory_space<vmem>> -> memref<1x80xi32, #tpu.memory_space<vmem>>
        %dma_wait3A_150 = tpu.memref_squeeze %dma_wait3A_149 : memref<1x80xi32, #tpu.memory_space<vmem>> -> memref<80xi32, #tpu.memory_space<vmem>>
        %dma_wait3A_151 = tpu.memref_slice %arg2[%add3A_63] : memref<320000xi32, #tpu.memory_space<hbm>> -> memref<80xi32, #tpu.memory_space<hbm>>
        %dma_wait3A_152 = arith.constant 0 : i32
        %dma_wait3A_153 = tpu.memref_slice %arg7[%run_scoped3A_64, %dma_wait3A_152] : memref<2x80xi32, #tpu.memory_space<vmem>> -> memref<1x80xi32, #tpu.memory_space<vmem>>
        %dma_wait3A_154 = tpu.memref_squeeze %dma_wait3A_153 : memref<1x80xi32, #tpu.memory_space<vmem>> -> memref<80xi32, #tpu.memory_space<vmem>>
        %dma_wait3A_155 = tpu.memref_slice %arg2[%add3A_63] : memref<320000xi32, #tpu.memory_space<hbm>> -> memref<80xi32, #tpu.memory_space<hbm>>
        tpu.wait_dma2 semaphore(%run_scoped3A_139 : memref<!tpu.dma_semaphore, #tpu.memory_space<semaphore_mem>>) src(%dma_wait3A_155 : memref<80xi32, #tpu.memory_space<hbm>>) dst(%dma_wait3A_154 : memref<80xi32, #tpu.memory_space<vmem>>)
        tpu.yield
      }) : () -> ()
      %add3A_65 = arith.constant 1 : i32
      %add3A_66 = arith.addi %add3A_58, %add3A_65 : i32
      %mul3A_67 = arith.constant 80 : i32
      %mul3A_68 = arith.muli %add3A_66, %mul3A_67 : i32
      %add3A_69 = arith.addi %mul3A_7, %mul3A_68 : i32
      %run_scoped3A_70 = arith.constant 1 : i32
      "tpu.region"() ({
        %run_scoped3A_139 = tpu.sem_alloc : memref<!tpu.dma_semaphore, #tpu.memory_space<semaphore_mem>>
        %dma_start3A_140 = arith.constant 0 : i32
        %dma_start3A_141 = tpu.memref_slice %arg8[%run_scoped3A_70, %dma_start3A_140] : memref<2x80xi32, #tpu.memory_space<vmem>> -> memref<1x80xi32, #tpu.memory_space<vmem>>
        %dma_start3A_142 = tpu.memref_squeeze %dma_start3A_141 : memref<1x80xi32, #tpu.memory_space<vmem>> -> memref<80xi32, #tpu.memory_space<vmem>>
        %dma_start3A_143 = tpu.memref_slice %arg3[%add3A_69] : memref<160000xi32, #tpu.memory_space<hbm>> -> memref<80xi32, #tpu.memory_space<hbm>>
        %dma_start3A_144 = arith.constant 0 : i32
        %dma_start3A_145 = tpu.memref_slice %arg8[%run_scoped3A_70, %dma_start3A_144] : memref<2x80xi32, #tpu.memory_space<vmem>> -> memref<1x80xi32, #tpu.memory_space<vmem>>
        %dma_start3A_146 = tpu.memref_squeeze %dma_start3A_145 : memref<1x80xi32, #tpu.memory_space<vmem>> -> memref<80xi32, #tpu.memory_space<vmem>>
        %dma_start3A_147 = tpu.memref_slice %arg3[%add3A_69] : memref<160000xi32, #tpu.memory_space<hbm>> -> memref<80xi32, #tpu.memory_space<hbm>>
        tpu.enqueue_dma source(%dma_start3A_147 : memref<80xi32, #tpu.memory_space<hbm>>) target(%dma_start3A_146 : memref<80xi32, #tpu.memory_space<vmem>>) target_semaphore(%run_scoped3A_139 : memref<!tpu.dma_semaphore, #tpu.memory_space<semaphore_mem>>)
        %dma_wait3A_148 = arith.constant 0 : i32
        %dma_wait3A_149 = tpu.memref_slice %arg8[%run_scoped3A_70, %dma_wait3A_148] : memref<2x80xi32, #tpu.memory_space<vmem>> -> memref<1x80xi32, #tpu.memory_space<vmem>>
        %dma_wait3A_150 = tpu.memref_squeeze %dma_wait3A_149 : memref<1x80xi32, #tpu.memory_space<vmem>> -> memref<80xi32, #tpu.memory_space<vmem>>
        %dma_wait3A_151 = tpu.memref_slice %arg3[%add3A_69] : memref<160000xi32, #tpu.memory_space<hbm>> -> memref<80xi32, #tpu.memory_space<hbm>>
        %dma_wait3A_152 = arith.constant 0 : i32
        %dma_wait3A_153 = tpu.memref_slice %arg8[%run_scoped3A_70, %dma_wait3A_152] : memref<2x80xi32, #tpu.memory_space<vmem>> -> memref<1x80xi32, #tpu.memory_space<vmem>>
        %dma_wait3A_154 = tpu.memref_squeeze %dma_wait3A_153 : memref<1x80xi32, #tpu.memory_space<vmem>> -> memref<80xi32, #tpu.memory_space<vmem>>
        %dma_wait3A_155 = tpu.memref_slice %arg3[%add3A_69] : memref<160000xi32, #tpu.memory_space<hbm>> -> memref<80xi32, #tpu.memory_space<hbm>>
        tpu.wait_dma2 semaphore(%run_scoped3A_139 : memref<!tpu.dma_semaphore, #tpu.memory_space<semaphore_mem>>) src(%dma_wait3A_155 : memref<80xi32, #tpu.memory_space<hbm>>) dst(%dma_wait3A_154 : memref<80xi32, #tpu.memory_space<vmem>>)
        tpu.yield
      }) : () -> ()
      %dma_wait3A_71 = arith.constant 0 : i32
      %dma_wait3A_72 = arith.constant 0 : i32
      %dma_wait3A_73 = arith.constant 0 : i32
      %dma_wait3A_74 = arith.constant 0 : i32
      %dma_wait3A_75 = tpu.memref_slice %arg9[%dma_wait3A_72, %dma_wait3A_73, %dma_wait3A_74] : memref<2x80x128xf32, #tpu.memory_space<vmem>> -> memref<1x80x128xf32, #tpu.memory_space<vmem>>
      %dma_wait3A_76 = tpu.memref_squeeze %dma_wait3A_75 : memref<1x80x128xf32, #tpu.memory_space<vmem>> -> memref<80x128xf32, #tpu.memory_space<vmem>>
      %dma_wait3A_77 = arith.constant 0 : i32
      %dma_wait3A_78 = tpu.memref_slice %arg7[%dma_wait3A_71, %dma_wait3A_77] : memref<2x80xi32, #tpu.memory_space<vmem>> -> memref<1x80xi32, #tpu.memory_space<vmem>>
      %dma_wait3A_79 = tpu.memref_squeeze %dma_wait3A_78 : memref<1x80xi32, #tpu.memory_space<vmem>> -> memref<80xi32, #tpu.memory_space<vmem>>
      %dma_wait3A_80 = arith.constant 0 : i32
      %dma_wait3A_81 = arith.constant 0 : i32
      %dma_wait3A_82 = tpu.memref_slice %arg4[%dma_wait3A_80, %dma_wait3A_81] : memref<20000x128xf32, #tpu.memory_space<hbm>> -> memref<20000x128xf32, #tpu.memory_space<hbm>>
      tpu.wait_indirect_dma semaphore(%arg11 : memref<!tpu.dma_semaphore, #tpu.memory_space<semaphore_mem>>) src(%dma_wait3A_82 : memref<20000x128xf32, #tpu.memory_space<hbm>>) dst(%dma_wait3A_76 : memref<80x128xf32, #tpu.memory_space<vmem>>)
      %dma_start3A_83 = arith.constant 1 : i32
      %dma_start3A_84 = arith.constant 1 : i32
      %dma_start3A_85 = arith.constant 0 : i32
      %dma_start3A_86 = arith.constant 0 : i32
      %dma_start3A_87 = tpu.memref_slice %arg9[%dma_start3A_84, %dma_start3A_85, %dma_start3A_86] : memref<2x80x128xf32, #tpu.memory_space<vmem>> -> memref<1x80x128xf32, #tpu.memory_space<vmem>>
      %dma_start3A_88 = tpu.memref_squeeze %dma_start3A_87 : memref<1x80x128xf32, #tpu.memory_space<vmem>> -> memref<80x128xf32, #tpu.memory_space<vmem>>
      %dma_start3A_89 = arith.constant 0 : i32
      %dma_start3A_90 = tpu.memref_slice %arg7[%dma_start3A_83, %dma_start3A_89] : memref<2x80xi32, #tpu.memory_space<vmem>> -> memref<1x80xi32, #tpu.memory_space<vmem>>
      %dma_start3A_91 = tpu.memref_squeeze %dma_start3A_90 : memref<1x80xi32, #tpu.memory_space<vmem>> -> memref<80xi32, #tpu.memory_space<vmem>>
      %dma_start3A_92 = arith.constant 0 : i32
      %dma_start3A_93 = arith.constant 0 : i32
      %dma_start3A_94 = tpu.memref_slice %arg4[%dma_start3A_92, %dma_start3A_93] : memref<20000x128xf32, #tpu.memory_space<hbm>> -> memref<20000x128xf32, #tpu.memory_space<hbm>>
      tpu.enqueue_indirect_dma source(%dma_start3A_94 : memref<20000x128xf32, #tpu.memory_space<hbm>>) target(%dma_start3A_88 : memref<80x128xf32, #tpu.memory_space<vmem>>) offsets(%dma_start3A_91 : memref<80xi32, #tpu.memory_space<vmem>>) semaphore(%arg11 : memref<!tpu.dma_semaphore, #tpu.memory_space<semaphore_mem>>)
      %run_scoped3A_95 = arith.constant 0 : i32
      %run_scoped3A_96 = arith.constant 0 : i32
      "tpu.region"() ({
        %run_scoped3A_139 = tpu.sem_alloc : memref<!tpu.dma_semaphore, #tpu.memory_space<semaphore_mem>>
        %dma_start3A_140 = arith.constant 0 : i32
        %dma_start3A_141 = arith.constant 0 : i32
        %dma_start3A_142 = tpu.memref_slice %arg9[%run_scoped3A_95, %dma_start3A_140, %dma_start3A_141] : memref<2x80x128xf32, #tpu.memory_space<vmem>> -> memref<1x80x128xf32, #tpu.memory_space<vmem>>
        %dma_start3A_143 = tpu.memref_squeeze %dma_start3A_142 : memref<1x80x128xf32, #tpu.memory_space<vmem>> -> memref<80x128xf32, #tpu.memory_space<vmem>>
        %dma_start3A_144 = arith.constant 0 : i32
        %dma_start3A_145 = tpu.memref_slice %arg8[%run_scoped3A_96, %dma_start3A_144] : memref<2x80xi32, #tpu.memory_space<vmem>> -> memref<1x80xi32, #tpu.memory_space<vmem>>
        %dma_start3A_146 = tpu.memref_squeeze %dma_start3A_145 : memref<1x80xi32, #tpu.memory_space<vmem>> -> memref<80xi32, #tpu.memory_space<vmem>>
        %dma_start3A_147 = arith.constant 0 : i32
        %dma_start3A_148 = arith.constant 0 : i32
        %dma_start3A_149 = tpu.memref_slice %arg10[%dma_start3A_147, %dma_start3A_148] : memref<10240x128xf32, #tpu.memory_space<vmem_shared>> -> memref<10240x128xf32, #tpu.memory_space<vmem_shared>>
        tpu.enqueue_indirect_dma source(%dma_start3A_143 : memref<80x128xf32, #tpu.memory_space<vmem>>) target(%dma_start3A_149 : memref<10240x128xf32, #tpu.memory_space<vmem_shared>>) offsets(%dma_start3A_146 : memref<80xi32, #tpu.memory_space<vmem>>) semaphore(%run_scoped3A_139 : memref<!tpu.dma_semaphore, #tpu.memory_space<semaphore_mem>>) {add = true}
        %dma_wait3A_150 = arith.constant 0 : i32
        %dma_wait3A_151 = arith.constant 0 : i32
        %dma_wait3A_152 = tpu.memref_slice %arg9[%run_scoped3A_95, %dma_wait3A_150, %dma_wait3A_151] : memref<2x80x128xf32, #tpu.memory_space<vmem>> -> memref<1x80x128xf32, #tpu.memory_space<vmem>>
        %dma_wait3A_153 = tpu.memref_squeeze %dma_wait3A_152 : memref<1x80x128xf32, #tpu.memory_space<vmem>> -> memref<80x128xf32, #tpu.memory_space<vmem>>
        %dma_wait3A_154 = arith.constant 0 : i32
        %dma_wait3A_155 = tpu.memref_slice %arg8[%run_scoped3A_96, %dma_wait3A_154] : memref<2x80xi32, #tpu.memory_space<vmem>> -> memref<1x80xi32, #tpu.memory_space<vmem>>
        %dma_wait3A_156 = tpu.memref_squeeze %dma_wait3A_155 : memref<1x80xi32, #tpu.memory_space<vmem>> -> memref<80xi32, #tpu.memory_space<vmem>>
        %dma_wait3A_157 = arith.constant 0 : i32
        %dma_wait3A_158 = arith.constant 0 : i32
        %dma_wait3A_159 = tpu.memref_slice %arg10[%dma_wait3A_157, %dma_wait3A_158] : memref<10240x128xf32, #tpu.memory_space<vmem_shared>> -> memref<10240x128xf32, #tpu.memory_space<vmem_shared>>
        tpu.wait_indirect_dma semaphore(%run_scoped3A_139 : memref<!tpu.dma_semaphore, #tpu.memory_space<semaphore_mem>>) src(%dma_wait3A_153 : memref<80x128xf32, #tpu.memory_space<vmem>>) dst(%dma_wait3A_159 : memref<10240x128xf32, #tpu.memory_space<vmem_shared>>)
        tpu.yield
      }) : () -> ()
      %mul3A_97 = arith.constant 2 : i32
      %mul3A_98 = arith.muli %mul3A_97, %scan3A_54 : i32
      %add3A_99 = arith.constant 1 : i32
      %add3A_100 = arith.addi %mul3A_98, %add3A_99 : i32
      %add3A_101 = arith.constant 1 : i32
      %add3A_102 = arith.addi %add3A_100, %add3A_101 : i32
      %mul3A_103 = arith.constant 80 : i32
      %mul3A_104 = arith.muli %add3A_102, %mul3A_103 : i32
      %add3A_105 = arith.addi %add3A, %mul3A_104 : i32
      %run_scoped3A_106 = arith.constant 0 : i32
      "tpu.region"() ({
        %run_scoped3A_139 = tpu.sem_alloc : memref<!tpu.dma_semaphore, #tpu.memory_space<semaphore_mem>>
        %dma_start3A_140 = arith.constant 0 : i32
        %dma_start3A_141 = tpu.memref_slice %arg7[%run_scoped3A_106, %dma_start3A_140] : memref<2x80xi32, #tpu.memory_space<vmem>> -> memref<1x80xi32, #tpu.memory_space<vmem>>
        %dma_start3A_142 = tpu.memref_squeeze %dma_start3A_141 : memref<1x80xi32, #tpu.memory_space<vmem>> -> memref<80xi32, #tpu.memory_space<vmem>>
        %dma_start3A_143 = tpu.memref_slice %arg2[%add3A_105] : memref<320000xi32, #tpu.memory_space<hbm>> -> memref<80xi32, #tpu.memory_space<hbm>>
        %dma_start3A_144 = arith.constant 0 : i32
        %dma_start3A_145 = tpu.memref_slice %arg7[%run_scoped3A_106, %dma_start3A_144] : memref<2x80xi32, #tpu.memory_space<vmem>> -> memref<1x80xi32, #tpu.memory_space<vmem>>
        %dma_start3A_146 = tpu.memref_squeeze %dma_start3A_145 : memref<1x80xi32, #tpu.memory_space<vmem>> -> memref<80xi32, #tpu.memory_space<vmem>>
        %dma_start3A_147 = tpu.memref_slice %arg2[%add3A_105] : memref<320000xi32, #tpu.memory_space<hbm>> -> memref<80xi32, #tpu.memory_space<hbm>>
        tpu.enqueue_dma source(%dma_start3A_147 : memref<80xi32, #tpu.memory_space<hbm>>) target(%dma_start3A_146 : memref<80xi32, #tpu.memory_space<vmem>>) target_semaphore(%run_scoped3A_139 : memref<!tpu.dma_semaphore, #tpu.memory_space<semaphore_mem>>)
        %dma_wait3A_148 = arith.constant 0 : i32
        %dma_wait3A_149 = tpu.memref_slice %arg7[%run_scoped3A_106, %dma_wait3A_148] : memref<2x80xi32, #tpu.memory_space<vmem>> -> memref<1x80xi32, #tpu.memory_space<vmem>>
        %dma_wait3A_150 = tpu.memref_squeeze %dma_wait3A_149 : memref<1x80xi32, #tpu.memory_space<vmem>> -> memref<80xi32, #tpu.memory_space<vmem>>
        %dma_wait3A_151 = tpu.memref_slice %arg2[%add3A_105] : memref<320000xi32, #tpu.memory_space<hbm>> -> memref<80xi32, #tpu.memory_space<hbm>>
        %dma_wait3A_152 = arith.constant 0 : i32
        %dma_wait3A_153 = tpu.memref_slice %arg7[%run_scoped3A_106, %dma_wait3A_152] : memref<2x80xi32, #tpu.memory_space<vmem>> -> memref<1x80xi32, #tpu.memory_space<vmem>>
        %dma_wait3A_154 = tpu.memref_squeeze %dma_wait3A_153 : memref<1x80xi32, #tpu.memory_space<vmem>> -> memref<80xi32, #tpu.memory_space<vmem>>
        %dma_wait3A_155 = tpu.memref_slice %arg2[%add3A_105] : memref<320000xi32, #tpu.memory_space<hbm>> -> memref<80xi32, #tpu.memory_space<hbm>>
        tpu.wait_dma2 semaphore(%run_scoped3A_139 : memref<!tpu.dma_semaphore, #tpu.memory_space<semaphore_mem>>) src(%dma_wait3A_155 : memref<80xi32, #tpu.memory_space<hbm>>) dst(%dma_wait3A_154 : memref<80xi32, #tpu.memory_space<vmem>>)
        tpu.yield
      }) : () -> ()
      %add3A_107 = arith.constant 1 : i32
      %add3A_108 = arith.addi %add3A_100, %add3A_107 : i32
      %mul3A_109 = arith.constant 80 : i32
      %mul3A_110 = arith.muli %add3A_108, %mul3A_109 : i32
      %add3A_111 = arith.addi %mul3A_7, %mul3A_110 : i32
      %run_scoped3A_112 = arith.constant 0 : i32
      "tpu.region"() ({
        %run_scoped3A_139 = tpu.sem_alloc : memref<!tpu.dma_semaphore, #tpu.memory_space<semaphore_mem>>
        %dma_start3A_140 = arith.constant 0 : i32
        %dma_start3A_141 = tpu.memref_slice %arg8[%run_scoped3A_112, %dma_start3A_140] : memref<2x80xi32, #tpu.memory_space<vmem>> -> memref<1x80xi32, #tpu.memory_space<vmem>>
        %dma_start3A_142 = tpu.memref_squeeze %dma_start3A_141 : memref<1x80xi32, #tpu.memory_space<vmem>> -> memref<80xi32, #tpu.memory_space<vmem>>
        %dma_start3A_143 = tpu.memref_slice %arg3[%add3A_111] : memref<160000xi32, #tpu.memory_space<hbm>> -> memref<80xi32, #tpu.memory_space<hbm>>
        %dma_start3A_144 = arith.constant 0 : i32
        %dma_start3A_145 = tpu.memref_slice %arg8[%run_scoped3A_112, %dma_start3A_144] : memref<2x80xi32, #tpu.memory_space<vmem>> -> memref<1x80xi32, #tpu.memory_space<vmem>>
        %dma_start3A_146 = tpu.memref_squeeze %dma_start3A_145 : memref<1x80xi32, #tpu.memory_space<vmem>> -> memref<80xi32, #tpu.memory_space<vmem>>
        %dma_start3A_147 = tpu.memref_slice %arg3[%add3A_111] : memref<160000xi32, #tpu.memory_space<hbm>> -> memref<80xi32, #tpu.memory_space<hbm>>
        tpu.enqueue_dma source(%dma_start3A_147 : memref<80xi32, #tpu.memory_space<hbm>>) target(%dma_start3A_146 : memref<80xi32, #tpu.memory_space<vmem>>) target_semaphore(%run_scoped3A_139 : memref<!tpu.dma_semaphore, #tpu.memory_space<semaphore_mem>>)
        %dma_wait3A_148 = arith.constant 0 : i32
        %dma_wait3A_149 = tpu.memref_slice %arg8[%run_scoped3A_112, %dma_wait3A_148] : memref<2x80xi32, #tpu.memory_space<vmem>> -> memref<1x80xi32, #tpu.memory_space<vmem>>
        %dma_wait3A_150 = tpu.memref_squeeze %dma_wait3A_149 : memref<1x80xi32, #tpu.memory_space<vmem>> -> memref<80xi32, #tpu.memory_space<vmem>>
        %dma_wait3A_151 = tpu.memref_slice %arg3[%add3A_111] : memref<160000xi32, #tpu.memory_space<hbm>> -> memref<80xi32, #tpu.memory_space<hbm>>
        %dma_wait3A_152 = arith.constant 0 : i32
        %dma_wait3A_153 = tpu.memref_slice %arg8[%run_scoped3A_112, %dma_wait3A_152] : memref<2x80xi32, #tpu.memory_space<vmem>> -> memref<1x80xi32, #tpu.memory_space<vmem>>
        %dma_wait3A_154 = tpu.memref_squeeze %dma_wait3A_153 : memref<1x80xi32, #tpu.memory_space<vmem>> -> memref<80xi32, #tpu.memory_space<vmem>>
        %dma_wait3A_155 = tpu.memref_slice %arg3[%add3A_111] : memref<160000xi32, #tpu.memory_space<hbm>> -> memref<80xi32, #tpu.memory_space<hbm>>
        tpu.wait_dma2 semaphore(%run_scoped3A_139 : memref<!tpu.dma_semaphore, #tpu.memory_space<semaphore_mem>>) src(%dma_wait3A_155 : memref<80xi32, #tpu.memory_space<hbm>>) dst(%dma_wait3A_154 : memref<80xi32, #tpu.memory_space<vmem>>)
        tpu.yield
      }) : () -> ()
      %dma_wait3A_113 = arith.constant 1 : i32
      %dma_wait3A_114 = arith.constant 1 : i32
      %dma_wait3A_115 = arith.constant 0 : i32
      %dma_wait3A_116 = arith.constant 0 : i32
      %dma_wait3A_117 = tpu.memref_slice %arg9[%dma_wait3A_114, %dma_wait3A_115, %dma_wait3A_116] : memref<2x80x128xf32, #tpu.memory_space<vmem>> -> memref<1x80x128xf32, #tpu.memory_space<vmem>>
      %dma_wait3A_118 = tpu.memref_squeeze %dma_wait3A_117 : memref<1x80x128xf32, #tpu.memory_space<vmem>> -> memref<80x128xf32, #tpu.memory_space<vmem>>
      %dma_wait3A_119 = arith.constant 0 : i32
      %dma_wait3A_120 = tpu.memref_slice %arg7[%dma_wait3A_113, %dma_wait3A_119] : memref<2x80xi32, #tpu.memory_space<vmem>> -> memref<1x80xi32, #tpu.memory_space<vmem>>
      %dma_wait3A_121 = tpu.memref_squeeze %dma_wait3A_120 : memref<1x80xi32, #tpu.memory_space<vmem>> -> memref<80xi32, #tpu.memory_space<vmem>>
      %dma_wait3A_122 = arith.constant 0 : i32
      %dma_wait3A_123 = arith.constant 0 : i32
      %dma_wait3A_124 = tpu.memref_slice %arg4[%dma_wait3A_122, %dma_wait3A_123] : memref<20000x128xf32, #tpu.memory_space<hbm>> -> memref<20000x128xf32, #tpu.memory_space<hbm>>
      tpu.wait_indirect_dma semaphore(%arg11 : memref<!tpu.dma_semaphore, #tpu.memory_space<semaphore_mem>>) src(%dma_wait3A_124 : memref<20000x128xf32, #tpu.memory_space<hbm>>) dst(%dma_wait3A_118 : memref<80x128xf32, #tpu.memory_space<vmem>>)
      %dma_start3A_125 = arith.constant 0 : i32
      %dma_start3A_126 = arith.constant 0 : i32
      %dma_start3A_127 = arith.constant 0 : i32
      %dma_start3A_128 = arith.constant 0 : i32
      %dma_start3A_129 = tpu.memref_slice %arg9[%dma_start3A_126, %dma_start3A_127, %dma_start3A_128] : memref<2x80x128xf32, #tpu.memory_space<vmem>> -> memref<1x80x128xf32, #tpu.memory_space<vmem>>
      %dma_start3A_130 = tpu.memref_squeeze %dma_start3A_129 : memref<1x80x128xf32, #tpu.memory_space<vmem>> -> memref<80x128xf32, #tpu.memory_space<vmem>>
      %dma_start3A_131 = arith.constant 0 : i32
      %dma_start3A_132 = tpu.memref_slice %arg7[%dma_start3A_125, %dma_start3A_131] : memref<2x80xi32, #tpu.memory_space<vmem>> -> memref<1x80xi32, #tpu.memory_space<vmem>>
      %dma_start3A_133 = tpu.memref_squeeze %dma_start3A_132 : memref<1x80xi32, #tpu.memory_space<vmem>> -> memref<80xi32, #tpu.memory_space<vmem>>
      %dma_start3A_134 = arith.constant 0 : i32
      %dma_start3A_135 = arith.constant 0 : i32
      %dma_start3A_136 = tpu.memref_slice %arg4[%dma_start3A_134, %dma_start3A_135] : memref<20000x128xf32, #tpu.memory_space<hbm>> -> memref<20000x128xf32, #tpu.memory_space<hbm>>
      tpu.enqueue_indirect_dma source(%dma_start3A_136 : memref<20000x128xf32, #tpu.memory_space<hbm>>) target(%dma_start3A_130 : memref<80x128xf32, #tpu.memory_space<vmem>>) offsets(%dma_start3A_133 : memref<80xi32, #tpu.memory_space<vmem>>) semaphore(%arg11 : memref<!tpu.dma_semaphore, #tpu.memory_space<semaphore_mem>>)
      %run_scoped3A_137 = arith.constant 1 : i32
      %run_scoped3A_138 = arith.constant 1 : i32
      "tpu.region"() ({
        %run_scoped3A_139 = tpu.sem_alloc : memref<!tpu.dma_semaphore, #tpu.memory_space<semaphore_mem>>
        %dma_start3A_140 = arith.constant 0 : i32
        %dma_start3A_141 = arith.constant 0 : i32
        %dma_start3A_142 = tpu.memref_slice %arg9[%run_scoped3A_137, %dma_start3A_140, %dma_start3A_141] : memref<2x80x128xf32, #tpu.memory_space<vmem>> -> memref<1x80x128xf32, #tpu.memory_space<vmem>>
        %dma_start3A_143 = tpu.memref_squeeze %dma_start3A_142 : memref<1x80x128xf32, #tpu.memory_space<vmem>> -> memref<80x128xf32, #tpu.memory_space<vmem>>
        %dma_start3A_144 = arith.constant 0 : i32
        %dma_start3A_145 = tpu.memref_slice %arg8[%run_scoped3A_138, %dma_start3A_144] : memref<2x80xi32, #tpu.memory_space<vmem>> -> memref<1x80xi32, #tpu.memory_space<vmem>>
        %dma_start3A_146 = tpu.memref_squeeze %dma_start3A_145 : memref<1x80xi32, #tpu.memory_space<vmem>> -> memref<80xi32, #tpu.memory_space<vmem>>
        %dma_start3A_147 = arith.constant 0 : i32
        %dma_start3A_148 = arith.constant 0 : i32
        %dma_start3A_149 = tpu.memref_slice %arg10[%dma_start3A_147, %dma_start3A_148] : memref<10240x128xf32, #tpu.memory_space<vmem_shared>> -> memref<10240x128xf32, #tpu.memory_space<vmem_shared>>
        tpu.enqueue_indirect_dma source(%dma_start3A_143 : memref<80x128xf32, #tpu.memory_space<vmem>>) target(%dma_start3A_149 : memref<10240x128xf32, #tpu.memory_space<vmem_shared>>) offsets(%dma_start3A_146 : memref<80xi32, #tpu.memory_space<vmem>>) semaphore(%run_scoped3A_139 : memref<!tpu.dma_semaphore, #tpu.memory_space<semaphore_mem>>) {add = true}
        %dma_wait3A_150 = arith.constant 0 : i32
        %dma_wait3A_151 = arith.constant 0 : i32
        %dma_wait3A_152 = tpu.memref_slice %arg9[%run_scoped3A_137, %dma_wait3A_150, %dma_wait3A_151] : memref<2x80x128xf32, #tpu.memory_space<vmem>> -> memref<1x80x128xf32, #tpu.memory_space<vmem>>
        %dma_wait3A_153 = tpu.memref_squeeze %dma_wait3A_152 : memref<1x80x128xf32, #tpu.memory_space<vmem>> -> memref<80x128xf32, #tpu.memory_space<vmem>>
        %dma_wait3A_154 = arith.constant 0 : i32
        %dma_wait3A_155 = tpu.memref_slice %arg8[%run_scoped3A_138, %dma_wait3A_154] : memref<2x80xi32, #tpu.memory_space<vmem>> -> memref<1x80xi32, #tpu.memory_space<vmem>>
        %dma_wait3A_156 = tpu.memref_squeeze %dma_wait3A_155 : memref<1x80xi32, #tpu.memory_space<vmem>> -> memref<80xi32, #tpu.memory_space<vmem>>
        %dma_wait3A_157 = arith.constant 0 : i32
        %dma_wait3A_158 = arith.constant 0 : i32
        %dma_wait3A_159 = tpu.memref_slice %arg10[%dma_wait3A_157, %dma_wait3A_158] : memref<10240x128xf32, #tpu.memory_space<vmem_shared>> -> memref<10240x128xf32, #tpu.memory_space<vmem_shared>>
        tpu.wait_indirect_dma semaphore(%run_scoped3A_139 : memref<!tpu.dma_semaphore, #tpu.memory_space<semaphore_mem>>) src(%dma_wait3A_153 : memref<80x128xf32, #tpu.memory_space<vmem>>) dst(%dma_wait3A_159 : memref<10240x128xf32, #tpu.memory_space<vmem_shared>>)
        tpu.yield
      }) : () -> ()
    }
    %scan3A_28 = arith.constant 62 : i32
    %dma_wait3A = arith.constant 0 : i32
    %dma_wait3A_29 = arith.constant 0 : i32
    %dma_wait3A_30 = arith.constant 0 : i32
    %dma_wait3A_31 = arith.constant 0 : i32
    %dma_wait3A_32 = tpu.memref_slice %arg9[%dma_wait3A_29, %dma_wait3A_30, %dma_wait3A_31] : memref<2x80x128xf32, #tpu.memory_space<vmem>> -> memref<1x80x128xf32, #tpu.memory_space<vmem>>
    %dma_wait3A_33 = tpu.memref_squeeze %dma_wait3A_32 : memref<1x80x128xf32, #tpu.memory_space<vmem>> -> memref<80x128xf32, #tpu.memory_space<vmem>>
    %dma_wait3A_34 = arith.constant 0 : i32
    %dma_wait3A_35 = tpu.memref_slice %arg7[%dma_wait3A, %dma_wait3A_34] : memref<2x80xi32, #tpu.memory_space<vmem>> -> memref<1x80xi32, #tpu.memory_space<vmem>>
    %dma_wait3A_36 = tpu.memref_squeeze %dma_wait3A_35 : memref<1x80xi32, #tpu.memory_space<vmem>> -> memref<80xi32, #tpu.memory_space<vmem>>
    %dma_wait3A_37 = arith.constant 0 : i32
    %dma_wait3A_38 = arith.constant 0 : i32
    %dma_wait3A_39 = tpu.memref_slice %arg4[%dma_wait3A_37, %dma_wait3A_38] : memref<20000x128xf32, #tpu.memory_space<hbm>> -> memref<20000x128xf32, #tpu.memory_space<hbm>>
    tpu.wait_indirect_dma semaphore(%arg11 : memref<!tpu.dma_semaphore, #tpu.memory_space<semaphore_mem>>) src(%dma_wait3A_39 : memref<20000x128xf32, #tpu.memory_space<hbm>>) dst(%dma_wait3A_33 : memref<80x128xf32, #tpu.memory_space<vmem>>)
    %run_scoped3A_40 = arith.constant 0 : i32
    %run_scoped3A_41 = arith.constant 0 : i32
    "tpu.region"() ({
      %run_scoped3A_54 = tpu.sem_alloc : memref<!tpu.dma_semaphore, #tpu.memory_space<semaphore_mem>>
      %dma_start3A_55 = arith.constant 0 : i32
      %dma_start3A_56 = arith.constant 0 : i32
      %dma_start3A_57 = tpu.memref_slice %arg9[%run_scoped3A_40, %dma_start3A_55, %dma_start3A_56] : memref<2x80x128xf32, #tpu.memory_space<vmem>> -> memref<1x80x128xf32, #tpu.memory_space<vmem>>
      %dma_start3A_58 = tpu.memref_squeeze %dma_start3A_57 : memref<1x80x128xf32, #tpu.memory_space<vmem>> -> memref<80x128xf32, #tpu.memory_space<vmem>>
      %dma_start3A_59 = arith.constant 0 : i32
      %dma_start3A_60 = tpu.memref_slice %arg8[%run_scoped3A_41, %dma_start3A_59] : memref<2x80xi32, #tpu.memory_space<vmem>> -> memref<1x80xi32, #tpu.memory_space<vmem>>
      %dma_start3A_61 = tpu.memref_squeeze %dma_start3A_60 : memref<1x80xi32, #tpu.memory_space<vmem>> -> memref<80xi32, #tpu.memory_space<vmem>>
      %dma_start3A_62 = arith.constant 0 : i32
      %dma_start3A_63 = arith.constant 0 : i32
      %dma_start3A_64 = tpu.memref_slice %arg10[%dma_start3A_62, %dma_start3A_63] : memref<10240x128xf32, #tpu.memory_space<vmem_shared>> -> memref<10240x128xf32, #tpu.memory_space<vmem_shared>>
      tpu.enqueue_indirect_dma source(%dma_start3A_58 : memref<80x128xf32, #tpu.memory_space<vmem>>) target(%dma_start3A_64 : memref<10240x128xf32, #tpu.memory_space<vmem_shared>>) offsets(%dma_start3A_61 : memref<80xi32, #tpu.memory_space<vmem>>) semaphore(%run_scoped3A_54 : memref<!tpu.dma_semaphore, #tpu.memory_space<semaphore_mem>>) {add = true}
      %dma_wait3A_65 = arith.constant 0 : i32
      %dma_wait3A_66 = arith.constant 0 : i32
      %dma_wait3A_67 = tpu.memref_slice %arg9[%run_scoped3A_40, %dma_wait3A_65, %dma_wait3A_66] : memref<2x80x128xf32, #tpu.memory_space<vmem>> -> memref<1x80x128xf32, #tpu.memory_space<vmem>>
      %dma_wait3A_68 = tpu.memref_squeeze %dma_wait3A_67 : memref<1x80x128xf32, #tpu.memory_space<vmem>> -> memref<80x128xf32, #tpu.memory_space<vmem>>
      %dma_wait3A_69 = arith.constant 0 : i32
      %dma_wait3A_70 = tpu.memref_slice %arg8[%run_scoped3A_41, %dma_wait3A_69] : memref<2x80xi32, #tpu.memory_space<vmem>> -> memref<1x80xi32, #tpu.memory_space<vmem>>
      %dma_wait3A_71 = tpu.memref_squeeze %dma_wait3A_70 : memref<1x80xi32, #tpu.memory_space<vmem>> -> memref<80xi32, #tpu.memory_space<vmem>>
      %dma_wait3A_72 = arith.constant 0 : i32
      %dma_wait3A_73 = arith.constant 0 : i32
      %dma_wait3A_74 = tpu.memref_slice %arg10[%dma_wait3A_72, %dma_wait3A_73] : memref<10240x128xf32, #tpu.memory_space<vmem_shared>> -> memref<10240x128xf32, #tpu.memory_space<vmem_shared>>
      tpu.wait_indirect_dma semaphore(%run_scoped3A_54 : memref<!tpu.dma_semaphore, #tpu.memory_space<semaphore_mem>>) src(%dma_wait3A_68 : memref<80x128xf32, #tpu.memory_space<vmem>>) dst(%dma_wait3A_74 : memref<10240x128xf32, #tpu.memory_space<vmem_shared>>)
      tpu.yield
    }) : () -> ()
    %barrier3A_42 = arith.constant 0 : index
    tpu.barrier barrier_id(%barrier3A_42)
    %eq3A = arith.constant 15 : i32
    %eq3A_43 = arith.cmpi eq, %arg1, %eq3A : i32
    %jit3A = arith.constant 5 : i32
    %jit3A_44 = arith.constant 8 : i32
    %select_n3A = arith.select %eq3A_43, %jit3A, %jit3A_44 : i32
    %while3A = arith.constant 0 : i32
    %while3A_45 = arith.constant 0 : i32
    %while3A_46 = arith.subi %select_n3A, %while3A_45 : i32
    %while3A_47 = arith.addi %while3A_45, %while3A_46 : i32
    %while3A_48 = arith.constant 1 : i32
    %while3A_49 = arith.divsi %while3A_46, %while3A_48 : i32
    %while3A_50 = arith.muli %while3A_49, %while3A_48 : i32
    %while3A_51 = arith.addi %while3A_45, %while3A_50 : i32
    %while3A_52 = arith.constant 1 : i32
    scf.for %while3A_54 = %while3A_45 to %while3A_51 step %while3A_52  : i32 {
      %mul3A_55 = arith.constant 80 : i32
      %mul3A_56 = arith.muli %while3A_54, %mul3A_55 : i32
      %add3A_57 = arith.addi %mul3A_0, %mul3A_56 : i32
      %run_scoped3A_58 = arith.constant 0 : i32
      "tpu.region"() ({
        %run_scoped3A_63 = tpu.sem_alloc : memref<!tpu.dma_semaphore, #tpu.memory_space<semaphore_mem>>
        %dma_start3A_64 = arith.constant 0 : i32
        %dma_start3A_65 = arith.constant 0 : i32
        %dma_start3A_66 = tpu.memref_slice %arg9[%run_scoped3A_58, %dma_start3A_64, %dma_start3A_65] : memref<2x80x128xf32, #tpu.memory_space<vmem>> -> memref<1x80x128xf32, #tpu.memory_space<vmem>>
        %dma_start3A_67 = tpu.memref_squeeze %dma_start3A_66 : memref<1x80x128xf32, #tpu.memory_space<vmem>> -> memref<80x128xf32, #tpu.memory_space<vmem>>
        %dma_start3A_68 = arith.constant 0 : i32
        %dma_start3A_69 = tpu.memref_slice %arg10[%add3A_57, %dma_start3A_68] : memref<10240x128xf32, #tpu.memory_space<vmem_shared>> -> memref<80x128xf32, #tpu.memory_space<vmem_shared>>
        %dma_start3A_70 = arith.constant 0 : i32
        %dma_start3A_71 = arith.constant 0 : i32
        %dma_start3A_72 = tpu.memref_slice %arg9[%run_scoped3A_58, %dma_start3A_70, %dma_start3A_71] : memref<2x80x128xf32, #tpu.memory_space<vmem>> -> memref<1x80x128xf32, #tpu.memory_space<vmem>>
        %dma_start3A_73 = tpu.memref_squeeze %dma_start3A_72 : memref<1x80x128xf32, #tpu.memory_space<vmem>> -> memref<80x128xf32, #tpu.memory_space<vmem>>
        %dma_start3A_74 = arith.constant 0 : i32
        %dma_start3A_75 = tpu.memref_slice %arg10[%add3A_57, %dma_start3A_74] : memref<10240x128xf32, #tpu.memory_space<vmem_shared>> -> memref<80x128xf32, #tpu.memory_space<vmem_shared>>
        tpu.enqueue_dma source(%dma_start3A_75 : memref<80x128xf32, #tpu.memory_space<vmem_shared>>) target(%dma_start3A_73 : memref<80x128xf32, #tpu.memory_space<vmem>>) target_semaphore(%run_scoped3A_63 : memref<!tpu.dma_semaphore, #tpu.memory_space<semaphore_mem>>)
        %dma_wait3A_76 = arith.constant 0 : i32
        %dma_wait3A_77 = arith.constant 0 : i32
        %dma_wait3A_78 = tpu.memref_slice %arg9[%run_scoped3A_58, %dma_wait3A_76, %dma_wait3A_77] : memref<2x80x128xf32, #tpu.memory_space<vmem>> -> memref<1x80x128xf32, #tpu.memory_space<vmem>>
        %dma_wait3A_79 = tpu.memref_squeeze %dma_wait3A_78 : memref<1x80x128xf32, #tpu.memory_space<vmem>> -> memref<80x128xf32, #tpu.memory_space<vmem>>
        %dma_wait3A_80 = arith.constant 0 : i32
        %dma_wait3A_81 = tpu.memref_slice %arg10[%add3A_57, %dma_wait3A_80] : memref<10240x128xf32, #tpu.memory_space<vmem_shared>> -> memref<80x128xf32, #tpu.memory_space<vmem_shared>>
        %dma_wait3A_82 = arith.constant 0 : i32
        %dma_wait3A_83 = arith.constant 0 : i32
        %dma_wait3A_84 = tpu.memref_slice %arg9[%run_scoped3A_58, %dma_wait3A_82, %dma_wait3A_83] : memref<2x80x128xf32, #tpu.memory_space<vmem>> -> memref<1x80x128xf32, #tpu.memory_space<vmem>>
        %dma_wait3A_85 = tpu.memref_squeeze %dma_wait3A_84 : memref<1x80x128xf32, #tpu.memory_space<vmem>> -> memref<80x128xf32, #tpu.memory_space<vmem>>
        %dma_wait3A_86 = arith.constant 0 : i32
        %dma_wait3A_87 = tpu.memref_slice %arg10[%add3A_57, %dma_wait3A_86] : memref<10240x128xf32, #tpu.memory_space<vmem_shared>> -> memref<80x128xf32, #tpu.memory_space<vmem_shared>>
        tpu.wait_dma2 semaphore(%run_scoped3A_63 : memref<!tpu.dma_semaphore, #tpu.memory_space<semaphore_mem>>) src(%dma_wait3A_87 : memref<80x128xf32, #tpu.memory_space<vmem_shared>>) dst(%dma_wait3A_85 : memref<80x128xf32, #tpu.memory_space<vmem>>)
        tpu.yield
      }) : () -> ()
      %mul3A_59 = arith.constant 10000 : i32
      %mul3A_60 = arith.muli %arg0, %mul3A_59 : i32
      %add3A_61 = arith.addi %mul3A_60, %add3A_57 : i32
      %run_scoped3A_62 = arith.constant 0 : i32
      "tpu.region"() ({
        %run_scoped3A_63 = tpu.sem_alloc : memref<!tpu.dma_semaphore, #tpu.memory_space<semaphore_mem>>
        %dma_start3A_64 = arith.constant 0 : i32
        %dma_start3A_65 = arith.constant 0 : i32
        %dma_start3A_66 = tpu.memref_slice %arg9[%run_scoped3A_62, %dma_start3A_64, %dma_start3A_65] : memref<2x80x128xf32, #tpu.memory_space<vmem>> -> memref<1x80x128xf32, #tpu.memory_space<vmem>>
        %dma_start3A_67 = tpu.memref_squeeze %dma_start3A_66 : memref<1x80x128xf32, #tpu.memory_space<vmem>> -> memref<80x128xf32, #tpu.memory_space<vmem>>
        %dma_start3A_68 = arith.constant 0 : i32
        %dma_start3A_69 = tpu.memref_slice %arg6[%add3A_61, %dma_start3A_68] : memref<20000x128xf32, #tpu.memory_space<hbm>> -> memref<80x128xf32, #tpu.memory_space<hbm>>
        %dma_start3A_70 = arith.constant 0 : i32
        %dma_start3A_71 = tpu.memref_slice %arg6[%add3A_61, %dma_start3A_70] : memref<20000x128xf32, #tpu.memory_space<hbm>> -> memref<80x128xf32, #tpu.memory_space<hbm>>
        %dma_start3A_72 = arith.constant 0 : i32
        %dma_start3A_73 = arith.constant 0 : i32
        %dma_start3A_74 = tpu.memref_slice %arg9[%run_scoped3A_62, %dma_start3A_72, %dma_start3A_73] : memref<2x80x128xf32, #tpu.memory_space<vmem>> -> memref<1x80x128xf32, #tpu.memory_space<vmem>>
        %dma_start3A_75 = tpu.memref_squeeze %dma_start3A_74 : memref<1x80x128xf32, #tpu.memory_space<vmem>> -> memref<80x128xf32, #tpu.memory_space<vmem>>
        tpu.enqueue_dma source(%dma_start3A_75 : memref<80x128xf32, #tpu.memory_space<vmem>>) target(%dma_start3A_71 : memref<80x128xf32, #tpu.memory_space<hbm>>) target_semaphore(%run_scoped3A_63 : memref<!tpu.dma_semaphore, #tpu.memory_space<semaphore_mem>>)
        %dma_wait3A_76 = arith.constant 0 : i32
        %dma_wait3A_77 = arith.constant 0 : i32
        %dma_wait3A_78 = tpu.memref_slice %arg9[%run_scoped3A_62, %dma_wait3A_76, %dma_wait3A_77] : memref<2x80x128xf32, #tpu.memory_space<vmem>> -> memref<1x80x128xf32, #tpu.memory_space<vmem>>
        %dma_wait3A_79 = tpu.memref_squeeze %dma_wait3A_78 : memref<1x80x128xf32, #tpu.memory_space<vmem>> -> memref<80x128xf32, #tpu.memory_space<vmem>>
        %dma_wait3A_80 = arith.constant 0 : i32
        %dma_wait3A_81 = tpu.memref_slice %arg6[%add3A_61, %dma_wait3A_80] : memref<20000x128xf32, #tpu.memory_space<hbm>> -> memref<80x128xf32, #tpu.memory_space<hbm>>
        %dma_wait3A_82 = arith.constant 0 : i32
        %dma_wait3A_83 = tpu.memref_slice %arg6[%add3A_61, %dma_wait3A_82] : memref<20000x128xf32, #tpu.memory_space<hbm>> -> memref<80x128xf32, #tpu.memory_space<hbm>>
        %dma_wait3A_84 = arith.constant 0 : i32
        %dma_wait3A_85 = arith.constant 0 : i32
        %dma_wait3A_86 = tpu.memref_slice %arg9[%run_scoped3A_62, %dma_wait3A_84, %dma_wait3A_85] : memref<2x80x128xf32, #tpu.memory_space<vmem>> -> memref<1x80x128xf32, #tpu.memory_space<vmem>>
        %dma_wait3A_87 = tpu.memref_squeeze %dma_wait3A_86 : memref<1x80x128xf32, #tpu.memory_space<vmem>> -> memref<80x128xf32, #tpu.memory_space<vmem>>
        tpu.wait_dma2 semaphore(%run_scoped3A_63 : memref<!tpu.dma_semaphore, #tpu.memory_space<semaphore_mem>>) src(%dma_wait3A_87 : memref<80x128xf32, #tpu.memory_space<vmem>>) dst(%dma_wait3A_83 : memref<80x128xf32, #tpu.memory_space<hbm>>)
        tpu.yield
      }) : () -> ()
    }
    %while3A_53 = arith.constant 1 : i32
    scf.for %while3A_54 = %while3A_51 to %while3A_47 step %while3A_53  : i32 {
      %mul3A_55 = arith.constant 80 : i32
      %mul3A_56 = arith.muli %while3A_54, %mul3A_55 : i32
      %add3A_57 = arith.addi %mul3A_0, %mul3A_56 : i32
      %run_scoped3A_58 = arith.constant 0 : i32
      "tpu.region"() ({
        %run_scoped3A_63 = tpu.sem_alloc : memref<!tpu.dma_semaphore, #tpu.memory_space<semaphore_mem>>
        %dma_start3A_64 = arith.constant 0 : i32
        %dma_start3A_65 = arith.constant 0 : i32
        %dma_start3A_66 = tpu.memref_slice %arg9[%run_scoped3A_58, %dma_start3A_64, %dma_start3A_65] : memref<2x80x128xf32, #tpu.memory_space<vmem>> -> memref<1x80x128xf32, #tpu.memory_space<vmem>>
        %dma_start3A_67 = tpu.memref_squeeze %dma_start3A_66 : memref<1x80x128xf32, #tpu.memory_space<vmem>> -> memref<80x128xf32, #tpu.memory_space<vmem>>
        %dma_start3A_68 = arith.constant 0 : i32
        %dma_start3A_69 = tpu.memref_slice %arg10[%add3A_57, %dma_start3A_68] : memref<10240x128xf32, #tpu.memory_space<vmem_shared>> -> memref<80x128xf32, #tpu.memory_space<vmem_shared>>
        %dma_start3A_70 = arith.constant 0 : i32
        %dma_start3A_71 = arith.constant 0 : i32
        %dma_start3A_72 = tpu.memref_slice %arg9[%run_scoped3A_58, %dma_start3A_70, %dma_start3A_71] : memref<2x80x128xf32, #tpu.memory_space<vmem>> -> memref<1x80x128xf32, #tpu.memory_space<vmem>>
        %dma_start3A_73 = tpu.memref_squeeze %dma_start3A_72 : memref<1x80x128xf32, #tpu.memory_space<vmem>> -> memref<80x128xf32, #tpu.memory_space<vmem>>
        %dma_start3A_74 = arith.constant 0 : i32
        %dma_start3A_75 = tpu.memref_slice %arg10[%add3A_57, %dma_start3A_74] : memref<10240x128xf32, #tpu.memory_space<vmem_shared>> -> memref<80x128xf32, #tpu.memory_space<vmem_shared>>
        tpu.enqueue_dma source(%dma_start3A_75 : memref<80x128xf32, #tpu.memory_space<vmem_shared>>) target(%dma_start3A_73 : memref<80x128xf32, #tpu.memory_space<vmem>>) target_semaphore(%run_scoped3A_63 : memref<!tpu.dma_semaphore, #tpu.memory_space<semaphore_mem>>)
        %dma_wait3A_76 = arith.constant 0 : i32
        %dma_wait3A_77 = arith.constant 0 : i32
        %dma_wait3A_78 = tpu.memref_slice %arg9[%run_scoped3A_58, %dma_wait3A_76, %dma_wait3A_77] : memref<2x80x128xf32, #tpu.memory_space<vmem>> -> memref<1x80x128xf32, #tpu.memory_space<vmem>>
        %dma_wait3A_79 = tpu.memref_squeeze %dma_wait3A_78 : memref<1x80x128xf32, #tpu.memory_space<vmem>> -> memref<80x128xf32, #tpu.memory_space<vmem>>
        %dma_wait3A_80 = arith.constant 0 : i32
        %dma_wait3A_81 = tpu.memref_slice %arg10[%add3A_57, %dma_wait3A_80] : memref<10240x128xf32, #tpu.memory_space<vmem_shared>> -> memref<80x128xf32, #tpu.memory_space<vmem_shared>>
        %dma_wait3A_82 = arith.constant 0 : i32
        %dma_wait3A_83 = arith.constant 0 : i32
        %dma_wait3A_84 = tpu.memref_slice %arg9[%run_scoped3A_58, %dma_wait3A_82, %dma_wait3A_83] : memref<2x80x128xf32, #tpu.memory_space<vmem>> -> memref<1x80x128xf32, #tpu.memory_space<vmem>>
        %dma_wait3A_85 = tpu.memref_squeeze %dma_wait3A_84 : memref<1x80x128xf32, #tpu.memory_space<vmem>> -> memref<80x128xf32, #tpu.memory_space<vmem>>
        %dma_wait3A_86 = arith.constant 0 : i32
        %dma_wait3A_87 = tpu.memref_slice %arg10[%add3A_57, %dma_wait3A_86] : memref<10240x128xf32, #tpu.memory_space<vmem_shared>> -> memref<80x128xf32, #tpu.memory_space<vmem_shared>>
        tpu.wait_dma2 semaphore(%run_scoped3A_63 : memref<!tpu.dma_semaphore, #tpu.memory_space<semaphore_mem>>) src(%dma_wait3A_87 : memref<80x128xf32, #tpu.memory_space<vmem_shared>>) dst(%dma_wait3A_85 : memref<80x128xf32, #tpu.memory_space<vmem>>)
        tpu.yield
      }) : () -> ()
      %mul3A_59 = arith.constant 10000 : i32
      %mul3A_60 = arith.muli %arg0, %mul3A_59 : i32
      %add3A_61 = arith.addi %mul3A_60, %add3A_57 : i32
      %run_scoped3A_62 = arith.constant 0 : i32
      "tpu.region"() ({
        %run_scoped3A_63 = tpu.sem_alloc : memref<!tpu.dma_semaphore, #tpu.memory_space<semaphore_mem>>
        %dma_start3A_64 = arith.constant 0 : i32
        %dma_start3A_65 = arith.constant 0 : i32
        %dma_start3A_66 = tpu.memref_slice %arg9[%run_scoped3A_62, %dma_start3A_64, %dma_start3A_65] : memref<2x80x128xf32, #tpu.memory_space<vmem>> -> memref<1x80x128xf32, #tpu.memory_space<vmem>>
        %dma_start3A_67 = tpu.memref_squeeze %dma_start3A_66 : memref<1x80x128xf32, #tpu.memory_space<vmem>> -> memref<80x128xf32, #tpu.memory_space<vmem>>
        %dma_start3A_68 = arith.constant 0 : i32
        %dma_start3A_69 = tpu.memref_slice %arg6[%add3A_61, %dma_start3A_68] : memref<20000x128xf32, #tpu.memory_space<hbm>> -> memref<80x128xf32, #tpu.memory_space<hbm>>
        %dma_start3A_70 = arith.constant 0 : i32
        %dma_start3A_71 = tpu.memref_slice %arg6[%add3A_61, %dma_start3A_70] : memref<20000x128xf32, #tpu.memory_space<hbm>> -> memref<80x128xf32, #tpu.memory_space<hbm>>
        %dma_start3A_72 = arith.constant 0 : i32
        %dma_start3A_73 = arith.constant 0 : i32
        %dma_start3A_74 = tpu.memref_slice %arg9[%run_scoped3A_62, %dma_start3A_72, %dma_start3A_73] : memref<2x80x128xf32, #tpu.memory_space<vmem>> -> memref<1x80x128xf32, #tpu.memory_space<vmem>>
        %dma_start3A_75 = tpu.memref_squeeze %dma_start3A_74 : memref<1x80x128xf32, #tpu.memory_space<vmem>> -> memref<80x128xf32, #tpu.memory_space<vmem>>
        tpu.enqueue_dma source(%dma_start3A_75 : memref<80x128xf32, #tpu.memory_space<vmem>>) target(%dma_start3A_71 : memref<80x128xf32, #tpu.memory_space<hbm>>) target_semaphore(%run_scoped3A_63 : memref<!tpu.dma_semaphore, #tpu.memory_space<semaphore_mem>>)
        %dma_wait3A_76 = arith.constant 0 : i32
        %dma_wait3A_77 = arith.constant 0 : i32
        %dma_wait3A_78 = tpu.memref_slice %arg9[%run_scoped3A_62, %dma_wait3A_76, %dma_wait3A_77] : memref<2x80x128xf32, #tpu.memory_space<vmem>> -> memref<1x80x128xf32, #tpu.memory_space<vmem>>
        %dma_wait3A_79 = tpu.memref_squeeze %dma_wait3A_78 : memref<1x80x128xf32, #tpu.memory_space<vmem>> -> memref<80x128xf32, #tpu.memory_space<vmem>>
        %dma_wait3A_80 = arith.constant 0 : i32
        %dma_wait3A_81 = tpu.memref_slice %arg6[%add3A_61, %dma_wait3A_80] : memref<20000x128xf32, #tpu.memory_space<hbm>> -> memref<80x128xf32, #tpu.memory_space<hbm>>
        %dma_wait3A_82 = arith.constant 0 : i32
        %dma_wait3A_83 = tpu.memref_slice %arg6[%add3A_61, %dma_wait3A_82] : memref<20000x128xf32, #tpu.memory_space<hbm>> -> memref<80x128xf32, #tpu.memory_space<hbm>>
        %dma_wait3A_84 = arith.constant 0 : i32
        %dma_wait3A_85 = arith.constant 0 : i32
        %dma_wait3A_86 = tpu.memref_slice %arg9[%run_scoped3A_62, %dma_wait3A_84, %dma_wait3A_85] : memref<2x80x128xf32, #tpu.memory_space<vmem>> -> memref<1x80x128xf32, #tpu.memory_space<vmem>>
        %dma_wait3A_87 = tpu.memref_squeeze %dma_wait3A_86 : memref<1x80x128xf32, #tpu.memory_space<vmem>> -> memref<80x128xf32, #tpu.memory_space<vmem>>
        tpu.wait_dma2 semaphore(%run_scoped3A_63 : memref<!tpu.dma_semaphore, #tpu.memory_space<semaphore_mem>>) src(%dma_wait3A_87 : memref<80x128xf32, #tpu.memory_space<vmem>>) dst(%dma_wait3A_83 : memref<80x128xf32, #tpu.memory_space<hbm>>)
        tpu.yield
      }) : () -> ()
    }
    return
  }
}

module attributes {stable_mosaic.version = 14 : i64} {
  func.func @body(%arg0: i32, %arg1: i32, %arg2: memref<1000x256xf32, #tpu.memory_space<vmem>>, %arg3: memref<256x128xf32, #tpu.memory_space<vmem>>, %arg4: memref<1000x128xf32, #tpu.memory_space<vmem>>) attributes {dimension_semantics = [#tpu.dimension_semantics<arbitrary>, #tpu.dimension_semantics<arbitrary>], iteration_bounds = array<i64: 10, 2>, scalar_prefetch = 0 : i64, scratch_operands = 0 : i64, tpu.core_type = #tpu.core_type<tc>, window_params = [{transform_indices = @transform_0, window_bounds = array<i64: 1000, 256>}, {transform_indices = @transform_1, window_bounds = array<i64: 256, 128>}, {transform_indices = @transform_2, window_bounds = array<i64: 1000, 128>}]} {
    %get3A = arith.constant 0 : index
    %get3A_0 = arith.constant 0 : index
    %get3A_1 = vector.load %arg2[%get3A, %get3A_0] : memref<1000x256xf32, #tpu.memory_space<vmem>>, vector<1000x256xf32>
    %get3A_2 = arith.constant 0 : index
    %get3A_3 = arith.constant 0 : index
    %get3A_4 = vector.load %arg3[%get3A_2, %get3A_3] : memref<256x128xf32, #tpu.memory_space<vmem>>, vector<256x128xf32>
    %dot_general3A = arith.constant dense<0.000000e+00> : vector<1000x128xf32>
    %dot_general3A_5 = tpu.matmul %get3A_1, %get3A_4, %dot_general3A {dimension_numbers = #tpu.dot_dimension_numbers<[1], [0], [0], [1], [0, 0, 1, 1], [], []>, transpose_lhs_hint = false} : vector<1000x256xf32>, vector<256x128xf32>, vector<1000x128xf32> -> vector<1000x128xf32>
    %swap3A = arith.constant 0 : index
    %swap3A_6 = arith.constant 0 : index
    %swap3A_7 = vector.load %arg4[%swap3A, %swap3A_6] : memref<1000x128xf32, #tpu.memory_space<vmem>>, vector<1000x128xf32>
    tpu.vector_store %arg4[%swap3A, %swap3A_6], %dot_general3A_5 {strides = array<i32>} : memref<1000x128xf32, #tpu.memory_space<vmem>>, vector<1000x128xf32>,
    return
  }
  func.func @transform_0(%arg0: i32, %arg1: i32) -> (i32, i32) {
    %c0_i32 = arith.constant 0 : i32
    %c0_i32_0 = arith.constant 0 : i32
    return %arg0, %c0_i32 : i32, i32
  }
  func.func @transform_1(%arg0: i32, %arg1: i32) -> (i32, i32) {
    %c0_i32 = arith.constant 0 : i32
    %c0_i32_0 = arith.constant 0 : i32
    return %c0_i32, %arg1 : i32, i32
  }
  func.func @transform_2(%arg0: i32, %arg1: i32) -> (i32, i32) {
    %mul3A = arith.constant 10 : i32
    %mul3A_0 = arith.muli %arg1, %mul3A : i32
    %add3A = arith.addi %mul3A_0, %arg0 : i32
    %c0_i32 = arith.constant 0 : i32
    %c0_i32_1 = arith.constant 0 : i32
    return %add3A, %c0_i32 : i32, i32
  }
}

module attributes {stable_mosaic.version = 14 : i64} {
  func.func @body(%arg0: i32, %arg1: memref<1000x256xf32, #tpu.memory_space<vmem>>, %arg2: memref<1000x128xf32, #tpu.memory_space<vmem>>, %arg3: memref<1000x128xf32, #tpu.memory_space<vmem>>, %arg4: memref<1000x128xf32, #tpu.memory_space<vmem>>, %arg5: memref<256x256xf32, #tpu.memory_space<vmem>>, %arg6: memref<1x256xf32, #tpu.memory_space<vmem>>, %arg7: memref<1000x256xf32, #tpu.memory_space<vmem>>) attributes {dimension_semantics = [#tpu.dimension_semantics<arbitrary>], iteration_bounds = array<i64: 10>, scalar_prefetch = 0 : i64, scratch_operands = 0 : i64, tpu.core_type = #tpu.core_type<tc>, window_params = [{transform_indices = @transform_0, window_bounds = array<i64: 1000, 256>}, {transform_indices = @transform_1, window_bounds = array<i64: 1000, 128>}, {transform_indices = @transform_2, window_bounds = array<i64: 1000, 128>}, {transform_indices = @transform_3, window_bounds = array<i64: 1000, 128>}, {pipeline_mode = #tpu.pipeline_mode<synchronous>, transform_indices = @transform_4, window_bounds = array<i64: 256, 256>}, {pipeline_mode = #tpu.pipeline_mode<synchronous>, transform_indices = @transform_5, window_bounds = array<i64: 1, 256>}, {transform_indices = @transform_6, window_bounds = array<i64: 1000, 256>}]} {
    %get3A = arith.constant 0 : index
    %get3A_0 = arith.constant 0 : index
    %get3A_1 = vector.load %arg1[%get3A, %get3A_0] : memref<1000x256xf32, #tpu.memory_space<vmem>>, vector<1000x256xf32>
    %get3A_2 = arith.constant 0 : index
    %get3A_3 = arith.constant 0 : index
    %get3A_4 = vector.load %arg5[%get3A_2, %get3A_3] : memref<256x256xf32, #tpu.memory_space<vmem>>, vector<256x256xf32>
    %dot_general3A = arith.constant dense<0.000000e+00> : vector<1000x256xf32>
    %dot_general3A_5 = tpu.matmul %get3A_1, %get3A_4, %dot_general3A {dimension_numbers = #tpu.dot_dimension_numbers<[1], [0], [0], [1], [0, 0, 1, 1], [], []>, transpose_lhs_hint = false} : vector<1000x256xf32>, vector<256x256xf32>, vector<1000x256xf32> -> vector<1000x256xf32>
    %get3A_6 = arith.constant 0 : index
    %get3A_7 = arith.constant 0 : index
    %get3A_8 = vector.load %arg4[%get3A_6, %get3A_7] : memref<1000x128xf32, #tpu.memory_space<vmem>>, vector<1000x128xf32>
    %slice3A = vector.extract_strided_slice %get3A_8 {offsets = [0, 0], sizes = [1000, 1], strides = [1, 1]} : vector<1000x128xf32> to vector<1000x1xf32>
    %max3A = arith.constant 1.000000e+00 : f32
    %max3A_9 = vector.broadcast %max3A : f32 to vector<1000x1xf32>
    %max3A_10 = arith.maximumf %slice3A, %max3A_9 : vector<1000x1xf32>
    %div3A = arith.constant 1.000000e+00 : f32
    %div3A_11 = vector.broadcast %div3A : f32 to vector<1000x1xf32>
    %div3A_12 = arith.divf %div3A_11, %max3A_10 : vector<1000x1xf32>
    %get3A_13 = arith.constant 0 : index
    %get3A_14 = arith.constant 0 : index
    %get3A_15 = vector.load %arg2[%get3A_13, %get3A_14] : memref<1000x128xf32, #tpu.memory_space<vmem>>, vector<1000x128xf32>
    %get3A_16 = arith.constant 0 : index
    %get3A_17 = arith.constant 0 : index
    %get3A_18 = vector.load %arg3[%get3A_16, %get3A_17] : memref<1000x128xf32, #tpu.memory_space<vmem>>, vector<1000x128xf32>
    %concatenate3A = tpu.concatenate %get3A_15, %get3A_18 in 1 : vector<1000x128xf32>, vector<1000x128xf32> -> vector<1000x256xf32>
    %get3A_19 = arith.constant 0 : index
    %get3A_20 = arith.constant 0 : index
    %get3A_21 = vector.load %arg6[%get3A_19, %get3A_20] : memref<1x256xf32, #tpu.memory_space<vmem>>, vector<1x256xf32>
    %add3A = vector.broadcast %get3A_21 : vector<1x256xf32> to vector<1000x256xf32>
    %add3A_22 = arith.addf %dot_general3A_5, %add3A : vector<1000x256xf32>
    %mul3A = vector.broadcast %div3A_12 : vector<1000x1xf32> to vector<1000x256xf32>
    %mul3A_23 = arith.mulf %mul3A, %concatenate3A : vector<1000x256xf32>
    %add3A_24 = arith.addf %add3A_22, %mul3A_23 : vector<1000x256xf32>
    %max3A_25 = arith.constant 0.000000e+00 : f32
    %max3A_26 = vector.broadcast %max3A_25 : f32 to vector<1000x256xf32>
    %max3A_27 = arith.maximumf %add3A_24, %max3A_26 : vector<1000x256xf32>
    %swap3A = arith.constant 0 : index
    %swap3A_28 = arith.constant 0 : index
    %swap3A_29 = vector.load %arg7[%swap3A, %swap3A_28] : memref<1000x256xf32, #tpu.memory_space<vmem>>, vector<1000x256xf32>
    tpu.vector_store %arg7[%swap3A, %swap3A_28], %max3A_27 {strides = array<i32>} : memref<1000x256xf32, #tpu.memory_space<vmem>>, vector<1000x256xf32>,
    return
  }
  func.func @transform_0(%arg0: i32) -> (i32, i32) {
    %c0_i32 = arith.constant 0 : i32
    %c0_i32_0 = arith.constant 0 : i32
    return %arg0, %c0_i32 : i32, i32
  }
  func.func @transform_1(%arg0: i32) -> (i32, i32) {
    %c0_i32 = arith.constant 0 : i32
    %c0_i32_0 = arith.constant 0 : i32
    return %arg0, %c0_i32 : i32, i32
  }
  func.func @transform_2(%arg0: i32) -> (i32, i32) {
    %add3A = arith.constant 10 : i32
    %add3A_0 = arith.addi %add3A, %arg0 : i32
    %c0_i32 = arith.constant 0 : i32
    %c0_i32_1 = arith.constant 0 : i32
    return %add3A_0, %c0_i32 : i32, i32
  }
  func.func @transform_3(%arg0: i32) -> (i32, i32) {
    %c0_i32 = arith.constant 0 : i32
    %c0_i32_0 = arith.constant 0 : i32
    return %arg0, %c0_i32 : i32, i32
  }
  func.func @transform_4(%arg0: i32) -> (i32, i32) {
    %c0_i32 = arith.constant 0 : i32
    %c0_i32_0 = arith.constant 0 : i32
    %c0_i32_1 = arith.constant 0 : i32
    return %c0_i32, %c0_i32_0 : i32, i32
  }
  func.func @transform_5(%arg0: i32) -> (i32, i32) {
    %c0_i32 = arith.constant 0 : i32
    %c0_i32_0 = arith.constant 0 : i32
    %c0_i32_1 = arith.constant 0 : i32
    return %c0_i32, %c0_i32_0 : i32, i32
  }
  func.func @transform_6(%arg0: i32) -> (i32, i32) {
    %c0_i32 = arith.constant 0 : i32
    %c0_i32_0 = arith.constant 0 : i32
    return %arg0, %c0_i32 : i32, i32
  }
}

module attributes {stable_mosaic.version = 14 : i64} {
  func.func @body(%arg0: i32, %arg1: memref<1000x256xf32, #tpu.memory_space<vmem>>, %arg2: memref<1000x128xf32, #tpu.memory_space<vmem>>, %arg3: memref<1000x128xf32, #tpu.memory_space<vmem>>, %arg4: memref<1000x128xf32, #tpu.memory_space<vmem>>, %arg5: memref<256x256xf32, #tpu.memory_space<vmem>>, %arg6: memref<1x256xf32, #tpu.memory_space<vmem>>, %arg7: memref<1000x256xf32, #tpu.memory_space<vmem>>) attributes {dimension_semantics = [#tpu.dimension_semantics<arbitrary>], iteration_bounds = array<i64: 10>, scalar_prefetch = 0 : i64, scratch_operands = 0 : i64, tpu.core_type = #tpu.core_type<tc>, window_params = [{transform_indices = @transform_0, window_bounds = array<i64: 1000, 256>}, {transform_indices = @transform_1, window_bounds = array<i64: 1000, 128>}, {transform_indices = @transform_2, window_bounds = array<i64: 1000, 128>}, {transform_indices = @transform_3, window_bounds = array<i64: 1000, 128>}, {pipeline_mode = #tpu.pipeline_mode<synchronous>, transform_indices = @transform_4, window_bounds = array<i64: 256, 256>}, {pipeline_mode = #tpu.pipeline_mode<synchronous>, transform_indices = @transform_5, window_bounds = array<i64: 1, 256>}, {transform_indices = @transform_6, window_bounds = array<i64: 1000, 256>}]} {
    %get3A = arith.constant 0 : index
    %get3A_0 = arith.constant 0 : index
    %get3A_1 = vector.load %arg1[%get3A, %get3A_0] : memref<1000x256xf32, #tpu.memory_space<vmem>>, vector<1000x256xf32>
    %get3A_2 = arith.constant 0 : index
    %get3A_3 = arith.constant 0 : index
    %get3A_4 = vector.load %arg5[%get3A_2, %get3A_3] : memref<256x256xf32, #tpu.memory_space<vmem>>, vector<256x256xf32>
    %dot_general3A = arith.constant dense<0.000000e+00> : vector<1000x256xf32>
    %dot_general3A_5 = tpu.matmul %get3A_1, %get3A_4, %dot_general3A {dimension_numbers = #tpu.dot_dimension_numbers<[1], [0], [0], [1], [0, 0, 1, 1], [], []>, transpose_lhs_hint = false} : vector<1000x256xf32>, vector<256x256xf32>, vector<1000x256xf32> -> vector<1000x256xf32>
    %get3A_6 = arith.constant 0 : index
    %get3A_7 = arith.constant 0 : index
    %get3A_8 = vector.load %arg4[%get3A_6, %get3A_7] : memref<1000x128xf32, #tpu.memory_space<vmem>>, vector<1000x128xf32>
    %slice3A = vector.extract_strided_slice %get3A_8 {offsets = [0, 0], sizes = [1000, 1], strides = [1, 1]} : vector<1000x128xf32> to vector<1000x1xf32>
    %max3A = arith.constant 1.000000e+00 : f32
    %max3A_9 = vector.broadcast %max3A : f32 to vector<1000x1xf32>
    %max3A_10 = arith.maximumf %slice3A, %max3A_9 : vector<1000x1xf32>
    %div3A = arith.constant 1.000000e+00 : f32
    %div3A_11 = vector.broadcast %div3A : f32 to vector<1000x1xf32>
    %div3A_12 = arith.divf %div3A_11, %max3A_10 : vector<1000x1xf32>
    %get3A_13 = arith.constant 0 : index
    %get3A_14 = arith.constant 0 : index
    %get3A_15 = vector.load %arg2[%get3A_13, %get3A_14] : memref<1000x128xf32, #tpu.memory_space<vmem>>, vector<1000x128xf32>
    %get3A_16 = arith.constant 0 : index
    %get3A_17 = arith.constant 0 : index
    %get3A_18 = vector.load %arg3[%get3A_16, %get3A_17] : memref<1000x128xf32, #tpu.memory_space<vmem>>, vector<1000x128xf32>
    %concatenate3A = tpu.concatenate %get3A_15, %get3A_18 in 1 : vector<1000x128xf32>, vector<1000x128xf32> -> vector<1000x256xf32>
    %get3A_19 = arith.constant 0 : index
    %get3A_20 = arith.constant 0 : index
    %get3A_21 = vector.load %arg6[%get3A_19, %get3A_20] : memref<1x256xf32, #tpu.memory_space<vmem>>, vector<1x256xf32>
    %add3A = vector.broadcast %get3A_21 : vector<1x256xf32> to vector<1000x256xf32>
    %add3A_22 = arith.addf %dot_general3A_5, %add3A : vector<1000x256xf32>
    %mul3A = vector.broadcast %div3A_12 : vector<1000x1xf32> to vector<1000x256xf32>
    %mul3A_23 = arith.mulf %mul3A, %concatenate3A : vector<1000x256xf32>
    %add3A_24 = arith.addf %add3A_22, %mul3A_23 : vector<1000x256xf32>
    %swap3A = arith.constant 0 : index
    %swap3A_25 = arith.constant 0 : index
    %swap3A_26 = vector.load %arg7[%swap3A, %swap3A_25] : memref<1000x256xf32, #tpu.memory_space<vmem>>, vector<1000x256xf32>
    tpu.vector_store %arg7[%swap3A, %swap3A_25], %add3A_24 {strides = array<i32>} : memref<1000x256xf32, #tpu.memory_space<vmem>>, vector<1000x256xf32>,
    return
  }
  func.func @transform_0(%arg0: i32) -> (i32, i32) {
    %c0_i32 = arith.constant 0 : i32
    %c0_i32_0 = arith.constant 0 : i32
    return %arg0, %c0_i32 : i32, i32
  }
  func.func @transform_1(%arg0: i32) -> (i32, i32) {
    %c0_i32 = arith.constant 0 : i32
    %c0_i32_0 = arith.constant 0 : i32
    return %arg0, %c0_i32 : i32, i32
  }
  func.func @transform_2(%arg0: i32) -> (i32, i32) {
    %add3A = arith.constant 10 : i32
    %add3A_0 = arith.addi %add3A, %arg0 : i32
    %c0_i32 = arith.constant 0 : i32
    %c0_i32_1 = arith.constant 0 : i32
    return %add3A_0, %c0_i32 : i32, i32
  }
  func.func @transform_3(%arg0: i32) -> (i32, i32) {
    %c0_i32 = arith.constant 0 : i32
    %c0_i32_0 = arith.constant 0 : i32
    return %arg0, %c0_i32 : i32, i32
  }
  func.func @transform_4(%arg0: i32) -> (i32, i32) {
    %c0_i32 = arith.constant 0 : i32
    %c0_i32_0 = arith.constant 0 : i32
    %c0_i32_1 = arith.constant 0 : i32
    return %c0_i32, %c0_i32_0 : i32, i32
  }
  func.func @transform_5(%arg0: i32) -> (i32, i32) {
    %c0_i32 = arith.constant 0 : i32
    %c0_i32_0 = arith.constant 0 : i32
    %c0_i32_1 = arith.constant 0 : i32
    return %c0_i32, %c0_i32_0 : i32, i32
  }
  func.func @transform_6(%arg0: i32) -> (i32, i32) {
    %c0_i32 = arith.constant 0 : i32
    %c0_i32_0 = arith.constant 0 : i32
    return %arg0, %c0_i32 : i32, i32
  }
}

</mosaic_0001>

<sc_bundles>
// kernel: kernel.12.cloned.1.call-start
scs
__scs_entry_jumppad:
0x0: {  	(pc) =	sbr.rel $0x88, $3  }
0x1: {  	(tag) =	ssettag $0x0;
	lr =	simm.s32 $0x1  }
0x2: {  	[smem:$0x3F96] =	sst lr;
	_ =	strace $0xD0000000  }
0x3: {  	_ = 	snop  }
0x4: {  	_ = 	snop  }
0x5: {  	_ = 	snop  }
0x6: {  	_ = 	snop  }
0x7: {  	_ = 	snop  }
__scs_overlays_trampoline_lowered:
0x8: {  	[smem:$0x3FA5] =	sst s0  }
0x9: {  	[smem:$0x3FA6] =	sst s1  }
0xa: {  	[smem:$0x3FA7] =	sst s2  }
0xb: {  	[smem:$0x3FA8] =	sst s3  }
0xc: {  	[smem:$0x3FA9] =	sst s4  }
0xd: {  	[smem:$0x3FAA] =	sst s5  }
0xe: {  	[smem:$0x3FAB] =	sst s6  }
0xf: {  	[smem:$0x3FAC] =	sst s7  }
0x10: {  	[smem:$0x3FAD] =	sst s8  }
0x11: {  	[smem:$0x3FAE] =	sst s9;
	s0 =	simm.s32 @!p0 $0x0  }
0x12: {  	s1 =	sld [smem:$0x3F94];
	s0 =	simm.s32 @p0 $0x1  }
0x13: {  	[smem:$0x3FAF] =	sst s0;
	s0 =	simm.s32 @!p1 $0x0  }
0x14: {  	s2 =	sld [smem:$0x3F93];
	s0 =	simm.s32 @p1 $0x1  }
0x15: {  	[smem:$0x3FB0] =	sst s0;
	s0 =	simm.s32 @!p2 $0x0  }
0x16: {  	s3 =	sld [smem:$0x3FDB];
	s0 =	simm.s32 @p2 $0x1  }
0x17: {  	s4 =	simm.s32 $0x1BF5;
	[smem:$0x3FB2] =	sst s0  }
0x18: {  	s0 =	sld [smem:$0x3F95];
	_ =	swait.ge [sflag:s4], $0x0  }
0x19: {  	s7 =	sld [smem:$0x3F96]  }
0x1a: {  	s8 =	sadd.s32 $0xFFFFE003, lr  }
0x1b: {  	s9 =	sadd.s32 $0xFFFFFEF7, lr;
	s5 =	simm.s32 $0xFFFFFFFF;
	p2 =	slt.u32 s8, $0xFFFFF086  }
0x1c: {  	p1 =	slt.u32 s9, $0xF7A;
	s5 =	simm.s32 @!p2 $0x0  }
0x1d: {  	s5 =	simm.s32 @p1 $0x1;
	p0 =	seq.s32 s7, s2  }
0x1e: {  	s7 =	smul.u32 @!p0 $0xF7A, s2;
	p2 =	seq.s32 @!p0 s5, $0x0  }
0x1f: {  	s9 =	smul.u32 $0xF7A, s1;
	s8 =	simm.s32 @!p0 $0x1BF5;
	p2 =	por !p2, p0  }
0x20: {  	[sflag:s8] =	ssyncset.s32 @!p0 $0xFFFFF086;
	s6 =	sadd.s32 @!p0 s3, s7;
	s7 =	simm.s32 @!p0 $0x108  }
0x21: {  	s3 =	sadd.s32 s3, s9;
	s6 =	sadd.s32 @!p0 $0x88, s6;
	s7 =	simm.s32 @p2 $0x1082  }
0x22: {  	[simem:s7], [sflag:s8] =	dma.local @!p0 [hbm:s6], $0xF7A  }
0x23: {  	s9 =	sor.u32 $0xD0000000, s2;
	s6 =	simm.s32 $0x108;
	_ =	swait.ge @!p0 [sflag:s8], $0x0  }
0x24: {  	s3 =	sadd.s32 $0x88, s3;
	s6 =	simm.s32 @!p1 $0x1082;
	[sflag:s4] =	ssyncset.s32 $0xFFFFF086  }
0x25: {  	[simem:s6], [sflag:s4] =	dma.local [hbm:s3], $0xF7A  }
0x26: {  	[smem:$0x3F96] =	sst s1;
	(tag) =	ssettag s2;
	_ =	strace s9  }
0x27: {  	s1 =	sld [smem:$0x3FA6]  }
0x28: {  	s2 =	sld [smem:$0x3FA7]  }
0x29: {  	s4 =	sld [smem:$0x3FA9]  }
0x2a: {  	p0 =	seq.s32 s5, $0x0;
	s5 =	sld [smem:$0x3FAA]  }
0x2b: {  	s6 =	sld [smem:$0x3FAB]  }
0x2c: {  	s7 =	sld [smem:$0x3FAC]  }
0x2d: {  	s3 =	simm.s32 $0x108;
	s8 =	sld [smem:$0x3FAD]  }
0x2e: {  	s3 =	simm.s32 @!p0 $0x1082;
	s9 =	sld [smem:$0x3FAE]  }
0x2f: {  	lr =	sadd.s32 s0, s3;
	s0 =	sld [smem:$0x3FA5]  }
0x30: {  	s3 =	sld [smem:$0x3FA8]  }
0x31: {  	[smem:$0x3FB1] =	sst s10  }
0x32: {  	s10 =	sld [smem:$0x3FAF];
	_ =	sdelay $0x3  }
0x33: {  	p0 =	seq.s32 s10, $0x1;
	s10 =	sld [smem:$0x3FB1];
	_ =	sdelay $0x3  }
0x34: {  	[smem:$0x3FB1] =	sst s10  }
0x35: {  	s10 =	sld [smem:$0x3FB0];
	_ =	sdelay $0x3  }
0x36: {  	p1 =	seq.s32 s10, $0x1;
	s10 =	sld [smem:$0x3FB1];
	_ =	sdelay $0x3  }
0x37: {  	[smem:$0x3FB1] =	sst s10  }
0x38: {  	s10 =	sld [smem:$0x3FB2]  }
0x39: {  	_ = 	snop;
	(pc) =	sbr.ind lr, $3  }
0x3a: {  	_ = 	snop  }
0x3b: {  	_ = 	snop  }
0x3c: {  	p2 =	seq.s32 s10, $0x1;
	s10 =	sld [smem:$0x3FB1]  }
0x3d: {  	_ =	shalt  }
0x3e: {  	_ =	shalt  }
0x3f: {  	_ =	shalt  }
0x40: {  	_ =	shalt  }
0x41: {  	_ =	shalt  }
0x42: {  	_ =	shalt  }
0x43: {  	_ =	shalt  }
0x44: {  	_ =	shalt  }
0x45: {  	_ =	shalt  }
0x46: {  	_ =	shalt  }
0x47: {  	_ =	shalt  }
0x48: {  	_ =	shalt  }
0x49: {  	_ =	shalt  }
0x4a: {  	_ =	shalt  }
0x4b: {  	_ =	shalt  }
0x4c: {  	_ =	shalt  }
0x4d: {  	_ =	shalt  }
0x4e: {  	_ =	shalt  }
0x4f: {  	_ =	shalt  }
0x50: {  	_ =	shalt  }
0x51: {  	_ =	shalt  }
0x52: {  	_ =	shalt  }
0x53: {  	_ =	shalt  }
0x54: {  	_ =	shalt  }
0x55: {  	_ =	shalt  }
0x56: {  	_ =	shalt  }
0x57: {  	_ =	shalt  }
0x58: {  	_ =	shalt  }
0x59: {  	_ =	shalt  }
0x5a: {  	_ =	shalt  }
0x5b: {  	_ =	shalt  }
0x5c: {  	_ =	shalt  }
0x5d: {  	_ =	shalt  }
0x5e: {  	_ =	shalt  }
0x5f: {  	_ =	shalt  }
0x60: {  	_ =	shalt  }
0x61: {  	_ =	shalt  }
0x62: {  	_ =	shalt  }
0x63: {  	_ =	shalt  }
0x64: {  	_ =	shalt  }
0x65: {  	_ =	shalt  }
0x66: {  	_ =	shalt  }
0x67: {  	_ =	shalt  }
0x68: {  	_ =	shalt  }
0x69: {  	_ =	shalt  }
0x6a: {  	_ =	shalt  }
0x6b: {  	_ =	shalt  }
0x6c: {  	_ =	shalt  }
0x6d: {  	_ =	shalt  }
0x6e: {  	_ =	shalt  }
0x6f: {  	_ =	shalt  }
0x70: {  	_ =	shalt  }
0x71: {  	_ =	shalt  }
0x72: {  	_ =	shalt  }
0x73: {  	_ =	shalt  }
0x74: {  	_ =	shalt  }
0x75: {  	_ =	shalt  }
0x76: {  	_ =	shalt  }
0x77: {  	_ =	shalt  }
0x78: {  	_ =	shalt  }
0x79: {  	_ =	shalt  }
0x7a: {  	_ =	shalt  }
0x7b: {  	_ =	shalt  }
0x7c: {  	_ =	shalt  }
0x7d: {  	_ =	shalt  }
0x7e: {  	_ =	shalt  }
0x7f: {  	_ =	shalt  }
0x80: {  	_ =	shalt  }
0x81: {  	_ =	shalt  }
0x82: {  	_ =	shalt  }
0x83: {  	_ =	shalt  }
0x84: {  	_ =	shalt  }
0x85: {  	_ =	shalt  }
0x86: {  	_ =	shalt  }
0x87: {  	_ =	shalt  }
.Lfunc_end0:
.L_simem_size_0:
called_computation_lowered:
.L_overlay_start_0:
0x88: {  	s2 =	sld [smem:$0x3FD9]  }
0x89: {  	s3 =	sld [smem:$0x3FFE];
	_ =	sdelay $0x1  }
0x8a: {  	s1 =	srdreg.scid  }
0x8b: {  	s0 =	sand.u32 $0x1, s1  }
0x8c: {  	s16 =	sshll.u32 s0, $0xA;
	s2 =	sadd.s32 s3, s2  }
0x8d: {  	s2 =	sadd.s32 s2, s16  }
0x8e: {  	[smem:$0x3FBD] =	sst s2  }
0x8f: {  	_ = 	snop  }
0x90: {  	(tm) =	ssettm $0x1  }
0x91: {  	s17 =	sld [smem:$0x3FFB];
	_ =	sdelay $0x3  }
0x92: {  	_ =	strace s17  }
0x93: {  	s2 =	sld [smem:$0x3FFC];
	_ =	sdelay $0x3  }
0x94: {  	_ =	strace s2  }
0x95: {  	s2 =	sld [smem:$0x3FFD];
	_ =	sdelay $0x3  }
0x96: {  	_ =	strace s2  }
0x97: {  	_ =	strace $0x8FFFFFFF  }
0x98: {  	s18 =	sld [smem:$0x3FDB];
	_ =	sdelay $0x1  }
0x99: {  	s19 =	simm.s32 $_scs_section_size  }
0x9a: {  	s4 =	simm.s32 $_size__tile_overlayer_lowered;
	s5 =	simm.s32 $_tile_overlayer_lowered  }
0x9b: {  	s22 =	simm.s32 $0x1BFF;
	s21 =	sshll.u32 s5, $0x1;
	s2 =	sadd.s32 s19, s18  }
0x9c: {  	s6 =	simm.s32 $0x0;
	s20 =	sshll.u32 s4, $0x1;
	s4 =	sadd.s32 s21, s2  }
0x9d: {  	[timem:s6], [sflag:s22] =	dma.local [hbm:s4], s20  }
0x9e: {  	_ =	swait.ge [sflag:s22], s20  }
0x9f: {  	s3 =	ssub.s32 $0x0, s20;
	[sflag:s22] =	ssyncset.done $0x0  }
0xa0: {  	[sflag:s22] =	ssyncadd.s32 s3;
	_ =	sdelay $0x1  }
0xa1: {  	s23 =	simm.s32 $0x1B8B  }
0xa2: {  	_ =	swait.ge [sflag:s23], $0x1  }
0xa3: {  	[sflag:s23] =	ssyncset.done $0x0  }
0xa4: {  	s25 =	simm.s32 $0x1B8E;
	s24 =	sld [smem:$0x3FFE];
	[sflag:s23] =	ssyncadd.s32 $0xFFFFFFFF  }
0xa5: {  	s26 =	simm.s32 $execute0_lowered;
	[smem:$0x3FD2] =	sst s25  }
0xa6: {  	s4 =	sshll.u32 s26, $0x1;
	_ =	strace $0x80000046;
	[dreg:$0x1] =	wrdreg $0xFFFFFFFF  }
0xa7: {  	s28 =	simm.s32 $_size_execute0_lowered;
	s2 =	sadd.s32 s2, s4;
	[dreg:$0x0] =	wrdreg $0x0  }
0xa8: {  	s4 =	sshll.u32 s28, $0x1;
	[dreg:$0x2] =	wrdreg s2  }
0xa9: {  	[dreg:$0x3] =	wrdreg s4  }
0xaa: {  	[dreg:$0x4] =	wrdreg $0xC0  }
0xab: {  	_ =	task [dreg:s6], $0x5FFFF  }
0xac: {  	[dreg:$0x1] =	wrdreg $0xFFFFFFFF  }
0xad: {  	[dreg:$0x0] =	wrdreg $0x60  }
0xae: {  	[dreg:$0x2] =	wrdreg s24  }
0xaf: {  	[dreg:$0x3] =	wrdreg $0x51000  }
0xb0: {  	[dreg:$0x4] =	wrdreg $0x9  }
0xb1: {  	_ =	task.clear_ibuf [dreg:s6], $0x5FFFF;
	_ =	strace $0x90000046  }
0xb2: {  	s29 =	simm.s32 $0x9;
	_ =	strace $0x80000048  }
0xb3: {  	_ =	swait.ge [sflag:s29], $0x1  }
0xb4: {  	[sflag:s29] =	ssyncadd.s32 $0xFFFFFFFF  }
0xb5: {  	_ =	strace $0x90000048  }
0xb6: {  	_ =	sfence  }
0xb7: {  	s30 =	sld [smem:$0x0];
	_ =	sdelay $0x2  }
0xb8: {  	s31 =	sshll.u32 s1, $0xD;
	s1 =	sshrl.u32 s1, $0x2  }
0xb9: {  	s3 =	sand.u32 $0x4000, s31;
	s1 =	sadd.s32 s1, s30  }
0xba: {  	s0 =	sor.u32 s3, s0;
	s1 =	sshll.u32 s1, $0x11  }
0xbb: {  	s0 =	sor.u32 s1, s0  }
0xbc: {  	s0 =	sadd.s32 $0x8F2B, s0  }
0xbd: {  	[sflag:s0] =	ssyncadd.remote.s32 $0x1  }
0xbe: {  	_ =	sfence.sel $0xFFFF  }
0xbf: {  	[dreg:$0x0] =	wrdreg $0xFFFFFFFF;
	(pc) =	sbr.abs _section_cstart, $3  }
0xc0: {  	[dreg:$0x1] =	wrdreg $0xFFFFFFFF  }
0xc1: {  	_ =	task.clear_ibuf [dreg:s6], $0x2FFFF;
	_ =	strace $0x9FFFFFFF  }
0xc2: {  	(tm) =	ssettm $0x7FFFFFFF  }
0xc3: {  	_ =	shalt  }
tec
execute0_lowered:
.L_overlay_start_1:
0x0: {  	(tag) =	ssettag $0x1  }
0x1: {  	s0 =	rddreg [dreg:$0x0]  }
0x2: {  	s1 =	rddreg [dreg:$0x1]  }
0x3: {  	s3 =	simm.s32 $0x0;
	s2 =	stileid.u32;
	s5 =	srdreg.scid  }
0x4: {  	s19 =	simm.s32 $0x100;
	s20 =	simm.s32 $0x2;
	s21 =	simm.s32 $0x1  }
0x5: {  	s22 =	simm.s32 $0x80;
	s23 =	simm.s32 $0x50;
	s25 =	simm.s32 $0x0  }
0x6: {  	[smem:$0x7FF] =	sst s3;
	s10 =	sadd.s32 $0x3A00, s0;
	s6 =	smul.u32 $0x2710, s2  }
0x7: {  	s4 =	sadd.s32 $0x12E00, s0;
	s24 =	sand.u32 $0x1, s5;
	s7 =	smul.u32 $0x2800, s2  }
0x8: {  	s5 =	sadd.s32 $0x12800, s0;
	s11 =	smul.u32 $0x50000, s2;
	p0 =	seq.s32 s2, $0xF  }
0x9: {  	s17 =	smul.u32 $0x4E2, s2;
	_ =	strace $0x80000047;
	s8 =	ssub.s32 $0x2, s24  }
0xa: {  	s9 =	sshrl.u32 s8, $0x1;
	s6 =	sshrl.u32 s6, $0x3;
	s18 =	sadd.s32 s7, s0  }
0xb: {  	s7 =	simm.s32 $0x5;
	s31 =	sshrl.u32 s11, $0x2;
	s17 =	sadd.s32 s17, s10  }
0xc: {  	s30 =	ssub.s32 s8, s9;
	s6 =	sadd.s32 s10, s6;
	s7 =	simm.s32 @!p0 $0x8  }
0xd: {  	s9 =	sadd.s32 s31, s1;
	s18 =	sadd.s32 $0x13400, s18;
	p0 =	sne.s32 s24, $0x0  }
0xe: {  	s24 =	simm.s32 $0x3;
	s8 =	smax.u32 s30, $0x1;
	s0 =	sadd.s32 $0x2800, s9  }
0xf: {  	s11 =	sadd.s32 $0x5000, s9;
	s12 =	sadd.s32 $0x7800, s9;
	s13 =	sadd.s32 $0xA000, s9  }
0x10: {  	s14 =	sadd.s32 $0xC800, s9;
	s15 =	sadd.s32 $0xF000, s9;
	s16 =	sadd.s32 $0x11800, s9  }
.LBB2_1:
0x11: {  	[tilespmem:s19], [sflag:$0x2] =	stream.linear.gather [hbm4b:s5+s3], $0x2800, $0x38;
	[tilespmem:$0x19100] =	vst v63  }
0x12: {  	_ =	swait.ge [sflag:s20], $0x2800  }
0x13: {  	[sflag:s20] =	ssyncset.done $0x0  }
0x14: {  	[sflag:s20] =	ssyncadd.s32 $0xFFFFD800  }
0x15: {  	[spmem:s9] =	stream.linear.scatter [tilespmem:s19], [sflag:$0x2], $0x2800, $0x38;
	[tilespmem:$0x19100] =	vst v63  }
0x16: {  	_ =	swait.ge [sflag:s20], $0x2800  }
0x17: {  	[sflag:s20] =	ssyncset.done $0x0  }
0x18: {  	[sflag:s20] =	ssyncadd.s32 $0xFFFFD800  }
0x19: {  	[spmem:s0] =	stream.linear.scatter [tilespmem:s19], [sflag:$0x2], $0x2800, $0x38;
	[tilespmem:$0x19100] =	vst v63  }
0x1a: {  	_ =	swait.ge [sflag:s20], $0x2800  }
0x1b: {  	[sflag:s20] =	ssyncset.done $0x0  }
0x1c: {  	[sflag:s20] =	ssyncadd.s32 $0xFFFFD800  }
0x1d: {  	[spmem:s11] =	stream.linear.scatter [tilespmem:s19], [sflag:$0x2], $0x2800, $0x38;
	[tilespmem:$0x19100] =	vst v63  }
0x1e: {  	_ =	swait.ge [sflag:s20], $0x2800  }
0x1f: {  	[sflag:s20] =	ssyncset.done $0x0  }
0x20: {  	[sflag:s20] =	ssyncadd.s32 $0xFFFFD800  }
0x21: {  	[spmem:s12] =	stream.linear.scatter [tilespmem:s19], [sflag:$0x2], $0x2800, $0x38;
	[tilespmem:$0x19100] =	vst v63  }
0x22: {  	_ =	swait.ge [sflag:s20], $0x2800  }
0x23: {  	[sflag:s20] =	ssyncset.done $0x0  }
0x24: {  	[sflag:s20] =	ssyncadd.s32 $0xFFFFD800  }
0x25: {  	[spmem:s13] =	stream.linear.scatter [tilespmem:s19], [sflag:$0x2], $0x2800, $0x38;
	[tilespmem:$0x19100] =	vst v63  }
0x26: {  	_ =	swait.ge [sflag:s20], $0x2800  }
0x27: {  	[sflag:s20] =	ssyncset.done $0x0  }
0x28: {  	[sflag:s20] =	ssyncadd.s32 $0xFFFFD800  }
0x29: {  	[spmem:s14] =	stream.linear.scatter [tilespmem:s19], [sflag:$0x2], $0x2800, $0x38;
	[tilespmem:$0x19100] =	vst v63  }
0x2a: {  	_ =	swait.ge [sflag:s20], $0x2800  }
0x2b: {  	[sflag:s20] =	ssyncset.done $0x0  }
0x2c: {  	[sflag:s20] =	ssyncadd.s32 $0xFFFFD800  }
0x2d: {  	[spmem:s15] =	stream.linear.scatter [tilespmem:s19], [sflag:$0x2], $0x2800, $0x38;
	[tilespmem:$0x19100] =	vst v63  }
0x2e: {  	_ =	swait.ge [sflag:s20], $0x2800  }
0x2f: {  	[sflag:s20] =	ssyncset.done $0x0  }
0x30: {  	[sflag:s20] =	ssyncadd.s32 $0xFFFFD800  }
0x31: {  	[spmem:s16] =	stream.linear.scatter [tilespmem:s19], [sflag:$0x2], $0x2800, $0x38;
	[tilespmem:$0x19100] =	vst v63  }
0x32: {  	_ =	swait.ge [sflag:s20], $0x2800  }
0x33: {  	[sflag:s20] =	ssyncset.done $0x0  }
0x34: {  	[sflag:s20] =	ssyncadd.s32 $0xFFFFD800  }
0x35: {  	[bflag:$0x0] =	sbarrier.arrive $0xFFFF  }
0x36: {  	[tilespmem:s19], [sflag:$0x2] =	stream.linear.gather [hbm4b:s4+s3], $0x2800, $0x38;
	[tilespmem:$0x19100] =	vst v63  }
0x37: {  	_ =	swait.ge [sflag:s20], $0x2800  }
0x38: {  	[sflag:s20] =	ssyncset.done $0x0  }
0x39: {  	[sflag:s20] =	ssyncadd.s32 $0xFFFFD800  }
0x3a: {  	[tilespmem:s3], [sflag:$0x1] =	stream.linear.gather [hbm4b:s6+s3], $0x50, $0x38;
	[tilespmem:$0x19100] =	vst v63  }
0x3b: {  	_ =	swait.ge [sflag:s21], $0x50  }
0x3c: {  	s10 =	sadd.s32 $0xFFFFFB28, s17;
	[sflag:s21] =	ssyncset.done $0x0  }
0x3d: {  	s26 =	sadd.s32 $0x4E2, s10;
	[sflag:s21] =	ssyncadd.s32 $0xFFFFFFB0  }
0x3e: {  	[tilespmem:s22], [sflag:$0x1] =	stream.linear.gather [hbm4b:s26+s3], $0x50, $0x38;
	[tilespmem:$0x19100] =	vst v63  }
0x3f: {  	_ = 	snop  }
0x40: {  	[spmem:s1] =	stream.indirect.scatter.add.f32 [tilespmem:s19], [sflag:$0x2], $0x80, s3, s23, $0xb8;
	[tilespmem:$0x19100] =	vst v63  }
0x41: {  	_ =	swait.ge [sflag:s20], $0x2800  }
0x42: {  	[sflag:s20] =	ssyncset.done $0x0  }
0x43: {  	[sflag:s20] =	ssyncadd.s32 $0xFFFFD800  }
0x44: {  	_ =	swait.ge [sflag:s21], $0x50  }
0x45: {  	[sflag:s21] =	ssyncset.done $0x0  }
0x46: {  	s10 =	sadd.s32 $0x4EC, s10;
	[sflag:s21] =	ssyncadd.s32 $0xFFFFFFB0  }
0x47: {  	[tilespmem:s3], [sflag:$0x1] =	stream.linear.gather [hbm4b:s10+s3], $0x50, $0x38;
	[tilespmem:$0x19100] =	vst v63  }
0x48: {  	_ = 	snop  }
0x49: {  	[spmem:s1] =	stream.indirect.scatter.add.f32 [tilespmem:s19], [sflag:$0x2], $0x80, s22, s23, $0xb8;
	[tilespmem:$0x19100] =	vst v63  }
0x4a: {  	_ =	swait.ge [sflag:s20], $0x2800  }
0x4b: {  	s26 =	simm.s32 $0xFFFFFB3C;
	[sflag:s20] =	ssyncset.done $0x0  }
.LBB2_2:
0x4c: {  	p1 =	sne.s32 s26, $0xFFFFFFEC  }
0x4d: {  	[sflag:s20] =	ssyncadd.s32 $0xFFFFD800;
	s10 =	smov.u32 s26;
	s26 =	sadd.s32 $0x14, s26  }
0x4e: {  	_ = 	snop  }
0x4f: {  	_ =	swait.ge [sflag:s21], $0x50  }
0x50: {  	s10 =	sadd.s32 s10, s17;
	[sflag:s21] =	ssyncset.done $0x0  }
0x51: {  	s28 =	sadd.s32 $0x4E2, s10;
	[sflag:s21] =	ssyncadd.s32 $0xFFFFFFB0  }
0x52: {  	[tilespmem:s22], [sflag:$0x1] =	stream.linear.gather [hbm4b:s28+s3], $0x50, $0x38;
	[tilespmem:$0x19100] =	vst v63  }
0x53: {  	_ = 	snop  }
0x54: {  	[spmem:s1] =	stream.indirect.scatter.add.f32 [tilespmem:s19], [sflag:$0x2], $0x80, s3, s23, $0xb8;
	[tilespmem:$0x19100] =	vst v63  }
0x55: {  	_ =	swait.ge [sflag:s20], $0x2800  }
0x56: {  	[sflag:s20] =	ssyncset.done $0x0  }
0x57: {  	[sflag:s20] =	ssyncadd.s32 $0xFFFFD800  }
0x58: {  	_ =	swait.ge [sflag:s21], $0x50  }
0x59: {  	[sflag:s21] =	ssyncset.done $0x0  }
0x5a: {  	s10 =	sadd.s32 $0x4EC, s10;
	[sflag:s21] =	ssyncadd.s32 $0xFFFFFFB0  }
0x5b: {  	[tilespmem:s3], [sflag:$0x1] =	stream.linear.gather [hbm4b:s10+s3], $0x50, $0x38;
	[tilespmem:$0x19100] =	vst v63  }
.Ltmp0:
0x5c: {  	_ = 	snop;
	(pc) =	sbr.rel @p1 .LBB2_2-.Ltmp0, $4  }
0x5d: {  	_ = 	snop  }
0x5e: {  	[spmem:s1] =	stream.indirect.scatter.add.f32 [tilespmem:s19], [sflag:$0x2], $0x80, s22, s23, $0xb8;
	[tilespmem:$0x19100] =	vst v63  }
0x5f: {  	_ =	swait.ge [sflag:s20], $0x2800  }
0x60: {  	[sflag:s20] =	ssyncset.done $0x0  }
0x61: {  	[sflag:s20] =	ssyncadd.s32 $0xFFFFD800  }
0x62: {  	_ =	swait.ge [sflag:s21], $0x50  }
0x63: {  	[sflag:s21] =	ssyncset.done $0x0  }
0x64: {  	[sflag:s21] =	ssyncadd.s32 $0xFFFFFFB0  }
0x65: {  	[spmem:s1] =	stream.indirect.scatter.add.f32 [tilespmem:s19], [sflag:$0x2], $0x80, s3, s23, $0xb8;
	[tilespmem:$0x19100] =	vst v63  }
0x66: {  	_ =	swait.ge [sflag:s20], $0x2800  }
0x67: {  	[sflag:s20] =	ssyncset.done $0x0  }
0x68: {  	[sflag:s20] =	ssyncadd.s32 $0xFFFFD800  }
0x69: {  	s28 =	sadd.s32 $0xFFFFFFFF, s7;
	[bflag:$0x0] =	sbarrier.arrive $0xFFFF  }
0x6a: {  	[tilespmem:s19], [sflag:$0x3] =	stream.linear.gather [spmem:s9], $0x2800, $0x38;
	[tilespmem:$0x19100] =	vst v63  }
0x6b: {  	p1 =	sne.s32 s28, $0x0;
	_ =	swait.ge [sflag:s24], $0x2800  }
.Ltmp1:
0x6c: {  	s26 =	simm.s32 @!p0 $0x2;
	[sflag:s24] =	ssyncset.done $0x0;
	(pc) =	sbr.rel @!p1 .LBB2_5-.Ltmp1, $4  }
0x6d: {  	s29 =	simm.s32 @!p0 $0x0;
	s30 =	simm.s32 @!p0 $0x100;
	[sflag:s24] =	ssyncadd.s32 $0xFFFFD800  }
0x6e: {  	[hbm4b:s18+s29] =	stream.linear.scatter @!p0 [tilespmem:s30], [sflag:$0x2], $0x2800, $0x38;
	[tilespmem:$0x19100] =	vst v63  }
0x6f: {  	_ =	swait.ge @!p0 [sflag:s26], $0x2800  }
0x70: {  	s31 =	smov.u32 s18;
	s10 =	smov.u32 s0;
	[sflag:s26] =	ssyncset.done @!p0 $0x0  }
.LBB2_4:
0x71: {  	s28 =	sadd.s32 $0xFFFFFFFF, s28;
	[sflag:s26] =	ssyncadd.s32 @!p0 $0xFFFFD800;
	s31 =	sadd.s32 $0x500, s31  }
0x72: {  	[tilespmem:s19], [sflag:$0x3] =	stream.linear.gather [spmem:s10], $0x2800, $0x38;
	[tilespmem:$0x19100] =	vst v63  }
0x73: {  	p1 =	sne.s32 s28, $0x0;
	_ =	swait.ge [sflag:s24], $0x2800  }
.Ltmp2:
0x74: {  	[sflag:s24] =	ssyncset.done $0x0;
	(pc) =	sbr.rel @p1 .LBB2_4-.Ltmp2, $4  }
0x75: {  	[sflag:s24] =	ssyncadd.s32 $0xFFFFD800  }
0x76: {  	[hbm4b:s31+s29] =	stream.linear.scatter @!p0 [tilespmem:s30], [sflag:$0x2], $0x2800, $0x38;
	[tilespmem:$0x19100] =	vst v63  }
0x77: {  	_ =	swait.ge @!p0 [sflag:s26], $0x2800  }
0x78: {  	s10 =	sadd.s32 $0x2800, s10;
	[sflag:s26] =	ssyncset.done @!p0 $0x0  }
.LBB2_5:
0x79: {  	s25 =	sadd.s32 $0x1, s25  }
0x7a: {  	p1 =	sne.s32 s25, s8  }
.Ltmp3:
0x7b: {  	_ = 	snop;
	(pc) =	sbr.rel @p1 .LBB2_1-.Ltmp3, $2  }
0x7c: {  	_ =	sdelay $0x2  }
0x7d: {  	[sflag:s26] =	ssyncadd.s32 @!p0 $0xFFFFD800  }
0x7e: {  	_ =	sfence.sel $0x180000  }
0x7f: {  	[bflag:$0x0] =	sbarrier.arrive $0xFFFF  }
0x80: {  	_ =	strace $0x90000047  }
0x81: {  	[bflag:$0x2] =	sbarrier.arrive $0xFFFF  }
0x82: {  	p0 =	sne.s32 s2, $0x0;
	s0 =	rddreg [dreg:$0x2]  }
0x83: {  	s0 =	sadd.s32 @!p0 $0x100000, s0  }
0x84: {  	[sflag:s0] =	ssyncadd.tile.s32 @!p0 $0x1;
	_ =	shalt  }
.Lfunc_end2:
_tile_overlayer_lowered:
.L_overlay_start_2:
0x85: {  	(tag) =	ssettag $0x2  }
0x86: {  	s0 =	rddreg [dreg:$0x0];
	s2 =	stileid.u32  }
0x87: {  	s1 =	rddreg [dreg:$0x1];
	p0 =	sne.s32 s2, $0x0  }
0x88: {  	s3 =	rddreg [dreg:$0x2];
	[bflag:$0x3] =	sbarrier.arrive $0xFFFF;
	s2 =	simm.s32 @!p0 $0x1C02  }
0x89: {  	[timem:s3], [sflag:s2] =	dma.local @!p0 [hbm:s0], s1  }
0x8a: {  	s0 =	simm.s32 @!p0 $0x2  }
0x8b: {  	_ =	swait.ge @!p0 [sflag:s0], s1  }
0x8c: {  	s1 =	ssub.s32 @!p0 $0x0, s1;
	[sflag:s0] =	ssyncset.done @!p0 $0x0  }
0x8d: {  	[sflag:s0] =	ssyncadd.s32 @!p0 s1  }
0x8e: {  	[bflag:$0x3] =	sbarrier.arrive $0xFFFF  }
0x8f: {  	_ =	shalt  }

// kernel: kernel.15.cloned.1.call-start
scs
__scs_entry_jumppad:
0x0: {  	(pc) =	sbr.rel $0x88, $3  }
0x1: {  	(tag) =	ssettag $0x0;
	lr =	simm.s32 $0x1  }
0x2: {  	[smem:$0x3F96] =	sst lr;
	_ =	strace $0xD0000000  }
0x3: {  	_ = 	snop  }
0x4: {  	_ = 	snop  }
0x5: {  	_ = 	snop  }
0x6: {  	_ = 	snop  }
0x7: {  	_ = 	snop  }
__scs_overlays_trampoline_lowered:
0x8: {  	[smem:$0x3FA5] =	sst s0  }
0x9: {  	[smem:$0x3FA6] =	sst s1  }
0xa: {  	[smem:$0x3FA7] =	sst s2  }
0xb: {  	[smem:$0x3FA8] =	sst s3  }
0xc: {  	[smem:$0x3FA9] =	sst s4  }
0xd: {  	[smem:$0x3FAA] =	sst s5  }
0xe: {  	[smem:$0x3FAB] =	sst s6  }
0xf: {  	[smem:$0x3FAC] =	sst s7  }
0x10: {  	[smem:$0x3FAD] =	sst s8  }
0x11: {  	[smem:$0x3FAE] =	sst s9;
	s0 =	simm.s32 @!p0 $0x0  }
0x12: {  	s1 =	sld [smem:$0x3F94];
	s0 =	simm.s32 @p0 $0x1  }
0x13: {  	[smem:$0x3FAF] =	sst s0;
	s0 =	simm.s32 @!p1 $0x0  }
0x14: {  	s2 =	sld [smem:$0x3F93];
	s0 =	simm.s32 @p1 $0x1  }
0x15: {  	[smem:$0x3FB0] =	sst s0;
	s0 =	simm.s32 @!p2 $0x0  }
0x16: {  	s3 =	sld [smem:$0x3FDB];
	s0 =	simm.s32 @p2 $0x1  }
0x17: {  	s4 =	simm.s32 $0x1BF5;
	[smem:$0x3FB2] =	sst s0  }
0x18: {  	s0 =	sld [smem:$0x3F95];
	_ =	swait.ge [sflag:s4], $0x0  }
0x19: {  	s7 =	sld [smem:$0x3F96]  }
0x1a: {  	s8 =	sadd.s32 $0xFFFFE003, lr  }
0x1b: {  	s9 =	sadd.s32 $0xFFFFFEF7, lr;
	s5 =	simm.s32 $0xFFFFFFFF;
	p2 =	slt.u32 s8, $0xFFFFF086  }
0x1c: {  	p1 =	slt.u32 s9, $0xF7A;
	s5 =	simm.s32 @!p2 $0x0  }
0x1d: {  	s5 =	simm.s32 @p1 $0x1;
	p0 =	seq.s32 s7, s2  }
0x1e: {  	s7 =	smul.u32 @!p0 $0xF7A, s2;
	p2 =	seq.s32 @!p0 s5, $0x0  }
0x1f: {  	s9 =	smul.u32 $0xF7A, s1;
	s8 =	simm.s32 @!p0 $0x1BF5;
	p2 =	por !p2, p0  }
0x20: {  	[sflag:s8] =	ssyncset.s32 @!p0 $0xFFFFF086;
	s6 =	sadd.s32 @!p0 s3, s7;
	s7 =	simm.s32 @!p0 $0x108  }
0x21: {  	s3 =	sadd.s32 s3, s9;
	s6 =	sadd.s32 @!p0 $0x88, s6;
	s7 =	simm.s32 @p2 $0x1082  }
0x22: {  	[simem:s7], [sflag:s8] =	dma.local @!p0 [hbm:s6], $0xF7A  }
0x23: {  	s9 =	sor.u32 $0xD0000000, s2;
	s6 =	simm.s32 $0x108;
	_ =	swait.ge @!p0 [sflag:s8], $0x0  }
0x24: {  	s3 =	sadd.s32 $0x88, s3;
	s6 =	simm.s32 @!p1 $0x1082;
	[sflag:s4] =	ssyncset.s32 $0xFFFFF086  }
0x25: {  	[simem:s6], [sflag:s4] =	dma.local [hbm:s3], $0xF7A  }
0x26: {  	[smem:$0x3F96] =	sst s1;
	(tag) =	ssettag s2;
	_ =	strace s9  }
0x27: {  	s1 =	sld [smem:$0x3FA6]  }
0x28: {  	s2 =	sld [smem:$0x3FA7]  }
0x29: {  	s4 =	sld [smem:$0x3FA9]  }
0x2a: {  	p0 =	seq.s32 s5, $0x0;
	s5 =	sld [smem:$0x3FAA]  }
0x2b: {  	s6 =	sld [smem:$0x3FAB]  }
0x2c: {  	s7 =	sld [smem:$0x3FAC]  }
0x2d: {  	s3 =	simm.s32 $0x108;
	s8 =	sld [smem:$0x3FAD]  }
0x2e: {  	s3 =	simm.s32 @!p0 $0x1082;
	s9 =	sld [smem:$0x3FAE]  }
0x2f: {  	lr =	sadd.s32 s0, s3;
	s0 =	sld [smem:$0x3FA5]  }
0x30: {  	s3 =	sld [smem:$0x3FA8]  }
0x31: {  	[smem:$0x3FB1] =	sst s10  }
0x32: {  	s10 =	sld [smem:$0x3FAF];
	_ =	sdelay $0x3  }
0x33: {  	p0 =	seq.s32 s10, $0x1;
	s10 =	sld [smem:$0x3FB1];
	_ =	sdelay $0x3  }
0x34: {  	[smem:$0x3FB1] =	sst s10  }
0x35: {  	s10 =	sld [smem:$0x3FB0];
	_ =	sdelay $0x3  }
0x36: {  	p1 =	seq.s32 s10, $0x1;
	s10 =	sld [smem:$0x3FB1];
	_ =	sdelay $0x3  }
0x37: {  	[smem:$0x3FB1] =	sst s10  }
0x38: {  	s10 =	sld [smem:$0x3FB2]  }
0x39: {  	_ = 	snop;
	(pc) =	sbr.ind lr, $3  }
0x3a: {  	_ = 	snop  }
0x3b: {  	_ = 	snop  }
0x3c: {  	p2 =	seq.s32 s10, $0x1;
	s10 =	sld [smem:$0x3FB1]  }
0x3d: {  	_ =	shalt  }
0x3e: {  	_ =	shalt  }
0x3f: {  	_ =	shalt  }
0x40: {  	_ =	shalt  }
0x41: {  	_ =	shalt  }
0x42: {  	_ =	shalt  }
0x43: {  	_ =	shalt  }
0x44: {  	_ =	shalt  }
0x45: {  	_ =	shalt  }
0x46: {  	_ =	shalt  }
0x47: {  	_ =	shalt  }
0x48: {  	_ =	shalt  }
0x49: {  	_ =	shalt  }
0x4a: {  	_ =	shalt  }
0x4b: {  	_ =	shalt  }
0x4c: {  	_ =	shalt  }
0x4d: {  	_ =	shalt  }
0x4e: {  	_ =	shalt  }
0x4f: {  	_ =	shalt  }
0x50: {  	_ =	shalt  }
0x51: {  	_ =	shalt  }
0x52: {  	_ =	shalt  }
0x53: {  	_ =	shalt  }
0x54: {  	_ =	shalt  }
0x55: {  	_ =	shalt  }
0x56: {  	_ =	shalt  }
0x57: {  	_ =	shalt  }
0x58: {  	_ =	shalt  }
0x59: {  	_ =	shalt  }
0x5a: {  	_ =	shalt  }
0x5b: {  	_ =	shalt  }
0x5c: {  	_ =	shalt  }
0x5d: {  	_ =	shalt  }
0x5e: {  	_ =	shalt  }
0x5f: {  	_ =	shalt  }
0x60: {  	_ =	shalt  }
0x61: {  	_ =	shalt  }
0x62: {  	_ =	shalt  }
0x63: {  	_ =	shalt  }
0x64: {  	_ =	shalt  }
0x65: {  	_ =	shalt  }
0x66: {  	_ =	shalt  }
0x67: {  	_ =	shalt  }
0x68: {  	_ =	shalt  }
0x69: {  	_ =	shalt  }
0x6a: {  	_ =	shalt  }
0x6b: {  	_ =	shalt  }
0x6c: {  	_ =	shalt  }
0x6d: {  	_ =	shalt  }
0x6e: {  	_ =	shalt  }
0x6f: {  	_ =	shalt  }
0x70: {  	_ =	shalt  }
0x71: {  	_ =	shalt  }
0x72: {  	_ =	shalt  }
0x73: {  	_ =	shalt  }
0x74: {  	_ =	shalt  }
0x75: {  	_ =	shalt  }
0x76: {  	_ =	shalt  }
0x77: {  	_ =	shalt  }
0x78: {  	_ =	shalt  }
0x79: {  	_ =	shalt  }
0x7a: {  	_ =	shalt  }
0x7b: {  	_ =	shalt  }
0x7c: {  	_ =	shalt  }
0x7d: {  	_ =	shalt  }
0x7e: {  	_ =	shalt  }
0x7f: {  	_ =	shalt  }
0x80: {  	_ =	shalt  }
0x81: {  	_ =	shalt  }
0x82: {  	_ =	shalt  }
0x83: {  	_ =	shalt  }
0x84: {  	_ =	shalt  }
0x85: {  	_ =	shalt  }
0x86: {  	_ =	shalt  }
0x87: {  	_ =	shalt  }
.Lfunc_end0:
.L_simem_size_0:
called_computation.1_lowered:
.L_overlay_start_0:
0x88: {  	s2 =	sld [smem:$0x3FD9]  }
0x89: {  	s3 =	sld [smem:$0x3FFE];
	_ =	sdelay $0x1  }
0x8a: {  	s1 =	srdreg.scid  }
0x8b: {  	s0 =	sand.u32 $0x1, s1  }
0x8c: {  	s17 =	sshll.u32 s0, $0xA;
	s2 =	sadd.s32 s3, s2  }
0x8d: {  	s2 =	sadd.s32 s2, s17  }
0x8e: {  	[smem:$0x3FBD] =	sst s2  }
0x8f: {  	_ = 	snop  }
0x90: {  	s18 =	sld [smem:$0x3FD0];
	(tm) =	ssettm $0x1  }
0x91: {  	s19 =	sld [smem:$0x3FFB];
	_ =	sdelay $0x3  }
0x92: {  	_ =	strace s19  }
0x93: {  	s2 =	sld [smem:$0x3FFC];
	_ =	sdelay $0x3  }
0x94: {  	_ =	strace s2  }
0x95: {  	s2 =	sld [smem:$0x3FFD];
	_ =	sdelay $0x3  }
0x96: {  	_ =	strace s2  }
0x97: {  	_ =	strace $0x8FFFFFFF  }
0x98: {  	s20 =	sld [smem:$0x3FDB];
	_ =	sdelay $0x1  }
0x99: {  	s4 =	simm.s32 $_scs_section_size  }
0x9a: {  	s5 =	simm.s32 $_size__tile_overlayer_lowered;
	s6 =	simm.s32 $_tile_overlayer_lowered  }
0x9b: {  	s7 =	simm.s32 $0x1BFF;
	s21 =	sshll.u32 s6, $0x1;
	s4 =	sadd.s32 s4, s20  }
0x9c: {  	s22 =	simm.s32 $0x0;
	s5 =	sshll.u32 s5, $0x1;
	s6 =	sadd.s32 s21, s4  }
0x9d: {  	[timem:s22], [sflag:s7] =	dma.local [hbm:s6], s5  }
0x9e: {  	_ =	swait.ge [sflag:s7], s5  }
0x9f: {  	s5 =	ssub.s32 $0x0, s5;
	[sflag:s7] =	ssyncset.done $0x0  }
0xa0: {  	[sflag:s7] =	ssyncadd.s32 s5;
	_ =	sdelay $0x1  }
0xa1: {  	s23 =	simm.s32 $0x1B8B  }
0xa2: {  	_ =	swait.ge [sflag:s23], $0x1  }
0xa3: {  	[sflag:s23] =	ssyncset.done $0x0  }
0xa4: {  	[sflag:s23] =	ssyncadd.s32 $0xFFFFFFFF  }
0xa5: {  	s5 =	sld [smem:$0x0]  }
0xa6: {  	s6 =	sand.u32 $0xFFFFFFFE, s1  }
0xa7: {  	p0 =	sne.s32 s1, s6  }
0xa8: {  	s6 =	sshll.u32 @p0 s6, $0xE  }
0xa9: {  	s6 =	sadd.s32 @p0 $0x11B8D, s6;
	s7 =	sshll.u32 @p0 s5, $0x11  }
0xaa: {  	s6 =	sor.u32 @p0 s7, s6  }
0xab: {  	[sflag:s6] =	ssyncadd.remote.s32 @p0 $0x1;
	_ =	sdelay $0x1  }
0xac: {  	s6 =	simm.s32 @p0 $0x1B8D  }
0xad: {  	_ =	swait.eq @p0 [sflag:s6], $0x1  }
0xae: {  	[sflag:s6] =	ssyncadd.s32 @p0 $0xFFFFFFFF  }
0xaf: {  	s7 =	sshll.u32 @!p0 s1, $0xE  }
0xb0: {  	s7 =	sor.u32 @!p0 $0x4000, s7;
	s6 =	simm.s32 @!p0 $0x1B8D  }
0xb1: {  	s5 =	sshll.u32 @!p0 s5, $0x11;
	s7 =	sadd.s32 @!p0 $0x11B8D, s7;
	_ =	swait.eq @!p0 [sflag:s6], $0x1  }
0xb2: {  	s5 =	sor.u32 @!p0 s5, s7;
	[sflag:s6] =	ssyncadd.s32 @!p0 $0xFFFFFFFF  }
0xb3: {  	s25 =	simm.s32 $0x1B8E;
	s24 =	sld [smem:$0x3FFE];
	[sflag:s5] =	ssyncadd.remote.s32 @!p0 $0x1  }
0xb4: {  	s26 =	simm.s32 $execute0_lowered;
	[smem:$0x3FD2] =	sst s25  }
0xb5: {  	s6 =	sshll.u32 s26, $0x1;
	_ =	strace $0x80000049;
	[dreg:$0x1] =	wrdreg $0xFFFFFFFF  }
0xb6: {  	s28 =	simm.s32 $_size_execute0_lowered;
	s4 =	sadd.s32 s4, s6;
	[dreg:$0x0] =	wrdreg $0x0  }
0xb7: {  	s6 =	sshll.u32 s28, $0x1;
	[dreg:$0x2] =	wrdreg s4  }
0xb8: {  	[dreg:$0x3] =	wrdreg s6  }
0xb9: {  	[dreg:$0x4] =	wrdreg $0xC0  }
0xba: {  	_ =	task [dreg:s22], $0x5FFFF  }
0xbb: {  	[dreg:$0x1] =	wrdreg $0xFFFFFFFF  }
0xbc: {  	[dreg:$0x0] =	wrdreg $0x60  }
0xbd: {  	[dreg:$0x2] =	wrdreg s24  }
0xbe: {  	[dreg:$0x3] =	wrdreg s18  }
0xbf: {  	[dreg:$0x4] =	wrdreg $0x52000  }
0xc0: {  	[dreg:$0x5] =	wrdreg $0xA  }
0xc1: {  	_ =	task.clear_ibuf [dreg:s22], $0x6FFFF;
	_ =	strace $0x90000049  }
0xc2: {  	s29 =	simm.s32 $0xA;
	_ =	strace $0x8000004B  }
0xc3: {  	_ =	swait.ge [sflag:s29], $0x1  }
0xc4: {  	[sflag:s29] =	ssyncadd.s32 $0xFFFFFFFF  }
0xc5: {  	_ =	strace $0x9000004B  }
0xc6: {  	_ =	sfence  }
0xc7: {  	s30 =	sld [smem:$0x0];
	_ =	sdelay $0x2  }
0xc8: {  	s31 =	sshll.u32 s1, $0xD;
	s1 =	sshrl.u32 s1, $0x2  }
0xc9: {  	s4 =	sand.u32 $0x4000, s31;
	s1 =	sadd.s32 s1, s30  }
0xca: {  	s0 =	sor.u32 s4, s0;
	s1 =	sshll.u32 s1, $0x11  }
0xcb: {  	s0 =	sor.u32 s1, s0  }
0xcc: {  	s0 =	sadd.s32 $0x8F2B, s0  }
0xcd: {  	[sflag:s0] =	ssyncadd.remote.s32 $0x1  }
0xce: {  	_ =	sfence.sel $0xFFFF  }
0xcf: {  	[dreg:$0x0] =	wrdreg $0xFFFFFFFF;
	(pc) =	sbr.abs _section_cstart, $3  }
0xd0: {  	[dreg:$0x1] =	wrdreg $0xFFFFFFFF  }
0xd1: {  	_ =	task.clear_ibuf [dreg:s22], $0x2FFFF;
	_ =	strace $0x9FFFFFFF  }
0xd2: {  	(tm) =	ssettm $0x7FFFFFFF  }
0xd3: {  	_ =	shalt  }
tec
execute0_lowered:
.L_overlay_start_1:
0x0: {  	(tag) =	ssettag $0x1  }
0x1: {  	s0 =	rddreg [dreg:$0x0]  }
0x2: {  	s1 =	rddreg [dreg:$0x1]  }
0x3: {  	s2 =	rddreg [dreg:$0x2];
	s3 =	simm.s32 $0x0  }
0x4: {  	s4 =	srdreg.scid;
	s19 =	stileid.u32;
	s23 =	simm.s32 $0x200  }
0x5: {  	s28 =	simm.s32 $0x80;
	s29 =	simm.s32 $0x180;
	s8 =	smul.u32 $0x2710, s19  }
0x6: {  	s30 =	simm.s32 $0x1;
	s31 =	simm.s32 $0x2A00;
	s10 =	smul.u32 $0x50000, s19  }
0x7: {  	[smem:$0x7FF] =	sst s3;
	s4 =	sand.u32 $0x1, s4;
	s26 =	smul.u32 $0x2800, s19  }
0x8: {  	s5 =	sadd.s32 $0x8A00, s0;
	p0 =	seq.s32 s19, $0xF;
	s19 =	smul.u32 $0x4E2, s19  }
0x9: {  	s7 =	sadd.s32 $0x3A00, s0;
	s9 =	sadd.s32 $0x12800, s0;
	s6 =	smul.u32 $0x27100, s4  }
0xa: {  	_ =	strace $0x8000004A;
	[dreg:$0x4] =	wrdreg s9;
	s4 =	ssub.s32 $0x2, s4  }
0xb: {  	s24 =	sshrl.u32 s4, $0x1;
	s10 =	sshrl.u32 s10, $0x2;
	s0 =	sadd.s32 s6, s0  }
0xc: {  	s6 =	sadd.s32 s8, s6;
	s4 =	ssub.s32 s4, s24;
	s8 =	sshrl.u32 s8, $0x3  }
0xd: {  	s10 =	sadd.s32 s10, s2;
	s24 =	simm.s32 $0x2;
	s25 =	sshrl.u32 s6, $0x3  }
0xe: {  	s8 =	sadd.s32 s7, s8;
	s11 =	smax.u32 s4, $0x1;
	s12 =	sadd.s32 $0x2800, s10  }
0xf: {  	s13 =	sadd.s32 $0x5000, s10;
	s14 =	sadd.s32 $0x7800, s10;
	s15 =	sadd.s32 $0xA000, s10  }
0x10: {  	s16 =	sadd.s32 $0xC800, s10;
	s17 =	sadd.s32 $0xF000, s10;
	s18 =	sadd.s32 $0x11800, s10  }
0x11: {  	s20 =	sadd.s32 $0x50, s6;
	s6 =	sadd.s32 $0xA0, s6;
	s0 =	sadd.s32 s26, s0  }
0x12: {  	s26 =	simm.s32 $0x50;
	s9 =	sadd.s32 s5, s25;
	[dreg:$0x6] =	wrdreg s8  }
0x13: {  	s21 =	sshrl.u32 s20, $0x3;
	s20 =	sadd.s32 s19, s7;
	s7 =	sadd.s32 $0x3A600, s0  }
0x14: {  	s25 =	simm.s32 $0x100;
	[dreg:$0x5] =	wrdreg s9;
	s9 =	simm.s32 $0x5  }
0x15: {  	s0 =	simm.s32 $0x0;
	s21 =	sadd.s32 s21, s5;
	s9 =	simm.s32 @!p0 $0x8  }
.LBB2_1:
0x16: {  	s4 =	rddreg [dreg:$0x4]  }
0x17: {  	[tilespmem:s23], [sflag:$0x2] =	stream.linear.gather [hbm4b:s4+s3], $0x2800, $0x38;
	[tilespmem:$0x19200] =	vst v63  }
0x18: {  	_ =	swait.ge [sflag:s24], $0x2800  }
0x19: {  	[sflag:s24] =	ssyncset.done $0x0  }
0x1a: {  	[sflag:s24] =	ssyncadd.s32 $0xFFFFD800  }
0x1b: {  	[spmem:s10] =	stream.linear.scatter [tilespmem:s23], [sflag:$0x2], $0x2800, $0x38;
	[tilespmem:$0x19200] =	vst v63  }
0x1c: {  	_ =	swait.ge [sflag:s24], $0x2800  }
0x1d: {  	[sflag:s24] =	ssyncset.done $0x0  }
0x1e: {  	[sflag:s24] =	ssyncadd.s32 $0xFFFFD800  }
0x1f: {  	[spmem:s12] =	stream.linear.scatter [tilespmem:s23], [sflag:$0x2], $0x2800, $0x38;
	[tilespmem:$0x19200] =	vst v63  }
0x20: {  	_ =	swait.ge [sflag:s24], $0x2800  }
0x21: {  	[sflag:s24] =	ssyncset.done $0x0  }
0x22: {  	[sflag:s24] =	ssyncadd.s32 $0xFFFFD800  }
0x23: {  	[spmem:s13] =	stream.linear.scatter [tilespmem:s23], [sflag:$0x2], $0x2800, $0x38;
	[tilespmem:$0x19200] =	vst v63  }
0x24: {  	_ =	swait.ge [sflag:s24], $0x2800  }
0x25: {  	[sflag:s24] =	ssyncset.done $0x0  }
0x26: {  	[sflag:s24] =	ssyncadd.s32 $0xFFFFD800  }
0x27: {  	[spmem:s14] =	stream.linear.scatter [tilespmem:s23], [sflag:$0x2], $0x2800, $0x38;
	[tilespmem:$0x19200] =	vst v63  }
0x28: {  	_ =	swait.ge [sflag:s24], $0x2800  }
0x29: {  	[sflag:s24] =	ssyncset.done $0x0  }
0x2a: {  	[sflag:s24] =	ssyncadd.s32 $0xFFFFD800  }
0x2b: {  	[spmem:s15] =	stream.linear.scatter [tilespmem:s23], [sflag:$0x2], $0x2800, $0x38;
	[tilespmem:$0x19200] =	vst v63  }
0x2c: {  	_ =	swait.ge [sflag:s24], $0x2800  }
0x2d: {  	[sflag:s24] =	ssyncset.done $0x0  }
0x2e: {  	[sflag:s24] =	ssyncadd.s32 $0xFFFFD800  }
0x2f: {  	[spmem:s16] =	stream.linear.scatter [tilespmem:s23], [sflag:$0x2], $0x2800, $0x38;
	[tilespmem:$0x19200] =	vst v63  }
0x30: {  	_ =	swait.ge [sflag:s24], $0x2800  }
0x31: {  	[sflag:s24] =	ssyncset.done $0x0  }
0x32: {  	[sflag:s24] =	ssyncadd.s32 $0xFFFFD800  }
0x33: {  	[spmem:s17] =	stream.linear.scatter [tilespmem:s23], [sflag:$0x2], $0x2800, $0x38;
	[tilespmem:$0x19200] =	vst v63  }
0x34: {  	_ =	swait.ge [sflag:s24], $0x2800  }
0x35: {  	[sflag:s24] =	ssyncset.done $0x0  }
0x36: {  	[sflag:s24] =	ssyncadd.s32 $0xFFFFD800  }
0x37: {  	[spmem:s18] =	stream.linear.scatter [tilespmem:s23], [sflag:$0x2], $0x2800, $0x38;
	[tilespmem:$0x19200] =	vst v63  }
0x38: {  	_ =	swait.ge [sflag:s24], $0x2800  }
0x39: {  	[sflag:s24] =	ssyncset.done $0x0  }
0x3a: {  	[sflag:s24] =	ssyncadd.s32 $0xFFFFD800  }
0x3b: {  	[bflag:$0x0] =	sbarrier.arrive $0xFFFF  }
0x3c: {  	s8 =	rddreg [dreg:$0x5]  }
0x3d: {  	[tilespmem:s3], [sflag:$0x2] =	stream.linear.gather [hbm4b:s8+s3], $0x50, $0x38;
	[tilespmem:$0x19200] =	vst v63  }
0x3e: {  	_ =	swait.ge [sflag:s24], $0x50  }
0x3f: {  	[sflag:s24] =	ssyncset.done $0x0  }
0x40: {  	s19 =	rddreg [dreg:$0x6];
	[sflag:s24] =	ssyncadd.s32 $0xFFFFFFB0  }
0x41: {  	[tilespmem:s25], [sflag:$0x2] =	stream.linear.gather [hbm4b:s19+s3], $0x50, $0x38;
	[tilespmem:$0x19200] =	vst v63  }
0x42: {  	_ =	swait.ge [sflag:s24], $0x50  }
0x43: {  	[sflag:s24] =	ssyncset.done $0x0  }
0x44: {  	[sflag:s24] =	ssyncadd.s32 $0xFFFFFFB0  }
0x45: {  	[tilespmem:s23], [sflag:$0x1] =	stream.indirect.gather [hbm4b:s1+s26], $0x80, s3, s26, $0xb8;
	[tilespmem:$0x19200] =	vst v63  }
0x46: {  	s22 =	sadd.s32 $0x0, s21  }
0x47: {  	[tilespmem:s28], [sflag:$0x2] =	stream.linear.gather [hbm4b:s22+s3], $0x50, $0x38;
	[tilespmem:$0x19200] =	vst v63  }
0x48: {  	_ =	swait.ge [sflag:s24], $0x50  }
0x49: {  	s8 =	sadd.s32 $0x0, s20;
	[sflag:s24] =	ssyncset.done $0x0  }
0x4a: {  	s19 =	sadd.s32 $0xA, s8;
	[sflag:s24] =	ssyncadd.s32 $0xFFFFFFB0  }
0x4b: {  	[tilespmem:s29], [sflag:$0x2] =	stream.linear.gather [hbm4b:s19+s3], $0x50, $0x38;
	[tilespmem:$0x19200] =	vst v63  }
0x4c: {  	_ =	swait.ge [sflag:s24], $0x50  }
0x4d: {  	[sflag:s24] =	ssyncset.done $0x0  }
0x4e: {  	[sflag:s24] =	ssyncadd.s32 $0xFFFFFFB0  }
0x4f: {  	_ =	swait.ge [sflag:s30], $0x2800  }
0x50: {  	[sflag:s30] =	ssyncset.done $0x0  }
0x51: {  	[sflag:s30] =	ssyncadd.s32 $0xFFFFD800  }
0x52: {  	[tilespmem:s31], [sflag:$0x1] =	stream.indirect.gather [hbm4b:s1+s26], $0x80, s28, s26, $0xb8;
	[tilespmem:$0x19200] =	vst v63  }
0x53: {  	_ = 	snop  }
0x54: {  	[spmem:s2] =	stream.indirect.scatter.add.f32 [tilespmem:s23], [sflag:$0x2], $0x80, s25, s26, $0xb8;
	[tilespmem:$0x19200] =	vst v63  }
0x55: {  	_ =	swait.ge [sflag:s24], $0x2800  }
0x56: {  	s22 =	sshrl.u32 s6, $0x3;
	[sflag:s24] =	ssyncset.done $0x0  }
0x57: {  	s19 =	sadd.s32 s5, s22;
	[sflag:s24] =	ssyncadd.s32 $0xFFFFD800  }
0x58: {  	[tilespmem:s3], [sflag:$0x2] =	stream.linear.gather [hbm4b:s19+s3], $0x50, $0x38;
	[tilespmem:$0x19200] =	vst v63  }
0x59: {  	_ =	swait.ge [sflag:s24], $0x50  }
0x5a: {  	[sflag:s24] =	ssyncset.done $0x0  }
0x5b: {  	s4 =	sadd.s32 $0x14, s8;
	[sflag:s24] =	ssyncadd.s32 $0xFFFFFFB0  }
0x5c: {  	[tilespmem:s25], [sflag:$0x2] =	stream.linear.gather [hbm4b:s4+s3], $0x50, $0x38;
	[tilespmem:$0x19200] =	vst v63  }
0x5d: {  	_ =	swait.ge [sflag:s24], $0x50  }
0x5e: {  	[sflag:s24] =	ssyncset.done $0x0  }
0x5f: {  	[sflag:s24] =	ssyncadd.s32 $0xFFFFFFB0  }
0x60: {  	_ =	swait.ge [sflag:s30], $0x2800  }
0x61: {  	[sflag:s30] =	ssyncset.done $0x0  }
0x62: {  	[sflag:s30] =	ssyncadd.s32 $0xFFFFD800  }
0x63: {  	[tilespmem:s23], [sflag:$0x1] =	stream.indirect.gather [hbm4b:s1+s26], $0x80, s3, s26, $0xb8;
	[tilespmem:$0x19200] =	vst v63  }
0x64: {  	_ = 	snop  }
0x65: {  	[spmem:s2] =	stream.indirect.scatter.add.f32 [tilespmem:s31], [sflag:$0x2], $0x80, s29, s26, $0xb8;
	[tilespmem:$0x19200] =	vst v63  }
0x66: {  	_ =	swait.ge [sflag:s24], $0x2800  }
0x67: {  	s19 =	smov.u32 s6;
	s4 =	simm.s32 $0x14;
	[sflag:s24] =	ssyncset.done $0x0  }
.LBB2_2:
0x68: {  	p0 =	sne.s32 s4, $0x4C4;
	[sflag:s24] =	ssyncadd.s32 $0xFFFFD800;
	s19 =	sadd.s32 $0xA0, s19  }
0x69: {  	s22 =	sadd.s32 s4, s21;
	s8 =	smov.u32 s4;
	s4 =	sadd.s32 $0x14, s4  }
0x6a: {  	[tilespmem:s28], [sflag:$0x2] =	stream.linear.gather [hbm4b:s22+s3], $0x50, $0x38;
	[tilespmem:$0x19200] =	vst v63  }
0x6b: {  	_ =	swait.ge [sflag:s24], $0x50  }
0x6c: {  	s8 =	sadd.s32 s8, s20;
	[sflag:s24] =	ssyncset.done $0x0  }
0x6d: {  	s22 =	sadd.s32 $0xA, s8;
	[sflag:s24] =	ssyncadd.s32 $0xFFFFFFB0  }
0x6e: {  	[tilespmem:s29], [sflag:$0x2] =	stream.linear.gather [hbm4b:s22+s3], $0x50, $0x38;
	[tilespmem:$0x19200] =	vst v63  }
0x6f: {  	_ =	swait.ge [sflag:s24], $0x50  }
0x70: {  	[sflag:s24] =	ssyncset.done $0x0  }
0x71: {  	[sflag:s24] =	ssyncadd.s32 $0xFFFFFFB0  }
0x72: {  	_ =	swait.ge [sflag:s30], $0x2800  }
0x73: {  	[sflag:s30] =	ssyncset.done $0x0  }
0x74: {  	[sflag:s30] =	ssyncadd.s32 $0xFFFFD800  }
0x75: {  	[tilespmem:s31], [sflag:$0x1] =	stream.indirect.gather [hbm4b:s1+s26], $0x80, s28, s26, $0xb8;
	[tilespmem:$0x19200] =	vst v63  }
0x76: {  	_ = 	snop  }
0x77: {  	[spmem:s2] =	stream.indirect.scatter.add.f32 [tilespmem:s23], [sflag:$0x2], $0x80, s25, s26, $0xb8;
	[tilespmem:$0x19200] =	vst v63  }
0x78: {  	_ =	swait.ge [sflag:s24], $0x2800  }
0x79: {  	s22 =	sshrl.u32 s19, $0x3;
	[sflag:s24] =	ssyncset.done $0x0  }
0x7a: {  	s22 =	sadd.s32 s5, s22;
	[sflag:s24] =	ssyncadd.s32 $0xFFFFD800  }
0x7b: {  	[tilespmem:s3], [sflag:$0x2] =	stream.linear.gather [hbm4b:s22+s3], $0x50, $0x38;
	[tilespmem:$0x19200] =	vst v63  }
0x7c: {  	_ =	swait.ge [sflag:s24], $0x50  }
0x7d: {  	[sflag:s24] =	ssyncset.done $0x0  }
0x7e: {  	s8 =	sadd.s32 $0x14, s8;
	[sflag:s24] =	ssyncadd.s32 $0xFFFFFFB0  }
0x7f: {  	[tilespmem:s25], [sflag:$0x2] =	stream.linear.gather [hbm4b:s8+s3], $0x50, $0x38;
	[tilespmem:$0x19200] =	vst v63  }
0x80: {  	_ =	swait.ge [sflag:s24], $0x50  }
0x81: {  	[sflag:s24] =	ssyncset.done $0x0  }
0x82: {  	[sflag:s24] =	ssyncadd.s32 $0xFFFFFFB0  }
0x83: {  	_ =	swait.ge [sflag:s30], $0x2800  }
0x84: {  	[sflag:s30] =	ssyncset.done $0x0  }
0x85: {  	[sflag:s30] =	ssyncadd.s32 $0xFFFFD800  }
0x86: {  	[tilespmem:s23], [sflag:$0x1] =	stream.indirect.gather [hbm4b:s1+s26], $0x80, s3, s26, $0xb8;
	[tilespmem:$0x19200] =	vst v63  }
.Ltmp0:
0x87: {  	_ = 	snop;
	(pc) =	sbr.rel @p0 .LBB2_2-.Ltmp0, $4  }
0x88: {  	_ = 	snop  }
0x89: {  	[spmem:s2] =	stream.indirect.scatter.add.f32 [tilespmem:s31], [sflag:$0x2], $0x80, s29, s26, $0xb8;
	[tilespmem:$0x19200] =	vst v63  }
0x8a: {  	_ =	swait.ge [sflag:s24], $0x2800  }
0x8b: {  	[sflag:s24] =	ssyncset.done $0x0  }
0x8c: {  	[sflag:s24] =	ssyncadd.s32 $0xFFFFD800  }
0x8d: {  	_ =	swait.ge [sflag:s30], $0x2800  }
0x8e: {  	[sflag:s30] =	ssyncset.done $0x0  }
0x8f: {  	[sflag:s30] =	ssyncadd.s32 $0xFFFFD800  }
0x90: {  	[spmem:s2] =	stream.indirect.scatter.add.f32 [tilespmem:s23], [sflag:$0x2], $0x80, s25, s26, $0xb8;
	[tilespmem:$0x19200] =	vst v63  }
0x91: {  	_ =	swait.ge [sflag:s24], $0x2800  }
0x92: {  	[sflag:s24] =	ssyncset.done $0x0  }
0x93: {  	[sflag:s24] =	ssyncadd.s32 $0xFFFFD800  }
0x94: {  	[bflag:$0x0] =	sbarrier.arrive $0xFFFF  }
0x95: {  	[tilespmem:s23], [sflag:$0x2] =	stream.linear.gather [spmem:s10], $0x2800, $0x38;
	[tilespmem:$0x19200] =	vst v63  }
0x96: {  	p0 =	sne.s32 s9, $0x1;
	_ =	swait.ge [sflag:s24], $0x2800  }
.Ltmp1:
0x97: {  	[sflag:s24] =	ssyncset.done $0x0;
	(pc) =	sbr.rel @!p0 .LBB2_5-.Ltmp1, $4  }
0x98: {  	[sflag:s24] =	ssyncadd.s32 $0xFFFFD800  }
0x99: {  	[hbm4b:s7+s3] =	stream.linear.scatter [tilespmem:s23], [sflag:$0x2], $0x2800, $0x38;
	[tilespmem:$0x19200] =	vst v63  }
0x9a: {  	s4 =	sadd.s32 $0xFFFFFFFF, s9;
	_ =	swait.ge [sflag:s24], $0x2800  }
0x9b: {  	s19 =	smov.u32 s10;
	s22 =	smov.u32 s7;
	[sflag:s24] =	ssyncset.done $0x0  }
.LBB2_4:
0x9c: {  	[sflag:s24] =	ssyncadd.s32 $0xFFFFD800;
	s19 =	sadd.s32 $0x2800, s19;
	s22 =	sadd.s32 $0x500, s22  }
0x9d: {  	[tilespmem:s23], [sflag:$0x2] =	stream.linear.gather [spmem:s19], $0x2800, $0x38;
	[tilespmem:$0x19200] =	vst v63  }
0x9e: {  	p0 =	sne.s32 s4, $0x1;
	s4 =	sadd.s32 $0xFFFFFFFF, s4;
	_ =	swait.ge [sflag:s24], $0x2800  }
.Ltmp2:
0x9f: {  	[sflag:s24] =	ssyncset.done $0x0;
	(pc) =	sbr.rel @p0 .LBB2_4-.Ltmp2, $4  }
0xa0: {  	[sflag:s24] =	ssyncadd.s32 $0xFFFFD800  }
0xa1: {  	[hbm4b:s22+s3] =	stream.linear.scatter [tilespmem:s23], [sflag:$0x2], $0x2800, $0x38;
	[tilespmem:$0x19200] =	vst v63  }
0xa2: {  	_ =	swait.ge [sflag:s24], $0x2800  }
0xa3: {  	[sflag:s24] =	ssyncset.done $0x0  }
.LBB2_5:
0xa4: {  	s0 =	sadd.s32 $0x1, s0  }
0xa5: {  	p0 =	sne.s32 s0, s11  }
.Ltmp3:
0xa6: {  	_ = 	snop;
	(pc) =	sbr.rel @p0 .LBB2_1-.Ltmp3, $2  }
0xa7: {  	_ =	sdelay $0x2  }
0xa8: {  	[sflag:s24] =	ssyncadd.s32 $0xFFFFD800  }
0xa9: {  	_ =	sfence.sel $0x180000  }
0xaa: {  	[bflag:$0x0] =	sbarrier.arrive $0xFFFF  }
0xab: {  	_ =	strace $0x9000004A  }
0xac: {  	s0 =	stileid.u32;
	[bflag:$0x2] =	sbarrier.arrive $0xFFFF  }
0xad: {  	p0 =	sne.s32 s0, $0x0;
	s0 =	rddreg [dreg:$0x3]  }
0xae: {  	s0 =	sadd.s32 @!p0 $0x100000, s0  }
0xaf: {  	[sflag:s0] =	ssyncadd.tile.s32 @!p0 $0x1;
	_ =	shalt  }
.Lfunc_end2:
_tile_overlayer_lowered:
.L_overlay_start_2:
0xb0: {  	(tag) =	ssettag $0x2  }
0xb1: {  	s0 =	rddreg [dreg:$0x0];
	s2 =	stileid.u32  }
0xb2: {  	s1 =	rddreg [dreg:$0x1];
	p0 =	sne.s32 s2, $0x0  }
0xb3: {  	s3 =	rddreg [dreg:$0x2];
	[bflag:$0x3] =	sbarrier.arrive $0xFFFF;
	s2 =	simm.s32 @!p0 $0x1C02  }
0xb4: {  	[timem:s3], [sflag:s2] =	dma.local @!p0 [hbm:s0], s1  }
0xb5: {  	s0 =	simm.s32 @!p0 $0x2  }
0xb6: {  	_ =	swait.ge @!p0 [sflag:s0], s1  }
0xb7: {  	s1 =	ssub.s32 @!p0 $0x0, s1;
	[sflag:s0] =	ssyncset.done @!p0 $0x0  }
0xb8: {  	[sflag:s0] =	ssyncadd.s32 @!p0 s1  }
0xb9: {  	[bflag:$0x3] =	sbarrier.arrive $0xFFFF  }
0xba: {  	_ =	shalt  }

// kernel: kernel.18.cloned.1.call-start
scs
__scs_entry_jumppad:
0x0: {  	(pc) =	sbr.rel $0x88, $3  }
0x1: {  	(tag) =	ssettag $0x0;
	lr =	simm.s32 $0x1  }
0x2: {  	[smem:$0x3F96] =	sst lr;
	_ =	strace $0xD0000000  }
0x3: {  	_ = 	snop  }
0x4: {  	_ = 	snop  }
0x5: {  	_ = 	snop  }
0x6: {  	_ = 	snop  }
0x7: {  	_ = 	snop  }
__scs_overlays_trampoline_lowered:
0x8: {  	[smem:$0x3FA5] =	sst s0  }
0x9: {  	[smem:$0x3FA6] =	sst s1  }
0xa: {  	[smem:$0x3FA7] =	sst s2  }
0xb: {  	[smem:$0x3FA8] =	sst s3  }
0xc: {  	[smem:$0x3FA9] =	sst s4  }
0xd: {  	[smem:$0x3FAA] =	sst s5  }
0xe: {  	[smem:$0x3FAB] =	sst s6  }
0xf: {  	[smem:$0x3FAC] =	sst s7  }
0x10: {  	[smem:$0x3FAD] =	sst s8  }
0x11: {  	[smem:$0x3FAE] =	sst s9;
	s0 =	simm.s32 @!p0 $0x0  }
0x12: {  	s1 =	sld [smem:$0x3F94];
	s0 =	simm.s32 @p0 $0x1  }
0x13: {  	[smem:$0x3FAF] =	sst s0;
	s0 =	simm.s32 @!p1 $0x0  }
0x14: {  	s2 =	sld [smem:$0x3F93];
	s0 =	simm.s32 @p1 $0x1  }
0x15: {  	[smem:$0x3FB0] =	sst s0;
	s0 =	simm.s32 @!p2 $0x0  }
0x16: {  	s3 =	sld [smem:$0x3FDB];
	s0 =	simm.s32 @p2 $0x1  }
0x17: {  	s4 =	simm.s32 $0x1BF5;
	[smem:$0x3FB2] =	sst s0  }
0x18: {  	s0 =	sld [smem:$0x3F95];
	_ =	swait.ge [sflag:s4], $0x0  }
0x19: {  	s7 =	sld [smem:$0x3F96]  }
0x1a: {  	s8 =	sadd.s32 $0xFFFFE003, lr  }
0x1b: {  	s9 =	sadd.s32 $0xFFFFFEF7, lr;
	s5 =	simm.s32 $0xFFFFFFFF;
	p2 =	slt.u32 s8, $0xFFFFF086  }
0x1c: {  	p1 =	slt.u32 s9, $0xF7A;
	s5 =	simm.s32 @!p2 $0x0  }
0x1d: {  	s5 =	simm.s32 @p1 $0x1;
	p0 =	seq.s32 s7, s2  }
0x1e: {  	s7 =	smul.u32 @!p0 $0xF7A, s2;
	p2 =	seq.s32 @!p0 s5, $0x0  }
0x1f: {  	s9 =	smul.u32 $0xF7A, s1;
	s8 =	simm.s32 @!p0 $0x1BF5;
	p2 =	por !p2, p0  }
0x20: {  	[sflag:s8] =	ssyncset.s32 @!p0 $0xFFFFF086;
	s6 =	sadd.s32 @!p0 s3, s7;
	s7 =	simm.s32 @!p0 $0x108  }
0x21: {  	s3 =	sadd.s32 s3, s9;
	s6 =	sadd.s32 @!p0 $0x88, s6;
	s7 =	simm.s32 @p2 $0x1082  }
0x22: {  	[simem:s7], [sflag:s8] =	dma.local @!p0 [hbm:s6], $0xF7A  }
0x23: {  	s9 =	sor.u32 $0xD0000000, s2;
	s6 =	simm.s32 $0x108;
	_ =	swait.ge @!p0 [sflag:s8], $0x0  }
0x24: {  	s3 =	sadd.s32 $0x88, s3;
	s6 =	simm.s32 @!p1 $0x1082;
	[sflag:s4] =	ssyncset.s32 $0xFFFFF086  }
0x25: {  	[simem:s6], [sflag:s4] =	dma.local [hbm:s3], $0xF7A  }
0x26: {  	[smem:$0x3F96] =	sst s1;
	(tag) =	ssettag s2;
	_ =	strace s9  }
0x27: {  	s1 =	sld [smem:$0x3FA6]  }
0x28: {  	s2 =	sld [smem:$0x3FA7]  }
0x29: {  	s4 =	sld [smem:$0x3FA9]  }
0x2a: {  	p0 =	seq.s32 s5, $0x0;
	s5 =	sld [smem:$0x3FAA]  }
0x2b: {  	s6 =	sld [smem:$0x3FAB]  }
0x2c: {  	s7 =	sld [smem:$0x3FAC]  }
0x2d: {  	s3 =	simm.s32 $0x108;
	s8 =	sld [smem:$0x3FAD]  }
0x2e: {  	s3 =	simm.s32 @!p0 $0x1082;
	s9 =	sld [smem:$0x3FAE]  }
0x2f: {  	lr =	sadd.s32 s0, s3;
	s0 =	sld [smem:$0x3FA5]  }
0x30: {  	s3 =	sld [smem:$0x3FA8]  }
0x31: {  	[smem:$0x3FB1] =	sst s10  }
0x32: {  	s10 =	sld [smem:$0x3FAF];
	_ =	sdelay $0x3  }
0x33: {  	p0 =	seq.s32 s10, $0x1;
	s10 =	sld [smem:$0x3FB1];
	_ =	sdelay $0x3  }
0x34: {  	[smem:$0x3FB1] =	sst s10  }
0x35: {  	s10 =	sld [smem:$0x3FB0];
	_ =	sdelay $0x3  }
0x36: {  	p1 =	seq.s32 s10, $0x1;
	s10 =	sld [smem:$0x3FB1];
	_ =	sdelay $0x3  }
0x37: {  	[smem:$0x3FB1] =	sst s10  }
0x38: {  	s10 =	sld [smem:$0x3FB2]  }
0x39: {  	_ = 	snop;
	(pc) =	sbr.ind lr, $3  }
0x3a: {  	_ = 	snop  }
0x3b: {  	_ = 	snop  }
0x3c: {  	p2 =	seq.s32 s10, $0x1;
	s10 =	sld [smem:$0x3FB1]  }
0x3d: {  	_ =	shalt  }
0x3e: {  	_ =	shalt  }
0x3f: {  	_ =	shalt  }
0x40: {  	_ =	shalt  }
0x41: {  	_ =	shalt  }
0x42: {  	_ =	shalt  }
0x43: {  	_ =	shalt  }
0x44: {  	_ =	shalt  }
0x45: {  	_ =	shalt  }
0x46: {  	_ =	shalt  }
0x47: {  	_ =	shalt  }
0x48: {  	_ =	shalt  }
0x49: {  	_ =	shalt  }
0x4a: {  	_ =	shalt  }
0x4b: {  	_ =	shalt  }
0x4c: {  	_ =	shalt  }
0x4d: {  	_ =	shalt  }
0x4e: {  	_ =	shalt  }
0x4f: {  	_ =	shalt  }
0x50: {  	_ =	shalt  }
0x51: {  	_ =	shalt  }
0x52: {  	_ =	shalt  }
0x53: {  	_ =	shalt  }
0x54: {  	_ =	shalt  }
0x55: {  	_ =	shalt  }
0x56: {  	_ =	shalt  }
0x57: {  	_ =	shalt  }
0x58: {  	_ =	shalt  }
0x59: {  	_ =	shalt  }
0x5a: {  	_ =	shalt  }
0x5b: {  	_ =	shalt  }
0x5c: {  	_ =	shalt  }
0x5d: {  	_ =	shalt  }
0x5e: {  	_ =	shalt  }
0x5f: {  	_ =	shalt  }
0x60: {  	_ =	shalt  }
0x61: {  	_ =	shalt  }
0x62: {  	_ =	shalt  }
0x63: {  	_ =	shalt  }
0x64: {  	_ =	shalt  }
0x65: {  	_ =	shalt  }
0x66: {  	_ =	shalt  }
0x67: {  	_ =	shalt  }
0x68: {  	_ =	shalt  }
0x69: {  	_ =	shalt  }
0x6a: {  	_ =	shalt  }
0x6b: {  	_ =	shalt  }
0x6c: {  	_ =	shalt  }
0x6d: {  	_ =	shalt  }
0x6e: {  	_ =	shalt  }
0x6f: {  	_ =	shalt  }
0x70: {  	_ =	shalt  }
0x71: {  	_ =	shalt  }
0x72: {  	_ =	shalt  }
0x73: {  	_ =	shalt  }
0x74: {  	_ =	shalt  }
0x75: {  	_ =	shalt  }
0x76: {  	_ =	shalt  }
0x77: {  	_ =	shalt  }
0x78: {  	_ =	shalt  }
0x79: {  	_ =	shalt  }
0x7a: {  	_ =	shalt  }
0x7b: {  	_ =	shalt  }
0x7c: {  	_ =	shalt  }
0x7d: {  	_ =	shalt  }
0x7e: {  	_ =	shalt  }
0x7f: {  	_ =	shalt  }
0x80: {  	_ =	shalt  }
0x81: {  	_ =	shalt  }
0x82: {  	_ =	shalt  }
0x83: {  	_ =	shalt  }
0x84: {  	_ =	shalt  }
0x85: {  	_ =	shalt  }
0x86: {  	_ =	shalt  }
0x87: {  	_ =	shalt  }
.Lfunc_end0:
.L_simem_size_0:
called_computation.2_lowered:
.L_overlay_start_0:
0x88: {  	s2 =	sld [smem:$0x3FD9]  }
0x89: {  	s3 =	sld [smem:$0x3FFE];
	_ =	sdelay $0x1  }
0x8a: {  	s1 =	srdreg.scid  }
0x8b: {  	s0 =	sand.u32 $0x1, s1  }
0x8c: {  	s16 =	sshll.u32 s0, $0xA;
	s2 =	sadd.s32 s3, s2  }
0x8d: {  	s2 =	sadd.s32 s2, s16  }
0x8e: {  	[smem:$0x3FBD] =	sst s2  }
0x8f: {  	_ = 	snop  }
0x90: {  	(tm) =	ssettm $0x1  }
0x91: {  	s17 =	sld [smem:$0x3FFB];
	_ =	sdelay $0x3  }
0x92: {  	_ =	strace s17  }
0x93: {  	s2 =	sld [smem:$0x3FFC];
	_ =	sdelay $0x3  }
0x94: {  	_ =	strace s2  }
0x95: {  	s2 =	sld [smem:$0x3FFD];
	_ =	sdelay $0x3  }
0x96: {  	_ =	strace s2  }
0x97: {  	_ =	strace $0x8FFFFFFF  }
0x98: {  	s18 =	sld [smem:$0x3FDB];
	_ =	sdelay $0x1  }
0x99: {  	s19 =	simm.s32 $_scs_section_size  }
0x9a: {  	s4 =	simm.s32 $_size__tile_overlayer_lowered;
	s5 =	simm.s32 $_tile_overlayer_lowered  }
0x9b: {  	s22 =	simm.s32 $0x1BFF;
	s21 =	sshll.u32 s5, $0x1;
	s2 =	sadd.s32 s19, s18  }
0x9c: {  	s6 =	simm.s32 $0x0;
	s20 =	sshll.u32 s4, $0x1;
	s4 =	sadd.s32 s21, s2  }
0x9d: {  	[timem:s6], [sflag:s22] =	dma.local [hbm:s4], s20  }
0x9e: {  	_ =	swait.ge [sflag:s22], s20  }
0x9f: {  	s3 =	ssub.s32 $0x0, s20;
	[sflag:s22] =	ssyncset.done $0x0  }
0xa0: {  	[sflag:s22] =	ssyncadd.s32 s3;
	_ =	sdelay $0x1  }
0xa1: {  	s23 =	simm.s32 $0x1B8B  }
0xa2: {  	_ =	swait.ge [sflag:s23], $0x1  }
0xa3: {  	[sflag:s23] =	ssyncset.done $0x0  }
0xa4: {  	s25 =	simm.s32 $0x1B8E;
	s24 =	sld [smem:$0x3FFE];
	[sflag:s23] =	ssyncadd.s32 $0xFFFFFFFF  }
0xa5: {  	s26 =	simm.s32 $execute0_lowered;
	[smem:$0x3FD2] =	sst s25  }
0xa6: {  	s4 =	sshll.u32 s26, $0x1;
	_ =	strace $0x8000004C;
	[dreg:$0x1] =	wrdreg $0xFFFFFFFF  }
0xa7: {  	s28 =	simm.s32 $_size_execute0_lowered;
	s2 =	sadd.s32 s2, s4;
	[dreg:$0x0] =	wrdreg $0x0  }
0xa8: {  	s4 =	sshll.u32 s28, $0x1;
	[dreg:$0x2] =	wrdreg s2  }
0xa9: {  	[dreg:$0x3] =	wrdreg s4  }
0xaa: {  	[dreg:$0x4] =	wrdreg $0xC0  }
0xab: {  	_ =	task [dreg:s6], $0x5FFFF  }
0xac: {  	[dreg:$0x1] =	wrdreg $0xFFFFFFFF  }
0xad: {  	[dreg:$0x0] =	wrdreg $0x60  }
0xae: {  	[dreg:$0x2] =	wrdreg s24  }
0xaf: {  	[dreg:$0x3] =	wrdreg $0x52000  }
0xb0: {  	[dreg:$0x4] =	wrdreg $0x9  }
0xb1: {  	_ =	task.clear_ibuf [dreg:s6], $0x5FFFF;
	_ =	strace $0x9000004C  }
0xb2: {  	s29 =	simm.s32 $0x9;
	_ =	strace $0x8000004E  }
0xb3: {  	_ =	swait.ge [sflag:s29], $0x1  }
0xb4: {  	[sflag:s29] =	ssyncadd.s32 $0xFFFFFFFF  }
0xb5: {  	_ =	strace $0x9000004E  }
0xb6: {  	_ =	sfence  }
0xb7: {  	s30 =	sld [smem:$0x0];
	_ =	sdelay $0x2  }
0xb8: {  	s31 =	sshll.u32 s1, $0xD;
	s1 =	sshrl.u32 s1, $0x2  }
0xb9: {  	s3 =	sand.u32 $0x4000, s31;
	s1 =	sadd.s32 s1, s30  }
0xba: {  	s0 =	sor.u32 s3, s0;
	s1 =	sshll.u32 s1, $0x11  }
0xbb: {  	s0 =	sor.u32 s1, s0  }
0xbc: {  	s0 =	sadd.s32 $0x8F2B, s0  }
0xbd: {  	[sflag:s0] =	ssyncadd.remote.s32 $0x1  }
0xbe: {  	_ =	sfence.sel $0xFFFF  }
0xbf: {  	[dreg:$0x0] =	wrdreg $0xFFFFFFFF;
	(pc) =	sbr.abs _section_cstart, $3  }
0xc0: {  	[dreg:$0x1] =	wrdreg $0xFFFFFFFF  }
0xc1: {  	_ =	task.clear_ibuf [dreg:s6], $0x2FFFF;
	_ =	strace $0x9FFFFFFF  }
0xc2: {  	(tm) =	ssettm $0x7FFFFFFF  }
0xc3: {  	_ =	shalt  }
tec
execute0_lowered:
.L_overlay_start_1:
0x0: {  	(tag) =	ssettag $0x1  }
0x1: {  	s0 =	rddreg [dreg:$0x0]  }
0x2: {  	s1 =	rddreg [dreg:$0x1];
	s2 =	simm.s32 $0x0;
	s3 =	srdreg.scid  }
0x3: {  	s19 =	stileid.u32;
	s23 =	simm.s32 $0x200;
	s28 =	simm.s32 $0x80  }
0x4: {  	s29 =	simm.s32 $0x180;
	s30 =	simm.s32 $0x1;
	s8 =	smul.u32 $0x2710, s19  }
0x5: {  	s31 =	simm.s32 $0x2A00;
	[smem:$0x7FF] =	sst s2;
	s10 =	smul.u32 $0x50000, s19  }
0x6: {  	s3 =	sand.u32 $0x1, s3;
	s4 =	sadd.s32 $0x8A00, s0;
	s26 =	smul.u32 $0x2800, s19  }
0x7: {  	s7 =	sadd.s32 $0x3A00, s0;
	p0 =	seq.s32 s19, $0xF;
	s19 =	smul.u32 $0x4E2, s19  }
0x8: {  	s5 =	sadd.s32 $0x3A600, s0;
	s9 =	sadd.s32 $0x12800, s0;
	s6 =	smul.u32 $0x27100, s3  }
0x9: {  	_ =	strace $0x8000004D;
	[dreg:$0x3] =	wrdreg s9;
	s3 =	ssub.s32 $0x2, s3  }
0xa: {  	s24 =	sshrl.u32 s3, $0x1;
	s10 =	sshrl.u32 s10, $0x2;
	s0 =	sadd.s32 s6, s0  }
0xb: {  	s6 =	sadd.s32 s8, s6;
	s3 =	ssub.s32 s3, s24;
	s8 =	sshrl.u32 s8, $0x3  }
0xc: {  	s10 =	sadd.s32 s10, s1;
	s24 =	simm.s32 $0x2;
	s25 =	sshrl.u32 s6, $0x3  }
0xd: {  	s8 =	sadd.s32 s7, s8;
	s11 =	smax.u32 s3, $0x1;
	s12 =	sadd.s32 $0x2800, s10  }
0xe: {  	s13 =	sadd.s32 $0x5000, s10;
	s14 =	sadd.s32 $0x7800, s10;
	s15 =	sadd.s32 $0xA000, s10  }
0xf: {  	s16 =	sadd.s32 $0xC800, s10;
	s17 =	sadd.s32 $0xF000, s10;
	s18 =	sadd.s32 $0x11800, s10  }
0x10: {  	s20 =	sadd.s32 $0x50, s6;
	s6 =	sadd.s32 $0xA0, s6;
	s0 =	sadd.s32 s26, s0  }
0x11: {  	s26 =	simm.s32 $0x50;
	s9 =	sadd.s32 s4, s25;
	[dreg:$0x5] =	wrdreg s8  }
0x12: {  	s21 =	sshrl.u32 s20, $0x3;
	s20 =	sadd.s32 s19, s7;
	s7 =	sadd.s32 $0x88800, s0  }
0x13: {  	s25 =	simm.s32 $0x100;
	[dreg:$0x4] =	wrdreg s9;
	s9 =	simm.s32 $0x5  }
0x14: {  	s0 =	simm.s32 $0x0;
	s21 =	sadd.s32 s21, s4;
	s9 =	simm.s32 @!p0 $0x8  }
.LBB2_1:
0x15: {  	s3 =	rddreg [dreg:$0x3]  }
0x16: {  	[tilespmem:s23], [sflag:$0x2] =	stream.linear.gather [hbm4b:s3+s2], $0x2800, $0x38;
	[tilespmem:$0x19200] =	vst v63  }
0x17: {  	_ =	swait.ge [sflag:s24], $0x2800  }
0x18: {  	[sflag:s24] =	ssyncset.done $0x0  }
0x19: {  	[sflag:s24] =	ssyncadd.s32 $0xFFFFD800  }
0x1a: {  	[spmem:s10] =	stream.linear.scatter [tilespmem:s23], [sflag:$0x2], $0x2800, $0x38;
	[tilespmem:$0x19200] =	vst v63  }
0x1b: {  	_ =	swait.ge [sflag:s24], $0x2800  }
0x1c: {  	[sflag:s24] =	ssyncset.done $0x0  }
0x1d: {  	[sflag:s24] =	ssyncadd.s32 $0xFFFFD800  }
0x1e: {  	[spmem:s12] =	stream.linear.scatter [tilespmem:s23], [sflag:$0x2], $0x2800, $0x38;
	[tilespmem:$0x19200] =	vst v63  }
0x1f: {  	_ =	swait.ge [sflag:s24], $0x2800  }
0x20: {  	[sflag:s24] =	ssyncset.done $0x0  }
0x21: {  	[sflag:s24] =	ssyncadd.s32 $0xFFFFD800  }
0x22: {  	[spmem:s13] =	stream.linear.scatter [tilespmem:s23], [sflag:$0x2], $0x2800, $0x38;
	[tilespmem:$0x19200] =	vst v63  }
0x23: {  	_ =	swait.ge [sflag:s24], $0x2800  }
0x24: {  	[sflag:s24] =	ssyncset.done $0x0  }
0x25: {  	[sflag:s24] =	ssyncadd.s32 $0xFFFFD800  }
0x26: {  	[spmem:s14] =	stream.linear.scatter [tilespmem:s23], [sflag:$0x2], $0x2800, $0x38;
	[tilespmem:$0x19200] =	vst v63  }
0x27: {  	_ =	swait.ge [sflag:s24], $0x2800  }
0x28: {  	[sflag:s24] =	ssyncset.done $0x0  }
0x29: {  	[sflag:s24] =	ssyncadd.s32 $0xFFFFD800  }
0x2a: {  	[spmem:s15] =	stream.linear.scatter [tilespmem:s23], [sflag:$0x2], $0x2800, $0x38;
	[tilespmem:$0x19200] =	vst v63  }
0x2b: {  	_ =	swait.ge [sflag:s24], $0x2800  }
0x2c: {  	[sflag:s24] =	ssyncset.done $0x0  }
0x2d: {  	[sflag:s24] =	ssyncadd.s32 $0xFFFFD800  }
0x2e: {  	[spmem:s16] =	stream.linear.scatter [tilespmem:s23], [sflag:$0x2], $0x2800, $0x38;
	[tilespmem:$0x19200] =	vst v63  }
0x2f: {  	_ =	swait.ge [sflag:s24], $0x2800  }
0x30: {  	[sflag:s24] =	ssyncset.done $0x0  }
0x31: {  	[sflag:s24] =	ssyncadd.s32 $0xFFFFD800  }
0x32: {  	[spmem:s17] =	stream.linear.scatter [tilespmem:s23], [sflag:$0x2], $0x2800, $0x38;
	[tilespmem:$0x19200] =	vst v63  }
0x33: {  	_ =	swait.ge [sflag:s24], $0x2800  }
0x34: {  	[sflag:s24] =	ssyncset.done $0x0  }
0x35: {  	[sflag:s24] =	ssyncadd.s32 $0xFFFFD800  }
0x36: {  	[spmem:s18] =	stream.linear.scatter [tilespmem:s23], [sflag:$0x2], $0x2800, $0x38;
	[tilespmem:$0x19200] =	vst v63  }
0x37: {  	_ =	swait.ge [sflag:s24], $0x2800  }
0x38: {  	[sflag:s24] =	ssyncset.done $0x0  }
0x39: {  	[sflag:s24] =	ssyncadd.s32 $0xFFFFD800  }
0x3a: {  	[bflag:$0x0] =	sbarrier.arrive $0xFFFF  }
0x3b: {  	s8 =	rddreg [dreg:$0x4]  }
0x3c: {  	[tilespmem:s2], [sflag:$0x2] =	stream.linear.gather [hbm4b:s8+s2], $0x50, $0x38;
	[tilespmem:$0x19200] =	vst v63  }
0x3d: {  	_ =	swait.ge [sflag:s24], $0x50  }
0x3e: {  	[sflag:s24] =	ssyncset.done $0x0  }
0x3f: {  	s19 =	rddreg [dreg:$0x5];
	[sflag:s24] =	ssyncadd.s32 $0xFFFFFFB0  }
0x40: {  	[tilespmem:s25], [sflag:$0x2] =	stream.linear.gather [hbm4b:s19+s2], $0x50, $0x38;
	[tilespmem:$0x19200] =	vst v63  }
0x41: {  	_ =	swait.ge [sflag:s24], $0x50  }
0x42: {  	[sflag:s24] =	ssyncset.done $0x0  }
0x43: {  	[sflag:s24] =	ssyncadd.s32 $0xFFFFFFB0  }
0x44: {  	[tilespmem:s23], [sflag:$0x1] =	stream.indirect.gather [hbm4b:s5+s26], $0x80, s2, s26, $0xb8;
	[tilespmem:$0x19200] =	vst v63  }
0x45: {  	s22 =	sadd.s32 $0x0, s21  }
0x46: {  	[tilespmem:s28], [sflag:$0x2] =	stream.linear.gather [hbm4b:s22+s2], $0x50, $0x38;
	[tilespmem:$0x19200] =	vst v63  }
0x47: {  	_ =	swait.ge [sflag:s24], $0x50  }
0x48: {  	s8 =	sadd.s32 $0x0, s20;
	[sflag:s24] =	ssyncset.done $0x0  }
0x49: {  	s19 =	sadd.s32 $0xA, s8;
	[sflag:s24] =	ssyncadd.s32 $0xFFFFFFB0  }
0x4a: {  	[tilespmem:s29], [sflag:$0x2] =	stream.linear.gather [hbm4b:s19+s2], $0x50, $0x38;
	[tilespmem:$0x19200] =	vst v63  }
0x4b: {  	_ =	swait.ge [sflag:s24], $0x50  }
0x4c: {  	[sflag:s24] =	ssyncset.done $0x0  }
0x4d: {  	[sflag:s24] =	ssyncadd.s32 $0xFFFFFFB0  }
0x4e: {  	_ =	swait.ge [sflag:s30], $0x2800  }
0x4f: {  	[sflag:s30] =	ssyncset.done $0x0  }
0x50: {  	[sflag:s30] =	ssyncadd.s32 $0xFFFFD800  }
0x51: {  	[tilespmem:s31], [sflag:$0x1] =	stream.indirect.gather [hbm4b:s5+s26], $0x80, s28, s26, $0xb8;
	[tilespmem:$0x19200] =	vst v63  }
0x52: {  	_ = 	snop  }
0x53: {  	[spmem:s1] =	stream.indirect.scatter.add.f32 [tilespmem:s23], [sflag:$0x2], $0x80, s25, s26, $0xb8;
	[tilespmem:$0x19200] =	vst v63  }
0x54: {  	_ =	swait.ge [sflag:s24], $0x2800  }
0x55: {  	s22 =	sshrl.u32 s6, $0x3;
	[sflag:s24] =	ssyncset.done $0x0  }
0x56: {  	s19 =	sadd.s32 s4, s22;
	[sflag:s24] =	ssyncadd.s32 $0xFFFFD800  }
0x57: {  	[tilespmem:s2], [sflag:$0x2] =	stream.linear.gather [hbm4b:s19+s2], $0x50, $0x38;
	[tilespmem:$0x19200] =	vst v63  }
0x58: {  	_ =	swait.ge [sflag:s24], $0x50  }
0x59: {  	[sflag:s24] =	ssyncset.done $0x0  }
0x5a: {  	s3 =	sadd.s32 $0x14, s8;
	[sflag:s24] =	ssyncadd.s32 $0xFFFFFFB0  }
0x5b: {  	[tilespmem:s25], [sflag:$0x2] =	stream.linear.gather [hbm4b:s3+s2], $0x50, $0x38;
	[tilespmem:$0x19200] =	vst v63  }
0x5c: {  	_ =	swait.ge [sflag:s24], $0x50  }
0x5d: {  	[sflag:s24] =	ssyncset.done $0x0  }
0x5e: {  	[sflag:s24] =	ssyncadd.s32 $0xFFFFFFB0  }
0x5f: {  	_ =	swait.ge [sflag:s30], $0x2800  }
0x60: {  	[sflag:s30] =	ssyncset.done $0x0  }
0x61: {  	[sflag:s30] =	ssyncadd.s32 $0xFFFFD800  }
0x62: {  	[tilespmem:s23], [sflag:$0x1] =	stream.indirect.gather [hbm4b:s5+s26], $0x80, s2, s26, $0xb8;
	[tilespmem:$0x19200] =	vst v63  }
0x63: {  	_ = 	snop  }
0x64: {  	[spmem:s1] =	stream.indirect.scatter.add.f32 [tilespmem:s31], [sflag:$0x2], $0x80, s29, s26, $0xb8;
	[tilespmem:$0x19200] =	vst v63  }
0x65: {  	_ =	swait.ge [sflag:s24], $0x2800  }
0x66: {  	s19 =	smov.u32 s6;
	s3 =	simm.s32 $0x14;
	[sflag:s24] =	ssyncset.done $0x0  }
.LBB2_2:
0x67: {  	p0 =	sne.s32 s3, $0x4C4;
	[sflag:s24] =	ssyncadd.s32 $0xFFFFD800;
	s19 =	sadd.s32 $0xA0, s19  }
0x68: {  	s22 =	sadd.s32 s3, s21;
	s8 =	smov.u32 s3;
	s3 =	sadd.s32 $0x14, s3  }
0x69: {  	[tilespmem:s28], [sflag:$0x2] =	stream.linear.gather [hbm4b:s22+s2], $0x50, $0x38;
	[tilespmem:$0x19200] =	vst v63  }
0x6a: {  	_ =	swait.ge [sflag:s24], $0x50  }
0x6b: {  	s8 =	sadd.s32 s8, s20;
	[sflag:s24] =	ssyncset.done $0x0  }
0x6c: {  	s22 =	sadd.s32 $0xA, s8;
	[sflag:s24] =	ssyncadd.s32 $0xFFFFFFB0  }
0x6d: {  	[tilespmem:s29], [sflag:$0x2] =	stream.linear.gather [hbm4b:s22+s2], $0x50, $0x38;
	[tilespmem:$0x19200] =	vst v63  }
0x6e: {  	_ =	swait.ge [sflag:s24], $0x50  }
0x6f: {  	[sflag:s24] =	ssyncset.done $0x0  }
0x70: {  	[sflag:s24] =	ssyncadd.s32 $0xFFFFFFB0  }
0x71: {  	_ =	swait.ge [sflag:s30], $0x2800  }
0x72: {  	[sflag:s30] =	ssyncset.done $0x0  }
0x73: {  	[sflag:s30] =	ssyncadd.s32 $0xFFFFD800  }
0x74: {  	[tilespmem:s31], [sflag:$0x1] =	stream.indirect.gather [hbm4b:s5+s26], $0x80, s28, s26, $0xb8;
	[tilespmem:$0x19200] =	vst v63  }
0x75: {  	_ = 	snop  }
0x76: {  	[spmem:s1] =	stream.indirect.scatter.add.f32 [tilespmem:s23], [sflag:$0x2], $0x80, s25, s26, $0xb8;
	[tilespmem:$0x19200] =	vst v63  }
0x77: {  	_ =	swait.ge [sflag:s24], $0x2800  }
0x78: {  	s22 =	sshrl.u32 s19, $0x3;
	[sflag:s24] =	ssyncset.done $0x0  }
0x79: {  	s22 =	sadd.s32 s4, s22;
	[sflag:s24] =	ssyncadd.s32 $0xFFFFD800  }
0x7a: {  	[tilespmem:s2], [sflag:$0x2] =	stream.linear.gather [hbm4b:s22+s2], $0x50, $0x38;
	[tilespmem:$0x19200] =	vst v63  }
0x7b: {  	_ =	swait.ge [sflag:s24], $0x50  }
0x7c: {  	[sflag:s24] =	ssyncset.done $0x0  }
0x7d: {  	s8 =	sadd.s32 $0x14, s8;
	[sflag:s24] =	ssyncadd.s32 $0xFFFFFFB0  }
0x7e: {  	[tilespmem:s25], [sflag:$0x2] =	stream.linear.gather [hbm4b:s8+s2], $0x50, $0x38;
	[tilespmem:$0x19200] =	vst v63  }
0x7f: {  	_ =	swait.ge [sflag:s24], $0x50  }
0x80: {  	[sflag:s24] =	ssyncset.done $0x0  }
0x81: {  	[sflag:s24] =	ssyncadd.s32 $0xFFFFFFB0  }
0x82: {  	_ =	swait.ge [sflag:s30], $0x2800  }
0x83: {  	[sflag:s30] =	ssyncset.done $0x0  }
0x84: {  	[sflag:s30] =	ssyncadd.s32 $0xFFFFD800  }
0x85: {  	[tilespmem:s23], [sflag:$0x1] =	stream.indirect.gather [hbm4b:s5+s26], $0x80, s2, s26, $0xb8;
	[tilespmem:$0x19200] =	vst v63  }
.Ltmp0:
0x86: {  	_ = 	snop;
	(pc) =	sbr.rel @p0 .LBB2_2-.Ltmp0, $4  }
0x87: {  	_ = 	snop  }
0x88: {  	[spmem:s1] =	stream.indirect.scatter.add.f32 [tilespmem:s31], [sflag:$0x2], $0x80, s29, s26, $0xb8;
	[tilespmem:$0x19200] =	vst v63  }
0x89: {  	_ =	swait.ge [sflag:s24], $0x2800  }
0x8a: {  	[sflag:s24] =	ssyncset.done $0x0  }
0x8b: {  	[sflag:s24] =	ssyncadd.s32 $0xFFFFD800  }
0x8c: {  	_ =	swait.ge [sflag:s30], $0x2800  }
0x8d: {  	[sflag:s30] =	ssyncset.done $0x0  }
0x8e: {  	[sflag:s30] =	ssyncadd.s32 $0xFFFFD800  }
0x8f: {  	[spmem:s1] =	stream.indirect.scatter.add.f32 [tilespmem:s23], [sflag:$0x2], $0x80, s25, s26, $0xb8;
	[tilespmem:$0x19200] =	vst v63  }
0x90: {  	_ =	swait.ge [sflag:s24], $0x2800  }
0x91: {  	[sflag:s24] =	ssyncset.done $0x0  }
0x92: {  	[sflag:s24] =	ssyncadd.s32 $0xFFFFD800  }
0x93: {  	[bflag:$0x0] =	sbarrier.arrive $0xFFFF  }
0x94: {  	[tilespmem:s23], [sflag:$0x2] =	stream.linear.gather [spmem:s10], $0x2800, $0x38;
	[tilespmem:$0x19200] =	vst v63  }
0x95: {  	p0 =	sne.s32 s9, $0x1;
	_ =	swait.ge [sflag:s24], $0x2800  }
.Ltmp1:
0x96: {  	[sflag:s24] =	ssyncset.done $0x0;
	(pc) =	sbr.rel @!p0 .LBB2_5-.Ltmp1, $4  }
0x97: {  	[sflag:s24] =	ssyncadd.s32 $0xFFFFD800  }
0x98: {  	[hbm4b:s7+s2] =	stream.linear.scatter [tilespmem:s23], [sflag:$0x2], $0x2800, $0x38;
	[tilespmem:$0x19200] =	vst v63  }
0x99: {  	s3 =	sadd.s32 $0xFFFFFFFF, s9;
	_ =	swait.ge [sflag:s24], $0x2800  }
0x9a: {  	s19 =	smov.u32 s10;
	s22 =	smov.u32 s7;
	[sflag:s24] =	ssyncset.done $0x0  }
.LBB2_4:
0x9b: {  	[sflag:s24] =	ssyncadd.s32 $0xFFFFD800;
	s19 =	sadd.s32 $0x2800, s19;
	s22 =	sadd.s32 $0x500, s22  }
0x9c: {  	[tilespmem:s23], [sflag:$0x2] =	stream.linear.gather [spmem:s19], $0x2800, $0x38;
	[tilespmem:$0x19200] =	vst v63  }
0x9d: {  	p0 =	sne.s32 s3, $0x1;
	s3 =	sadd.s32 $0xFFFFFFFF, s3;
	_ =	swait.ge [sflag:s24], $0x2800  }
.Ltmp2:
0x9e: {  	[sflag:s24] =	ssyncset.done $0x0;
	(pc) =	sbr.rel @p0 .LBB2_4-.Ltmp2, $4  }
0x9f: {  	[sflag:s24] =	ssyncadd.s32 $0xFFFFD800  }
0xa0: {  	[hbm4b:s22+s2] =	stream.linear.scatter [tilespmem:s23], [sflag:$0x2], $0x2800, $0x38;
	[tilespmem:$0x19200] =	vst v63  }
0xa1: {  	_ =	swait.ge [sflag:s24], $0x2800  }
0xa2: {  	[sflag:s24] =	ssyncset.done $0x0  }
.LBB2_5:
0xa3: {  	s0 =	sadd.s32 $0x1, s0  }
0xa4: {  	p0 =	sne.s32 s0, s11  }
.Ltmp3:
0xa5: {  	_ = 	snop;
	(pc) =	sbr.rel @p0 .LBB2_1-.Ltmp3, $2  }
0xa6: {  	_ =	sdelay $0x2  }
0xa7: {  	[sflag:s24] =	ssyncadd.s32 $0xFFFFD800  }
0xa8: {  	_ =	sfence.sel $0x180000  }
0xa9: {  	[bflag:$0x0] =	sbarrier.arrive $0xFFFF  }
0xaa: {  	_ =	strace $0x9000004D  }
0xab: {  	s0 =	stileid.u32;
	[bflag:$0x2] =	sbarrier.arrive $0xFFFF  }
0xac: {  	p0 =	sne.s32 s0, $0x0;
	s0 =	rddreg [dreg:$0x2]  }
0xad: {  	s0 =	sadd.s32 @!p0 $0x100000, s0  }
0xae: {  	[sflag:s0] =	ssyncadd.tile.s32 @!p0 $0x1;
	_ =	shalt  }
.Lfunc_end2:
_tile_overlayer_lowered:
.L_overlay_start_2:
0xaf: {  	(tag) =	ssettag $0x2  }
0xb0: {  	s0 =	rddreg [dreg:$0x0];
	s2 =	stileid.u32  }
0xb1: {  	s1 =	rddreg [dreg:$0x1];
	p0 =	sne.s32 s2, $0x0  }
0xb2: {  	s3 =	rddreg [dreg:$0x2];
	[bflag:$0x3] =	sbarrier.arrive $0xFFFF;
	s2 =	simm.s32 @!p0 $0x1C02  }
0xb3: {  	[timem:s3], [sflag:s2] =	dma.local @!p0 [hbm:s0], s1  }
0xb4: {  	s0 =	simm.s32 @!p0 $0x2  }
0xb5: {  	_ =	swait.ge @!p0 [sflag:s0], s1  }
0xb6: {  	s1 =	ssub.s32 @!p0 $0x0, s1;
	[sflag:s0] =	ssyncset.done @!p0 $0x0  }
0xb7: {  	[sflag:s0] =	ssyncadd.s32 @!p0 s1  }
0xb8: {  	[bflag:$0x3] =	sbarrier.arrive $0xFFFF  }
0xb9: {  	_ =	shalt  }

// kernel: kernel.21.cloned.1.call-start
scs
__scs_entry_jumppad:
0x0: {  	(pc) =	sbr.rel $0x88, $3  }
0x1: {  	(tag) =	ssettag $0x0;
	lr =	simm.s32 $0x1  }
0x2: {  	[smem:$0x3F96] =	sst lr;
	_ =	strace $0xD0000000  }
0x3: {  	_ = 	snop  }
0x4: {  	_ = 	snop  }
0x5: {  	_ = 	snop  }
0x6: {  	_ = 	snop  }
0x7: {  	_ = 	snop  }
__scs_overlays_trampoline_lowered:
0x8: {  	[smem:$0x3FA5] =	sst s0  }
0x9: {  	[smem:$0x3FA6] =	sst s1  }
0xa: {  	[smem:$0x3FA7] =	sst s2  }
0xb: {  	[smem:$0x3FA8] =	sst s3  }
0xc: {  	[smem:$0x3FA9] =	sst s4  }
0xd: {  	[smem:$0x3FAA] =	sst s5  }
0xe: {  	[smem:$0x3FAB] =	sst s6  }
0xf: {  	[smem:$0x3FAC] =	sst s7  }
0x10: {  	[smem:$0x3FAD] =	sst s8  }
0x11: {  	[smem:$0x3FAE] =	sst s9;
	s0 =	simm.s32 @!p0 $0x0  }
0x12: {  	s1 =	sld [smem:$0x3F94];
	s0 =	simm.s32 @p0 $0x1  }
0x13: {  	[smem:$0x3FAF] =	sst s0;
	s0 =	simm.s32 @!p1 $0x0  }
0x14: {  	s2 =	sld [smem:$0x3F93];
	s0 =	simm.s32 @p1 $0x1  }
0x15: {  	[smem:$0x3FB0] =	sst s0;
	s0 =	simm.s32 @!p2 $0x0  }
0x16: {  	s3 =	sld [smem:$0x3FDB];
	s0 =	simm.s32 @p2 $0x1  }
0x17: {  	s4 =	simm.s32 $0x1BF5;
	[smem:$0x3FB2] =	sst s0  }
0x18: {  	s0 =	sld [smem:$0x3F95];
	_ =	swait.ge [sflag:s4], $0x0  }
0x19: {  	s7 =	sld [smem:$0x3F96]  }
0x1a: {  	s8 =	sadd.s32 $0xFFFFE003, lr  }
0x1b: {  	s9 =	sadd.s32 $0xFFFFFEF7, lr;
	s5 =	simm.s32 $0xFFFFFFFF;
	p2 =	slt.u32 s8, $0xFFFFF086  }
0x1c: {  	p1 =	slt.u32 s9, $0xF7A;
	s5 =	simm.s32 @!p2 $0x0  }
0x1d: {  	s5 =	simm.s32 @p1 $0x1;
	p0 =	seq.s32 s7, s2  }
0x1e: {  	s7 =	smul.u32 @!p0 $0xF7A, s2;
	p2 =	seq.s32 @!p0 s5, $0x0  }
0x1f: {  	s9 =	smul.u32 $0xF7A, s1;
	s8 =	simm.s32 @!p0 $0x1BF5;
	p2 =	por !p2, p0  }
0x20: {  	[sflag:s8] =	ssyncset.s32 @!p0 $0xFFFFF086;
	s6 =	sadd.s32 @!p0 s3, s7;
	s7 =	simm.s32 @!p0 $0x108  }
0x21: {  	s3 =	sadd.s32 s3, s9;
	s6 =	sadd.s32 @!p0 $0x88, s6;
	s7 =	simm.s32 @p2 $0x1082  }
0x22: {  	[simem:s7], [sflag:s8] =	dma.local @!p0 [hbm:s6], $0xF7A  }
0x23: {  	s9 =	sor.u32 $0xD0000000, s2;
	s6 =	simm.s32 $0x108;
	_ =	swait.ge @!p0 [sflag:s8], $0x0  }
0x24: {  	s3 =	sadd.s32 $0x88, s3;
	s6 =	simm.s32 @!p1 $0x1082;
	[sflag:s4] =	ssyncset.s32 $0xFFFFF086  }
0x25: {  	[simem:s6], [sflag:s4] =	dma.local [hbm:s3], $0xF7A  }
0x26: {  	[smem:$0x3F96] =	sst s1;
	(tag) =	ssettag s2;
	_ =	strace s9  }
0x27: {  	s1 =	sld [smem:$0x3FA6]  }
0x28: {  	s2 =	sld [smem:$0x3FA7]  }
0x29: {  	s4 =	sld [smem:$0x3FA9]  }
0x2a: {  	p0 =	seq.s32 s5, $0x0;
	s5 =	sld [smem:$0x3FAA]  }
0x2b: {  	s6 =	sld [smem:$0x3FAB]  }
0x2c: {  	s7 =	sld [smem:$0x3FAC]  }
0x2d: {  	s3 =	simm.s32 $0x108;
	s8 =	sld [smem:$0x3FAD]  }
0x2e: {  	s3 =	simm.s32 @!p0 $0x1082;
	s9 =	sld [smem:$0x3FAE]  }
0x2f: {  	lr =	sadd.s32 s0, s3;
	s0 =	sld [smem:$0x3FA5]  }
0x30: {  	s3 =	sld [smem:$0x3FA8]  }
0x31: {  	[smem:$0x3FB1] =	sst s10  }
0x32: {  	s10 =	sld [smem:$0x3FAF];
	_ =	sdelay $0x3  }
0x33: {  	p0 =	seq.s32 s10, $0x1;
	s10 =	sld [smem:$0x3FB1];
	_ =	sdelay $0x3  }
0x34: {  	[smem:$0x3FB1] =	sst s10  }
0x35: {  	s10 =	sld [smem:$0x3FB0];
	_ =	sdelay $0x3  }
0x36: {  	p1 =	seq.s32 s10, $0x1;
	s10 =	sld [smem:$0x3FB1];
	_ =	sdelay $0x3  }
0x37: {  	[smem:$0x3FB1] =	sst s10  }
0x38: {  	s10 =	sld [smem:$0x3FB2]  }
0x39: {  	_ = 	snop;
	(pc) =	sbr.ind lr, $3  }
0x3a: {  	_ = 	snop  }
0x3b: {  	_ = 	snop  }
0x3c: {  	p2 =	seq.s32 s10, $0x1;
	s10 =	sld [smem:$0x3FB1]  }
0x3d: {  	_ =	shalt  }
0x3e: {  	_ =	shalt  }
0x3f: {  	_ =	shalt  }
0x40: {  	_ =	shalt  }
0x41: {  	_ =	shalt  }
0x42: {  	_ =	shalt  }
0x43: {  	_ =	shalt  }
0x44: {  	_ =	shalt  }
0x45: {  	_ =	shalt  }
0x46: {  	_ =	shalt  }
0x47: {  	_ =	shalt  }
0x48: {  	_ =	shalt  }
0x49: {  	_ =	shalt  }
0x4a: {  	_ =	shalt  }
0x4b: {  	_ =	shalt  }
0x4c: {  	_ =	shalt  }
0x4d: {  	_ =	shalt  }
0x4e: {  	_ =	shalt  }
0x4f: {  	_ =	shalt  }
0x50: {  	_ =	shalt  }
0x51: {  	_ =	shalt  }
0x52: {  	_ =	shalt  }
0x53: {  	_ =	shalt  }
0x54: {  	_ =	shalt  }
0x55: {  	_ =	shalt  }
0x56: {  	_ =	shalt  }
0x57: {  	_ =	shalt  }
0x58: {  	_ =	shalt  }
0x59: {  	_ =	shalt  }
0x5a: {  	_ =	shalt  }
0x5b: {  	_ =	shalt  }
0x5c: {  	_ =	shalt  }
0x5d: {  	_ =	shalt  }
0x5e: {  	_ =	shalt  }
0x5f: {  	_ =	shalt  }
0x60: {  	_ =	shalt  }
0x61: {  	_ =	shalt  }
0x62: {  	_ =	shalt  }
0x63: {  	_ =	shalt  }
0x64: {  	_ =	shalt  }
0x65: {  	_ =	shalt  }
0x66: {  	_ =	shalt  }
0x67: {  	_ =	shalt  }
0x68: {  	_ =	shalt  }
0x69: {  	_ =	shalt  }
0x6a: {  	_ =	shalt  }
0x6b: {  	_ =	shalt  }
0x6c: {  	_ =	shalt  }
0x6d: {  	_ =	shalt  }
0x6e: {  	_ =	shalt  }
0x6f: {  	_ =	shalt  }
0x70: {  	_ =	shalt  }
0x71: {  	_ =	shalt  }
0x72: {  	_ =	shalt  }
0x73: {  	_ =	shalt  }
0x74: {  	_ =	shalt  }
0x75: {  	_ =	shalt  }
0x76: {  	_ =	shalt  }
0x77: {  	_ =	shalt  }
0x78: {  	_ =	shalt  }
0x79: {  	_ =	shalt  }
0x7a: {  	_ =	shalt  }
0x7b: {  	_ =	shalt  }
0x7c: {  	_ =	shalt  }
0x7d: {  	_ =	shalt  }
0x7e: {  	_ =	shalt  }
0x7f: {  	_ =	shalt  }
0x80: {  	_ =	shalt  }
0x81: {  	_ =	shalt  }
0x82: {  	_ =	shalt  }
0x83: {  	_ =	shalt  }
0x84: {  	_ =	shalt  }
0x85: {  	_ =	shalt  }
0x86: {  	_ =	shalt  }
0x87: {  	_ =	shalt  }
.Lfunc_end0:
.L_simem_size_0:
called_computation.3_lowered:
.L_overlay_start_0:
0x88: {  	s2 =	sld [smem:$0x3FD9]  }
0x89: {  	s3 =	sld [smem:$0x3FFE];
	_ =	sdelay $0x1  }
0x8a: {  	s1 =	srdreg.scid  }
0x8b: {  	s0 =	sand.u32 $0x1, s1  }
0x8c: {  	s17 =	sshll.u32 s0, $0xA;
	s2 =	sadd.s32 s3, s2  }
0x8d: {  	s2 =	sadd.s32 s2, s17  }
0x8e: {  	[smem:$0x3FBD] =	sst s2  }
0x8f: {  	_ = 	snop  }
0x90: {  	s2 =	sld [smem:$0x3FD0];
	(tm) =	ssettm $0x1  }
0x91: {  	s18 =	sld [smem:$0x3FFB];
	_ =	sdelay $0x3  }
0x92: {  	_ =	strace s18  }
0x93: {  	s3 =	sld [smem:$0x3FFC];
	_ =	sdelay $0x3  }
0x94: {  	_ =	strace s3  }
0x95: {  	s3 =	sld [smem:$0x3FFD];
	_ =	sdelay $0x3  }
0x96: {  	_ =	strace s3  }
0x97: {  	_ =	strace $0x8FFFFFFF  }
0x98: {  	s19 =	sld [smem:$0x3FDB];
	_ =	sdelay $0x1  }
0x99: {  	s4 =	simm.s32 $_scs_section_size  }
0x9a: {  	s5 =	simm.s32 $_size__tile_overlayer_lowered;
	s6 =	simm.s32 $_tile_overlayer_lowered  }
0x9b: {  	s22 =	simm.s32 $0x1BFF;
	s21 =	sshll.u32 s6, $0x1;
	s3 =	sadd.s32 s4, s19  }
0x9c: {  	s7 =	simm.s32 $0x0;
	s20 =	sshll.u32 s5, $0x1;
	s5 =	sadd.s32 s21, s3  }
0x9d: {  	[timem:s7], [sflag:s22] =	dma.local [hbm:s5], s20  }
0x9e: {  	_ =	swait.ge [sflag:s22], s20  }
0x9f: {  	s4 =	ssub.s32 $0x0, s20;
	[sflag:s22] =	ssyncset.done $0x0  }
0xa0: {  	[sflag:s22] =	ssyncadd.s32 s4;
	_ =	sdelay $0x1  }
0xa1: {  	s23 =	simm.s32 $0x1B8B  }
0xa2: {  	_ =	swait.ge [sflag:s23], $0x1  }
0xa3: {  	[sflag:s23] =	ssyncset.done $0x0  }
0xa4: {  	s25 =	simm.s32 $0x1B8E;
	s24 =	sld [smem:$0x3FFE];
	[sflag:s23] =	ssyncadd.s32 $0xFFFFFFFF  }
0xa5: {  	s26 =	simm.s32 $execute0_lowered;
	[smem:$0x3FD2] =	sst s25  }
0xa6: {  	s5 =	sshll.u32 s26, $0x1;
	_ =	strace $0x8000004F;
	[dreg:$0x1] =	wrdreg $0xFFFFFFFF  }
0xa7: {  	s28 =	simm.s32 $_size_execute0_lowered;
	s3 =	sadd.s32 s3, s5;
	[dreg:$0x0] =	wrdreg $0x0  }
0xa8: {  	s5 =	sshll.u32 s28, $0x1;
	[dreg:$0x2] =	wrdreg s3  }
0xa9: {  	[dreg:$0x3] =	wrdreg s5  }
0xaa: {  	[dreg:$0x4] =	wrdreg $0xC0  }
0xab: {  	_ =	task [dreg:s7], $0x5FFFF  }
0xac: {  	[dreg:$0x1] =	wrdreg $0xFFFFFFFF  }
0xad: {  	[dreg:$0x0] =	wrdreg $0x60  }
0xae: {  	[dreg:$0x2] =	wrdreg s24  }
0xaf: {  	[dreg:$0x3] =	wrdreg s2  }
0xb0: {  	[dreg:$0x4] =	wrdreg $0x52000  }
0xb1: {  	[dreg:$0x5] =	wrdreg $0x9  }
0xb2: {  	_ =	task.clear_ibuf [dreg:s7], $0x6FFFF;
	_ =	strace $0x9000004F  }
0xb3: {  	s29 =	simm.s32 $0x9;
	_ =	strace $0x80000051  }
0xb4: {  	_ =	swait.ge [sflag:s29], $0x1  }
0xb5: {  	[sflag:s29] =	ssyncadd.s32 $0xFFFFFFFF  }
0xb6: {  	_ =	strace $0x90000051  }
0xb7: {  	_ =	sfence  }
0xb8: {  	s30 =	sld [smem:$0x0];
	_ =	sdelay $0x2  }
0xb9: {  	s31 =	sshll.u32 s1, $0xD;
	s1 =	sshrl.u32 s1, $0x2  }
0xba: {  	s3 =	sand.u32 $0x4000, s31;
	s1 =	sadd.s32 s1, s30  }
0xbb: {  	s0 =	sor.u32 s3, s0;
	s1 =	sshll.u32 s1, $0x11  }
0xbc: {  	s0 =	sor.u32 s1, s0  }
0xbd: {  	s0 =	sadd.s32 $0x8F2B, s0  }
0xbe: {  	[sflag:s0] =	ssyncadd.remote.s32 $0x1  }
0xbf: {  	_ =	sfence.sel $0xFFFF  }
0xc0: {  	[dreg:$0x0] =	wrdreg $0xFFFFFFFF;
	(pc) =	sbr.abs _section_cstart, $3  }
0xc1: {  	[dreg:$0x1] =	wrdreg $0xFFFFFFFF  }
0xc2: {  	_ =	task.clear_ibuf [dreg:s7], $0x2FFFF;
	_ =	strace $0x9FFFFFFF  }
0xc3: {  	(tm) =	ssettm $0x7FFFFFFF  }
tec
execute0_lowered:
.L_overlay_start_1:
0x0: {  	(tag) =	ssettag $0x1  }
0x1: {  	s0 =	rddreg [dreg:$0x0]  }
0x2: {  	s1 =	rddreg [dreg:$0x1]  }
0x3: {  	s2 =	rddreg [dreg:$0x2];
	s3 =	simm.s32 $0x0  }
0x4: {  	s4 =	srdreg.scid;
	s19 =	stileid.u32;
	s23 =	simm.s32 $0x200  }
0x5: {  	s28 =	simm.s32 $0x80;
	s29 =	simm.s32 $0x180;
	s8 =	smul.u32 $0x2710, s19  }
0x6: {  	s30 =	simm.s32 $0x1;
	s31 =	simm.s32 $0x2A00;
	s10 =	smul.u32 $0x50000, s19  }
0x7: {  	[smem:$0x7FF] =	sst s3;
	s4 =	sand.u32 $0x1, s4;
	s26 =	smul.u32 $0x2800, s19  }
0x8: {  	s5 =	sadd.s32 $0x8A00, s0;
	p0 =	seq.s32 s19, $0xF;
	s19 =	smul.u32 $0x4E2, s19  }
0x9: {  	s7 =	sadd.s32 $0x3A00, s0;
	s9 =	sadd.s32 $0x12800, s0;
	s6 =	smul.u32 $0x27100, s4  }
0xa: {  	_ =	strace $0x80000050;
	[dreg:$0x4] =	wrdreg s9;
	s4 =	ssub.s32 $0x2, s4  }
0xb: {  	s24 =	sshrl.u32 s4, $0x1;
	s10 =	sshrl.u32 s10, $0x2;
	s0 =	sadd.s32 s6, s0  }
0xc: {  	s6 =	sadd.s32 s8, s6;
	s4 =	ssub.s32 s4, s24;
	s8 =	sshrl.u32 s8, $0x3  }
0xd: {  	s10 =	sadd.s32 s10, s2;
	s24 =	simm.s32 $0x2;
	s25 =	sshrl.u32 s6, $0x3  }
0xe: {  	s8 =	sadd.s32 s7, s8;
	s11 =	smax.u32 s4, $0x1;
	s12 =	sadd.s32 $0x2800, s10  }
0xf: {  	s13 =	sadd.s32 $0x5000, s10;
	s14 =	sadd.s32 $0x7800, s10;
	s15 =	sadd.s32 $0xA000, s10  }
0x10: {  	s16 =	sadd.s32 $0xC800, s10;
	s17 =	sadd.s32 $0xF000, s10;
	s18 =	sadd.s32 $0x11800, s10  }
0x11: {  	s20 =	sadd.s32 $0x50, s6;
	s6 =	sadd.s32 $0xA0, s6;
	s0 =	sadd.s32 s26, s0  }
0x12: {  	s26 =	simm.s32 $0x50;
	s9 =	sadd.s32 s5, s25;
	[dreg:$0x6] =	wrdreg s8  }
0x13: {  	s21 =	sshrl.u32 s20, $0x3;
	s20 =	sadd.s32 s19, s7;
	s7 =	sadd.s32 $0x3A600, s0  }
0x14: {  	s25 =	simm.s32 $0x100;
	[dreg:$0x5] =	wrdreg s9;
	s9 =	simm.s32 $0x5  }
0x15: {  	s0 =	simm.s32 $0x0;
	s21 =	sadd.s32 s21, s5;
	s9 =	simm.s32 @!p0 $0x8  }
.LBB2_1:
0x16: {  	s4 =	rddreg [dreg:$0x4]  }
0x17: {  	[tilespmem:s23], [sflag:$0x2] =	stream.linear.gather [hbm4b:s4+s3], $0x2800, $0x38;
	[tilespmem:$0x19200] =	vst v63  }
0x18: {  	_ =	swait.ge [sflag:s24], $0x2800  }
0x19: {  	[sflag:s24] =	ssyncset.done $0x0  }
0x1a: {  	[sflag:s24] =	ssyncadd.s32 $0xFFFFD800  }
0x1b: {  	[spmem:s10] =	stream.linear.scatter [tilespmem:s23], [sflag:$0x2], $0x2800, $0x38;
	[tilespmem:$0x19200] =	vst v63  }
0x1c: {  	_ =	swait.ge [sflag:s24], $0x2800  }
0x1d: {  	[sflag:s24] =	ssyncset.done $0x0  }
0x1e: {  	[sflag:s24] =	ssyncadd.s32 $0xFFFFD800  }
0x1f: {  	[spmem:s12] =	stream.linear.scatter [tilespmem:s23], [sflag:$0x2], $0x2800, $0x38;
	[tilespmem:$0x19200] =	vst v63  }
0x20: {  	_ =	swait.ge [sflag:s24], $0x2800  }
0x21: {  	[sflag:s24] =	ssyncset.done $0x0  }
0x22: {  	[sflag:s24] =	ssyncadd.s32 $0xFFFFD800  }
0x23: {  	[spmem:s13] =	stream.linear.scatter [tilespmem:s23], [sflag:$0x2], $0x2800, $0x38;
	[tilespmem:$0x19200] =	vst v63  }
0x24: {  	_ =	swait.ge [sflag:s24], $0x2800  }
0x25: {  	[sflag:s24] =	ssyncset.done $0x0  }
0x26: {  	[sflag:s24] =	ssyncadd.s32 $0xFFFFD800  }
0x27: {  	[spmem:s14] =	stream.linear.scatter [tilespmem:s23], [sflag:$0x2], $0x2800, $0x38;
	[tilespmem:$0x19200] =	vst v63  }
0x28: {  	_ =	swait.ge [sflag:s24], $0x2800  }
0x29: {  	[sflag:s24] =	ssyncset.done $0x0  }
0x2a: {  	[sflag:s24] =	ssyncadd.s32 $0xFFFFD800  }
0x2b: {  	[spmem:s15] =	stream.linear.scatter [tilespmem:s23], [sflag:$0x2], $0x2800, $0x38;
	[tilespmem:$0x19200] =	vst v63  }
0x2c: {  	_ =	swait.ge [sflag:s24], $0x2800  }
0x2d: {  	[sflag:s24] =	ssyncset.done $0x0  }
0x2e: {  	[sflag:s24] =	ssyncadd.s32 $0xFFFFD800  }
0x2f: {  	[spmem:s16] =	stream.linear.scatter [tilespmem:s23], [sflag:$0x2], $0x2800, $0x38;
	[tilespmem:$0x19200] =	vst v63  }
0x30: {  	_ =	swait.ge [sflag:s24], $0x2800  }
0x31: {  	[sflag:s24] =	ssyncset.done $0x0  }
0x32: {  	[sflag:s24] =	ssyncadd.s32 $0xFFFFD800  }
0x33: {  	[spmem:s17] =	stream.linear.scatter [tilespmem:s23], [sflag:$0x2], $0x2800, $0x38;
	[tilespmem:$0x19200] =	vst v63  }
0x34: {  	_ =	swait.ge [sflag:s24], $0x2800  }
0x35: {  	[sflag:s24] =	ssyncset.done $0x0  }
0x36: {  	[sflag:s24] =	ssyncadd.s32 $0xFFFFD800  }
0x37: {  	[spmem:s18] =	stream.linear.scatter [tilespmem:s23], [sflag:$0x2], $0x2800, $0x38;
	[tilespmem:$0x19200] =	vst v63  }
0x38: {  	_ =	swait.ge [sflag:s24], $0x2800  }
0x39: {  	[sflag:s24] =	ssyncset.done $0x0  }
0x3a: {  	[sflag:s24] =	ssyncadd.s32 $0xFFFFD800  }
0x3b: {  	[bflag:$0x0] =	sbarrier.arrive $0xFFFF  }
0x3c: {  	s8 =	rddreg [dreg:$0x5]  }
0x3d: {  	[tilespmem:s3], [sflag:$0x2] =	stream.linear.gather [hbm4b:s8+s3], $0x50, $0x38;
	[tilespmem:$0x19200] =	vst v63  }
0x3e: {  	_ =	swait.ge [sflag:s24], $0x50  }
0x3f: {  	[sflag:s24] =	ssyncset.done $0x0  }
0x40: {  	s19 =	rddreg [dreg:$0x6];
	[sflag:s24] =	ssyncadd.s32 $0xFFFFFFB0  }
0x41: {  	[tilespmem:s25], [sflag:$0x2] =	stream.linear.gather [hbm4b:s19+s3], $0x50, $0x38;
	[tilespmem:$0x19200] =	vst v63  }
0x42: {  	_ =	swait.ge [sflag:s24], $0x50  }
0x43: {  	[sflag:s24] =	ssyncset.done $0x0  }
0x44: {  	[sflag:s24] =	ssyncadd.s32 $0xFFFFFFB0  }
0x45: {  	[tilespmem:s23], [sflag:$0x1] =	stream.indirect.gather [hbm4b:s1+s26], $0x80, s3, s26, $0xb8;
	[tilespmem:$0x19200] =	vst v63  }
0x46: {  	s22 =	sadd.s32 $0x0, s21  }
0x47: {  	[tilespmem:s28], [sflag:$0x2] =	stream.linear.gather [hbm4b:s22+s3], $0x50, $0x38;
	[tilespmem:$0x19200] =	vst v63  }
0x48: {  	_ =	swait.ge [sflag:s24], $0x50  }
0x49: {  	s8 =	sadd.s32 $0x0, s20;
	[sflag:s24] =	ssyncset.done $0x0  }
0x4a: {  	s19 =	sadd.s32 $0xA, s8;
	[sflag:s24] =	ssyncadd.s32 $0xFFFFFFB0  }
0x4b: {  	[tilespmem:s29], [sflag:$0x2] =	stream.linear.gather [hbm4b:s19+s3], $0x50, $0x38;
	[tilespmem:$0x19200] =	vst v63  }
0x4c: {  	_ =	swait.ge [sflag:s24], $0x50  }
0x4d: {  	[sflag:s24] =	ssyncset.done $0x0  }
0x4e: {  	[sflag:s24] =	ssyncadd.s32 $0xFFFFFFB0  }
0x4f: {  	_ =	swait.ge [sflag:s30], $0x2800  }
0x50: {  	[sflag:s30] =	ssyncset.done $0x0  }
0x51: {  	[sflag:s30] =	ssyncadd.s32 $0xFFFFD800  }
0x52: {  	[tilespmem:s31], [sflag:$0x1] =	stream.indirect.gather [hbm4b:s1+s26], $0x80, s28, s26, $0xb8;
	[tilespmem:$0x19200] =	vst v63  }
0x53: {  	_ = 	snop  }
0x54: {  	[spmem:s2] =	stream.indirect.scatter.add.f32 [tilespmem:s23], [sflag:$0x2], $0x80, s25, s26, $0xb8;
	[tilespmem:$0x19200] =	vst v63  }
0x55: {  	_ =	swait.ge [sflag:s24], $0x2800  }
0x56: {  	s22 =	sshrl.u32 s6, $0x3;
	[sflag:s24] =	ssyncset.done $0x0  }
0x57: {  	s19 =	sadd.s32 s5, s22;
	[sflag:s24] =	ssyncadd.s32 $0xFFFFD800  }
0x58: {  	[tilespmem:s3], [sflag:$0x2] =	stream.linear.gather [hbm4b:s19+s3], $0x50, $0x38;
	[tilespmem:$0x19200] =	vst v63  }
0x59: {  	_ =	swait.ge [sflag:s24], $0x50  }
0x5a: {  	[sflag:s24] =	ssyncset.done $0x0  }
0x5b: {  	s4 =	sadd.s32 $0x14, s8;
	[sflag:s24] =	ssyncadd.s32 $0xFFFFFFB0  }
0x5c: {  	[tilespmem:s25], [sflag:$0x2] =	stream.linear.gather [hbm4b:s4+s3], $0x50, $0x38;
	[tilespmem:$0x19200] =	vst v63  }
0x5d: {  	_ =	swait.ge [sflag:s24], $0x50  }
0x5e: {  	[sflag:s24] =	ssyncset.done $0x0  }
0x5f: {  	[sflag:s24] =	ssyncadd.s32 $0xFFFFFFB0  }
0x60: {  	_ =	swait.ge [sflag:s30], $0x2800  }
0x61: {  	[sflag:s30] =	ssyncset.done $0x0  }
0x62: {  	[sflag:s30] =	ssyncadd.s32 $0xFFFFD800  }
0x63: {  	[tilespmem:s23], [sflag:$0x1] =	stream.indirect.gather [hbm4b:s1+s26], $0x80, s3, s26, $0xb8;
	[tilespmem:$0x19200] =	vst v63  }
0x64: {  	_ = 	snop  }
0x65: {  	[spmem:s2] =	stream.indirect.scatter.add.f32 [tilespmem:s31], [sflag:$0x2], $0x80, s29, s26, $0xb8;
	[tilespmem:$0x19200] =	vst v63  }
0x66: {  	_ =	swait.ge [sflag:s24], $0x2800  }
0x67: {  	s19 =	smov.u32 s6;
	s4 =	simm.s32 $0x14;
	[sflag:s24] =	ssyncset.done $0x0  }
.LBB2_2:
0x68: {  	p0 =	sne.s32 s4, $0x4C4;
	[sflag:s24] =	ssyncadd.s32 $0xFFFFD800;
	s19 =	sadd.s32 $0xA0, s19  }
0x69: {  	s22 =	sadd.s32 s4, s21;
	s8 =	smov.u32 s4;
	s4 =	sadd.s32 $0x14, s4  }
0x6a: {  	[tilespmem:s28], [sflag:$0x2] =	stream.linear.gather [hbm4b:s22+s3], $0x50, $0x38;
	[tilespmem:$0x19200] =	vst v63  }
0x6b: {  	_ =	swait.ge [sflag:s24], $0x50  }
0x6c: {  	s8 =	sadd.s32 s8, s20;
	[sflag:s24] =	ssyncset.done $0x0  }
0x6d: {  	s22 =	sadd.s32 $0xA, s8;
	[sflag:s24] =	ssyncadd.s32 $0xFFFFFFB0  }
0x6e: {  	[tilespmem:s29], [sflag:$0x2] =	stream.linear.gather [hbm4b:s22+s3], $0x50, $0x38;
	[tilespmem:$0x19200] =	vst v63  }
0x6f: {  	_ =	swait.ge [sflag:s24], $0x50  }
0x70: {  	[sflag:s24] =	ssyncset.done $0x0  }
0x71: {  	[sflag:s24] =	ssyncadd.s32 $0xFFFFFFB0  }
0x72: {  	_ =	swait.ge [sflag:s30], $0x2800  }
0x73: {  	[sflag:s30] =	ssyncset.done $0x0  }
0x74: {  	[sflag:s30] =	ssyncadd.s32 $0xFFFFD800  }
0x75: {  	[tilespmem:s31], [sflag:$0x1] =	stream.indirect.gather [hbm4b:s1+s26], $0x80, s28, s26, $0xb8;
	[tilespmem:$0x19200] =	vst v63  }
0x76: {  	_ = 	snop  }
0x77: {  	[spmem:s2] =	stream.indirect.scatter.add.f32 [tilespmem:s23], [sflag:$0x2], $0x80, s25, s26, $0xb8;
	[tilespmem:$0x19200] =	vst v63  }
0x78: {  	_ =	swait.ge [sflag:s24], $0x2800  }
0x79: {  	s22 =	sshrl.u32 s19, $0x3;
	[sflag:s24] =	ssyncset.done $0x0  }
0x7a: {  	s22 =	sadd.s32 s5, s22;
	[sflag:s24] =	ssyncadd.s32 $0xFFFFD800  }
0x7b: {  	[tilespmem:s3], [sflag:$0x2] =	stream.linear.gather [hbm4b:s22+s3], $0x50, $0x38;
	[tilespmem:$0x19200] =	vst v63  }
0x7c: {  	_ =	swait.ge [sflag:s24], $0x50  }
0x7d: {  	[sflag:s24] =	ssyncset.done $0x0  }
0x7e: {  	s8 =	sadd.s32 $0x14, s8;
	[sflag:s24] =	ssyncadd.s32 $0xFFFFFFB0  }
0x7f: {  	[tilespmem:s25], [sflag:$0x2] =	stream.linear.gather [hbm4b:s8+s3], $0x50, $0x38;
	[tilespmem:$0x19200] =	vst v63  }
0x80: {  	_ =	swait.ge [sflag:s24], $0x50  }
0x81: {  	[sflag:s24] =	ssyncset.done $0x0  }
0x82: {  	[sflag:s24] =	ssyncadd.s32 $0xFFFFFFB0  }
0x83: {  	_ =	swait.ge [sflag:s30], $0x2800  }
0x84: {  	[sflag:s30] =	ssyncset.done $0x0  }
0x85: {  	[sflag:s30] =	ssyncadd.s32 $0xFFFFD800  }
0x86: {  	[tilespmem:s23], [sflag:$0x1] =	stream.indirect.gather [hbm4b:s1+s26], $0x80, s3, s26, $0xb8;
	[tilespmem:$0x19200] =	vst v63  }
.Ltmp0:
0x87: {  	_ = 	snop;
	(pc) =	sbr.rel @p0 .LBB2_2-.Ltmp0, $4  }
0x88: {  	_ = 	snop  }
0x89: {  	[spmem:s2] =	stream.indirect.scatter.add.f32 [tilespmem:s31], [sflag:$0x2], $0x80, s29, s26, $0xb8;
	[tilespmem:$0x19200] =	vst v63  }
0x8a: {  	_ =	swait.ge [sflag:s24], $0x2800  }
0x8b: {  	[sflag:s24] =	ssyncset.done $0x0  }
0x8c: {  	[sflag:s24] =	ssyncadd.s32 $0xFFFFD800  }
0x8d: {  	_ =	swait.ge [sflag:s30], $0x2800  }
0x8e: {  	[sflag:s30] =	ssyncset.done $0x0  }
0x8f: {  	[sflag:s30] =	ssyncadd.s32 $0xFFFFD800  }
0x90: {  	[spmem:s2] =	stream.indirect.scatter.add.f32 [tilespmem:s23], [sflag:$0x2], $0x80, s25, s26, $0xb8;
	[tilespmem:$0x19200] =	vst v63  }
0x91: {  	_ =	swait.ge [sflag:s24], $0x2800  }
0x92: {  	[sflag:s24] =	ssyncset.done $0x0  }
0x93: {  	[sflag:s24] =	ssyncadd.s32 $0xFFFFD800  }
0x94: {  	[bflag:$0x0] =	sbarrier.arrive $0xFFFF  }
0x95: {  	[tilespmem:s23], [sflag:$0x2] =	stream.linear.gather [spmem:s10], $0x2800, $0x38;
	[tilespmem:$0x19200] =	vst v63  }
0x96: {  	p0 =	sne.s32 s9, $0x1;
	_ =	swait.ge [sflag:s24], $0x2800  }
.Ltmp1:
0x97: {  	[sflag:s24] =	ssyncset.done $0x0;
	(pc) =	sbr.rel @!p0 .LBB2_5-.Ltmp1, $4  }
0x98: {  	[sflag:s24] =	ssyncadd.s32 $0xFFFFD800  }
0x99: {  	[hbm4b:s7+s3] =	stream.linear.scatter [tilespmem:s23], [sflag:$0x2], $0x2800, $0x38;
	[tilespmem:$0x19200] =	vst v63  }
0x9a: {  	s4 =	sadd.s32 $0xFFFFFFFF, s9;
	_ =	swait.ge [sflag:s24], $0x2800  }
0x9b: {  	s19 =	smov.u32 s10;
	s22 =	smov.u32 s7;
	[sflag:s24] =	ssyncset.done $0x0  }
.LBB2_4:
0x9c: {  	[sflag:s24] =	ssyncadd.s32 $0xFFFFD800;
	s19 =	sadd.s32 $0x2800, s19;
	s22 =	sadd.s32 $0x500, s22  }
0x9d: {  	[tilespmem:s23], [sflag:$0x2] =	stream.linear.gather [spmem:s19], $0x2800, $0x38;
	[tilespmem:$0x19200] =	vst v63  }
0x9e: {  	p0 =	sne.s32 s4, $0x1;
	s4 =	sadd.s32 $0xFFFFFFFF, s4;
	_ =	swait.ge [sflag:s24], $0x2800  }
.Ltmp2:
0x9f: {  	[sflag:s24] =	ssyncset.done $0x0;
	(pc) =	sbr.rel @p0 .LBB2_4-.Ltmp2, $4  }
0xa0: {  	[sflag:s24] =	ssyncadd.s32 $0xFFFFD800  }
0xa1: {  	[hbm4b:s22+s3] =	stream.linear.scatter [tilespmem:s23], [sflag:$0x2], $0x2800, $0x38;
	[tilespmem:$0x19200] =	vst v63  }
0xa2: {  	_ =	swait.ge [sflag:s24], $0x2800  }
0xa3: {  	[sflag:s24] =	ssyncset.done $0x0  }
.LBB2_5:
0xa4: {  	s0 =	sadd.s32 $0x1, s0  }
0xa5: {  	p0 =	sne.s32 s0, s11  }
.Ltmp3:
0xa6: {  	_ = 	snop;
	(pc) =	sbr.rel @p0 .LBB2_1-.Ltmp3, $2  }
0xa7: {  	_ =	sdelay $0x2  }
0xa8: {  	[sflag:s24] =	ssyncadd.s32 $0xFFFFD800  }
0xa9: {  	_ =	sfence.sel $0x180000  }
0xaa: {  	[bflag:$0x0] =	sbarrier.arrive $0xFFFF  }
0xab: {  	_ =	strace $0x90000050  }
0xac: {  	s0 =	stileid.u32;
	[bflag:$0x2] =	sbarrier.arrive $0xFFFF  }
0xad: {  	p0 =	sne.s32 s0, $0x0;
	s0 =	rddreg [dreg:$0x3]  }
0xae: {  	s0 =	sadd.s32 @!p0 $0x100000, s0  }
0xaf: {  	[sflag:s0] =	ssyncadd.tile.s32 @!p0 $0x1;
	_ =	shalt  }
.Lfunc_end2:
_tile_overlayer_lowered:
.L_overlay_start_2:
0xb0: {  	(tag) =	ssettag $0x2  }
0xb1: {  	s0 =	rddreg [dreg:$0x0];
	s2 =	stileid.u32  }
0xb2: {  	s1 =	rddreg [dreg:$0x1];
	p0 =	sne.s32 s2, $0x0  }
0xb3: {  	s3 =	rddreg [dreg:$0x2];
	[bflag:$0x3] =	sbarrier.arrive $0xFFFF;
	s2 =	simm.s32 @!p0 $0x1C02  }
0xb4: {  	[timem:s3], [sflag:s2] =	dma.local @!p0 [hbm:s0], s1  }
0xb5: {  	s0 =	simm.s32 @!p0 $0x2  }
0xb6: {  	_ =	swait.ge @!p0 [sflag:s0], s1  }
0xb7: {  	s1 =	ssub.s32 @!p0 $0x0, s1;
	[sflag:s0] =	ssyncset.done @!p0 $0x0  }
0xb8: {  	[sflag:s0] =	ssyncadd.s32 @!p0 s1  }
0xb9: {  	[bflag:$0x3] =	sbarrier.arrive $0xFFFF  }
0xba: {  	_ =	shalt  }

</sc_bundles>
